<compile_context>
chip_gen: v7x
topology: tpu7x:2x2x1
jax: 0.10.2.dev20260603
libtpu: 0.0.44.dev20260713+nightly
codegen_flags: <defaults>
</compile_context>

<pallas_src>
import jax
import jax.numpy as jnp
from jax import lax
from jax.experimental import pallas as pl
from jax.experimental.pallas import tpu as pltpu
from jax.experimental.pallas import tpu_sc as plsc

N = 10000
E = 320000
D = 128
H = 8
DH = D // H
SCALE = DH ** (-0.5)

NC = 2
NS = 16
HC = H // NC
HD = HC * DH
EB = 128
EPT = 20480
NBLK_MAIN = EPT // EB
NBLK_LAST = (E - (NS - 1) * EPT) // EB
RPT = 632
RPT_LAST = N - (NS - 1) * RPT

ROWB = 1000
GRID = N // ROWB


def _qkv_body(x_ref, wq_ref, bq_ref, wk_ref, bk_ref, wv_ref, bv_ref,
              q2_ref, kv2_ref):
    xb = x_ref[...]
    for c in range(NC):
        cs = pl.ds(c * HD, HD)
        q2_ref[c] = jnp.dot(xb, wq_ref[:, cs], preferred_element_type=jnp.float32) + bq_ref[:, cs]
        kv2_ref[c, :, :HD] = jnp.dot(xb, wk_ref[:, cs], preferred_element_type=jnp.float32) + bk_ref[:, cs]
        kv2_ref[c, :, HD:] = jnp.dot(xb, wv_ref[:, cs], preferred_element_type=jnp.float32) + bv_ref[:, cs]


def _qkv_call(x, Wq, bq, Wk, bk, Wv, bv):
    full = lambda shape: pl.BlockSpec(shape, lambda i: (0,) * len(shape))
    return pl.pallas_call(
        _qkv_body,
        grid=(GRID,),
        in_specs=[
            pl.BlockSpec((ROWB, D), lambda i: (i, 0)),
            full((D, D)), full((1, D)),
            full((D, D)), full((1, D)),
            full((D, D)), full((1, D)),
        ],
        out_specs=[
            pl.BlockSpec((NC, ROWB, HD), lambda i: (0, i, 0)),
            pl.BlockSpec((NC, ROWB, 2 * HD), lambda i: (0, i, 0)),
        ],
        out_shape=[
            jax.ShapeDtypeStruct((NC, N, HD), jnp.float32),
            jax.ShapeDtypeStruct((NC, N, 2 * HD), jnp.float32),
        ],
    )(x, Wq, bq, Wk, bk, Wv, bv)



def _sc_edge_kernel(q_hbm, kv_hbm, org_hbm, dst_hbm, ew_hbm, z64_hbm, z8_hbm,
                    vals_out, den_out,
                    org_v, sidx_v, qidx_v, didx_v, ew_v, qrows, kvrows,
                    wv_buf, ex_buf, vals_sh, den_sh,
                    sem_org, sem_dst, sem_ew, sem_q, sem_kv, sem_wv, sem_ex):
    c = lax.axis_index("c")
    s = lax.axis_index("s")
    row0 = s * RPT

    @pl.when(s < NS - 1)
    def _():
        pltpu.sync_copy(z64_hbm, vals_sh.at[pl.ds(row0, RPT)])
        pltpu.sync_copy(z8_hbm, den_sh.at[pl.ds(row0, RPT)])

    @pl.when(s == NS - 1)
    def _():
        pltpu.sync_copy(z64_hbm.at[pl.ds(0, RPT_LAST)],
                        vals_sh.at[pl.ds(row0, RPT_LAST)])
        pltpu.sync_copy(z8_hbm.at[pl.ds(0, RPT_LAST)],
                        den_sh.at[pl.ds(row0, RPT_LAST)])

    pltpu.sync_copy(z8_hbm.at[pl.ds(0, EB)], ex_buf.at[0])
    pltpu.sync_copy(z8_hbm.at[pl.ds(0, EB)], ex_buf.at[1])
    plsc.subcore_barrier()

    lanes = lax.iota(jnp.int32, 16)
    ebase = s * EPT
    half_off = c * N

    def idx_load(i, sl):
        base = ebase + i * EB
        pltpu.async_copy(org_hbm.at[pl.ds(base, EB)], org_v.at[sl], sem_org.at[sl])
        pltpu.async_copy(dst_hbm.at[pl.ds(base, EB)], didx_v.at[sl], sem_dst.at[sl])
        pltpu.async_copy(ew_hbm.at[pl.ds(base, EB)], ew_v.at[sl], sem_ew.at[sl])

    def gather_start(sl):
        pltpu.make_async_copy(org_hbm.at[pl.ds(0, EB)], org_v.at[sl], sem_org.at[sl]).wait()
        pltpu.make_async_copy(dst_hbm.at[pl.ds(0, EB)], didx_v.at[sl], sem_dst.at[sl]).wait()
        for j in range(EB // 16):
            d16 = pl.ds(j * 16, 16)
            qidx_v.at[sl][d16] = org_v.at[sl][d16] + half_off
            didx_v.at[sl][d16] = didx_v.at[sl][d16] + half_off
        hb = EB // 2
        pltpu.async_copy(q_hbm.at[qidx_v.at[sl].at[pl.ds(0, hb)]],
                         qrows.at[sl].at[pl.ds(0, hb)], sem_q.at[sl])
        pltpu.async_copy(kv_hbm.at[didx_v.at[sl].at[pl.ds(0, hb)]],
                         kvrows.at[sl].at[pl.ds(0, hb)], sem_kv.at[sl])
        pltpu.async_copy(q_hbm.at[qidx_v.at[sl].at[pl.ds(hb, hb)]],
                         qrows.at[sl].at[pl.ds(hb, hb)], sem_q.at[sl])
        pltpu.async_copy(kv_hbm.at[didx_v.at[sl].at[pl.ds(hb, hb)]],
                         kvrows.at[sl].at[pl.ds(hb, hb)], sem_kv.at[sl])

    def compute_block(sl):
        qr, kvr, wvb, exb = qrows.at[sl], kvrows.at[sl], wv_buf.at[sl], ex_buf.at[sl]
        ewr = ew_v.at[sl]

        @pl.loop(0, EB // 16)
        def _grp(g):
            eidx = g * 16 + lanes
            zero = jnp.zeros((16,), jnp.float32)

            @plsc.parallel_loop(0, DH, unroll=4, carry=(zero, zero, zero, zero))
            def qk_loop(d, accs):
                rot = (lanes + d) & 15
                out = []
                for h in range(HC):
                    col = rot + (h * DH)
                    qv = plsc.load_gather(qr, [eidx, col])
                    kv = plsc.load_gather(kvr, [eidx, col])
                    out.append(accs[h] + qv * kv)
                return tuple(out)

            exs = []
            for h in range(HC):
                gh = jnp.full((16,), 0, jnp.int32) + (c * HC + h)
                ew_h = plsc.load_gather(ewr, [eidx, gh])
                ex = jnp.exp(qk_loop[h] * SCALE * ew_h)
                exs.append(ex)
                plsc.store_scatter(exb, [eidx, jnp.full((16,), h, jnp.int32)], ex)

            @plsc.parallel_loop(0, DH, unroll=4)
            def _v_loop(d):
                rot = (lanes + d) & 15
                vvs = [plsc.load_gather(kvr, [eidx, rot + (HD + h * DH)])
                       for h in range(HC)]
                for h in range(HC):
                    plsc.store_scatter(wvb, [eidx, rot + (h * DH)], exs[h] * vvs[h])

    def scatter_wait(sl):
        pltpu.make_async_copy(wv_buf.at[sl], vals_sh.at[sidx_v.at[sl]], sem_wv.at[sl]).wait()
        pltpu.make_async_copy(ex_buf.at[sl], den_sh.at[sidx_v.at[sl]], sem_ex.at[sl]).wait()

    def scatter_start(sl):
        for j in range(EB // 16):
            d16 = pl.ds(j * 16, 16)
            sidx_v.at[sl][d16] = org_v.at[sl][d16]
        pltpu.async_copy(wv_buf.at[sl], vals_sh.at[sidx_v.at[sl]], sem_wv.at[sl], add=True)
        pltpu.async_copy(ex_buf.at[sl], den_sh.at[sidx_v.at[sl]], sem_ex.at[sl], add=True)

    def gather_wait(sl):
        pltpu.make_async_copy(q_hbm.at[qidx_v.at[sl]], qrows.at[sl], sem_q.at[sl]).wait()
        pltpu.make_async_copy(kv_hbm.at[didx_v.at[sl]], kvrows.at[sl], sem_kv.at[sl]).wait()
        pltpu.make_async_copy(ew_hbm.at[pl.ds(0, EB)], ew_v.at[sl], sem_ew.at[sl]).wait()

    idx_load(0, 0)
    idx_load(1, 1)
    gather_start(0)

    nblk = jnp.where(s < NS - 1, NBLK_MAIN, NBLK_LAST)

    @pl.loop(0, NBLK_MAIN, step=2)
    def _blk(blk):
        for phase in range(2):
            i = blk + phase
            sl = phase
            nsl = 1 - phase

            @pl.when(i < nblk)
            def _():
                @pl.when(i + 1 < nblk)
                def _():
                    gather_start(nsl)

                gather_wait(sl)

                @pl.when(i >= 2)
                def _():
                    scatter_wait(sl)

                compute_block(sl)
                scatter_start(sl)

                @pl.when(i + 2 < nblk)
                def _():
                    idx_load(i + 2, sl)

    scatter_wait(0)
    scatter_wait(1)
    plsc.subcore_barrier()

    @pl.when(s < NS - 1)
    def _():
        pltpu.sync_copy(vals_sh.at[pl.ds(row0, RPT)],
                        vals_out.at[c, pl.ds(row0, RPT)])
        pltpu.sync_copy(den_sh.at[pl.ds(row0, RPT)],
                        den_out.at[c, pl.ds(row0, RPT)])

    @pl.when(s == NS - 1)
    def _():
        pltpu.sync_copy(vals_sh.at[pl.ds(row0, RPT_LAST)],
                        vals_out.at[c, pl.ds(row0, RPT_LAST)])
        pltpu.sync_copy(den_sh.at[pl.ds(row0, RPT_LAST)],
                        den_out.at[c, pl.ds(row0, RPT_LAST)])


def _sc_call(q2, kv2, origin, dst, edge_weights, z64, z8):
    return pl.kernel(
        _sc_edge_kernel,
        out_type=(
            jax.ShapeDtypeStruct((NC, N, HD), jnp.float32),
            jax.ShapeDtypeStruct((NC, N, 8), jnp.float32),
        ),
        mesh=plsc.VectorSubcoreMesh(core_axis_name="c", subcore_axis_name="s"),
        compiler_params=pltpu.CompilerParams(needs_layout_passes=False,
                                             use_tc_tiling_on_sc=False),
        scratch_types=[
            pltpu.VMEM((2, EB), jnp.int32),
            pltpu.VMEM((2, EB), jnp.int32),
            pltpu.VMEM((2, EB), jnp.int32),
            pltpu.VMEM((2, EB), jnp.int32),
            pltpu.VMEM((2, EB, H), jnp.float32),
            pltpu.VMEM((2, EB, HD), jnp.float32),
            pltpu.VMEM((2, EB, 2 * HD), jnp.float32),
            pltpu.VMEM((2, EB, HD), jnp.float32),
            pltpu.VMEM((2, EB, 8), jnp.float32),
            pltpu.VMEM_SHARED((N, HD), jnp.float32),
            pltpu.VMEM_SHARED((N, 8), jnp.float32),
            pltpu.SemaphoreType.DMA((2,)),
            pltpu.SemaphoreType.DMA((2,)),
            pltpu.SemaphoreType.DMA((2,)),
            pltpu.SemaphoreType.DMA((2,)),
            pltpu.SemaphoreType.DMA((2,)),
            pltpu.SemaphoreType.DMA((2,)),
            pltpu.SemaphoreType.DMA((2,)),
        ],
    )(q2, kv2, origin, dst, edge_weights, z64, z8)



def _out_body(vp_ref, dp_ref, s0_ref, s1_ref, wo_ref, bo_ref, g_ref, b_ref,
              x_ref, o_ref):
    v = jnp.concatenate([vp_ref[0], vp_ref[1]], axis=-1)
    divisor = (jnp.dot(dp_ref[0], s0_ref[...], preferred_element_type=jnp.float32)
               + jnp.dot(dp_ref[1], s1_ref[...], preferred_element_type=jnp.float32)
               + 1e-16)
    vn = v / divisor
    o = jnp.dot(vn, wo_ref[...], preferred_element_type=jnp.float32) + bo_ref[...]
    mu = jnp.mean(o, axis=-1, keepdims=True)
    xc = o - mu
    var = jnp.mean(xc * xc, axis=-1, keepdims=True)
    o_ref[...] = x_ref[...] + g_ref[...] * xc * lax.rsqrt(var + 1e-5) + b_ref[...]


def _out_call(vals_p, den_p, S0, S1, Wo, bo, gamma, beta, x):
    full = lambda shape: pl.BlockSpec(shape, lambda i: (0,) * len(shape))
    return pl.pallas_call(
        _out_body,
        grid=(GRID,),
        in_specs=[
            pl.BlockSpec((NC, ROWB, HD), lambda i: (0, i, 0)),
            pl.BlockSpec((NC, ROWB, 8), lambda i: (0, i, 0)),
            full((8, D)), full((8, D)),
            full((D, D)), full((1, D)), full((1, D)), full((1, D)),
            pl.BlockSpec((ROWB, D), lambda i: (i, 0)),
        ],
        out_specs=pl.BlockSpec((ROWB, D), lambda i: (i, 0)),
        out_shape=jax.ShapeDtypeStruct((N, D), jnp.float32),
    )(vals_p, den_p, S0, S1, Wo, bo, gamma, beta, x)



def kernel(x, Wq, bq, Wk, bk, Wv, bv, Wo, bo, gamma, beta, edge_weights,
           edge_index):
    q2, kv2 = _qkv_call(x, Wq, bq.reshape(1, D), Wk, bk.reshape(1, D),
                        Wv, bv.reshape(1, D))
    origin = edge_index[0]
    dst = edge_index[1]
    z64 = jnp.zeros((RPT, HD), jnp.float32)
    z8 = jnp.zeros((RPT, 8), jnp.float32)
    vals_p, den_p = _sc_call(q2.reshape(NC * N, HD), kv2.reshape(NC * N, 2 * HD),
                             origin, dst, edge_weights, z64, z8)
    heads = jnp.arange(D) // DH
    j = jnp.arange(8)[:, None]
    S0 = ((heads[None, :] == j) & (heads[None, :] < HC)).astype(jnp.float32)
    S1 = ((heads[None, :] - HC == j)).astype(jnp.float32)
    return _out_call(vals_p, den_p, S0, S1, Wo, bo.reshape(1, D),
                     gamma.reshape(1, D), beta.reshape(1, D), x)

# --- scband reference (transcript-rebuilt; emitter-appended) ---
"""Pipeline reference for scband-base-dependent-attention-layer-68350109549064 (READ-ONLY COPY).

The authoritative reference and input builder live on the scoring server;
editing this copy changes nothing except your own understanding.
"""

import jax, jax.numpy as jnp
import numpy as np

N = 10000
E = 320000
D = 128
H = 8
DH = D // H
SCALE = DH ** (-0.5)


def setup_inputs(seed: int = 0) -> dict:
    key = jax.random.key(seed)
    ks = jax.random.split(key, 12)
    s = 1.0 / np.sqrt(D)
    return {
        "x": jax.random.normal(ks[0], (N, D), dtype=jnp.float32),
        "Wq": jax.random.normal(ks[1], (D, D), dtype=jnp.float32) * s,
        "bq": jnp.zeros((D,), jnp.float32),
        "Wk": jax.random.normal(ks[2], (D, D), dtype=jnp.float32) * s,
        "bk": jnp.zeros((D,), jnp.float32),
        "Wv": jax.random.normal(ks[3], (D, D), dtype=jnp.float32) * s,
        "bv": jnp.zeros((D,), jnp.float32),
        "Wo": jax.random.normal(ks[4], (D, D), dtype=jnp.float32) * s,
        "bo": jnp.zeros((D,), jnp.float32),
        "gamma": jnp.ones((D,), jnp.float32),
        "beta": jnp.zeros((D,), jnp.float32),
        "edge_weights": jax.random.uniform(ks[5], (E, H), dtype=jnp.float32),
        "edge_index": jax.random.randint(ks[6], (2, E), 0, N, dtype=jnp.int32),
    }


def reference(x, Wq, bq, Wk, bk, Wv, bv, Wo, bo, gamma, beta, edge_weights, edge_index):
    origin = edge_index[0]
    dst = edge_index[1]
    q = (x @ Wq + bq).reshape(N, H, DH)
    k = (x @ Wk + bk).reshape(N, H, DH)
    v = (x @ Wv + bv).reshape(N, H, DH)
    q_e = q[origin]
    k_e = k[dst]
    scores = (q_e * k_e).sum(axis=-1) * SCALE  # [E, H]
    ws = scores * edge_weights  # [E, H]
    # segment softmax over origin (scatter softmax a la PyG)
    seg_max = jax.ops.segment_max(ws, origin, num_segments=N)  # [N, H]
    m = seg_max[origin]
    ex = jnp.exp(ws - m)
    denom = jax.ops.segment_sum(ex, origin, num_segments=N)
    attn = ex / (denom[origin] + 1e-16)  # [E, H]
    v_e = v[dst]
    wv = attn[:, :, None] * v_e  # [E, H, DH]
    vals = jnp.zeros((N, H, DH), dtype=x.dtype).at[origin].add(wv)
    vals = vals.reshape(N, D)
    vals = vals @ Wo + bo
    mu = vals.mean(axis=-1, keepdims=True)
    var = ((vals - mu) ** 2).mean(axis=-1, keepdims=True)
    vals = gamma * (vals - mu) / jnp.sqrt(var + 1e-5) + beta
    return x + vals

if __name__ == "__main__":
    import jax
    _d = setup_inputs()
    print(jax.jit(kernel)(*tuple(_d.values())))

</pallas_src>

<mosaic_0001>
#map = affine_map<(d0, d1) -> (0, 0)>
#map1 = affine_map<(d0, d1) -> (0)>
#map2 = affine_map<(d0, d1) -> (0, 0, 0)>
module attributes {stable_mosaic.version = 14 : i64} {
  func.func @_sc_edge_kernel(%arg0: i32, %arg1: i32, %arg2: memref<20000x64xf32, #tpu.memory_space<hbm>>, %arg3: memref<20000x128xf32, #tpu.memory_space<hbm>>, %arg4: memref<320000xi32, #tpu.memory_space<hbm>>, %arg5: memref<320000xi32, #tpu.memory_space<hbm>>, %arg6: memref<320000x8xf32, #tpu.memory_space<hbm>>, %arg7: memref<632x64xf32, #tpu.memory_space<hbm>>, %arg8: memref<632x8xf32, #tpu.memory_space<hbm>>, %arg9: memref<2x10000x64xf32, #tpu.memory_space<hbm>>, %arg10: memref<2x10000x8xf32, #tpu.memory_space<hbm>>, %arg11: memref<2x128xi32, #tpu.memory_space<vmem>>, %arg12: memref<2x128xi32, #tpu.memory_space<vmem>>, %arg13: memref<2x128xi32, #tpu.memory_space<vmem>>, %arg14: memref<2x128xi32, #tpu.memory_space<vmem>>, %arg15: memref<2x128x8xf32, #tpu.memory_space<vmem>>, %arg16: memref<2x128x64xf32, #tpu.memory_space<vmem>>, %arg17: memref<2x128x128xf32, #tpu.memory_space<vmem>>, %arg18: memref<2x128x64xf32, #tpu.memory_space<vmem>>, %arg19: memref<2x128x8xf32, #tpu.memory_space<vmem>>, %arg20: memref<10000x64xf32, #tpu.memory_space<vmem_shared>>, %arg21: memref<10000x8xf32, #tpu.memory_space<vmem_shared>>, %arg22: memref<2x!tpu.dma_semaphore, #tpu.memory_space<semaphore_mem>>, %arg23: memref<2x!tpu.dma_semaphore, #tpu.memory_space<semaphore_mem>>, %arg24: memref<2x!tpu.dma_semaphore, #tpu.memory_space<semaphore_mem>>, %arg25: memref<2x!tpu.dma_semaphore, #tpu.memory_space<semaphore_mem>>, %arg26: memref<2x!tpu.dma_semaphore, #tpu.memory_space<semaphore_mem>>, %arg27: memref<2x!tpu.dma_semaphore, #tpu.memory_space<semaphore_mem>>, %arg28: memref<2x!tpu.dma_semaphore, #tpu.memory_space<semaphore_mem>>) attributes {dimension_semantics = [#tpu.dimension_semantics<core_parallel>, #tpu.dimension_semantics<subcore_parallel>], iteration_bounds = array<i64: 2, 16>, scalar_prefetch = 0 : i64, scratch_operands = 18 : i64, tpu.core_type = #tpu.core_type<sc_vector_subcore>, window_params = [{transform_indices = #map}, {transform_indices = #map}, {transform_indices = #map1}, {transform_indices = #map1}, {transform_indices = #map}, {transform_indices = #map}, {transform_indices = #map}, {transform_indices = #map2}, {transform_indices = #map2}]} {
    %mul3A = arith.constant 632 : i32
    %mul3A_0 = arith.muli %arg1, %mul3A : i32
    %lt3A = arith.constant 15 : i32
    %lt3A_1 = arith.cmpi slt, %arg1, %lt3A : i32
    %convert_element_type3A = arith.extui %lt3A_1 : i1 to i32
    %cond3A = arith.constant 0 : i32
    %cond3A_2 = arith.cmpi ne, %convert_element_type3A, %cond3A : i32
    scf.if %cond3A_2 {
      "tpu.region"() ({
        %run_scoped3A_501 = tpu.sem_alloc : memref<!tpu.dma_semaphore, #tpu.memory_space<semaphore_mem>>
        %dma_start3A_502 = arith.constant 0 : i32
        %dma_start3A_503 = tpu.memref_slice %arg20[%mul3A_0, %dma_start3A_502] : memref<10000x64xf32, #tpu.memory_space<vmem_shared>> -> memref<632x64xf32, #tpu.memory_space<vmem_shared>>
        tpu.enqueue_dma source(%arg7 : memref<632x64xf32, #tpu.memory_space<hbm>>) target(%dma_start3A_503 : memref<632x64xf32, #tpu.memory_space<vmem_shared>>) target_semaphore(%run_scoped3A_501 : memref<!tpu.dma_semaphore, #tpu.memory_space<semaphore_mem>>)
        %dma_wait3A_504 = arith.constant 0 : i32
        %dma_wait3A_505 = tpu.memref_slice %arg20[%mul3A_0, %dma_wait3A_504] : memref<10000x64xf32, #tpu.memory_space<vmem_shared>> -> memref<632x64xf32, #tpu.memory_space<vmem_shared>>
        tpu.wait_dma2 semaphore(%run_scoped3A_501 : memref<!tpu.dma_semaphore, #tpu.memory_space<semaphore_mem>>) src(%arg7 : memref<632x64xf32, #tpu.memory_space<hbm>>) dst(%dma_wait3A_505 : memref<632x64xf32, #tpu.memory_space<vmem_shared>>)
        tpu.yield
      }) : () -> ()
      "tpu.region"() ({
        %run_scoped3A_501 = tpu.sem_alloc : memref<!tpu.dma_semaphore, #tpu.memory_space<semaphore_mem>>
        %dma_start3A_502 = arith.constant 0 : i32
        %dma_start3A_503 = tpu.memref_slice %arg21[%mul3A_0, %dma_start3A_502] : memref<10000x8xf32, #tpu.memory_space<vmem_shared>> -> memref<632x8xf32, #tpu.memory_space<vmem_shared>>
        tpu.enqueue_dma source(%arg8 : memref<632x8xf32, #tpu.memory_space<hbm>>) target(%dma_start3A_503 : memref<632x8xf32, #tpu.memory_space<vmem_shared>>) target_semaphore(%run_scoped3A_501 : memref<!tpu.dma_semaphore, #tpu.memory_space<semaphore_mem>>)
        %dma_wait3A_504 = arith.constant 0 : i32
        %dma_wait3A_505 = tpu.memref_slice %arg21[%mul3A_0, %dma_wait3A_504] : memref<10000x8xf32, #tpu.memory_space<vmem_shared>> -> memref<632x8xf32, #tpu.memory_space<vmem_shared>>
        tpu.wait_dma2 semaphore(%run_scoped3A_501 : memref<!tpu.dma_semaphore, #tpu.memory_space<semaphore_mem>>) src(%arg8 : memref<632x8xf32, #tpu.memory_space<hbm>>) dst(%dma_wait3A_505 : memref<632x8xf32, #tpu.memory_space<vmem_shared>>)
        tpu.yield
      }) : () -> ()
    } else {
    }
    %eq3A = arith.constant 15 : i32
    %eq3A_3 = arith.cmpi eq, %arg1, %eq3A : i32
    %convert_element_type3A_4 = arith.extui %eq3A_3 : i1 to i32
    %cond3A_5 = arith.constant 0 : i32
    %cond3A_6 = arith.cmpi ne, %convert_element_type3A_4, %cond3A_5 : i32
    scf.if %cond3A_6 {
      "tpu.region"() ({
        %run_scoped3A_501 = tpu.sem_alloc : memref<!tpu.dma_semaphore, #tpu.memory_space<semaphore_mem>>
        %dma_start3A_502 = arith.constant 0 : i32
        %dma_start3A_503 = tpu.memref_slice %arg20[%mul3A_0, %dma_start3A_502] : memref<10000x64xf32, #tpu.memory_space<vmem_shared>> -> memref<520x64xf32, #tpu.memory_space<vmem_shared>>
        %dma_start3A_504 = arith.constant 0 : i32
        %dma_start3A_505 = arith.constant 0 : i32
        %dma_start3A_506 = tpu.memref_slice %arg7[%dma_start3A_504, %dma_start3A_505] : memref<632x64xf32, #tpu.memory_space<hbm>> -> memref<520x64xf32, #tpu.memory_space<hbm>>
        tpu.enqueue_dma source(%dma_start3A_506 : memref<520x64xf32, #tpu.memory_space<hbm>>) target(%dma_start3A_503 : memref<520x64xf32, #tpu.memory_space<vmem_shared>>) target_semaphore(%run_scoped3A_501 : memref<!tpu.dma_semaphore, #tpu.memory_space<semaphore_mem>>)
        %dma_wait3A_507 = arith.constant 0 : i32
        %dma_wait3A_508 = tpu.memref_slice %arg20[%mul3A_0, %dma_wait3A_507] : memref<10000x64xf32, #tpu.memory_space<vmem_shared>> -> memref<520x64xf32, #tpu.memory_space<vmem_shared>>
        %dma_wait3A_509 = arith.constant 0 : i32
        %dma_wait3A_510 = arith.constant 0 : i32
        %dma_wait3A_511 = tpu.memref_slice %arg7[%dma_wait3A_509, %dma_wait3A_510] : memref<632x64xf32, #tpu.memory_space<hbm>> -> memref<520x64xf32, #tpu.memory_space<hbm>>
        tpu.wait_dma2 semaphore(%run_scoped3A_501 : memref<!tpu.dma_semaphore, #tpu.memory_space<semaphore_mem>>) src(%dma_wait3A_511 : memref<520x64xf32, #tpu.memory_space<hbm>>) dst(%dma_wait3A_508 : memref<520x64xf32, #tpu.memory_space<vmem_shared>>)
        tpu.yield
      }) : () -> ()
      "tpu.region"() ({
        %run_scoped3A_501 = tpu.sem_alloc : memref<!tpu.dma_semaphore, #tpu.memory_space<semaphore_mem>>
        %dma_start3A_502 = arith.constant 0 : i32
        %dma_start3A_503 = tpu.memref_slice %arg21[%mul3A_0, %dma_start3A_502] : memref<10000x8xf32, #tpu.memory_space<vmem_shared>> -> memref<520x8xf32, #tpu.memory_space<vmem_shared>>
        %dma_start3A_504 = arith.constant 0 : i32
        %dma_start3A_505 = arith.constant 0 : i32
        %dma_start3A_506 = tpu.memref_slice %arg8[%dma_start3A_504, %dma_start3A_505] : memref<632x8xf32, #tpu.memory_space<hbm>> -> memref<520x8xf32, #tpu.memory_space<hbm>>
        tpu.enqueue_dma source(%dma_start3A_506 : memref<520x8xf32, #tpu.memory_space<hbm>>) target(%dma_start3A_503 : memref<520x8xf32, #tpu.memory_space<vmem_shared>>) target_semaphore(%run_scoped3A_501 : memref<!tpu.dma_semaphore, #tpu.memory_space<semaphore_mem>>)
        %dma_wait3A_507 = arith.constant 0 : i32
        %dma_wait3A_508 = tpu.memref_slice %arg21[%mul3A_0, %dma_wait3A_507] : memref<10000x8xf32, #tpu.memory_space<vmem_shared>> -> memref<520x8xf32, #tpu.memory_space<vmem_shared>>
        %dma_wait3A_509 = arith.constant 0 : i32
        %dma_wait3A_510 = arith.constant 0 : i32
        %dma_wait3A_511 = tpu.memref_slice %arg8[%dma_wait3A_509, %dma_wait3A_510] : memref<632x8xf32, #tpu.memory_space<hbm>> -> memref<520x8xf32, #tpu.memory_space<hbm>>
        tpu.wait_dma2 semaphore(%run_scoped3A_501 : memref<!tpu.dma_semaphore, #tpu.memory_space<semaphore_mem>>) src(%dma_wait3A_511 : memref<520x8xf32, #tpu.memory_space<hbm>>) dst(%dma_wait3A_508 : memref<520x8xf32, #tpu.memory_space<vmem_shared>>)
        tpu.yield
      }) : () -> ()
    } else {
    }
    %run_scoped3A = arith.constant 0 : i32
    "tpu.region"() ({
      %run_scoped3A_501 = tpu.sem_alloc : memref<!tpu.dma_semaphore, #tpu.memory_space<semaphore_mem>>
      %dma_start3A_502 = arith.constant 0 : i32
      %dma_start3A_503 = arith.constant 0 : i32
      %dma_start3A_504 = tpu.memref_slice %arg19[%run_scoped3A, %dma_start3A_502, %dma_start3A_503] : memref<2x128x8xf32, #tpu.memory_space<vmem>> -> memref<1x128x8xf32, #tpu.memory_space<vmem>>
      %dma_start3A_505 = tpu.memref_squeeze %dma_start3A_504 : memref<1x128x8xf32, #tpu.memory_space<vmem>> -> memref<128x8xf32, #tpu.memory_space<vmem>>
      %dma_start3A_506 = arith.constant 0 : i32
      %dma_start3A_507 = arith.constant 0 : i32
      %dma_start3A_508 = tpu.memref_slice %arg8[%dma_start3A_506, %dma_start3A_507] : memref<632x8xf32, #tpu.memory_space<hbm>> -> memref<128x8xf32, #tpu.memory_space<hbm>>
      %dma_start3A_509 = arith.constant 0 : i32
      %dma_start3A_510 = arith.constant 0 : i32
      %dma_start3A_511 = tpu.memref_slice %arg19[%run_scoped3A, %dma_start3A_509, %dma_start3A_510] : memref<2x128x8xf32, #tpu.memory_space<vmem>> -> memref<1x128x8xf32, #tpu.memory_space<vmem>>
      %dma_start3A_512 = tpu.memref_squeeze %dma_start3A_511 : memref<1x128x8xf32, #tpu.memory_space<vmem>> -> memref<128x8xf32, #tpu.memory_space<vmem>>
      %dma_start3A_513 = arith.constant 0 : i32
      %dma_start3A_514 = arith.constant 0 : i32
      %dma_start3A_515 = tpu.memref_slice %arg8[%dma_start3A_513, %dma_start3A_514] : memref<632x8xf32, #tpu.memory_space<hbm>> -> memref<128x8xf32, #tpu.memory_space<hbm>>
      tpu.enqueue_dma source(%dma_start3A_515 : memref<128x8xf32, #tpu.memory_space<hbm>>) target(%dma_start3A_512 : memref<128x8xf32, #tpu.memory_space<vmem>>) target_semaphore(%run_scoped3A_501 : memref<!tpu.dma_semaphore, #tpu.memory_space<semaphore_mem>>)
      %dma_wait3A_516 = arith.constant 0 : i32
      %dma_wait3A_517 = arith.constant 0 : i32
      %dma_wait3A_518 = tpu.memref_slice %arg19[%run_scoped3A, %dma_wait3A_516, %dma_wait3A_517] : memref<2x128x8xf32, #tpu.memory_space<vmem>> -> memref<1x128x8xf32, #tpu.memory_space<vmem>>
      %dma_wait3A_519 = tpu.memref_squeeze %dma_wait3A_518 : memref<1x128x8xf32, #tpu.memory_space<vmem>> -> memref<128x8xf32, #tpu.memory_space<vmem>>
      %dma_wait3A_520 = arith.constant 0 : i32
      %dma_wait3A_521 = arith.constant 0 : i32
      %dma_wait3A_522 = tpu.memref_slice %arg8[%dma_wait3A_520, %dma_wait3A_521] : memref<632x8xf32, #tpu.memory_space<hbm>> -> memref<128x8xf32, #tpu.memory_space<hbm>>
      %dma_wait3A_523 = arith.constant 0 : i32
      %dma_wait3A_524 = arith.constant 0 : i32
      %dma_wait3A_525 = tpu.memref_slice %arg19[%run_scoped3A, %dma_wait3A_523, %dma_wait3A_524] : memref<2x128x8xf32, #tpu.memory_space<vmem>> -> memref<1x128x8xf32, #tpu.memory_space<vmem>>
      %dma_wait3A_526 = tpu.memref_squeeze %dma_wait3A_525 : memref<1x128x8xf32, #tpu.memory_space<vmem>> -> memref<128x8xf32, #tpu.memory_space<vmem>>
      %dma_wait3A_527 = arith.constant 0 : i32
      %dma_wait3A_528 = arith.constant 0 : i32
      %dma_wait3A_529 = tpu.memref_slice %arg8[%dma_wait3A_527, %dma_wait3A_528] : memref<632x8xf32, #tpu.memory_space<hbm>> -> memref<128x8xf32, #tpu.memory_space<hbm>>
      tpu.wait_dma2 semaphore(%run_scoped3A_501 : memref<!tpu.dma_semaphore, #tpu.memory_space<semaphore_mem>>) src(%dma_wait3A_529 : memref<128x8xf32, #tpu.memory_space<hbm>>) dst(%dma_wait3A_526 : memref<128x8xf32, #tpu.memory_space<vmem>>)
      tpu.yield
    }) : () -> ()
    %run_scoped3A_7 = arith.constant 1 : i32
    "tpu.region"() ({
      %run_scoped3A_501 = tpu.sem_alloc : memref<!tpu.dma_semaphore, #tpu.memory_space<semaphore_mem>>
      %dma_start3A_502 = arith.constant 0 : i32
      %dma_start3A_503 = arith.constant 0 : i32
      %dma_start3A_504 = tpu.memref_slice %arg19[%run_scoped3A_7, %dma_start3A_502, %dma_start3A_503] : memref<2x128x8xf32, #tpu.memory_space<vmem>> -> memref<1x128x8xf32, #tpu.memory_space<vmem>>
      %dma_start3A_505 = tpu.memref_squeeze %dma_start3A_504 : memref<1x128x8xf32, #tpu.memory_space<vmem>> -> memref<128x8xf32, #tpu.memory_space<vmem>>
      %dma_start3A_506 = arith.constant 0 : i32
      %dma_start3A_507 = arith.constant 0 : i32
      %dma_start3A_508 = tpu.memref_slice %arg8[%dma_start3A_506, %dma_start3A_507] : memref<632x8xf32, #tpu.memory_space<hbm>> -> memref<128x8xf32, #tpu.memory_space<hbm>>
      %dma_start3A_509 = arith.constant 0 : i32
      %dma_start3A_510 = arith.constant 0 : i32
      %dma_start3A_511 = tpu.memref_slice %arg19[%run_scoped3A_7, %dma_start3A_509, %dma_start3A_510] : memref<2x128x8xf32, #tpu.memory_space<vmem>> -> memref<1x128x8xf32, #tpu.memory_space<vmem>>
      %dma_start3A_512 = tpu.memref_squeeze %dma_start3A_511 : memref<1x128x8xf32, #tpu.memory_space<vmem>> -> memref<128x8xf32, #tpu.memory_space<vmem>>
      %dma_start3A_513 = arith.constant 0 : i32
      %dma_start3A_514 = arith.constant 0 : i32
      %dma_start3A_515 = tpu.memref_slice %arg8[%dma_start3A_513, %dma_start3A_514] : memref<632x8xf32, #tpu.memory_space<hbm>> -> memref<128x8xf32, #tpu.memory_space<hbm>>
      tpu.enqueue_dma source(%dma_start3A_515 : memref<128x8xf32, #tpu.memory_space<hbm>>) target(%dma_start3A_512 : memref<128x8xf32, #tpu.memory_space<vmem>>) target_semaphore(%run_scoped3A_501 : memref<!tpu.dma_semaphore, #tpu.memory_space<semaphore_mem>>)
      %dma_wait3A_516 = arith.constant 0 : i32
      %dma_wait3A_517 = arith.constant 0 : i32
      %dma_wait3A_518 = tpu.memref_slice %arg19[%run_scoped3A_7, %dma_wait3A_516, %dma_wait3A_517] : memref<2x128x8xf32, #tpu.memory_space<vmem>> -> memref<1x128x8xf32, #tpu.memory_space<vmem>>
      %dma_wait3A_519 = tpu.memref_squeeze %dma_wait3A_518 : memref<1x128x8xf32, #tpu.memory_space<vmem>> -> memref<128x8xf32, #tpu.memory_space<vmem>>
      %dma_wait3A_520 = arith.constant 0 : i32
      %dma_wait3A_521 = arith.constant 0 : i32
      %dma_wait3A_522 = tpu.memref_slice %arg8[%dma_wait3A_520, %dma_wait3A_521] : memref<632x8xf32, #tpu.memory_space<hbm>> -> memref<128x8xf32, #tpu.memory_space<hbm>>
      %dma_wait3A_523 = arith.constant 0 : i32
      %dma_wait3A_524 = arith.constant 0 : i32
      %dma_wait3A_525 = tpu.memref_slice %arg19[%run_scoped3A_7, %dma_wait3A_523, %dma_wait3A_524] : memref<2x128x8xf32, #tpu.memory_space<vmem>> -> memref<1x128x8xf32, #tpu.memory_space<vmem>>
      %dma_wait3A_526 = tpu.memref_squeeze %dma_wait3A_525 : memref<1x128x8xf32, #tpu.memory_space<vmem>> -> memref<128x8xf32, #tpu.memory_space<vmem>>
      %dma_wait3A_527 = arith.constant 0 : i32
      %dma_wait3A_528 = arith.constant 0 : i32
      %dma_wait3A_529 = tpu.memref_slice %arg8[%dma_wait3A_527, %dma_wait3A_528] : memref<632x8xf32, #tpu.memory_space<hbm>> -> memref<128x8xf32, #tpu.memory_space<hbm>>
      tpu.wait_dma2 semaphore(%run_scoped3A_501 : memref<!tpu.dma_semaphore, #tpu.memory_space<semaphore_mem>>) src(%dma_wait3A_529 : memref<128x8xf32, #tpu.memory_space<hbm>>) dst(%dma_wait3A_526 : memref<128x8xf32, #tpu.memory_space<vmem>>)
      tpu.yield
    }) : () -> ()
    %barrier3A = arith.constant 0 : index
    tpu.barrier barrier_id(%barrier3A)
    %iota3A = tpu.iota {dimensions = array<i32: 0>} : vector<16xi32>
    %mul3A_8 = arith.constant 20480 : i32
    %mul3A_9 = arith.muli %arg1, %mul3A_8 : i32
    %mul3A_10 = arith.constant 10000 : i32
    %mul3A_11 = arith.muli %arg0, %mul3A_10 : i32
    %add3A = arith.constant 0 : i32
    %add3A_12 = arith.addi %mul3A_9, %add3A : i32
    %dma_start3A = arith.constant 0 : i32
    %dma_start3A_13 = arith.constant 0 : i32
    %dma_start3A_14 = arith.constant 0 : i32
    %dma_start3A_15 = tpu.memref_slice %arg11[%dma_start3A, %dma_start3A_14] : memref<2x128xi32, #tpu.memory_space<vmem>> -> memref<1x128xi32, #tpu.memory_space<vmem>>
    %dma_start3A_16 = tpu.memref_squeeze %dma_start3A_15 : memref<1x128xi32, #tpu.memory_space<vmem>> -> memref<128xi32, #tpu.memory_space<vmem>>
    %dma_start3A_17 = tpu.memref_slice %arg4[%add3A_12] : memref<320000xi32, #tpu.memory_space<hbm>> -> memref<128xi32, #tpu.memory_space<hbm>>
    %dma_start3A_18 = tpu.memref_slice %arg22[%dma_start3A_13] : memref<2x!tpu.dma_semaphore, #tpu.memory_space<semaphore_mem>> -> memref<1x!tpu.dma_semaphore, #tpu.memory_space<semaphore_mem>>
    %dma_start3A_19 = tpu.memref_squeeze %dma_start3A_18 : memref<1x!tpu.dma_semaphore, #tpu.memory_space<semaphore_mem>> -> memref<!tpu.dma_semaphore, #tpu.memory_space<semaphore_mem>>
    %dma_start3A_20 = arith.constant 0 : i32
    %dma_start3A_21 = tpu.memref_slice %arg11[%dma_start3A, %dma_start3A_20] : memref<2x128xi32, #tpu.memory_space<vmem>> -> memref<1x128xi32, #tpu.memory_space<vmem>>
    %dma_start3A_22 = tpu.memref_squeeze %dma_start3A_21 : memref<1x128xi32, #tpu.memory_space<vmem>> -> memref<128xi32, #tpu.memory_space<vmem>>
    %dma_start3A_23 = tpu.memref_slice %arg4[%add3A_12] : memref<320000xi32, #tpu.memory_space<hbm>> -> memref<128xi32, #tpu.memory_space<hbm>>
    tpu.enqueue_dma source(%dma_start3A_23 : memref<128xi32, #tpu.memory_space<hbm>>) target(%dma_start3A_22 : memref<128xi32, #tpu.memory_space<vmem>>) target_semaphore(%dma_start3A_19 : memref<!tpu.dma_semaphore, #tpu.memory_space<semaphore_mem>>)
    %dma_start3A_24 = arith.constant 0 : i32
    %dma_start3A_25 = arith.constant 0 : i32
    %dma_start3A_26 = arith.constant 0 : i32
    %dma_start3A_27 = tpu.memref_slice %arg14[%dma_start3A_24, %dma_start3A_26] : memref<2x128xi32, #tpu.memory_space<vmem>> -> memref<1x128xi32, #tpu.memory_space<vmem>>
    %dma_start3A_28 = tpu.memref_squeeze %dma_start3A_27 : memref<1x128xi32, #tpu.memory_space<vmem>> -> memref<128xi32, #tpu.memory_space<vmem>>
    %dma_start3A_29 = tpu.memref_slice %arg5[%add3A_12] : memref<320000xi32, #tpu.memory_space<hbm>> -> memref<128xi32, #tpu.memory_space<hbm>>
    %dma_start3A_30 = tpu.memref_slice %arg23[%dma_start3A_25] : memref<2x!tpu.dma_semaphore, #tpu.memory_space<semaphore_mem>> -> memref<1x!tpu.dma_semaphore, #tpu.memory_space<semaphore_mem>>
    %dma_start3A_31 = tpu.memref_squeeze %dma_start3A_30 : memref<1x!tpu.dma_semaphore, #tpu.memory_space<semaphore_mem>> -> memref<!tpu.dma_semaphore, #tpu.memory_space<semaphore_mem>>
    %dma_start3A_32 = arith.constant 0 : i32
    %dma_start3A_33 = tpu.memref_slice %arg14[%dma_start3A_24, %dma_start3A_32] : memref<2x128xi32, #tpu.memory_space<vmem>> -> memref<1x128xi32, #tpu.memory_space<vmem>>
    %dma_start3A_34 = tpu.memref_squeeze %dma_start3A_33 : memref<1x128xi32, #tpu.memory_space<vmem>> -> memref<128xi32, #tpu.memory_space<vmem>>
    %dma_start3A_35 = tpu.memref_slice %arg5[%add3A_12] : memref<320000xi32, #tpu.memory_space<hbm>> -> memref<128xi32, #tpu.memory_space<hbm>>
    tpu.enqueue_dma source(%dma_start3A_35 : memref<128xi32, #tpu.memory_space<hbm>>) target(%dma_start3A_34 : memref<128xi32, #tpu.memory_space<vmem>>) target_semaphore(%dma_start3A_31 : memref<!tpu.dma_semaphore, #tpu.memory_space<semaphore_mem>>)
    %dma_start3A_36 = arith.constant 0 : i32
    %dma_start3A_37 = arith.constant 0 : i32
    %dma_start3A_38 = arith.constant 0 : i32
    %dma_start3A_39 = arith.constant 0 : i32
    %dma_start3A_40 = tpu.memref_slice %arg15[%dma_start3A_36, %dma_start3A_38, %dma_start3A_39] : memref<2x128x8xf32, #tpu.memory_space<vmem>> -> memref<1x128x8xf32, #tpu.memory_space<vmem>>
    %dma_start3A_41 = tpu.memref_squeeze %dma_start3A_40 : memref<1x128x8xf32, #tpu.memory_space<vmem>> -> memref<128x8xf32, #tpu.memory_space<vmem>>
    %dma_start3A_42 = arith.constant 0 : i32
    %dma_start3A_43 = tpu.memref_slice %arg6[%add3A_12, %dma_start3A_42] : memref<320000x8xf32, #tpu.memory_space<hbm>> -> memref<128x8xf32, #tpu.memory_space<hbm>>
    %dma_start3A_44 = tpu.memref_slice %arg24[%dma_start3A_37] : memref<2x!tpu.dma_semaphore, #tpu.memory_space<semaphore_mem>> -> memref<1x!tpu.dma_semaphore, #tpu.memory_space<semaphore_mem>>
    %dma_start3A_45 = tpu.memref_squeeze %dma_start3A_44 : memref<1x!tpu.dma_semaphore, #tpu.memory_space<semaphore_mem>> -> memref<!tpu.dma_semaphore, #tpu.memory_space<semaphore_mem>>
    %dma_start3A_46 = arith.constant 0 : i32
    %dma_start3A_47 = arith.constant 0 : i32
    %dma_start3A_48 = tpu.memref_slice %arg15[%dma_start3A_36, %dma_start3A_46, %dma_start3A_47] : memref<2x128x8xf32, #tpu.memory_space<vmem>> -> memref<1x128x8xf32, #tpu.memory_space<vmem>>
    %dma_start3A_49 = tpu.memref_squeeze %dma_start3A_48 : memref<1x128x8xf32, #tpu.memory_space<vmem>> -> memref<128x8xf32, #tpu.memory_space<vmem>>
    %dma_start3A_50 = arith.constant 0 : i32
    %dma_start3A_51 = tpu.memref_slice %arg6[%add3A_12, %dma_start3A_50] : memref<320000x8xf32, #tpu.memory_space<hbm>> -> memref<128x8xf32, #tpu.memory_space<hbm>>
    tpu.enqueue_dma source(%dma_start3A_51 : memref<128x8xf32, #tpu.memory_space<hbm>>) target(%dma_start3A_49 : memref<128x8xf32, #tpu.memory_space<vmem>>) target_semaphore(%dma_start3A_45 : memref<!tpu.dma_semaphore, #tpu.memory_space<semaphore_mem>>)
    %add3A_52 = arith.constant 128 : i32
    %add3A_53 = arith.addi %mul3A_9, %add3A_52 : i32
    %dma_start3A_54 = arith.constant 1 : i32
    %dma_start3A_55 = arith.constant 1 : i32
    %dma_start3A_56 = arith.constant 0 : i32
    %dma_start3A_57 = tpu.memref_slice %arg11[%dma_start3A_54, %dma_start3A_56] : memref<2x128xi32, #tpu.memory_space<vmem>> -> memref<1x128xi32, #tpu.memory_space<vmem>>
    %dma_start3A_58 = tpu.memref_squeeze %dma_start3A_57 : memref<1x128xi32, #tpu.memory_space<vmem>> -> memref<128xi32, #tpu.memory_space<vmem>>
    %dma_start3A_59 = tpu.memref_slice %arg4[%add3A_53] : memref<320000xi32, #tpu.memory_space<hbm>> -> memref<128xi32, #tpu.memory_space<hbm>>
    %dma_start3A_60 = tpu.memref_slice %arg22[%dma_start3A_55] : memref<2x!tpu.dma_semaphore, #tpu.memory_space<semaphore_mem>> -> memref<1x!tpu.dma_semaphore, #tpu.memory_space<semaphore_mem>>
    %dma_start3A_61 = tpu.memref_squeeze %dma_start3A_60 : memref<1x!tpu.dma_semaphore, #tpu.memory_space<semaphore_mem>> -> memref<!tpu.dma_semaphore, #tpu.memory_space<semaphore_mem>>
    %dma_start3A_62 = arith.constant 0 : i32
    %dma_start3A_63 = tpu.memref_slice %arg11[%dma_start3A_54, %dma_start3A_62] : memref<2x128xi32, #tpu.memory_space<vmem>> -> memref<1x128xi32, #tpu.memory_space<vmem>>
    %dma_start3A_64 = tpu.memref_squeeze %dma_start3A_63 : memref<1x128xi32, #tpu.memory_space<vmem>> -> memref<128xi32, #tpu.memory_space<vmem>>
    %dma_start3A_65 = tpu.memref_slice %arg4[%add3A_53] : memref<320000xi32, #tpu.memory_space<hbm>> -> memref<128xi32, #tpu.memory_space<hbm>>
    tpu.enqueue_dma source(%dma_start3A_65 : memref<128xi32, #tpu.memory_space<hbm>>) target(%dma_start3A_64 : memref<128xi32, #tpu.memory_space<vmem>>) target_semaphore(%dma_start3A_61 : memref<!tpu.dma_semaphore, #tpu.memory_space<semaphore_mem>>)
    %dma_start3A_66 = arith.constant 1 : i32
    %dma_start3A_67 = arith.constant 1 : i32
    %dma_start3A_68 = arith.constant 0 : i32
    %dma_start3A_69 = tpu.memref_slice %arg14[%dma_start3A_66, %dma_start3A_68] : memref<2x128xi32, #tpu.memory_space<vmem>> -> memref<1x128xi32, #tpu.memory_space<vmem>>
    %dma_start3A_70 = tpu.memref_squeeze %dma_start3A_69 : memref<1x128xi32, #tpu.memory_space<vmem>> -> memref<128xi32, #tpu.memory_space<vmem>>
    %dma_start3A_71 = tpu.memref_slice %arg5[%add3A_53] : memref<320000xi32, #tpu.memory_space<hbm>> -> memref<128xi32, #tpu.memory_space<hbm>>
    %dma_start3A_72 = tpu.memref_slice %arg23[%dma_start3A_67] : memref<2x!tpu.dma_semaphore, #tpu.memory_space<semaphore_mem>> -> memref<1x!tpu.dma_semaphore, #tpu.memory_space<semaphore_mem>>
    %dma_start3A_73 = tpu.memref_squeeze %dma_start3A_72 : memref<1x!tpu.dma_semaphore, #tpu.memory_space<semaphore_mem>> -> memref<!tpu.dma_semaphore, #tpu.memory_space<semaphore_mem>>
    %dma_start3A_74 = arith.constant 0 : i32
    %dma_start3A_75 = tpu.memref_slice %arg14[%dma_start3A_66, %dma_start3A_74] : memref<2x128xi32, #tpu.memory_space<vmem>> -> memref<1x128xi32, #tpu.memory_space<vmem>>
    %dma_start3A_76 = tpu.memref_squeeze %dma_start3A_75 : memref<1x128xi32, #tpu.memory_space<vmem>> -> memref<128xi32, #tpu.memory_space<vmem>>
    %dma_start3A_77 = tpu.memref_slice %arg5[%add3A_53] : memref<320000xi32, #tpu.memory_space<hbm>> -> memref<128xi32, #tpu.memory_space<hbm>>
    tpu.enqueue_dma source(%dma_start3A_77 : memref<128xi32, #tpu.memory_space<hbm>>) target(%dma_start3A_76 : memref<128xi32, #tpu.memory_space<vmem>>) target_semaphore(%dma_start3A_73 : memref<!tpu.dma_semaphore, #tpu.memory_space<semaphore_mem>>)
    %dma_start3A_78 = arith.constant 1 : i32
    %dma_start3A_79 = arith.constant 1 : i32
    %dma_start3A_80 = arith.constant 0 : i32
    %dma_start3A_81 = arith.constant 0 : i32
    %dma_start3A_82 = tpu.memref_slice %arg15[%dma_start3A_78, %dma_start3A_80, %dma_start3A_81] : memref<2x128x8xf32, #tpu.memory_space<vmem>> -> memref<1x128x8xf32, #tpu.memory_space<vmem>>
    %dma_start3A_83 = tpu.memref_squeeze %dma_start3A_82 : memref<1x128x8xf32, #tpu.memory_space<vmem>> -> memref<128x8xf32, #tpu.memory_space<vmem>>
    %dma_start3A_84 = arith.constant 0 : i32
    %dma_start3A_85 = tpu.memref_slice %arg6[%add3A_53, %dma_start3A_84] : memref<320000x8xf32, #tpu.memory_space<hbm>> -> memref<128x8xf32, #tpu.memory_space<hbm>>
    %dma_start3A_86 = tpu.memref_slice %arg24[%dma_start3A_79] : memref<2x!tpu.dma_semaphore, #tpu.memory_space<semaphore_mem>> -> memref<1x!tpu.dma_semaphore, #tpu.memory_space<semaphore_mem>>
    %dma_start3A_87 = tpu.memref_squeeze %dma_start3A_86 : memref<1x!tpu.dma_semaphore, #tpu.memory_space<semaphore_mem>> -> memref<!tpu.dma_semaphore, #tpu.memory_space<semaphore_mem>>
    %dma_start3A_88 = arith.constant 0 : i32
    %dma_start3A_89 = arith.constant 0 : i32
    %dma_start3A_90 = tpu.memref_slice %arg15[%dma_start3A_78, %dma_start3A_88, %dma_start3A_89] : memref<2x128x8xf32, #tpu.memory_space<vmem>> -> memref<1x128x8xf32, #tpu.memory_space<vmem>>
    %dma_start3A_91 = tpu.memref_squeeze %dma_start3A_90 : memref<1x128x8xf32, #tpu.memory_space<vmem>> -> memref<128x8xf32, #tpu.memory_space<vmem>>
    %dma_start3A_92 = arith.constant 0 : i32
    %dma_start3A_93 = tpu.memref_slice %arg6[%add3A_53, %dma_start3A_92] : memref<320000x8xf32, #tpu.memory_space<hbm>> -> memref<128x8xf32, #tpu.memory_space<hbm>>
    tpu.enqueue_dma source(%dma_start3A_93 : memref<128x8xf32, #tpu.memory_space<hbm>>) target(%dma_start3A_91 : memref<128x8xf32, #tpu.memory_space<vmem>>) target_semaphore(%dma_start3A_87 : memref<!tpu.dma_semaphore, #tpu.memory_space<semaphore_mem>>)
    %dma_wait3A = arith.constant 0 : i32
    %dma_wait3A_94 = arith.constant 0 : i32
    %dma_wait3A_95 = arith.constant 0 : i32
    %dma_wait3A_96 = tpu.memref_slice %arg11[%dma_wait3A, %dma_wait3A_95] : memref<2x128xi32, #tpu.memory_space<vmem>> -> memref<1x128xi32, #tpu.memory_space<vmem>>
    %dma_wait3A_97 = tpu.memref_squeeze %dma_wait3A_96 : memref<1x128xi32, #tpu.memory_space<vmem>> -> memref<128xi32, #tpu.memory_space<vmem>>
    %dma_wait3A_98 = arith.constant 0 : i32
    %dma_wait3A_99 = tpu.memref_slice %arg4[%dma_wait3A_98] : memref<320000xi32, #tpu.memory_space<hbm>> -> memref<128xi32, #tpu.memory_space<hbm>>
    %dma_wait3A_100 = tpu.memref_slice %arg22[%dma_wait3A_94] : memref<2x!tpu.dma_semaphore, #tpu.memory_space<semaphore_mem>> -> memref<1x!tpu.dma_semaphore, #tpu.memory_space<semaphore_mem>>
    %dma_wait3A_101 = tpu.memref_squeeze %dma_wait3A_100 : memref<1x!tpu.dma_semaphore, #tpu.memory_space<semaphore_mem>> -> memref<!tpu.dma_semaphore, #tpu.memory_space<semaphore_mem>>
    %dma_wait3A_102 = arith.constant 0 : i32
    %dma_wait3A_103 = tpu.memref_slice %arg11[%dma_wait3A, %dma_wait3A_102] : memref<2x128xi32, #tpu.memory_space<vmem>> -> memref<1x128xi32, #tpu.memory_space<vmem>>
    %dma_wait3A_104 = tpu.memref_squeeze %dma_wait3A_103 : memref<1x128xi32, #tpu.memory_space<vmem>> -> memref<128xi32, #tpu.memory_space<vmem>>
    %dma_wait3A_105 = arith.constant 0 : i32
    %dma_wait3A_106 = tpu.memref_slice %arg4[%dma_wait3A_105] : memref<320000xi32, #tpu.memory_space<hbm>> -> memref<128xi32, #tpu.memory_space<hbm>>
    tpu.wait_dma2 semaphore(%dma_wait3A_101 : memref<!tpu.dma_semaphore, #tpu.memory_space<semaphore_mem>>) src(%dma_wait3A_106 : memref<128xi32, #tpu.memory_space<hbm>>) dst(%dma_wait3A_104 : memref<128xi32, #tpu.memory_space<vmem>>)
    %dma_wait3A_107 = arith.constant 0 : i32
    %dma_wait3A_108 = arith.constant 0 : i32
    %dma_wait3A_109 = arith.constant 0 : i32
    %dma_wait3A_110 = tpu.memref_slice %arg14[%dma_wait3A_107, %dma_wait3A_109] : memref<2x128xi32, #tpu.memory_space<vmem>> -> memref<1x128xi32, #tpu.memory_space<vmem>>
    %dma_wait3A_111 = tpu.memref_squeeze %dma_wait3A_110 : memref<1x128xi32, #tpu.memory_space<vmem>> -> memref<128xi32, #tpu.memory_space<vmem>>
    %dma_wait3A_112 = arith.constant 0 : i32
    %dma_wait3A_113 = tpu.memref_slice %arg5[%dma_wait3A_112] : memref<320000xi32, #tpu.memory_space<hbm>> -> memref<128xi32, #tpu.memory_space<hbm>>
    %dma_wait3A_114 = tpu.memref_slice %arg23[%dma_wait3A_108] : memref<2x!tpu.dma_semaphore, #tpu.memory_space<semaphore_mem>> -> memref<1x!tpu.dma_semaphore, #tpu.memory_space<semaphore_mem>>
    %dma_wait3A_115 = tpu.memref_squeeze %dma_wait3A_114 : memref<1x!tpu.dma_semaphore, #tpu.memory_space<semaphore_mem>> -> memref<!tpu.dma_semaphore, #tpu.memory_space<semaphore_mem>>
    %dma_wait3A_116 = arith.constant 0 : i32
    %dma_wait3A_117 = tpu.memref_slice %arg14[%dma_wait3A_107, %dma_wait3A_116] : memref<2x128xi32, #tpu.memory_space<vmem>> -> memref<1x128xi32, #tpu.memory_space<vmem>>
    %dma_wait3A_118 = tpu.memref_squeeze %dma_wait3A_117 : memref<1x128xi32, #tpu.memory_space<vmem>> -> memref<128xi32, #tpu.memory_space<vmem>>
    %dma_wait3A_119 = arith.constant 0 : i32
    %dma_wait3A_120 = tpu.memref_slice %arg5[%dma_wait3A_119] : memref<320000xi32, #tpu.memory_space<hbm>> -> memref<128xi32, #tpu.memory_space<hbm>>
    tpu.wait_dma2 semaphore(%dma_wait3A_115 : memref<!tpu.dma_semaphore, #tpu.memory_space<semaphore_mem>>) src(%dma_wait3A_120 : memref<128xi32, #tpu.memory_space<hbm>>) dst(%dma_wait3A_118 : memref<128xi32, #tpu.memory_space<vmem>>)
    %get3A = arith.constant 0 : i32
    %get3A_121 = arith.constant 0 : i32
    %get3A_122 = tpu.memref_slice %arg11[%get3A, %get3A_121] : memref<2x128xi32, #tpu.memory_space<vmem>> -> memref<1x128xi32, #tpu.memory_space<vmem>>
    %get3A_123 = tpu.memref_squeeze %get3A_122 : memref<1x128xi32, #tpu.memory_space<vmem>> -> memref<128xi32, #tpu.memory_space<vmem>>
    %get3A_124 = arith.constant 0 : index
    %get3A_125 = tpu.vector_load %get3A_123[%get3A_124] {strides = array<i32>} : memref<128xi32, #tpu.memory_space<vmem>>, vector<16xi32>,
    %add3A_126 = vector.broadcast %mul3A_11 : i32 to vector<16xi32>
    %add3A_127 = arith.addi %get3A_125, %add3A_126 : vector<16xi32>
    %swap3A = arith.constant 0 : i32
    %swap3A_128 = arith.constant 0 : i32
    %swap3A_129 = tpu.memref_slice %arg13[%swap3A, %swap3A_128] : memref<2x128xi32, #tpu.memory_space<vmem>> -> memref<1x128xi32, #tpu.memory_space<vmem>>
    %swap3A_130 = tpu.memref_squeeze %swap3A_129 : memref<1x128xi32, #tpu.memory_space<vmem>> -> memref<128xi32, #tpu.memory_space<vmem>>
    %swap3A_131 = arith.constant 0 : index
    %swap3A_132 = tpu.vector_load %swap3A_130[%swap3A_131] {strides = array<i32>} : memref<128xi32, #tpu.memory_space<vmem>>, vector<16xi32>,
    tpu.vector_store %swap3A_130[%swap3A_131], %add3A_127 {strides = array<i32>} : memref<128xi32, #tpu.memory_space<vmem>>, vector<16xi32>,
    %get3A_133 = arith.constant 0 : i32
    %get3A_134 = arith.constant 0 : i32
    %get3A_135 = tpu.memref_slice %arg14[%get3A_133, %get3A_134] : memref<2x128xi32, #tpu.memory_space<vmem>> -> memref<1x128xi32, #tpu.memory_space<vmem>>
    %get3A_136 = tpu.memref_squeeze %get3A_135 : memref<1x128xi32, #tpu.memory_space<vmem>> -> memref<128xi32, #tpu.memory_space<vmem>>
    %get3A_137 = arith.constant 0 : index
    %get3A_138 = tpu.vector_load %get3A_136[%get3A_137] {strides = array<i32>} : memref<128xi32, #tpu.memory_space<vmem>>, vector<16xi32>,
    %add3A_139 = vector.broadcast %mul3A_11 : i32 to vector<16xi32>
    %add3A_140 = arith.addi %get3A_138, %add3A_139 : vector<16xi32>
    %swap3A_141 = arith.constant 0 : i32
    %swap3A_142 = arith.constant 0 : i32
    %swap3A_143 = tpu.memref_slice %arg14[%swap3A_141, %swap3A_142] : memref<2x128xi32, #tpu.memory_space<vmem>> -> memref<1x128xi32, #tpu.memory_space<vmem>>
    %swap3A_144 = tpu.memref_squeeze %swap3A_143 : memref<1x128xi32, #tpu.memory_space<vmem>> -> memref<128xi32, #tpu.memory_space<vmem>>
    %swap3A_145 = arith.constant 0 : index
    %swap3A_146 = tpu.vector_load %swap3A_144[%swap3A_145] {strides = array<i32>} : memref<128xi32, #tpu.memory_space<vmem>>, vector<16xi32>,
    tpu.vector_store %swap3A_144[%swap3A_145], %add3A_140 {strides = array<i32>} : memref<128xi32, #tpu.memory_space<vmem>>, vector<16xi32>,
    %get3A_147 = arith.constant 0 : i32
    %get3A_148 = arith.constant 0 : i32
    %get3A_149 = tpu.memref_slice %arg11[%get3A_147, %get3A_148] : memref<2x128xi32, #tpu.memory_space<vmem>> -> memref<1x128xi32, #tpu.memory_space<vmem>>
    %get3A_150 = tpu.memref_squeeze %get3A_149 : memref<1x128xi32, #tpu.memory_space<vmem>> -> memref<128xi32, #tpu.memory_space<vmem>>
    %get3A_151 = arith.constant 16 : index
    %get3A_152 = tpu.vector_load %get3A_150[%get3A_151] {strides = array<i32>} : memref<128xi32, #tpu.memory_space<vmem>>, vector<16xi32>,
    %add3A_153 = vector.broadcast %mul3A_11 : i32 to vector<16xi32>
    %add3A_154 = arith.addi %get3A_152, %add3A_153 : vector<16xi32>
    %swap3A_155 = arith.constant 0 : i32
    %swap3A_156 = arith.constant 0 : i32
    %swap3A_157 = tpu.memref_slice %arg13[%swap3A_155, %swap3A_156] : memref<2x128xi32, #tpu.memory_space<vmem>> -> memref<1x128xi32, #tpu.memory_space<vmem>>
    %swap3A_158 = tpu.memref_squeeze %swap3A_157 : memref<1x128xi32, #tpu.memory_space<vmem>> -> memref<128xi32, #tpu.memory_space<vmem>>
    %swap3A_159 = arith.constant 16 : index
    %swap3A_160 = tpu.vector_load %swap3A_158[%swap3A_159] {strides = array<i32>} : memref<128xi32, #tpu.memory_space<vmem>>, vector<16xi32>,
    tpu.vector_store %swap3A_158[%swap3A_159], %add3A_154 {strides = array<i32>} : memref<128xi32, #tpu.memory_space<vmem>>, vector<16xi32>,
    %get3A_161 = arith.constant 0 : i32
    %get3A_162 = arith.constant 0 : i32
    %get3A_163 = tpu.memref_slice %arg14[%get3A_161, %get3A_162] : memref<2x128xi32, #tpu.memory_space<vmem>> -> memref<1x128xi32, #tpu.memory_space<vmem>>
    %get3A_164 = tpu.memref_squeeze %get3A_163 : memref<1x128xi32, #tpu.memory_space<vmem>> -> memref<128xi32, #tpu.memory_space<vmem>>
    %get3A_165 = arith.constant 16 : index
    %get3A_166 = tpu.vector_load %get3A_164[%get3A_165] {strides = array<i32>} : memref<128xi32, #tpu.memory_space<vmem>>, vector<16xi32>,
    %add3A_167 = vector.broadcast %mul3A_11 : i32 to vector<16xi32>
    %add3A_168 = arith.addi %get3A_166, %add3A_167 : vector<16xi32>
    %swap3A_169 = arith.constant 0 : i32
    %swap3A_170 = arith.constant 0 : i32
    %swap3A_171 = tpu.memref_slice %arg14[%swap3A_169, %swap3A_170] : memref<2x128xi32, #tpu.memory_space<vmem>> -> memref<1x128xi32, #tpu.memory_space<vmem>>
    %swap3A_172 = tpu.memref_squeeze %swap3A_171 : memref<1x128xi32, #tpu.memory_space<vmem>> -> memref<128xi32, #tpu.memory_space<vmem>>
    %swap3A_173 = arith.constant 16 : index
    %swap3A_174 = tpu.vector_load %swap3A_172[%swap3A_173] {strides = array<i32>} : memref<128xi32, #tpu.memory_space<vmem>>, vector<16xi32>,
    tpu.vector_store %swap3A_172[%swap3A_173], %add3A_168 {strides = array<i32>} : memref<128xi32, #tpu.memory_space<vmem>>, vector<16xi32>,
    %get3A_175 = arith.constant 0 : i32
    %get3A_176 = arith.constant 0 : i32
    %get3A_177 = tpu.memref_slice %arg11[%get3A_175, %get3A_176] : memref<2x128xi32, #tpu.memory_space<vmem>> -> memref<1x128xi32, #tpu.memory_space<vmem>>
    %get3A_178 = tpu.memref_squeeze %get3A_177 : memref<1x128xi32, #tpu.memory_space<vmem>> -> memref<128xi32, #tpu.memory_space<vmem>>
    %get3A_179 = arith.constant 32 : index
    %get3A_180 = tpu.vector_load %get3A_178[%get3A_179] {strides = array<i32>} : memref<128xi32, #tpu.memory_space<vmem>>, vector<16xi32>,
    %add3A_181 = vector.broadcast %mul3A_11 : i32 to vector<16xi32>
    %add3A_182 = arith.addi %get3A_180, %add3A_181 : vector<16xi32>
    %swap3A_183 = arith.constant 0 : i32
    %swap3A_184 = arith.constant 0 : i32
    %swap3A_185 = tpu.memref_slice %arg13[%swap3A_183, %swap3A_184] : memref<2x128xi32, #tpu.memory_space<vmem>> -> memref<1x128xi32, #tpu.memory_space<vmem>>
    %swap3A_186 = tpu.memref_squeeze %swap3A_185 : memref<1x128xi32, #tpu.memory_space<vmem>> -> memref<128xi32, #tpu.memory_space<vmem>>
    %swap3A_187 = arith.constant 32 : index
    %swap3A_188 = tpu.vector_load %swap3A_186[%swap3A_187] {strides = array<i32>} : memref<128xi32, #tpu.memory_space<vmem>>, vector<16xi32>,
    tpu.vector_store %swap3A_186[%swap3A_187], %add3A_182 {strides = array<i32>} : memref<128xi32, #tpu.memory_space<vmem>>, vector<16xi32>,
    %get3A_189 = arith.constant 0 : i32
    %get3A_190 = arith.constant 0 : i32
    %get3A_191 = tpu.memref_slice %arg14[%get3A_189, %get3A_190] : memref<2x128xi32, #tpu.memory_space<vmem>> -> memref<1x128xi32, #tpu.memory_space<vmem>>
    %get3A_192 = tpu.memref_squeeze %get3A_191 : memref<1x128xi32, #tpu.memory_space<vmem>> -> memref<128xi32, #tpu.memory_space<vmem>>
    %get3A_193 = arith.constant 32 : index
    %get3A_194 = tpu.vector_load %get3A_192[%get3A_193] {strides = array<i32>} : memref<128xi32, #tpu.memory_space<vmem>>, vector<16xi32>,
    %add3A_195 = vector.broadcast %mul3A_11 : i32 to vector<16xi32>
    %add3A_196 = arith.addi %get3A_194, %add3A_195 : vector<16xi32>
    %swap3A_197 = arith.constant 0 : i32
    %swap3A_198 = arith.constant 0 : i32
    %swap3A_199 = tpu.memref_slice %arg14[%swap3A_197, %swap3A_198] : memref<2x128xi32, #tpu.memory_space<vmem>> -> memref<1x128xi32, #tpu.memory_space<vmem>>
    %swap3A_200 = tpu.memref_squeeze %swap3A_199 : memref<1x128xi32, #tpu.memory_space<vmem>> -> memref<128xi32, #tpu.memory_space<vmem>>
    %swap3A_201 = arith.constant 32 : index
    %swap3A_202 = tpu.vector_load %swap3A_200[%swap3A_201] {strides = array<i32>} : memref<128xi32, #tpu.memory_space<vmem>>, vector<16xi32>,
    tpu.vector_store %swap3A_200[%swap3A_201], %add3A_196 {strides = array<i32>} : memref<128xi32, #tpu.memory_space<vmem>>, vector<16xi32>,
    %get3A_203 = arith.constant 0 : i32
    %get3A_204 = arith.constant 0 : i32
    %get3A_205 = tpu.memref_slice %arg11[%get3A_203, %get3A_204] : memref<2x128xi32, #tpu.memory_space<vmem>> -> memref<1x128xi32, #tpu.memory_space<vmem>>
    %get3A_206 = tpu.memref_squeeze %get3A_205 : memref<1x128xi32, #tpu.memory_space<vmem>> -> memref<128xi32, #tpu.memory_space<vmem>>
    %get3A_207 = arith.constant 48 : index
    %get3A_208 = tpu.vector_load %get3A_206[%get3A_207] {strides = array<i32>} : memref<128xi32, #tpu.memory_space<vmem>>, vector<16xi32>,
    %add3A_209 = vector.broadcast %mul3A_11 : i32 to vector<16xi32>
    %add3A_210 = arith.addi %get3A_208, %add3A_209 : vector<16xi32>
    %swap3A_211 = arith.constant 0 : i32
    %swap3A_212 = arith.constant 0 : i32
    %swap3A_213 = tpu.memref_slice %arg13[%swap3A_211, %swap3A_212] : memref<2x128xi32, #tpu.memory_space<vmem>> -> memref<1x128xi32, #tpu.memory_space<vmem>>
    %swap3A_214 = tpu.memref_squeeze %swap3A_213 : memref<1x128xi32, #tpu.memory_space<vmem>> -> memref<128xi32, #tpu.memory_space<vmem>>
    %swap3A_215 = arith.constant 48 : index
    %swap3A_216 = tpu.vector_load %swap3A_214[%swap3A_215] {strides = array<i32>} : memref<128xi32, #tpu.memory_space<vmem>>, vector<16xi32>,
    tpu.vector_store %swap3A_214[%swap3A_215], %add3A_210 {strides = array<i32>} : memref<128xi32, #tpu.memory_space<vmem>>, vector<16xi32>,
    %get3A_217 = arith.constant 0 : i32
    %get3A_218 = arith.constant 0 : i32
    %get3A_219 = tpu.memref_slice %arg14[%get3A_217, %get3A_218] : memref<2x128xi32, #tpu.memory_space<vmem>> -> memref<1x128xi32, #tpu.memory_space<vmem>>
    %get3A_220 = tpu.memref_squeeze %get3A_219 : memref<1x128xi32, #tpu.memory_space<vmem>> -> memref<128xi32, #tpu.memory_space<vmem>>
    %get3A_221 = arith.constant 48 : index
    %get3A_222 = tpu.vector_load %get3A_220[%get3A_221] {strides = array<i32>} : memref<128xi32, #tpu.memory_space<vmem>>, vector<16xi32>,
    %add3A_223 = vector.broadcast %mul3A_11 : i32 to vector<16xi32>
    %add3A_224 = arith.addi %get3A_222, %add3A_223 : vector<16xi32>
    %swap3A_225 = arith.constant 0 : i32
    %swap3A_226 = arith.constant 0 : i32
    %swap3A_227 = tpu.memref_slice %arg14[%swap3A_225, %swap3A_226] : memref<2x128xi32, #tpu.memory_space<vmem>> -> memref<1x128xi32, #tpu.memory_space<vmem>>
    %swap3A_228 = tpu.memref_squeeze %swap3A_227 : memref<1x128xi32, #tpu.memory_space<vmem>> -> memref<128xi32, #tpu.memory_space<vmem>>
    %swap3A_229 = arith.constant 48 : index
    %swap3A_230 = tpu.vector_load %swap3A_228[%swap3A_229] {strides = array<i32>} : memref<128xi32, #tpu.memory_space<vmem>>, vector<16xi32>,
    tpu.vector_store %swap3A_228[%swap3A_229], %add3A_224 {strides = array<i32>} : memref<128xi32, #tpu.memory_space<vmem>>, vector<16xi32>,
    %get3A_231 = arith.constant 0 : i32
    %get3A_232 = arith.constant 0 : i32
    %get3A_233 = tpu.memref_slice %arg11[%get3A_231, %get3A_232] : memref<2x128xi32, #tpu.memory_space<vmem>> -> memref<1x128xi32, #tpu.memory_space<vmem>>
    %get3A_234 = tpu.memref_squeeze %get3A_233 : memref<1x128xi32, #tpu.memory_space<vmem>> -> memref<128xi32, #tpu.memory_space<vmem>>
    %get3A_235 = arith.constant 64 : index
    %get3A_236 = tpu.vector_load %get3A_234[%get3A_235] {strides = array<i32>} : memref<128xi32, #tpu.memory_space<vmem>>, vector<16xi32>,
    %add3A_237 = vector.broadcast %mul3A_11 : i32 to vector<16xi32>
    %add3A_238 = arith.addi %get3A_236, %add3A_237 : vector<16xi32>
    %swap3A_239 = arith.constant 0 : i32
    %swap3A_240 = arith.constant 0 : i32
    %swap3A_241 = tpu.memref_slice %arg13[%swap3A_239, %swap3A_240] : memref<2x128xi32, #tpu.memory_space<vmem>> -> memref<1x128xi32, #tpu.memory_space<vmem>>
    %swap3A_242 = tpu.memref_squeeze %swap3A_241 : memref<1x128xi32, #tpu.memory_space<vmem>> -> memref<128xi32, #tpu.memory_space<vmem>>
    %swap3A_243 = arith.constant 64 : index
    %swap3A_244 = tpu.vector_load %swap3A_242[%swap3A_243] {strides = array<i32>} : memref<128xi32, #tpu.memory_space<vmem>>, vector<16xi32>,
    tpu.vector_store %swap3A_242[%swap3A_243], %add3A_238 {strides = array<i32>} : memref<128xi32, #tpu.memory_space<vmem>>, vector<16xi32>,
    %get3A_245 = arith.constant 0 : i32
    %get3A_246 = arith.constant 0 : i32
    %get3A_247 = tpu.memref_slice %arg14[%get3A_245, %get3A_246] : memref<2x128xi32, #tpu.memory_space<vmem>> -> memref<1x128xi32, #tpu.memory_space<vmem>>
    %get3A_248 = tpu.memref_squeeze %get3A_247 : memref<1x128xi32, #tpu.memory_space<vmem>> -> memref<128xi32, #tpu.memory_space<vmem>>
    %get3A_249 = arith.constant 64 : index
    %get3A_250 = tpu.vector_load %get3A_248[%get3A_249] {strides = array<i32>} : memref<128xi32, #tpu.memory_space<vmem>>, vector<16xi32>,
    %add3A_251 = vector.broadcast %mul3A_11 : i32 to vector<16xi32>
    %add3A_252 = arith.addi %get3A_250, %add3A_251 : vector<16xi32>
    %swap3A_253 = arith.constant 0 : i32
    %swap3A_254 = arith.constant 0 : i32
    %swap3A_255 = tpu.memref_slice %arg14[%swap3A_253, %swap3A_254] : memref<2x128xi32, #tpu.memory_space<vmem>> -> memref<1x128xi32, #tpu.memory_space<vmem>>
    %swap3A_256 = tpu.memref_squeeze %swap3A_255 : memref<1x128xi32, #tpu.memory_space<vmem>> -> memref<128xi32, #tpu.memory_space<vmem>>
    %swap3A_257 = arith.constant 64 : index
    %swap3A_258 = tpu.vector_load %swap3A_256[%swap3A_257] {strides = array<i32>} : memref<128xi32, #tpu.memory_space<vmem>>, vector<16xi32>,
    tpu.vector_store %swap3A_256[%swap3A_257], %add3A_252 {strides = array<i32>} : memref<128xi32, #tpu.memory_space<vmem>>, vector<16xi32>,
    %get3A_259 = arith.constant 0 : i32
    %get3A_260 = arith.constant 0 : i32
    %get3A_261 = tpu.memref_slice %arg11[%get3A_259, %get3A_260] : memref<2x128xi32, #tpu.memory_space<vmem>> -> memref<1x128xi32, #tpu.memory_space<vmem>>
    %get3A_262 = tpu.memref_squeeze %get3A_261 : memref<1x128xi32, #tpu.memory_space<vmem>> -> memref<128xi32, #tpu.memory_space<vmem>>
    %get3A_263 = arith.constant 80 : index
    %get3A_264 = tpu.vector_load %get3A_262[%get3A_263] {strides = array<i32>} : memref<128xi32, #tpu.memory_space<vmem>>, vector<16xi32>,
    %add3A_265 = vector.broadcast %mul3A_11 : i32 to vector<16xi32>
    %add3A_266 = arith.addi %get3A_264, %add3A_265 : vector<16xi32>
    %swap3A_267 = arith.constant 0 : i32
    %swap3A_268 = arith.constant 0 : i32
    %swap3A_269 = tpu.memref_slice %arg13[%swap3A_267, %swap3A_268] : memref<2x128xi32, #tpu.memory_space<vmem>> -> memref<1x128xi32, #tpu.memory_space<vmem>>
    %swap3A_270 = tpu.memref_squeeze %swap3A_269 : memref<1x128xi32, #tpu.memory_space<vmem>> -> memref<128xi32, #tpu.memory_space<vmem>>
    %swap3A_271 = arith.constant 80 : index
    %swap3A_272 = tpu.vector_load %swap3A_270[%swap3A_271] {strides = array<i32>} : memref<128xi32, #tpu.memory_space<vmem>>, vector<16xi32>,
    tpu.vector_store %swap3A_270[%swap3A_271], %add3A_266 {strides = array<i32>} : memref<128xi32, #tpu.memory_space<vmem>>, vector<16xi32>,
    %get3A_273 = arith.constant 0 : i32
    %get3A_274 = arith.constant 0 : i32
    %get3A_275 = tpu.memref_slice %arg14[%get3A_273, %get3A_274] : memref<2x128xi32, #tpu.memory_space<vmem>> -> memref<1x128xi32, #tpu.memory_space<vmem>>
    %get3A_276 = tpu.memref_squeeze %get3A_275 : memref<1x128xi32, #tpu.memory_space<vmem>> -> memref<128xi32, #tpu.memory_space<vmem>>
    %get3A_277 = arith.constant 80 : index
    %get3A_278 = tpu.vector_load %get3A_276[%get3A_277] {strides = array<i32>} : memref<128xi32, #tpu.memory_space<vmem>>, vector<16xi32>,
    %add3A_279 = vector.broadcast %mul3A_11 : i32 to vector<16xi32>
    %add3A_280 = arith.addi %get3A_278, %add3A_279 : vector<16xi32>
    %swap3A_281 = arith.constant 0 : i32
    %swap3A_282 = arith.constant 0 : i32
    %swap3A_283 = tpu.memref_slice %arg14[%swap3A_281, %swap3A_282] : memref<2x128xi32, #tpu.memory_space<vmem>> -> memref<1x128xi32, #tpu.memory_space<vmem>>
    %swap3A_284 = tpu.memref_squeeze %swap3A_283 : memref<1x128xi32, #tpu.memory_space<vmem>> -> memref<128xi32, #tpu.memory_space<vmem>>
    %swap3A_285 = arith.constant 80 : index
    %swap3A_286 = tpu.vector_load %swap3A_284[%swap3A_285] {strides = array<i32>} : memref<128xi32, #tpu.memory_space<vmem>>, vector<16xi32>,
    tpu.vector_store %swap3A_284[%swap3A_285], %add3A_280 {strides = array<i32>} : memref<128xi32, #tpu.memory_space<vmem>>, vector<16xi32>,
    %get3A_287 = arith.constant 0 : i32
    %get3A_288 = arith.constant 0 : i32
    %get3A_289 = tpu.memref_slice %arg11[%get3A_287, %get3A_288] : memref<2x128xi32, #tpu.memory_space<vmem>> -> memref<1x128xi32, #tpu.memory_space<vmem>>
    %get3A_290 = tpu.memref_squeeze %get3A_289 : memref<1x128xi32, #tpu.memory_space<vmem>> -> memref<128xi32, #tpu.memory_space<vmem>>
    %get3A_291 = arith.constant 96 : index
    %get3A_292 = tpu.vector_load %get3A_290[%get3A_291] {strides = array<i32>} : memref<128xi32, #tpu.memory_space<vmem>>, vector<16xi32>,
    %add3A_293 = vector.broadcast %mul3A_11 : i32 to vector<16xi32>
    %add3A_294 = arith.addi %get3A_292, %add3A_293 : vector<16xi32>
    %swap3A_295 = arith.constant 0 : i32
    %swap3A_296 = arith.constant 0 : i32
    %swap3A_297 = tpu.memref_slice %arg13[%swap3A_295, %swap3A_296] : memref<2x128xi32, #tpu.memory_space<vmem>> -> memref<1x128xi32, #tpu.memory_space<vmem>>
    %swap3A_298 = tpu.memref_squeeze %swap3A_297 : memref<1x128xi32, #tpu.memory_space<vmem>> -> memref<128xi32, #tpu.memory_space<vmem>>
    %swap3A_299 = arith.constant 96 : index
    %swap3A_300 = tpu.vector_load %swap3A_298[%swap3A_299] {strides = array<i32>} : memref<128xi32, #tpu.memory_space<vmem>>, vector<16xi32>,
    tpu.vector_store %swap3A_298[%swap3A_299], %add3A_294 {strides = array<i32>} : memref<128xi32, #tpu.memory_space<vmem>>, vector<16xi32>,
    %get3A_301 = arith.constant 0 : i32
    %get3A_302 = arith.constant 0 : i32
    %get3A_303 = tpu.memref_slice %arg14[%get3A_301, %get3A_302] : memref<2x128xi32, #tpu.memory_space<vmem>> -> memref<1x128xi32, #tpu.memory_space<vmem>>
    %get3A_304 = tpu.memref_squeeze %get3A_303 : memref<1x128xi32, #tpu.memory_space<vmem>> -> memref<128xi32, #tpu.memory_space<vmem>>
    %get3A_305 = arith.constant 96 : index
    %get3A_306 = tpu.vector_load %get3A_304[%get3A_305] {strides = array<i32>} : memref<128xi32, #tpu.memory_space<vmem>>, vector<16xi32>,
    %add3A_307 = vector.broadcast %mul3A_11 : i32 to vector<16xi32>
    %add3A_308 = arith.addi %get3A_306, %add3A_307 : vector<16xi32>
    %swap3A_309 = arith.constant 0 : i32
    %swap3A_310 = arith.constant 0 : i32
    %swap3A_311 = tpu.memref_slice %arg14[%swap3A_309, %swap3A_310] : memref<2x128xi32, #tpu.memory_space<vmem>> -> memref<1x128xi32, #tpu.memory_space<vmem>>
    %swap3A_312 = tpu.memref_squeeze %swap3A_311 : memref<1x128xi32, #tpu.memory_space<vmem>> -> memref<128xi32, #tpu.memory_space<vmem>>
    %swap3A_313 = arith.constant 96 : index
    %swap3A_314 = tpu.vector_load %swap3A_312[%swap3A_313] {strides = array<i32>} : memref<128xi32, #tpu.memory_space<vmem>>, vector<16xi32>,
    tpu.vector_store %swap3A_312[%swap3A_313], %add3A_308 {strides = array<i32>} : memref<128xi32, #tpu.memory_space<vmem>>, vector<16xi32>,
    %get3A_315 = arith.constant 0 : i32
    %get3A_316 = arith.constant 0 : i32
    %get3A_317 = tpu.memref_slice %arg11[%get3A_315, %get3A_316] : memref<2x128xi32, #tpu.memory_space<vmem>> -> memref<1x128xi32, #tpu.memory_space<vmem>>
    %get3A_318 = tpu.memref_squeeze %get3A_317 : memref<1x128xi32, #tpu.memory_space<vmem>> -> memref<128xi32, #tpu.memory_space<vmem>>
    %get3A_319 = arith.constant 112 : index
    %get3A_320 = tpu.vector_load %get3A_318[%get3A_319] {strides = array<i32>} : memref<128xi32, #tpu.memory_space<vmem>>, vector<16xi32>,
    %add3A_321 = vector.broadcast %mul3A_11 : i32 to vector<16xi32>
    %add3A_322 = arith.addi %get3A_320, %add3A_321 : vector<16xi32>
    %swap3A_323 = arith.constant 0 : i32
    %swap3A_324 = arith.constant 0 : i32
    %swap3A_325 = tpu.memref_slice %arg13[%swap3A_323, %swap3A_324] : memref<2x128xi32, #tpu.memory_space<vmem>> -> memref<1x128xi32, #tpu.memory_space<vmem>>
    %swap3A_326 = tpu.memref_squeeze %swap3A_325 : memref<1x128xi32, #tpu.memory_space<vmem>> -> memref<128xi32, #tpu.memory_space<vmem>>
    %swap3A_327 = arith.constant 112 : index
    %swap3A_328 = tpu.vector_load %swap3A_326[%swap3A_327] {strides = array<i32>} : memref<128xi32, #tpu.memory_space<vmem>>, vector<16xi32>,
    tpu.vector_store %swap3A_326[%swap3A_327], %add3A_322 {strides = array<i32>} : memref<128xi32, #tpu.memory_space<vmem>>, vector<16xi32>,
    %get3A_329 = arith.constant 0 : i32
    %get3A_330 = arith.constant 0 : i32
    %get3A_331 = tpu.memref_slice %arg14[%get3A_329, %get3A_330] : memref<2x128xi32, #tpu.memory_space<vmem>> -> memref<1x128xi32, #tpu.memory_space<vmem>>
    %get3A_332 = tpu.memref_squeeze %get3A_331 : memref<1x128xi32, #tpu.memory_space<vmem>> -> memref<128xi32, #tpu.memory_space<vmem>>
    %get3A_333 = arith.constant 112 : index
    %get3A_334 = tpu.vector_load %get3A_332[%get3A_333] {strides = array<i32>} : memref<128xi32, #tpu.memory_space<vmem>>, vector<16xi32>,
    %add3A_335 = vector.broadcast %mul3A_11 : i32 to vector<16xi32>
    %add3A_336 = arith.addi %get3A_334, %add3A_335 : vector<16xi32>
    %swap3A_337 = arith.constant 0 : i32
    %swap3A_338 = arith.constant 0 : i32
    %swap3A_339 = tpu.memref_slice %arg14[%swap3A_337, %swap3A_338] : memref<2x128xi32, #tpu.memory_space<vmem>> -> memref<1x128xi32, #tpu.memory_space<vmem>>
    %swap3A_340 = tpu.memref_squeeze %swap3A_339 : memref<1x128xi32, #tpu.memory_space<vmem>> -> memref<128xi32, #tpu.memory_space<vmem>>
    %swap3A_341 = arith.constant 112 : index
    %swap3A_342 = tpu.vector_load %swap3A_340[%swap3A_341] {strides = array<i32>} : memref<128xi32, #tpu.memory_space<vmem>>, vector<16xi32>,
    tpu.vector_store %swap3A_340[%swap3A_341], %add3A_336 {strides = array<i32>} : memref<128xi32, #tpu.memory_space<vmem>>, vector<16xi32>,
    %dma_start3A_343 = arith.constant 0 : i32
    %dma_start3A_344 = arith.constant 0 : i32
    %dma_start3A_345 = arith.constant 0 : i32
    %dma_start3A_346 = arith.constant 0 : i32
    %dma_start3A_347 = arith.constant 0 : i32
    %dma_start3A_348 = tpu.memref_slice %arg16[%dma_start3A_344, %dma_start3A_346, %dma_start3A_347] : memref<2x128x64xf32, #tpu.memory_space<vmem>> -> memref<1x128x64xf32, #tpu.memory_space<vmem>>
    %dma_start3A_349 = tpu.memref_squeeze %dma_start3A_348 : memref<1x128x64xf32, #tpu.memory_space<vmem>> -> memref<128x64xf32, #tpu.memory_space<vmem>>
    %dma_start3A_350 = arith.constant 0 : i32
    %dma_start3A_351 = arith.constant 0 : i32
    %dma_start3A_352 = tpu.memref_slice %dma_start3A_349[%dma_start3A_350, %dma_start3A_351] : memref<128x64xf32, #tpu.memory_space<vmem>> -> memref<64x64xf32, #tpu.memory_space<vmem>>
    %dma_start3A_353 = arith.constant 0 : i32
    %dma_start3A_354 = tpu.memref_slice %arg13[%dma_start3A_343, %dma_start3A_353] : memref<2x128xi32, #tpu.memory_space<vmem>> -> memref<1x128xi32, #tpu.memory_space<vmem>>
    %dma_start3A_355 = tpu.memref_squeeze %dma_start3A_354 : memref<1x128xi32, #tpu.memory_space<vmem>> -> memref<128xi32, #tpu.memory_space<vmem>>
    %dma_start3A_356 = arith.constant 0 : i32
    %dma_start3A_357 = tpu.memref_slice %dma_start3A_355[%dma_start3A_356] : memref<128xi32, #tpu.memory_space<vmem>> -> memref<64xi32, #tpu.memory_space<vmem>>
    %dma_start3A_358 = arith.constant 0 : i32
    %dma_start3A_359 = arith.constant 0 : i32
    %dma_start3A_360 = tpu.memref_slice %arg2[%dma_start3A_358, %dma_start3A_359] : memref<20000x64xf32, #tpu.memory_space<hbm>> -> memref<20000x64xf32, #tpu.memory_space<hbm>>
    %dma_start3A_361 = tpu.memref_slice %arg25[%dma_start3A_345] : memref<2x!tpu.dma_semaphore, #tpu.memory_space<semaphore_mem>> -> memref<1x!tpu.dma_semaphore, #tpu.memory_space<semaphore_mem>>
    %dma_start3A_362 = tpu.memref_squeeze %dma_start3A_361 : memref<1x!tpu.dma_semaphore, #tpu.memory_space<semaphore_mem>> -> memref<!tpu.dma_semaphore, #tpu.memory_space<semaphore_mem>>
    tpu.enqueue_indirect_dma source(%dma_start3A_360 : memref<20000x64xf32, #tpu.memory_space<hbm>>) target(%dma_start3A_352 : memref<64x64xf32, #tpu.memory_space<vmem>>) offsets(%dma_start3A_357 : memref<64xi32, #tpu.memory_space<vmem>>) semaphore(%dma_start3A_362 : memref<!tpu.dma_semaphore, #tpu.memory_space<semaphore_mem>>)
    %dma_start3A_363 = arith.constant 0 : i32
    %dma_start3A_364 = arith.constant 0 : i32
    %dma_start3A_365 = arith.constant 0 : i32
    %dma_start3A_366 = arith.constant 0 : i32
    %dma_start3A_367 = arith.constant 0 : i32
    %dma_start3A_368 = tpu.memref_slice %arg17[%dma_start3A_364, %dma_start3A_366, %dma_start3A_367] : memref<2x128x128xf32, #tpu.memory_space<vmem>> -> memref<1x128x128xf32, #tpu.memory_space<vmem>>
    %dma_start3A_369 = tpu.memref_squeeze %dma_start3A_368 : memref<1x128x128xf32, #tpu.memory_space<vmem>> -> memref<128x128xf32, #tpu.memory_space<vmem>>
    %dma_start3A_370 = arith.constant 0 : i32
    %dma_start3A_371 = arith.constant 0 : i32
    %dma_start3A_372 = tpu.memref_slice %dma_start3A_369[%dma_start3A_370, %dma_start3A_371] : memref<128x128xf32, #tpu.memory_space<vmem>> -> memref<64x128xf32, #tpu.memory_space<vmem>>
    %dma_start3A_373 = arith.constant 0 : i32
    %dma_start3A_374 = tpu.memref_slice %arg14[%dma_start3A_363, %dma_start3A_373] : memref<2x128xi32, #tpu.memory_space<vmem>> -> memref<1x128xi32, #tpu.memory_space<vmem>>
    %dma_start3A_375 = tpu.memref_squeeze %dma_start3A_374 : memref<1x128xi32, #tpu.memory_space<vmem>> -> memref<128xi32, #tpu.memory_space<vmem>>
    %dma_start3A_376 = arith.constant 0 : i32
    %dma_start3A_377 = tpu.memref_slice %dma_start3A_375[%dma_start3A_376] : memref<128xi32, #tpu.memory_space<vmem>> -> memref<64xi32, #tpu.memory_space<vmem>>
    %dma_start3A_378 = arith.constant 0 : i32
    %dma_start3A_379 = arith.constant 0 : i32
    %dma_start3A_380 = tpu.memref_slice %arg3[%dma_start3A_378, %dma_start3A_379] : memref<20000x128xf32, #tpu.memory_space<hbm>> -> memref<20000x128xf32, #tpu.memory_space<hbm>>
    %dma_start3A_381 = tpu.memref_slice %arg26[%dma_start3A_365] : memref<2x!tpu.dma_semaphore, #tpu.memory_space<semaphore_mem>> -> memref<1x!tpu.dma_semaphore, #tpu.memory_space<semaphore_mem>>
    %dma_start3A_382 = tpu.memref_squeeze %dma_start3A_381 : memref<1x!tpu.dma_semaphore, #tpu.memory_space<semaphore_mem>> -> memref<!tpu.dma_semaphore, #tpu.memory_space<semaphore_mem>>
    tpu.enqueue_indirect_dma source(%dma_start3A_380 : memref<20000x128xf32, #tpu.memory_space<hbm>>) target(%dma_start3A_372 : memref<64x128xf32, #tpu.memory_space<vmem>>) offsets(%dma_start3A_377 : memref<64xi32, #tpu.memory_space<vmem>>) semaphore(%dma_start3A_382 : memref<!tpu.dma_semaphore, #tpu.memory_space<semaphore_mem>>)
    %dma_start3A_383 = arith.constant 0 : i32
    %dma_start3A_384 = arith.constant 0 : i32
    %dma_start3A_385 = arith.constant 0 : i32
    %dma_start3A_386 = arith.constant 0 : i32
    %dma_start3A_387 = arith.constant 0 : i32
    %dma_start3A_388 = tpu.memref_slice %arg16[%dma_start3A_384, %dma_start3A_386, %dma_start3A_387] : memref<2x128x64xf32, #tpu.memory_space<vmem>> -> memref<1x128x64xf32, #tpu.memory_space<vmem>>
    %dma_start3A_389 = tpu.memref_squeeze %dma_start3A_388 : memref<1x128x64xf32, #tpu.memory_space<vmem>> -> memref<128x64xf32, #tpu.memory_space<vmem>>
    %dma_start3A_390 = arith.constant 64 : i32
    %dma_start3A_391 = arith.constant 0 : i32
    %dma_start3A_392 = tpu.memref_slice %dma_start3A_389[%dma_start3A_390, %dma_start3A_391] : memref<128x64xf32, #tpu.memory_space<vmem>> -> memref<64x64xf32, #tpu.memory_space<vmem>>
    %dma_start3A_393 = arith.constant 0 : i32
    %dma_start3A_394 = tpu.memref_slice %arg13[%dma_start3A_383, %dma_start3A_393] : memref<2x128xi32, #tpu.memory_space<vmem>> -> memref<1x128xi32, #tpu.memory_space<vmem>>
    %dma_start3A_395 = tpu.memref_squeeze %dma_start3A_394 : memref<1x128xi32, #tpu.memory_space<vmem>> -> memref<128xi32, #tpu.memory_space<vmem>>
    %dma_start3A_396 = arith.constant 64 : i32
    %dma_start3A_397 = tpu.memref_slice %dma_start3A_395[%dma_start3A_396] : memref<128xi32, #tpu.memory_space<vmem>> -> memref<64xi32, #tpu.memory_space<vmem>>
    %dma_start3A_398 = arith.constant 0 : i32
    %dma_start3A_399 = arith.constant 0 : i32
    %dma_start3A_400 = tpu.memref_slice %arg2[%dma_start3A_398, %dma_start3A_399] : memref<20000x64xf32, #tpu.memory_space<hbm>> -> memref<20000x64xf32, #tpu.memory_space<hbm>>
    %dma_start3A_401 = tpu.memref_slice %arg25[%dma_start3A_385] : memref<2x!tpu.dma_semaphore, #tpu.memory_space<semaphore_mem>> -> memref<1x!tpu.dma_semaphore, #tpu.memory_space<semaphore_mem>>
    %dma_start3A_402 = tpu.memref_squeeze %dma_start3A_401 : memref<1x!tpu.dma_semaphore, #tpu.memory_space<semaphore_mem>> -> memref<!tpu.dma_semaphore, #tpu.memory_space<semaphore_mem>>
    tpu.enqueue_indirect_dma source(%dma_start3A_400 : memref<20000x64xf32, #tpu.memory_space<hbm>>) target(%dma_start3A_392 : memref<64x64xf32, #tpu.memory_space<vmem>>) offsets(%dma_start3A_397 : memref<64xi32, #tpu.memory_space<vmem>>) semaphore(%dma_start3A_402 : memref<!tpu.dma_semaphore, #tpu.memory_space<semaphore_mem>>)
    %dma_start3A_403 = arith.constant 0 : i32
    %dma_start3A_404 = arith.constant 0 : i32
    %dma_start3A_405 = arith.constant 0 : i32
    %dma_start3A_406 = arith.constant 0 : i32
    %dma_start3A_407 = arith.constant 0 : i32
    %dma_start3A_408 = tpu.memref_slice %arg17[%dma_start3A_404, %dma_start3A_406, %dma_start3A_407] : memref<2x128x128xf32, #tpu.memory_space<vmem>> -> memref<1x128x128xf32, #tpu.memory_space<vmem>>
    %dma_start3A_409 = tpu.memref_squeeze %dma_start3A_408 : memref<1x128x128xf32, #tpu.memory_space<vmem>> -> memref<128x128xf32, #tpu.memory_space<vmem>>
    %dma_start3A_410 = arith.constant 64 : i32
    %dma_start3A_411 = arith.constant 0 : i32
    %dma_start3A_412 = tpu.memref_slice %dma_start3A_409[%dma_start3A_410, %dma_start3A_411] : memref<128x128xf32, #tpu.memory_space<vmem>> -> memref<64x128xf32, #tpu.memory_space<vmem>>
    %dma_start3A_413 = arith.constant 0 : i32
    %dma_start3A_414 = tpu.memref_slice %arg14[%dma_start3A_403, %dma_start3A_413] : memref<2x128xi32, #tpu.memory_space<vmem>> -> memref<1x128xi32, #tpu.memory_space<vmem>>
    %dma_start3A_415 = tpu.memref_squeeze %dma_start3A_414 : memref<1x128xi32, #tpu.memory_space<vmem>> -> memref<128xi32, #tpu.memory_space<vmem>>
    %dma_start3A_416 = arith.constant 64 : i32
    %dma_start3A_417 = tpu.memref_slice %dma_start3A_415[%dma_start3A_416] : memref<128xi32, #tpu.memory_space<vmem>> -> memref<64xi32, #tpu.memory_space<vmem>>
    %dma_start3A_418 = arith.constant 0 : i32
    %dma_start3A_419 = arith.constant 0 : i32
    %dma_start3A_420 = tpu.memref_slice %arg3[%dma_start3A_418, %dma_start3A_419] : memref<20000x128xf32, #tpu.memory_space<hbm>> -> memref<20000x128xf32, #tpu.memory_space<hbm>>
    %dma_start3A_421 = tpu.memref_slice %arg26[%dma_start3A_405] : memref<2x!tpu.dma_semaphore, #tpu.memory_space<semaphore_mem>> -> memref<1x!tpu.dma_semaphore, #tpu.memory_space<semaphore_mem>>
    %dma_start3A_422 = tpu.memref_squeeze %dma_start3A_421 : memref<1x!tpu.dma_semaphore, #tpu.memory_space<semaphore_mem>> -> memref<!tpu.dma_semaphore, #tpu.memory_space<semaphore_mem>>
    tpu.enqueue_indirect_dma source(%dma_start3A_420 : memref<20000x128xf32, #tpu.memory_space<hbm>>) target(%dma_start3A_412 : memref<64x128xf32, #tpu.memory_space<vmem>>) offsets(%dma_start3A_417 : memref<64xi32, #tpu.memory_space<vmem>>) semaphore(%dma_start3A_422 : memref<!tpu.dma_semaphore, #tpu.memory_space<semaphore_mem>>)
    %lt3A_423 = arith.constant 15 : i32
    %lt3A_424 = arith.cmpi slt, %arg1, %lt3A_423 : i32
    %jit3A = arith.constant 160 : i32
    %jit3A_425 = arith.constant 100 : i32
    %select_n3A = arith.select %lt3A_424, %jit3A, %jit3A_425 : i32
    %scan3A = arith.constant 0 : i32
    %scan3A_426 = arith.constant 80 : i32
    %scan3A_427 = arith.addi %scan3A, %scan3A_426 : i32
    %scan3A_428 = arith.constant 1 : i32
    scf.for %scan3A_501 = %scan3A to %scan3A_427 step %scan3A_428  : i32 {
      %mul3A_502 = arith.constant 2 : i32
      %mul3A_503 = arith.muli %scan3A_501, %mul3A_502 : i32
      %add3A_504 = arith.constant 0 : i32
      %add3A_505 = arith.addi %add3A_504, %mul3A_503 : i32
      %add3A_506 = arith.constant 0 : i32
      %add3A_507 = arith.addi %add3A_505, %add3A_506 : i32
      %lt3A_508 = arith.cmpi slt, %add3A_507, %select_n3A : i32
      %convert_element_type3A_509 = arith.extui %lt3A_508 : i1 to i32
      %cond3A_510 = arith.constant 0 : i32
      %cond3A_511 = arith.cmpi ne, %convert_element_type3A_509, %cond3A_510 : i32
      scf.if %cond3A_511 {
        %add3A_518 = arith.constant 1 : i32
        %add3A_519 = arith.addi %add3A_507, %add3A_518 : i32
        %lt3A_520 = arith.cmpi slt, %add3A_519, %select_n3A : i32
        %convert_element_type3A_521 = arith.extui %lt3A_520 : i1 to i32
        %cond3A_522 = arith.constant 0 : i32
        %cond3A_523 = arith.cmpi ne, %convert_element_type3A_521, %cond3A_522 : i32
        scf.if %cond3A_523 {
          %dma_wait3A_718 = arith.constant 1 : i32
          %dma_wait3A_719 = arith.constant 1 : i32
          %dma_wait3A_720 = arith.constant 0 : i32
          %dma_wait3A_721 = tpu.memref_slice %arg11[%dma_wait3A_718, %dma_wait3A_720] : memref<2x128xi32, #tpu.memory_space<vmem>> -> memref<1x128xi32, #tpu.memory_space<vmem>>
          %dma_wait3A_722 = tpu.memref_squeeze %dma_wait3A_721 : memref<1x128xi32, #tpu.memory_space<vmem>> -> memref<128xi32, #tpu.memory_space<vmem>>
          %dma_wait3A_723 = arith.constant 0 : i32
          %dma_wait3A_724 = tpu.memref_slice %arg4[%dma_wait3A_723] : memref<320000xi32, #tpu.memory_space<hbm>> -> memref<128xi32, #tpu.memory_space<hbm>>
          %dma_wait3A_725 = tpu.memref_slice %arg22[%dma_wait3A_719] : memref<2x!tpu.dma_semaphore, #tpu.memory_space<semaphore_mem>> -> memref<1x!tpu.dma_semaphore, #tpu.memory_space<semaphore_mem>>
          %dma_wait3A_726 = tpu.memref_squeeze %dma_wait3A_725 : memref<1x!tpu.dma_semaphore, #tpu.memory_space<semaphore_mem>> -> memref<!tpu.dma_semaphore, #tpu.memory_space<semaphore_mem>>
          %dma_wait3A_727 = arith.constant 0 : i32
          %dma_wait3A_728 = tpu.memref_slice %arg11[%dma_wait3A_718, %dma_wait3A_727] : memref<2x128xi32, #tpu.memory_space<vmem>> -> memref<1x128xi32, #tpu.memory_space<vmem>>
          %dma_wait3A_729 = tpu.memref_squeeze %dma_wait3A_728 : memref<1x128xi32, #tpu.memory_space<vmem>> -> memref<128xi32, #tpu.memory_space<vmem>>
          %dma_wait3A_730 = arith.constant 0 : i32
          %dma_wait3A_731 = tpu.memref_slice %arg4[%dma_wait3A_730] : memref<320000xi32, #tpu.memory_space<hbm>> -> memref<128xi32, #tpu.memory_space<hbm>>
          tpu.wait_dma2 semaphore(%dma_wait3A_726 : memref<!tpu.dma_semaphore, #tpu.memory_space<semaphore_mem>>) src(%dma_wait3A_731 : memref<128xi32, #tpu.memory_space<hbm>>) dst(%dma_wait3A_729 : memref<128xi32, #tpu.memory_space<vmem>>)
          %dma_wait3A_732 = arith.constant 1 : i32
          %dma_wait3A_733 = arith.constant 1 : i32
          %dma_wait3A_734 = arith.constant 0 : i32
          %dma_wait3A_735 = tpu.memref_slice %arg14[%dma_wait3A_732, %dma_wait3A_734] : memref<2x128xi32, #tpu.memory_space<vmem>> -> memref<1x128xi32, #tpu.memory_space<vmem>>
          %dma_wait3A_736 = tpu.memref_squeeze %dma_wait3A_735 : memref<1x128xi32, #tpu.memory_space<vmem>> -> memref<128xi32, #tpu.memory_space<vmem>>
          %dma_wait3A_737 = arith.constant 0 : i32
          %dma_wait3A_738 = tpu.memref_slice %arg5[%dma_wait3A_737] : memref<320000xi32, #tpu.memory_space<hbm>> -> memref<128xi32, #tpu.memory_space<hbm>>
          %dma_wait3A_739 = tpu.memref_slice %arg23[%dma_wait3A_733] : memref<2x!tpu.dma_semaphore, #tpu.memory_space<semaphore_mem>> -> memref<1x!tpu.dma_semaphore, #tpu.memory_space<semaphore_mem>>
          %dma_wait3A_740 = tpu.memref_squeeze %dma_wait3A_739 : memref<1x!tpu.dma_semaphore, #tpu.memory_space<semaphore_mem>> -> memref<!tpu.dma_semaphore, #tpu.memory_space<semaphore_mem>>
          %dma_wait3A_741 = arith.constant 0 : i32
          %dma_wait3A_742 = tpu.memref_slice %arg14[%dma_wait3A_732, %dma_wait3A_741] : memref<2x128xi32, #tpu.memory_space<vmem>> -> memref<1x128xi32, #tpu.memory_space<vmem>>
          %dma_wait3A_743 = tpu.memref_squeeze %dma_wait3A_742 : memref<1x128xi32, #tpu.memory_space<vmem>> -> memref<128xi32, #tpu.memory_space<vmem>>
          %dma_wait3A_744 = arith.constant 0 : i32
          %dma_wait3A_745 = tpu.memref_slice %arg5[%dma_wait3A_744] : memref<320000xi32, #tpu.memory_space<hbm>> -> memref<128xi32, #tpu.memory_space<hbm>>
          tpu.wait_dma2 semaphore(%dma_wait3A_740 : memref<!tpu.dma_semaphore, #tpu.memory_space<semaphore_mem>>) src(%dma_wait3A_745 : memref<128xi32, #tpu.memory_space<hbm>>) dst(%dma_wait3A_743 : memref<128xi32, #tpu.memory_space<vmem>>)
          %get3A_746 = arith.constant 1 : i32
          %get3A_747 = arith.constant 0 : i32
          %get3A_748 = tpu.memref_slice %arg11[%get3A_746, %get3A_747] : memref<2x128xi32, #tpu.memory_space<vmem>> -> memref<1x128xi32, #tpu.memory_space<vmem>>
          %get3A_749 = tpu.memref_squeeze %get3A_748 : memref<1x128xi32, #tpu.memory_space<vmem>> -> memref<128xi32, #tpu.memory_space<vmem>>
          %get3A_750 = arith.constant 0 : index
          %get3A_751 = tpu.vector_load %get3A_749[%get3A_750] {strides = array<i32>} : memref<128xi32, #tpu.memory_space<vmem>>, vector<16xi32>,
          %add3A_752 = vector.broadcast %mul3A_11 : i32 to vector<16xi32>
          %add3A_753 = arith.addi %get3A_751, %add3A_752 : vector<16xi32>
          %swap3A_754 = arith.constant 1 : i32
          %swap3A_755 = arith.constant 0 : i32
          %swap3A_756 = tpu.memref_slice %arg13[%swap3A_754, %swap3A_755] : memref<2x128xi32, #tpu.memory_space<vmem>> -> memref<1x128xi32, #tpu.memory_space<vmem>>
          %swap3A_757 = tpu.memref_squeeze %swap3A_756 : memref<1x128xi32, #tpu.memory_space<vmem>> -> memref<128xi32, #tpu.memory_space<vmem>>
          %swap3A_758 = arith.constant 0 : index
          %swap3A_759 = tpu.vector_load %swap3A_757[%swap3A_758] {strides = array<i32>} : memref<128xi32, #tpu.memory_space<vmem>>, vector<16xi32>,
          tpu.vector_store %swap3A_757[%swap3A_758], %add3A_753 {strides = array<i32>} : memref<128xi32, #tpu.memory_space<vmem>>, vector<16xi32>,
          %get3A_760 = arith.constant 1 : i32
          %get3A_761 = arith.constant 0 : i32
          %get3A_762 = tpu.memref_slice %arg14[%get3A_760, %get3A_761] : memref<2x128xi32, #tpu.memory_space<vmem>> -> memref<1x128xi32, #tpu.memory_space<vmem>>
          %get3A_763 = tpu.memref_squeeze %get3A_762 : memref<1x128xi32, #tpu.memory_space<vmem>> -> memref<128xi32, #tpu.memory_space<vmem>>
          %get3A_764 = arith.constant 0 : index
          %get3A_765 = tpu.vector_load %get3A_763[%get3A_764] {strides = array<i32>} : memref<128xi32, #tpu.memory_space<vmem>>, vector<16xi32>,
          %add3A_766 = vector.broadcast %mul3A_11 : i32 to vector<16xi32>
          %add3A_767 = arith.addi %get3A_765, %add3A_766 : vector<16xi32>
          %swap3A_768 = arith.constant 1 : i32
          %swap3A_769 = arith.constant 0 : i32
          %swap3A_770 = tpu.memref_slice %arg14[%swap3A_768, %swap3A_769] : memref<2x128xi32, #tpu.memory_space<vmem>> -> memref<1x128xi32, #tpu.memory_space<vmem>>
          %swap3A_771 = tpu.memref_squeeze %swap3A_770 : memref<1x128xi32, #tpu.memory_space<vmem>> -> memref<128xi32, #tpu.memory_space<vmem>>
          %swap3A_772 = arith.constant 0 : index
          %swap3A_773 = tpu.vector_load %swap3A_771[%swap3A_772] {strides = array<i32>} : memref<128xi32, #tpu.memory_space<vmem>>, vector<16xi32>,
          tpu.vector_store %swap3A_771[%swap3A_772], %add3A_767 {strides = array<i32>} : memref<128xi32, #tpu.memory_space<vmem>>, vector<16xi32>,
          %get3A_774 = arith.constant 1 : i32
          %get3A_775 = arith.constant 0 : i32
          %get3A_776 = tpu.memref_slice %arg11[%get3A_774, %get3A_775] : memref<2x128xi32, #tpu.memory_space<vmem>> -> memref<1x128xi32, #tpu.memory_space<vmem>>
          %get3A_777 = tpu.memref_squeeze %get3A_776 : memref<1x128xi32, #tpu.memory_space<vmem>> -> memref<128xi32, #tpu.memory_space<vmem>>
          %get3A_778 = arith.constant 16 : index
          %get3A_779 = tpu.vector_load %get3A_777[%get3A_778] {strides = array<i32>} : memref<128xi32, #tpu.memory_space<vmem>>, vector<16xi32>,
          %add3A_780 = vector.broadcast %mul3A_11 : i32 to vector<16xi32>
          %add3A_781 = arith.addi %get3A_779, %add3A_780 : vector<16xi32>
          %swap3A_782 = arith.constant 1 : i32
          %swap3A_783 = arith.constant 0 : i32
          %swap3A_784 = tpu.memref_slice %arg13[%swap3A_782, %swap3A_783] : memref<2x128xi32, #tpu.memory_space<vmem>> -> memref<1x128xi32, #tpu.memory_space<vmem>>
          %swap3A_785 = tpu.memref_squeeze %swap3A_784 : memref<1x128xi32, #tpu.memory_space<vmem>> -> memref<128xi32, #tpu.memory_space<vmem>>
          %swap3A_786 = arith.constant 16 : index
          %swap3A_787 = tpu.vector_load %swap3A_785[%swap3A_786] {strides = array<i32>} : memref<128xi32, #tpu.memory_space<vmem>>, vector<16xi32>,
          tpu.vector_store %swap3A_785[%swap3A_786], %add3A_781 {strides = array<i32>} : memref<128xi32, #tpu.memory_space<vmem>>, vector<16xi32>,
          %get3A_788 = arith.constant 1 : i32
          %get3A_789 = arith.constant 0 : i32
          %get3A_790 = tpu.memref_slice %arg14[%get3A_788, %get3A_789] : memref<2x128xi32, #tpu.memory_space<vmem>> -> memref<1x128xi32, #tpu.memory_space<vmem>>
          %get3A_791 = tpu.memref_squeeze %get3A_790 : memref<1x128xi32, #tpu.memory_space<vmem>> -> memref<128xi32, #tpu.memory_space<vmem>>
          %get3A_792 = arith.constant 16 : index
          %get3A_793 = tpu.vector_load %get3A_791[%get3A_792] {strides = array<i32>} : memref<128xi32, #tpu.memory_space<vmem>>, vector<16xi32>,
          %add3A_794 = vector.broadcast %mul3A_11 : i32 to vector<16xi32>
          %add3A_795 = arith.addi %get3A_793, %add3A_794 : vector<16xi32>
          %swap3A_796 = arith.constant 1 : i32
          %swap3A_797 = arith.constant 0 : i32
          %swap3A_798 = tpu.memref_slice %arg14[%swap3A_796, %swap3A_797] : memref<2x128xi32, #tpu.memory_space<vmem>> -> memref<1x128xi32, #tpu.memory_space<vmem>>
          %swap3A_799 = tpu.memref_squeeze %swap3A_798 : memref<1x128xi32, #tpu.memory_space<vmem>> -> memref<128xi32, #tpu.memory_space<vmem>>
          %swap3A_800 = arith.constant 16 : index
          %swap3A_801 = tpu.vector_load %swap3A_799[%swap3A_800] {strides = array<i32>} : memref<128xi32, #tpu.memory_space<vmem>>, vector<16xi32>,
          tpu.vector_store %swap3A_799[%swap3A_800], %add3A_795 {strides = array<i32>} : memref<128xi32, #tpu.memory_space<vmem>>, vector<16xi32>,
          %get3A_802 = arith.constant 1 : i32
          %get3A_803 = arith.constant 0 : i32
          %get3A_804 = tpu.memref_slice %arg11[%get3A_802, %get3A_803] : memref<2x128xi32, #tpu.memory_space<vmem>> -> memref<1x128xi32, #tpu.memory_space<vmem>>
          %get3A_805 = tpu.memref_squeeze %get3A_804 : memref<1x128xi32, #tpu.memory_space<vmem>> -> memref<128xi32, #tpu.memory_space<vmem>>
          %get3A_806 = arith.constant 32 : index
          %get3A_807 = tpu.vector_load %get3A_805[%get3A_806] {strides = array<i32>} : memref<128xi32, #tpu.memory_space<vmem>>, vector<16xi32>,
          %add3A_808 = vector.broadcast %mul3A_11 : i32 to vector<16xi32>
          %add3A_809 = arith.addi %get3A_807, %add3A_808 : vector<16xi32>
          %swap3A_810 = arith.constant 1 : i32
          %swap3A_811 = arith.constant 0 : i32
          %swap3A_812 = tpu.memref_slice %arg13[%swap3A_810, %swap3A_811] : memref<2x128xi32, #tpu.memory_space<vmem>> -> memref<1x128xi32, #tpu.memory_space<vmem>>
          %swap3A_813 = tpu.memref_squeeze %swap3A_812 : memref<1x128xi32, #tpu.memory_space<vmem>> -> memref<128xi32, #tpu.memory_space<vmem>>
          %swap3A_814 = arith.constant 32 : index
          %swap3A_815 = tpu.vector_load %swap3A_813[%swap3A_814] {strides = array<i32>} : memref<128xi32, #tpu.memory_space<vmem>>, vector<16xi32>,
          tpu.vector_store %swap3A_813[%swap3A_814], %add3A_809 {strides = array<i32>} : memref<128xi32, #tpu.memory_space<vmem>>, vector<16xi32>,
          %get3A_816 = arith.constant 1 : i32
          %get3A_817 = arith.constant 0 : i32
          %get3A_818 = tpu.memref_slice %arg14[%get3A_816, %get3A_817] : memref<2x128xi32, #tpu.memory_space<vmem>> -> memref<1x128xi32, #tpu.memory_space<vmem>>
          %get3A_819 = tpu.memref_squeeze %get3A_818 : memref<1x128xi32, #tpu.memory_space<vmem>> -> memref<128xi32, #tpu.memory_space<vmem>>
          %get3A_820 = arith.constant 32 : index
          %get3A_821 = tpu.vector_load %get3A_819[%get3A_820] {strides = array<i32>} : memref<128xi32, #tpu.memory_space<vmem>>, vector<16xi32>,
          %add3A_822 = vector.broadcast %mul3A_11 : i32 to vector<16xi32>
          %add3A_823 = arith.addi %get3A_821, %add3A_822 : vector<16xi32>
          %swap3A_824 = arith.constant 1 : i32
          %swap3A_825 = arith.constant 0 : i32
          %swap3A_826 = tpu.memref_slice %arg14[%swap3A_824, %swap3A_825] : memref<2x128xi32, #tpu.memory_space<vmem>> -> memref<1x128xi32, #tpu.memory_space<vmem>>
          %swap3A_827 = tpu.memref_squeeze %swap3A_826 : memref<1x128xi32, #tpu.memory_space<vmem>> -> memref<128xi32, #tpu.memory_space<vmem>>
          %swap3A_828 = arith.constant 32 : index
          %swap3A_829 = tpu.vector_load %swap3A_827[%swap3A_828] {strides = array<i32>} : memref<128xi32, #tpu.memory_space<vmem>>, vector<16xi32>,
          tpu.vector_store %swap3A_827[%swap3A_828], %add3A_823 {strides = array<i32>} : memref<128xi32, #tpu.memory_space<vmem>>, vector<16xi32>,
          %get3A_830 = arith.constant 1 : i32
          %get3A_831 = arith.constant 0 : i32
          %get3A_832 = tpu.memref_slice %arg11[%get3A_830, %get3A_831] : memref<2x128xi32, #tpu.memory_space<vmem>> -> memref<1x128xi32, #tpu.memory_space<vmem>>
          %get3A_833 = tpu.memref_squeeze %get3A_832 : memref<1x128xi32, #tpu.memory_space<vmem>> -> memref<128xi32, #tpu.memory_space<vmem>>
          %get3A_834 = arith.constant 48 : index
          %get3A_835 = tpu.vector_load %get3A_833[%get3A_834] {strides = array<i32>} : memref<128xi32, #tpu.memory_space<vmem>>, vector<16xi32>,
          %add3A_836 = vector.broadcast %mul3A_11 : i32 to vector<16xi32>
          %add3A_837 = arith.addi %get3A_835, %add3A_836 : vector<16xi32>
          %swap3A_838 = arith.constant 1 : i32
          %swap3A_839 = arith.constant 0 : i32
          %swap3A_840 = tpu.memref_slice %arg13[%swap3A_838, %swap3A_839] : memref<2x128xi32, #tpu.memory_space<vmem>> -> memref<1x128xi32, #tpu.memory_space<vmem>>
          %swap3A_841 = tpu.memref_squeeze %swap3A_840 : memref<1x128xi32, #tpu.memory_space<vmem>> -> memref<128xi32, #tpu.memory_space<vmem>>
          %swap3A_842 = arith.constant 48 : index
          %swap3A_843 = tpu.vector_load %swap3A_841[%swap3A_842] {strides = array<i32>} : memref<128xi32, #tpu.memory_space<vmem>>, vector<16xi32>,
          tpu.vector_store %swap3A_841[%swap3A_842], %add3A_837 {strides = array<i32>} : memref<128xi32, #tpu.memory_space<vmem>>, vector<16xi32>,
          %get3A_844 = arith.constant 1 : i32
          %get3A_845 = arith.constant 0 : i32
          %get3A_846 = tpu.memref_slice %arg14[%get3A_844, %get3A_845] : memref<2x128xi32, #tpu.memory_space<vmem>> -> memref<1x128xi32, #tpu.memory_space<vmem>>
          %get3A_847 = tpu.memref_squeeze %get3A_846 : memref<1x128xi32, #tpu.memory_space<vmem>> -> memref<128xi32, #tpu.memory_space<vmem>>
          %get3A_848 = arith.constant 48 : index
          %get3A_849 = tpu.vector_load %get3A_847[%get3A_848] {strides = array<i32>} : memref<128xi32, #tpu.memory_space<vmem>>, vector<16xi32>,
          %add3A_850 = vector.broadcast %mul3A_11 : i32 to vector<16xi32>
          %add3A_851 = arith.addi %get3A_849, %add3A_850 : vector<16xi32>
          %swap3A_852 = arith.constant 1 : i32
          %swap3A_853 = arith.constant 0 : i32
          %swap3A_854 = tpu.memref_slice %arg14[%swap3A_852, %swap3A_853] : memref<2x128xi32, #tpu.memory_space<vmem>> -> memref<1x128xi32, #tpu.memory_space<vmem>>
          %swap3A_855 = tpu.memref_squeeze %swap3A_854 : memref<1x128xi32, #tpu.memory_space<vmem>> -> memref<128xi32, #tpu.memory_space<vmem>>
          %swap3A_856 = arith.constant 48 : index
          %swap3A_857 = tpu.vector_load %swap3A_855[%swap3A_856] {strides = array<i32>} : memref<128xi32, #tpu.memory_space<vmem>>, vector<16xi32>,
          tpu.vector_store %swap3A_855[%swap3A_856], %add3A_851 {strides = array<i32>} : memref<128xi32, #tpu.memory_space<vmem>>, vector<16xi32>,
          %get3A_858 = arith.constant 1 : i32
          %get3A_859 = arith.constant 0 : i32
          %get3A_860 = tpu.memref_slice %arg11[%get3A_858, %get3A_859] : memref<2x128xi32, #tpu.memory_space<vmem>> -> memref<1x128xi32, #tpu.memory_space<vmem>>
          %get3A_861 = tpu.memref_squeeze %get3A_860 : memref<1x128xi32, #tpu.memory_space<vmem>> -> memref<128xi32, #tpu.memory_space<vmem>>
          %get3A_862 = arith.constant 64 : index
          %get3A_863 = tpu.vector_load %get3A_861[%get3A_862] {strides = array<i32>} : memref<128xi32, #tpu.memory_space<vmem>>, vector<16xi32>,
          %add3A_864 = vector.broadcast %mul3A_11 : i32 to vector<16xi32>
          %add3A_865 = arith.addi %get3A_863, %add3A_864 : vector<16xi32>
          %swap3A_866 = arith.constant 1 : i32
          %swap3A_867 = arith.constant 0 : i32
          %swap3A_868 = tpu.memref_slice %arg13[%swap3A_866, %swap3A_867] : memref<2x128xi32, #tpu.memory_space<vmem>> -> memref<1x128xi32, #tpu.memory_space<vmem>>
          %swap3A_869 = tpu.memref_squeeze %swap3A_868 : memref<1x128xi32, #tpu.memory_space<vmem>> -> memref<128xi32, #tpu.memory_space<vmem>>
          %swap3A_870 = arith.constant 64 : index
          %swap3A_871 = tpu.vector_load %swap3A_869[%swap3A_870] {strides = array<i32>} : memref<128xi32, #tpu.memory_space<vmem>>, vector<16xi32>,
          tpu.vector_store %swap3A_869[%swap3A_870], %add3A_865 {strides = array<i32>} : memref<128xi32, #tpu.memory_space<vmem>>, vector<16xi32>,
          %get3A_872 = arith.constant 1 : i32
          %get3A_873 = arith.constant 0 : i32
          %get3A_874 = tpu.memref_slice %arg14[%get3A_872, %get3A_873] : memref<2x128xi32, #tpu.memory_space<vmem>> -> memref<1x128xi32, #tpu.memory_space<vmem>>
          %get3A_875 = tpu.memref_squeeze %get3A_874 : memref<1x128xi32, #tpu.memory_space<vmem>> -> memref<128xi32, #tpu.memory_space<vmem>>
          %get3A_876 = arith.constant 64 : index
          %get3A_877 = tpu.vector_load %get3A_875[%get3A_876] {strides = array<i32>} : memref<128xi32, #tpu.memory_space<vmem>>, vector<16xi32>,
          %add3A_878 = vector.broadcast %mul3A_11 : i32 to vector<16xi32>
          %add3A_879 = arith.addi %get3A_877, %add3A_878 : vector<16xi32>
          %swap3A_880 = arith.constant 1 : i32
          %swap3A_881 = arith.constant 0 : i32
          %swap3A_882 = tpu.memref_slice %arg14[%swap3A_880, %swap3A_881] : memref<2x128xi32, #tpu.memory_space<vmem>> -> memref<1x128xi32, #tpu.memory_space<vmem>>
          %swap3A_883 = tpu.memref_squeeze %swap3A_882 : memref<1x128xi32, #tpu.memory_space<vmem>> -> memref<128xi32, #tpu.memory_space<vmem>>
          %swap3A_884 = arith.constant 64 : index
          %swap3A_885 = tpu.vector_load %swap3A_883[%swap3A_884] {strides = array<i32>} : memref<128xi32, #tpu.memory_space<vmem>>, vector<16xi32>,
          tpu.vector_store %swap3A_883[%swap3A_884], %add3A_879 {strides = array<i32>} : memref<128xi32, #tpu.memory_space<vmem>>, vector<16xi32>,
          %get3A_886 = arith.constant 1 : i32
          %get3A_887 = arith.constant 0 : i32
          %get3A_888 = tpu.memref_slice %arg11[%get3A_886, %get3A_887] : memref<2x128xi32, #tpu.memory_space<vmem>> -> memref<1x128xi32, #tpu.memory_space<vmem>>
          %get3A_889 = tpu.memref_squeeze %get3A_888 : memref<1x128xi32, #tpu.memory_space<vmem>> -> memref<128xi32, #tpu.memory_space<vmem>>
          %get3A_890 = arith.constant 80 : index
          %get3A_891 = tpu.vector_load %get3A_889[%get3A_890] {strides = array<i32>} : memref<128xi32, #tpu.memory_space<vmem>>, vector<16xi32>,
          %add3A_892 = vector.broadcast %mul3A_11 : i32 to vector<16xi32>
          %add3A_893 = arith.addi %get3A_891, %add3A_892 : vector<16xi32>
          %swap3A_894 = arith.constant 1 : i32
          %swap3A_895 = arith.constant 0 : i32
          %swap3A_896 = tpu.memref_slice %arg13[%swap3A_894, %swap3A_895] : memref<2x128xi32, #tpu.memory_space<vmem>> -> memref<1x128xi32, #tpu.memory_space<vmem>>
          %swap3A_897 = tpu.memref_squeeze %swap3A_896 : memref<1x128xi32, #tpu.memory_space<vmem>> -> memref<128xi32, #tpu.memory_space<vmem>>
          %swap3A_898 = arith.constant 80 : index
          %swap3A_899 = tpu.vector_load %swap3A_897[%swap3A_898] {strides = array<i32>} : memref<128xi32, #tpu.memory_space<vmem>>, vector<16xi32>,
          tpu.vector_store %swap3A_897[%swap3A_898], %add3A_893 {strides = array<i32>} : memref<128xi32, #tpu.memory_space<vmem>>, vector<16xi32>,
          %get3A_900 = arith.constant 1 : i32
          %get3A_901 = arith.constant 0 : i32
          %get3A_902 = tpu.memref_slice %arg14[%get3A_900, %get3A_901] : memref<2x128xi32, #tpu.memory_space<vmem>> -> memref<1x128xi32, #tpu.memory_space<vmem>>
          %get3A_903 = tpu.memref_squeeze %get3A_902 : memref<1x128xi32, #tpu.memory_space<vmem>> -> memref<128xi32, #tpu.memory_space<vmem>>
          %get3A_904 = arith.constant 80 : index
          %get3A_905 = tpu.vector_load %get3A_903[%get3A_904] {strides = array<i32>} : memref<128xi32, #tpu.memory_space<vmem>>, vector<16xi32>,
          %add3A_906 = vector.broadcast %mul3A_11 : i32 to vector<16xi32>
          %add3A_907 = arith.addi %get3A_905, %add3A_906 : vector<16xi32>
          %swap3A_908 = arith.constant 1 : i32
          %swap3A_909 = arith.constant 0 : i32
          %swap3A_910 = tpu.memref_slice %arg14[%swap3A_908, %swap3A_909] : memref<2x128xi32, #tpu.memory_space<vmem>> -> memref<1x128xi32, #tpu.memory_space<vmem>>
          %swap3A_911 = tpu.memref_squeeze %swap3A_910 : memref<1x128xi32, #tpu.memory_space<vmem>> -> memref<128xi32, #tpu.memory_space<vmem>>
          %swap3A_912 = arith.constant 80 : index
          %swap3A_913 = tpu.vector_load %swap3A_911[%swap3A_912] {strides = array<i32>} : memref<128xi32, #tpu.memory_space<vmem>>, vector<16xi32>,
          tpu.vector_store %swap3A_911[%swap3A_912], %add3A_907 {strides = array<i32>} : memref<128xi32, #tpu.memory_space<vmem>>, vector<16xi32>,
          %get3A_914 = arith.constant 1 : i32
          %get3A_915 = arith.constant 0 : i32
          %get3A_916 = tpu.memref_slice %arg11[%get3A_914, %get3A_915] : memref<2x128xi32, #tpu.memory_space<vmem>> -> memref<1x128xi32, #tpu.memory_space<vmem>>
          %get3A_917 = tpu.memref_squeeze %get3A_916 : memref<1x128xi32, #tpu.memory_space<vmem>> -> memref<128xi32, #tpu.memory_space<vmem>>
          %get3A_918 = arith.constant 96 : index
          %get3A_919 = tpu.vector_load %get3A_917[%get3A_918] {strides = array<i32>} : memref<128xi32, #tpu.memory_space<vmem>>, vector<16xi32>,
          %add3A_920 = vector.broadcast %mul3A_11 : i32 to vector<16xi32>
          %add3A_921 = arith.addi %get3A_919, %add3A_920 : vector<16xi32>
          %swap3A_922 = arith.constant 1 : i32
          %swap3A_923 = arith.constant 0 : i32
          %swap3A_924 = tpu.memref_slice %arg13[%swap3A_922, %swap3A_923] : memref<2x128xi32, #tpu.memory_space<vmem>> -> memref<1x128xi32, #tpu.memory_space<vmem>>
          %swap3A_925 = tpu.memref_squeeze %swap3A_924 : memref<1x128xi32, #tpu.memory_space<vmem>> -> memref<128xi32, #tpu.memory_space<vmem>>
          %swap3A_926 = arith.constant 96 : index
          %swap3A_927 = tpu.vector_load %swap3A_925[%swap3A_926] {strides = array<i32>} : memref<128xi32, #tpu.memory_space<vmem>>, vector<16xi32>,
          tpu.vector_store %swap3A_925[%swap3A_926], %add3A_921 {strides = array<i32>} : memref<128xi32, #tpu.memory_space<vmem>>, vector<16xi32>,
          %get3A_928 = arith.constant 1 : i32
          %get3A_929 = arith.constant 0 : i32
          %get3A_930 = tpu.memref_slice %arg14[%get3A_928, %get3A_929] : memref<2x128xi32, #tpu.memory_space<vmem>> -> memref<1x128xi32, #tpu.memory_space<vmem>>
          %get3A_931 = tpu.memref_squeeze %get3A_930 : memref<1x128xi32, #tpu.memory_space<vmem>> -> memref<128xi32, #tpu.memory_space<vmem>>
          %get3A_932 = arith.constant 96 : index
          %get3A_933 = tpu.vector_load %get3A_931[%get3A_932] {strides = array<i32>} : memref<128xi32, #tpu.memory_space<vmem>>, vector<16xi32>,
          %add3A_934 = vector.broadcast %mul3A_11 : i32 to vector<16xi32>
          %add3A_935 = arith.addi %get3A_933, %add3A_934 : vector<16xi32>
          %swap3A_936 = arith.constant 1 : i32
          %swap3A_937 = arith.constant 0 : i32
          %swap3A_938 = tpu.memref_slice %arg14[%swap3A_936, %swap3A_937] : memref<2x128xi32, #tpu.memory_space<vmem>> -> memref<1x128xi32, #tpu.memory_space<vmem>>
          %swap3A_939 = tpu.memref_squeeze %swap3A_938 : memref<1x128xi32, #tpu.memory_space<vmem>> -> memref<128xi32, #tpu.memory_space<vmem>>
          %swap3A_940 = arith.constant 96 : index
          %swap3A_941 = tpu.vector_load %swap3A_939[%swap3A_940] {strides = array<i32>} : memref<128xi32, #tpu.memory_space<vmem>>, vector<16xi32>,
          tpu.vector_store %swap3A_939[%swap3A_940], %add3A_935 {strides = array<i32>} : memref<128xi32, #tpu.memory_space<vmem>>, vector<16xi32>,
          %get3A_942 = arith.constant 1 : i32
          %get3A_943 = arith.constant 0 : i32
          %get3A_944 = tpu.memref_slice %arg11[%get3A_942, %get3A_943] : memref<2x128xi32, #tpu.memory_space<vmem>> -> memref<1x128xi32, #tpu.memory_space<vmem>>
          %get3A_945 = tpu.memref_squeeze %get3A_944 : memref<1x128xi32, #tpu.memory_space<vmem>> -> memref<128xi32, #tpu.memory_space<vmem>>
          %get3A_946 = arith.constant 112 : index
          %get3A_947 = tpu.vector_load %get3A_945[%get3A_946] {strides = array<i32>} : memref<128xi32, #tpu.memory_space<vmem>>, vector<16xi32>,
          %add3A_948 = vector.broadcast %mul3A_11 : i32 to vector<16xi32>
          %add3A_949 = arith.addi %get3A_947, %add3A_948 : vector<16xi32>
          %swap3A_950 = arith.constant 1 : i32
          %swap3A_951 = arith.constant 0 : i32
          %swap3A_952 = tpu.memref_slice %arg13[%swap3A_950, %swap3A_951] : memref<2x128xi32, #tpu.memory_space<vmem>> -> memref<1x128xi32, #tpu.memory_space<vmem>>
          %swap3A_953 = tpu.memref_squeeze %swap3A_952 : memref<1x128xi32, #tpu.memory_space<vmem>> -> memref<128xi32, #tpu.memory_space<vmem>>
          %swap3A_954 = arith.constant 112 : index
          %swap3A_955 = tpu.vector_load %swap3A_953[%swap3A_954] {strides = array<i32>} : memref<128xi32, #tpu.memory_space<vmem>>, vector<16xi32>,
          tpu.vector_store %swap3A_953[%swap3A_954], %add3A_949 {strides = array<i32>} : memref<128xi32, #tpu.memory_space<vmem>>, vector<16xi32>,
          %get3A_956 = arith.constant 1 : i32
          %get3A_957 = arith.constant 0 : i32
          %get3A_958 = tpu.memref_slice %arg14[%get3A_956, %get3A_957] : memref<2x128xi32, #tpu.memory_space<vmem>> -> memref<1x128xi32, #tpu.memory_space<vmem>>
          %get3A_959 = tpu.memref_squeeze %get3A_958 : memref<1x128xi32, #tpu.memory_space<vmem>> -> memref<128xi32, #tpu.memory_space<vmem>>
          %get3A_960 = arith.constant 112 : index
          %get3A_961 = tpu.vector_load %get3A_959[%get3A_960] {strides = array<i32>} : memref<128xi32, #tpu.memory_space<vmem>>, vector<16xi32>,
          %add3A_962 = vector.broadcast %mul3A_11 : i32 to vector<16xi32>
          %add3A_963 = arith.addi %get3A_961, %add3A_962 : vector<16xi32>
          %swap3A_964 = arith.constant 1 : i32
          %swap3A_965 = arith.constant 0 : i32
          %swap3A_966 = tpu.memref_slice %arg14[%swap3A_964, %swap3A_965] : memref<2x128xi32, #tpu.memory_space<vmem>> -> memref<1x128xi32, #tpu.memory_space<vmem>>
          %swap3A_967 = tpu.memref_squeeze %swap3A_966 : memref<1x128xi32, #tpu.memory_space<vmem>> -> memref<128xi32, #tpu.memory_space<vmem>>
          %swap3A_968 = arith.constant 112 : index
          %swap3A_969 = tpu.vector_load %swap3A_967[%swap3A_968] {strides = array<i32>} : memref<128xi32, #tpu.memory_space<vmem>>, vector<16xi32>,
          tpu.vector_store %swap3A_967[%swap3A_968], %add3A_963 {strides = array<i32>} : memref<128xi32, #tpu.memory_space<vmem>>, vector<16xi32>,
          %dma_start3A_970 = arith.constant 1 : i32
          %dma_start3A_971 = arith.constant 1 : i32
          %dma_start3A_972 = arith.constant 1 : i32
          %dma_start3A_973 = arith.constant 0 : i32
          %dma_start3A_974 = arith.constant 0 : i32
          %dma_start3A_975 = tpu.memref_slice %arg16[%dma_start3A_971, %dma_start3A_973, %dma_start3A_974] : memref<2x128x64xf32, #tpu.memory_space<vmem>> -> memref<1x128x64xf32, #tpu.memory_space<vmem>>
          %dma_start3A_976 = tpu.memref_squeeze %dma_start3A_975 : memref<1x128x64xf32, #tpu.memory_space<vmem>> -> memref<128x64xf32, #tpu.memory_space<vmem>>
          %dma_start3A_977 = arith.constant 0 : i32
          %dma_start3A_978 = arith.constant 0 : i32
          %dma_start3A_979 = tpu.memref_slice %dma_start3A_976[%dma_start3A_977, %dma_start3A_978] : memref<128x64xf32, #tpu.memory_space<vmem>> -> memref<64x64xf32, #tpu.memory_space<vmem>>
          %dma_start3A_980 = arith.constant 0 : i32
          %dma_start3A_981 = tpu.memref_slice %arg13[%dma_start3A_970, %dma_start3A_980] : memref<2x128xi32, #tpu.memory_space<vmem>> -> memref<1x128xi32, #tpu.memory_space<vmem>>
          %dma_start3A_982 = tpu.memref_squeeze %dma_start3A_981 : memref<1x128xi32, #tpu.memory_space<vmem>> -> memref<128xi32, #tpu.memory_space<vmem>>
          %dma_start3A_983 = arith.constant 0 : i32
          %dma_start3A_984 = tpu.memref_slice %dma_start3A_982[%dma_start3A_983] : memref<128xi32, #tpu.memory_space<vmem>> -> memref<64xi32, #tpu.memory_space<vmem>>
          %dma_start3A_985 = arith.constant 0 : i32
          %dma_start3A_986 = arith.constant 0 : i32
          %dma_start3A_987 = tpu.memref_slice %arg2[%dma_start3A_985, %dma_start3A_986] : memref<20000x64xf32, #tpu.memory_space<hbm>> -> memref<20000x64xf32, #tpu.memory_space<hbm>>
          %dma_start3A_988 = tpu.memref_slice %arg25[%dma_start3A_972] : memref<2x!tpu.dma_semaphore, #tpu.memory_space<semaphore_mem>> -> memref<1x!tpu.dma_semaphore, #tpu.memory_space<semaphore_mem>>
          %dma_start3A_989 = tpu.memref_squeeze %dma_start3A_988 : memref<1x!tpu.dma_semaphore, #tpu.memory_space<semaphore_mem>> -> memref<!tpu.dma_semaphore, #tpu.memory_space<semaphore_mem>>
          tpu.enqueue_indirect_dma source(%dma_start3A_987 : memref<20000x64xf32, #tpu.memory_space<hbm>>) target(%dma_start3A_979 : memref<64x64xf32, #tpu.memory_space<vmem>>) offsets(%dma_start3A_984 : memref<64xi32, #tpu.memory_space<vmem>>) semaphore(%dma_start3A_989 : memref<!tpu.dma_semaphore, #tpu.memory_space<semaphore_mem>>)
          %dma_start3A_990 = arith.constant 1 : i32
          %dma_start3A_991 = arith.constant 1 : i32
          %dma_start3A_992 = arith.constant 1 : i32
          %dma_start3A_993 = arith.constant 0 : i32
          %dma_start3A_994 = arith.constant 0 : i32
          %dma_start3A_995 = tpu.memref_slice %arg17[%dma_start3A_991, %dma_start3A_993, %dma_start3A_994] : memref<2x128x128xf32, #tpu.memory_space<vmem>> -> memref<1x128x128xf32, #tpu.memory_space<vmem>>
          %dma_start3A_996 = tpu.memref_squeeze %dma_start3A_995 : memref<1x128x128xf32, #tpu.memory_space<vmem>> -> memref<128x128xf32, #tpu.memory_space<vmem>>
          %dma_start3A_997 = arith.constant 0 : i32
          %dma_start3A_998 = arith.constant 0 : i32
          %dma_start3A_999 = tpu.memref_slice %dma_start3A_996[%dma_start3A_997, %dma_start3A_998] : memref<128x128xf32, #tpu.memory_space<vmem>> -> memref<64x128xf32, #tpu.memory_space<vmem>>
          %dma_start3A_1000 = arith.constant 0 : i32
          %dma_start3A_1001 = tpu.memref_slice %arg14[%dma_start3A_990, %dma_start3A_1000] : memref<2x128xi32, #tpu.memory_space<vmem>> -> memref<1x128xi32, #tpu.memory_space<vmem>>
          %dma_start3A_1002 = tpu.memref_squeeze %dma_start3A_1001 : memref<1x128xi32, #tpu.memory_space<vmem>> -> memref<128xi32, #tpu.memory_space<vmem>>
          %dma_start3A_1003 = arith.constant 0 : i32
          %dma_start3A_1004 = tpu.memref_slice %dma_start3A_1002[%dma_start3A_1003] : memref<128xi32, #tpu.memory_space<vmem>> -> memref<64xi32, #tpu.memory_space<vmem>>
          %dma_start3A_1005 = arith.constant 0 : i32
          %dma_start3A_1006 = arith.constant 0 : i32
          %dma_start3A_1007 = tpu.memref_slice %arg3[%dma_start3A_1005, %dma_start3A_1006] : memref<20000x128xf32, #tpu.memory_space<hbm>> -> memref<20000x128xf32, #tpu.memory_space<hbm>>
          %dma_start3A_1008 = tpu.memref_slice %arg26[%dma_start3A_992] : memref<2x!tpu.dma_semaphore, #tpu.memory_space<semaphore_mem>> -> memref<1x!tpu.dma_semaphore, #tpu.memory_space<semaphore_mem>>
          %dma_start3A_1009 = tpu.memref_squeeze %dma_start3A_1008 : memref<1x!tpu.dma_semaphore, #tpu.memory_space<semaphore_mem>> -> memref<!tpu.dma_semaphore, #tpu.memory_space<semaphore_mem>>
          tpu.enqueue_indirect_dma source(%dma_start3A_1007 : memref<20000x128xf32, #tpu.memory_space<hbm>>) target(%dma_start3A_999 : memref<64x128xf32, #tpu.memory_space<vmem>>) offsets(%dma_start3A_1004 : memref<64xi32, #tpu.memory_space<vmem>>) semaphore(%dma_start3A_1009 : memref<!tpu.dma_semaphore, #tpu.memory_space<semaphore_mem>>)
          %dma_start3A_1010 = arith.constant 1 : i32
          %dma_start3A_1011 = arith.constant 1 : i32
          %dma_start3A_1012 = arith.constant 1 : i32
          %dma_start3A_1013 = arith.constant 0 : i32
          %dma_start3A_1014 = arith.constant 0 : i32
          %dma_start3A_1015 = tpu.memref_slice %arg16[%dma_start3A_1011, %dma_start3A_1013, %dma_start3A_1014] : memref<2x128x64xf32, #tpu.memory_space<vmem>> -> memref<1x128x64xf32, #tpu.memory_space<vmem>>
          %dma_start3A_1016 = tpu.memref_squeeze %dma_start3A_1015 : memref<1x128x64xf32, #tpu.memory_space<vmem>> -> memref<128x64xf32, #tpu.memory_space<vmem>>
          %dma_start3A_1017 = arith.constant 64 : i32
          %dma_start3A_1018 = arith.constant 0 : i32
          %dma_start3A_1019 = tpu.memref_slice %dma_start3A_1016[%dma_start3A_1017, %dma_start3A_1018] : memref<128x64xf32, #tpu.memory_space<vmem>> -> memref<64x64xf32, #tpu.memory_space<vmem>>
          %dma_start3A_1020 = arith.constant 0 : i32
          %dma_start3A_1021 = tpu.memref_slice %arg13[%dma_start3A_1010, %dma_start3A_1020] : memref<2x128xi32, #tpu.memory_space<vmem>> -> memref<1x128xi32, #tpu.memory_space<vmem>>
          %dma_start3A_1022 = tpu.memref_squeeze %dma_start3A_1021 : memref<1x128xi32, #tpu.memory_space<vmem>> -> memref<128xi32, #tpu.memory_space<vmem>>
          %dma_start3A_1023 = arith.constant 64 : i32
          %dma_start3A_1024 = tpu.memref_slice %dma_start3A_1022[%dma_start3A_1023] : memref<128xi32, #tpu.memory_space<vmem>> -> memref<64xi32, #tpu.memory_space<vmem>>
          %dma_start3A_1025 = arith.constant 0 : i32
          %dma_start3A_1026 = arith.constant 0 : i32
          %dma_start3A_1027 = tpu.memref_slice %arg2[%dma_start3A_1025, %dma_start3A_1026] : memref<20000x64xf32, #tpu.memory_space<hbm>> -> memref<20000x64xf32, #tpu.memory_space<hbm>>
          %dma_start3A_1028 = tpu.memref_slice %arg25[%dma_start3A_1012] : memref<2x!tpu.dma_semaphore, #tpu.memory_space<semaphore_mem>> -> memref<1x!tpu.dma_semaphore, #tpu.memory_space<semaphore_mem>>
          %dma_start3A_1029 = tpu.memref_squeeze %dma_start3A_1028 : memref<1x!tpu.dma_semaphore, #tpu.memory_space<semaphore_mem>> -> memref<!tpu.dma_semaphore, #tpu.memory_space<semaphore_mem>>
          tpu.enqueue_indirect_dma source(%dma_start3A_1027 : memref<20000x64xf32, #tpu.memory_space<hbm>>) target(%dma_start3A_1019 : memref<64x64xf32, #tpu.memory_space<vmem>>) offsets(%dma_start3A_1024 : memref<64xi32, #tpu.memory_space<vmem>>) semaphore(%dma_start3A_1029 : memref<!tpu.dma_semaphore, #tpu.memory_space<semaphore_mem>>)
          %dma_start3A_1030 = arith.constant 1 : i32
          %dma_start3A_1031 = arith.constant 1 : i32
          %dma_start3A_1032 = arith.constant 1 : i32
          %dma_start3A_1033 = arith.constant 0 : i32
          %dma_start3A_1034 = arith.constant 0 : i32
          %dma_start3A_1035 = tpu.memref_slice %arg17[%dma_start3A_1031, %dma_start3A_1033, %dma_start3A_1034] : memref<2x128x128xf32, #tpu.memory_space<vmem>> -> memref<1x128x128xf32, #tpu.memory_space<vmem>>
          %dma_start3A_1036 = tpu.memref_squeeze %dma_start3A_1035 : memref<1x128x128xf32, #tpu.memory_space<vmem>> -> memref<128x128xf32, #tpu.memory_space<vmem>>
          %dma_start3A_1037 = arith.constant 64 : i32
          %dma_start3A_1038 = arith.constant 0 : i32
          %dma_start3A_1039 = tpu.memref_slice %dma_start3A_1036[%dma_start3A_1037, %dma_start3A_1038] : memref<128x128xf32, #tpu.memory_space<vmem>> -> memref<64x128xf32, #tpu.memory_space<vmem>>
          %dma_start3A_1040 = arith.constant 0 : i32
          %dma_start3A_1041 = tpu.memref_slice %arg14[%dma_start3A_1030, %dma_start3A_1040] : memref<2x128xi32, #tpu.memory_space<vmem>> -> memref<1x128xi32, #tpu.memory_space<vmem>>
          %dma_start3A_1042 = tpu.memref_squeeze %dma_start3A_1041 : memref<1x128xi32, #tpu.memory_space<vmem>> -> memref<128xi32, #tpu.memory_space<vmem>>
          %dma_start3A_1043 = arith.constant 64 : i32
          %dma_start3A_1044 = tpu.memref_slice %dma_start3A_1042[%dma_start3A_1043] : memref<128xi32, #tpu.memory_space<vmem>> -> memref<64xi32, #tpu.memory_space<vmem>>
          %dma_start3A_1045 = arith.constant 0 : i32
          %dma_start3A_1046 = arith.constant 0 : i32
          %dma_start3A_1047 = tpu.memref_slice %arg3[%dma_start3A_1045, %dma_start3A_1046] : memref<20000x128xf32, #tpu.memory_space<hbm>> -> memref<20000x128xf32, #tpu.memory_space<hbm>>
          %dma_start3A_1048 = tpu.memref_slice %arg26[%dma_start3A_1032] : memref<2x!tpu.dma_semaphore, #tpu.memory_space<semaphore_mem>> -> memref<1x!tpu.dma_semaphore, #tpu.memory_space<semaphore_mem>>
          %dma_start3A_1049 = tpu.memref_squeeze %dma_start3A_1048 : memref<1x!tpu.dma_semaphore, #tpu.memory_space<semaphore_mem>> -> memref<!tpu.dma_semaphore, #tpu.memory_space<semaphore_mem>>
          tpu.enqueue_indirect_dma source(%dma_start3A_1047 : memref<20000x128xf32, #tpu.memory_space<hbm>>) target(%dma_start3A_1039 : memref<64x128xf32, #tpu.memory_space<vmem>>) offsets(%dma_start3A_1044 : memref<64xi32, #tpu.memory_space<vmem>>) semaphore(%dma_start3A_1049 : memref<!tpu.dma_semaphore, #tpu.memory_space<semaphore_mem>>)
        } else {
        }
        %dma_wait3A_524 = arith.constant 0 : i32
        %dma_wait3A_525 = arith.constant 0 : i32
        %dma_wait3A_526 = arith.constant 0 : i32
        %dma_wait3A_527 = arith.constant 0 : i32
        %dma_wait3A_528 = arith.constant 0 : i32
        %dma_wait3A_529 = tpu.memref_slice %arg16[%dma_wait3A_525, %dma_wait3A_527, %dma_wait3A_528] : memref<2x128x64xf32, #tpu.memory_space<vmem>> -> memref<1x128x64xf32, #tpu.memory_space<vmem>>
        %dma_wait3A_530 = tpu.memref_squeeze %dma_wait3A_529 : memref<1x128x64xf32, #tpu.memory_space<vmem>> -> memref<128x64xf32, #tpu.memory_space<vmem>>
        %dma_wait3A_531 = arith.constant 0 : i32
        %dma_wait3A_532 = tpu.memref_slice %arg13[%dma_wait3A_524, %dma_wait3A_531] : memref<2x128xi32, #tpu.memory_space<vmem>> -> memref<1x128xi32, #tpu.memory_space<vmem>>
        %dma_wait3A_533 = tpu.memref_squeeze %dma_wait3A_532 : memref<1x128xi32, #tpu.memory_space<vmem>> -> memref<128xi32, #tpu.memory_space<vmem>>
        %dma_wait3A_534 = arith.constant 0 : i32
        %dma_wait3A_535 = arith.constant 0 : i32
        %dma_wait3A_536 = tpu.memref_slice %arg2[%dma_wait3A_534, %dma_wait3A_535] : memref<20000x64xf32, #tpu.memory_space<hbm>> -> memref<20000x64xf32, #tpu.memory_space<hbm>>
        %dma_wait3A_537 = tpu.memref_slice %arg25[%dma_wait3A_526] : memref<2x!tpu.dma_semaphore, #tpu.memory_space<semaphore_mem>> -> memref<1x!tpu.dma_semaphore, #tpu.memory_space<semaphore_mem>>
        %dma_wait3A_538 = tpu.memref_squeeze %dma_wait3A_537 : memref<1x!tpu.dma_semaphore, #tpu.memory_space<semaphore_mem>> -> memref<!tpu.dma_semaphore, #tpu.memory_space<semaphore_mem>>
        tpu.wait_indirect_dma semaphore(%dma_wait3A_538 : memref<!tpu.dma_semaphore, #tpu.memory_space<semaphore_mem>>) src(%dma_wait3A_536 : memref<20000x64xf32, #tpu.memory_space<hbm>>) dst(%dma_wait3A_530 : memref<128x64xf32, #tpu.memory_space<vmem>>)
        %dma_wait3A_539 = arith.constant 0 : i32
        %dma_wait3A_540 = arith.constant 0 : i32
        %dma_wait3A_541 = arith.constant 0 : i32
        %dma_wait3A_542 = arith.constant 0 : i32
        %dma_wait3A_543 = arith.constant 0 : i32
        %dma_wait3A_544 = tpu.memref_slice %arg17[%dma_wait3A_540, %dma_wait3A_542, %dma_wait3A_543] : memref<2x128x128xf32, #tpu.memory_space<vmem>> -> memref<1x128x128xf32, #tpu.memory_space<vmem>>
        %dma_wait3A_545 = tpu.memref_squeeze %dma_wait3A_544 : memref<1x128x128xf32, #tpu.memory_space<vmem>> -> memref<128x128xf32, #tpu.memory_space<vmem>>
        %dma_wait3A_546 = arith.constant 0 : i32
        %dma_wait3A_547 = tpu.memref_slice %arg14[%dma_wait3A_539, %dma_wait3A_546] : memref<2x128xi32, #tpu.memory_space<vmem>> -> memref<1x128xi32, #tpu.memory_space<vmem>>
        %dma_wait3A_548 = tpu.memref_squeeze %dma_wait3A_547 : memref<1x128xi32, #tpu.memory_space<vmem>> -> memref<128xi32, #tpu.memory_space<vmem>>
        %dma_wait3A_549 = arith.constant 0 : i32
        %dma_wait3A_550 = arith.constant 0 : i32
        %dma_wait3A_551 = tpu.memref_slice %arg3[%dma_wait3A_549, %dma_wait3A_550] : memref<20000x128xf32, #tpu.memory_space<hbm>> -> memref<20000x128xf32, #tpu.memory_space<hbm>>
        %dma_wait3A_552 = tpu.memref_slice %arg26[%dma_wait3A_541] : memref<2x!tpu.dma_semaphore, #tpu.memory_space<semaphore_mem>> -> memref<1x!tpu.dma_semaphore, #tpu.memory_space<semaphore_mem>>
        %dma_wait3A_553 = tpu.memref_squeeze %dma_wait3A_552 : memref<1x!tpu.dma_semaphore, #tpu.memory_space<semaphore_mem>> -> memref<!tpu.dma_semaphore, #tpu.memory_space<semaphore_mem>>
        tpu.wait_indirect_dma semaphore(%dma_wait3A_553 : memref<!tpu.dma_semaphore, #tpu.memory_space<semaphore_mem>>) src(%dma_wait3A_551 : memref<20000x128xf32, #tpu.memory_space<hbm>>) dst(%dma_wait3A_545 : memref<128x128xf32, #tpu.memory_space<vmem>>)
        %dma_wait3A_554 = arith.constant 0 : i32
        %dma_wait3A_555 = arith.constant 0 : i32
        %dma_wait3A_556 = arith.constant 0 : i32
        %dma_wait3A_557 = arith.constant 0 : i32
        %dma_wait3A_558 = tpu.memref_slice %arg15[%dma_wait3A_554, %dma_wait3A_556, %dma_wait3A_557] : memref<2x128x8xf32, #tpu.memory_space<vmem>> -> memref<1x128x8xf32, #tpu.memory_space<vmem>>
        %dma_wait3A_559 = tpu.memref_squeeze %dma_wait3A_558 : memref<1x128x8xf32, #tpu.memory_space<vmem>> -> memref<128x8xf32, #tpu.memory_space<vmem>>
        %dma_wait3A_560 = arith.constant 0 : i32
        %dma_wait3A_561 = arith.constant 0 : i32
        %dma_wait3A_562 = tpu.memref_slice %arg6[%dma_wait3A_560, %dma_wait3A_561] : memref<320000x8xf32, #tpu.memory_space<hbm>> -> memref<128x8xf32, #tpu.memory_space<hbm>>
        %dma_wait3A_563 = tpu.memref_slice %arg24[%dma_wait3A_555] : memref<2x!tpu.dma_semaphore, #tpu.memory_space<semaphore_mem>> -> memref<1x!tpu.dma_semaphore, #tpu.memory_space<semaphore_mem>>
        %dma_wait3A_564 = tpu.memref_squeeze %dma_wait3A_563 : memref<1x!tpu.dma_semaphore, #tpu.memory_space<semaphore_mem>> -> memref<!tpu.dma_semaphore, #tpu.memory_space<semaphore_mem>>
        %dma_wait3A_565 = arith.constant 0 : i32
        %dma_wait3A_566 = arith.constant 0 : i32
        %dma_wait3A_567 = tpu.memref_slice %arg15[%dma_wait3A_554, %dma_wait3A_565, %dma_wait3A_566] : memref<2x128x8xf32, #tpu.memory_space<vmem>> -> memref<1x128x8xf32, #tpu.memory_space<vmem>>
        %dma_wait3A_568 = tpu.memref_squeeze %dma_wait3A_567 : memref<1x128x8xf32, #tpu.memory_space<vmem>> -> memref<128x8xf32, #tpu.memory_space<vmem>>
        %dma_wait3A_569 = arith.constant 0 : i32
        %dma_wait3A_570 = arith.constant 0 : i32
        %dma_wait3A_571 = tpu.memref_slice %arg6[%dma_wait3A_569, %dma_wait3A_570] : memref<320000x8xf32, #tpu.memory_space<hbm>> -> memref<128x8xf32, #tpu.memory_space<hbm>>
        tpu.wait_dma2 semaphore(%dma_wait3A_564 : memref<!tpu.dma_semaphore, #tpu.memory_space<semaphore_mem>>) src(%dma_wait3A_571 : memref<128x8xf32, #tpu.memory_space<hbm>>) dst(%dma_wait3A_568 : memref<128x8xf32, #tpu.memory_space<vmem>>)
        %ge3A = arith.constant 2 : i32
        %ge3A_572 = arith.cmpi sge, %add3A_507, %ge3A : i32
        %convert_element_type3A_573 = arith.extui %ge3A_572 : i1 to i32
        %cond3A_574 = arith.constant 0 : i32
        %cond3A_575 = arith.cmpi ne, %convert_element_type3A_573, %cond3A_574 : i32
        scf.if %cond3A_575 {
          %dma_wait3A_718 = arith.constant 0 : i32
          %dma_wait3A_719 = arith.constant 0 : i32
          %dma_wait3A_720 = arith.constant 0 : i32
          %dma_wait3A_721 = arith.constant 0 : i32
          %dma_wait3A_722 = arith.constant 0 : i32
          %dma_wait3A_723 = tpu.memref_slice %arg18[%dma_wait3A_718, %dma_wait3A_721, %dma_wait3A_722] : memref<2x128x64xf32, #tpu.memory_space<vmem>> -> memref<1x128x64xf32, #tpu.memory_space<vmem>>
          %dma_wait3A_724 = tpu.memref_squeeze %dma_wait3A_723 : memref<1x128x64xf32, #tpu.memory_space<vmem>> -> memref<128x64xf32, #tpu.memory_space<vmem>>
          %dma_wait3A_725 = arith.constant 0 : i32
          %dma_wait3A_726 = tpu.memref_slice %arg12[%dma_wait3A_719, %dma_wait3A_725] : memref<2x128xi32, #tpu.memory_space<vmem>> -> memref<1x128xi32, #tpu.memory_space<vmem>>
          %dma_wait3A_727 = tpu.memref_squeeze %dma_wait3A_726 : memref<1x128xi32, #tpu.memory_space<vmem>> -> memref<128xi32, #tpu.memory_space<vmem>>
          %dma_wait3A_728 = arith.constant 0 : i32
          %dma_wait3A_729 = arith.constant 0 : i32
          %dma_wait3A_730 = tpu.memref_slice %arg20[%dma_wait3A_728, %dma_wait3A_729] : memref<10000x64xf32, #tpu.memory_space<vmem_shared>> -> memref<10000x64xf32, #tpu.memory_space<vmem_shared>>
          %dma_wait3A_731 = tpu.memref_slice %arg27[%dma_wait3A_720] : memref<2x!tpu.dma_semaphore, #tpu.memory_space<semaphore_mem>> -> memref<1x!tpu.dma_semaphore, #tpu.memory_space<semaphore_mem>>
          %dma_wait3A_732 = tpu.memref_squeeze %dma_wait3A_731 : memref<1x!tpu.dma_semaphore, #tpu.memory_space<semaphore_mem>> -> memref<!tpu.dma_semaphore, #tpu.memory_space<semaphore_mem>>
          tpu.wait_indirect_dma semaphore(%dma_wait3A_732 : memref<!tpu.dma_semaphore, #tpu.memory_space<semaphore_mem>>) src(%dma_wait3A_724 : memref<128x64xf32, #tpu.memory_space<vmem>>) dst(%dma_wait3A_730 : memref<10000x64xf32, #tpu.memory_space<vmem_shared>>)
          %dma_wait3A_733 = arith.constant 0 : i32
          %dma_wait3A_734 = arith.constant 0 : i32
          %dma_wait3A_735 = arith.constant 0 : i32
          %dma_wait3A_736 = arith.constant 0 : i32
          %dma_wait3A_737 = arith.constant 0 : i32
          %dma_wait3A_738 = tpu.memref_slice %arg19[%dma_wait3A_733, %dma_wait3A_736, %dma_wait3A_737] : memref<2x128x8xf32, #tpu.memory_space<vmem>> -> memref<1x128x8xf32, #tpu.memory_space<vmem>>
          %dma_wait3A_739 = tpu.memref_squeeze %dma_wait3A_738 : memref<1x128x8xf32, #tpu.memory_space<vmem>> -> memref<128x8xf32, #tpu.memory_space<vmem>>
          %dma_wait3A_740 = arith.constant 0 : i32
          %dma_wait3A_741 = tpu.memref_slice %arg12[%dma_wait3A_734, %dma_wait3A_740] : memref<2x128xi32, #tpu.memory_space<vmem>> -> memref<1x128xi32, #tpu.memory_space<vmem>>
          %dma_wait3A_742 = tpu.memref_squeeze %dma_wait3A_741 : memref<1x128xi32, #tpu.memory_space<vmem>> -> memref<128xi32, #tpu.memory_space<vmem>>
          %dma_wait3A_743 = arith.constant 0 : i32
          %dma_wait3A_744 = arith.constant 0 : i32
          %dma_wait3A_745 = tpu.memref_slice %arg21[%dma_wait3A_743, %dma_wait3A_744] : memref<10000x8xf32, #tpu.memory_space<vmem_shared>> -> memref<10000x8xf32, #tpu.memory_space<vmem_shared>>
          %dma_wait3A_746 = tpu.memref_slice %arg28[%dma_wait3A_735] : memref<2x!tpu.dma_semaphore, #tpu.memory_space<semaphore_mem>> -> memref<1x!tpu.dma_semaphore, #tpu.memory_space<semaphore_mem>>
          %dma_wait3A_747 = tpu.memref_squeeze %dma_wait3A_746 : memref<1x!tpu.dma_semaphore, #tpu.memory_space<semaphore_mem>> -> memref<!tpu.dma_semaphore, #tpu.memory_space<semaphore_mem>>
          tpu.wait_indirect_dma semaphore(%dma_wait3A_747 : memref<!tpu.dma_semaphore, #tpu.memory_space<semaphore_mem>>) src(%dma_wait3A_739 : memref<128x8xf32, #tpu.memory_space<vmem>>) dst(%dma_wait3A_745 : memref<10000x8xf32, #tpu.memory_space<vmem_shared>>)
        } else {
        }
        %scan3A_576 = arith.constant 0 : i32
        %scan3A_577 = arith.constant 0 : i32
        %scan3A_578 = arith.constant 0 : i32
        %scan3A_579 = arith.constant 0 : i32
        %scan3A_580 = arith.constant 0 : i32
        %scan3A_581 = arith.constant 0 : i32
        %scan3A_582 = arith.constant 8 : i32
        %scan3A_583 = arith.addi %scan3A_581, %scan3A_582 : i32
        %scan3A_584 = arith.constant 1 : i32
        scf.for %scan3A_718 = %scan3A_581 to %scan3A_583 step %scan3A_584  : i32 {
          %mul3A_719 = arith.constant 1 : i32
          %mul3A_720 = arith.muli %scan3A_718, %mul3A_719 : i32
          %add3A_721 = arith.constant 0 : i32
          %add3A_722 = arith.addi %add3A_721, %mul3A_720 : i32
          %mul3A_723 = arith.constant 16 : i32
          %mul3A_724 = arith.muli %add3A_722, %mul3A_723 : i32
          %add3A_725 = vector.broadcast %mul3A_724 : i32 to vector<16xi32>
          %add3A_726 = arith.addi %add3A_725, %iota3A : vector<16xi32>
          %broadcast_in_dim3A = arith.constant 0.000000e+00 : f32
          %broadcast_in_dim3A_727 = vector.broadcast %broadcast_in_dim3A : f32 to vector<16xf32>
          %parallel_loop3A = arith.constant 0 : i32
          %parallel_loop3A_728 = arith.constant 16 : i32
          %parallel_loop3A_729 = arith.constant 1 : i32
          %parallel_loop3A_730:4 = scf.for %parallel_loop3A_827 = %parallel_loop3A to %parallel_loop3A_728 step %parallel_loop3A_729 iter_args(%parallel_loop3A_828 = %broadcast_in_dim3A_727, %parallel_loop3A_829 = %broadcast_in_dim3A_727, %parallel_loop3A_830 = %broadcast_in_dim3A_727, %parallel_loop3A_831 = %broadcast_in_dim3A_727) -> (vector<16xf32>, vector<16xf32>, vector<16xf32>, vector<16xf32>)  : i32 {
            %parallel_loop3A_832 = vector.broadcast %parallel_loop3A_827 : i32 to vector<16xi32>
            %parallel_loop3A_833 = arith.addi %iota3A, %parallel_loop3A_832 : vector<16xi32>
            %parallel_loop3A_834 = arith.constant 15 : i32
            %parallel_loop3A_835 = vector.broadcast %parallel_loop3A_834 : i32 to vector<16xi32>
            %parallel_loop3A_836 = arith.andi %parallel_loop3A_833, %parallel_loop3A_835 : vector<16xi32>
            %parallel_loop3A_837 = arith.constant 0 : i32
            %parallel_loop3A_838 = vector.broadcast %parallel_loop3A_837 : i32 to vector<16xi32>
            %parallel_loop3A_839 = arith.addi %parallel_loop3A_836, %parallel_loop3A_838 : vector<16xi32>
            %parallel_loop3A_840 = arith.constant 0 : i32
            %parallel_loop3A_841 = arith.constant 0 : i32
            %parallel_loop3A_842 = tpu.memref_slice %arg16[%scan3A_576, %parallel_loop3A_840, %parallel_loop3A_841] : memref<2x128x64xf32, #tpu.memory_space<vmem>> -> memref<1x128x64xf32, #tpu.memory_space<vmem>>
            %parallel_loop3A_843 = tpu.memref_squeeze %parallel_loop3A_842 : memref<1x128x64xf32, #tpu.memory_space<vmem>> -> memref<128x64xf32, #tpu.memory_space<vmem>>
            %parallel_loop3A_844 = tpu.vector_load_idx %parallel_loop3A_843[%add3A_726, %parallel_loop3A_839] : memref<128x64xf32, #tpu.memory_space<vmem>>[vector<16xi32>, vector<16xi32>], vector<16xf32>,
            %parallel_loop3A_845 = arith.constant 0 : i32
            %parallel_loop3A_846 = arith.constant 0 : i32
            %parallel_loop3A_847 = tpu.memref_slice %arg17[%scan3A_577, %parallel_loop3A_845, %parallel_loop3A_846] : memref<2x128x128xf32, #tpu.memory_space<vmem>> -> memref<1x128x128xf32, #tpu.memory_space<vmem>>
            %parallel_loop3A_848 = tpu.memref_squeeze %parallel_loop3A_847 : memref<1x128x128xf32, #tpu.memory_space<vmem>> -> memref<128x128xf32, #tpu.memory_space<vmem>>
            %parallel_loop3A_849 = tpu.vector_load_idx %parallel_loop3A_848[%add3A_726, %parallel_loop3A_839] : memref<128x128xf32, #tpu.memory_space<vmem>>[vector<16xi32>, vector<16xi32>], vector<16xf32>,
            %parallel_loop3A_850 = arith.mulf %parallel_loop3A_844, %parallel_loop3A_849 : vector<16xf32>
            %parallel_loop3A_851 = arith.addf %parallel_loop3A_828, %parallel_loop3A_850 : vector<16xf32>
            %parallel_loop3A_852 = arith.constant 16 : i32
            %parallel_loop3A_853 = vector.broadcast %parallel_loop3A_852 : i32 to vector<16xi32>
            %parallel_loop3A_854 = arith.addi %parallel_loop3A_836, %parallel_loop3A_853 : vector<16xi32>
            %parallel_loop3A_855 = arith.constant 0 : i32
            %parallel_loop3A_856 = arith.constant 0 : i32
            %parallel_loop3A_857 = tpu.memref_slice %arg16[%scan3A_576, %parallel_loop3A_855, %parallel_loop3A_856] : memref<2x128x64xf32, #tpu.memory_space<vmem>> -> memref<1x128x64xf32, #tpu.memory_space<vmem>>
            %parallel_loop3A_858 = tpu.memref_squeeze %parallel_loop3A_857 : memref<1x128x64xf32, #tpu.memory_space<vmem>> -> memref<128x64xf32, #tpu.memory_space<vmem>>
            %parallel_loop3A_859 = tpu.vector_load_idx %parallel_loop3A_858[%add3A_726, %parallel_loop3A_854] : memref<128x64xf32, #tpu.memory_space<vmem>>[vector<16xi32>, vector<16xi32>], vector<16xf32>,
            %parallel_loop3A_860 = arith.constant 0 : i32
            %parallel_loop3A_861 = arith.constant 0 : i32
            %parallel_loop3A_862 = tpu.memref_slice %arg17[%scan3A_577, %parallel_loop3A_860, %parallel_loop3A_861] : memref<2x128x128xf32, #tpu.memory_space<vmem>> -> memref<1x128x128xf32, #tpu.memory_space<vmem>>
            %parallel_loop3A_863 = tpu.memref_squeeze %parallel_loop3A_862 : memref<1x128x128xf32, #tpu.memory_space<vmem>> -> memref<128x128xf32, #tpu.memory_space<vmem>>
            %parallel_loop3A_864 = tpu.vector_load_idx %parallel_loop3A_863[%add3A_726, %parallel_loop3A_854] : memref<128x128xf32, #tpu.memory_space<vmem>>[vector<16xi32>, vector<16xi32>], vector<16xf32>,
            %parallel_loop3A_865 = arith.mulf %parallel_loop3A_859, %parallel_loop3A_864 : vector<16xf32>
            %parallel_loop3A_866 = arith.addf %parallel_loop3A_829, %parallel_loop3A_865 : vector<16xf32>
            %parallel_loop3A_867 = arith.constant 32 : i32
            %parallel_loop3A_868 = vector.broadcast %parallel_loop3A_867 : i32 to vector<16xi32>
            %parallel_loop3A_869 = arith.addi %parallel_loop3A_836, %parallel_loop3A_868 : vector<16xi32>
            %parallel_loop3A_870 = arith.constant 0 : i32
            %parallel_loop3A_871 = arith.constant 0 : i32
            %parallel_loop3A_872 = tpu.memref_slice %arg16[%scan3A_576, %parallel_loop3A_870, %parallel_loop3A_871] : memref<2x128x64xf32, #tpu.memory_space<vmem>> -> memref<1x128x64xf32, #tpu.memory_space<vmem>>
            %parallel_loop3A_873 = tpu.memref_squeeze %parallel_loop3A_872 : memref<1x128x64xf32, #tpu.memory_space<vmem>> -> memref<128x64xf32, #tpu.memory_space<vmem>>
            %parallel_loop3A_874 = tpu.vector_load_idx %parallel_loop3A_873[%add3A_726, %parallel_loop3A_869] : memref<128x64xf32, #tpu.memory_space<vmem>>[vector<16xi32>, vector<16xi32>], vector<16xf32>,
            %parallel_loop3A_875 = arith.constant 0 : i32
            %parallel_loop3A_876 = arith.constant 0 : i32
            %parallel_loop3A_877 = tpu.memref_slice %arg17[%scan3A_577, %parallel_loop3A_875, %parallel_loop3A_876] : memref<2x128x128xf32, #tpu.memory_space<vmem>> -> memref<1x128x128xf32, #tpu.memory_space<vmem>>
            %parallel_loop3A_878 = tpu.memref_squeeze %parallel_loop3A_877 : memref<1x128x128xf32, #tpu.memory_space<vmem>> -> memref<128x128xf32, #tpu.memory_space<vmem>>
            %parallel_loop3A_879 = tpu.vector_load_idx %parallel_loop3A_878[%add3A_726, %parallel_loop3A_869] : memref<128x128xf32, #tpu.memory_space<vmem>>[vector<16xi32>, vector<16xi32>], vector<16xf32>,
            %parallel_loop3A_880 = arith.mulf %parallel_loop3A_874, %parallel_loop3A_879 : vector<16xf32>
            %parallel_loop3A_881 = arith.addf %parallel_loop3A_830, %parallel_loop3A_880 : vector<16xf32>
            %parallel_loop3A_882 = arith.constant 48 : i32
            %parallel_loop3A_883 = vector.broadcast %parallel_loop3A_882 : i32 to vector<16xi32>
            %parallel_loop3A_884 = arith.addi %parallel_loop3A_836, %parallel_loop3A_883 : vector<16xi32>
            %parallel_loop3A_885 = arith.constant 0 : i32
            %parallel_loop3A_886 = arith.constant 0 : i32
            %parallel_loop3A_887 = tpu.memref_slice %arg16[%scan3A_576, %parallel_loop3A_885, %parallel_loop3A_886] : memref<2x128x64xf32, #tpu.memory_space<vmem>> -> memref<1x128x64xf32, #tpu.memory_space<vmem>>
            %parallel_loop3A_888 = tpu.memref_squeeze %parallel_loop3A_887 : memref<1x128x64xf32, #tpu.memory_space<vmem>> -> memref<128x64xf32, #tpu.memory_space<vmem>>
            %parallel_loop3A_889 = tpu.vector_load_idx %parallel_loop3A_888[%add3A_726, %parallel_loop3A_884] : memref<128x64xf32, #tpu.memory_space<vmem>>[vector<16xi32>, vector<16xi32>], vector<16xf32>,
            %parallel_loop3A_890 = arith.constant 0 : i32
            %parallel_loop3A_891 = arith.constant 0 : i32
            %parallel_loop3A_892 = tpu.memref_slice %arg17[%scan3A_577, %parallel_loop3A_890, %parallel_loop3A_891] : memref<2x128x128xf32, #tpu.memory_space<vmem>> -> memref<1x128x128xf32, #tpu.memory_space<vmem>>
            %parallel_loop3A_893 = tpu.memref_squeeze %parallel_loop3A_892 : memref<1x128x128xf32, #tpu.memory_space<vmem>> -> memref<128x128xf32, #tpu.memory_space<vmem>>
            %parallel_loop3A_894 = tpu.vector_load_idx %parallel_loop3A_893[%add3A_726, %parallel_loop3A_884] : memref<128x128xf32, #tpu.memory_space<vmem>>[vector<16xi32>, vector<16xi32>], vector<16xf32>,
            %parallel_loop3A_895 = arith.mulf %parallel_loop3A_889, %parallel_loop3A_894 : vector<16xf32>
            %parallel_loop3A_896 = arith.addf %parallel_loop3A_831, %parallel_loop3A_895 : vector<16xf32>
            scf.yield %parallel_loop3A_851, %parallel_loop3A_866, %parallel_loop3A_881, %parallel_loop3A_896 : vector<16xf32>, vector<16xf32>, vector<16xf32>, vector<16xf32>
          } {sc.loop_unroll_factor = 4 : i64, sc.parallel_access}
          %broadcast_in_dim3A_731 = arith.constant 0 : i32
          %broadcast_in_dim3A_732 = vector.broadcast %broadcast_in_dim3A_731 : i32 to vector<16xi32>
          %mul3A_733 = arith.constant 4 : i32
          %mul3A_734 = arith.muli %arg0, %mul3A_733 : i32
          %add3A_735 = arith.constant 0 : i32
          %add3A_736 = arith.addi %mul3A_734, %add3A_735 : i32
          %add3A_737 = vector.broadcast %add3A_736 : i32 to vector<16xi32>
          %add3A_738 = arith.addi %broadcast_in_dim3A_732, %add3A_737 : vector<16xi32>
          %gather3A = arith.constant 0 : i32
          %gather3A_739 = arith.constant 0 : i32
          %gather3A_740 = tpu.memref_slice %arg15[%scan3A_578, %gather3A, %gather3A_739] : memref<2x128x8xf32, #tpu.memory_space<vmem>> -> memref<1x128x8xf32, #tpu.memory_space<vmem>>
          %gather3A_741 = tpu.memref_squeeze %gather3A_740 : memref<1x128x8xf32, #tpu.memory_space<vmem>> -> memref<128x8xf32, #tpu.memory_space<vmem>>
          %gather3A_742 = tpu.vector_load_idx %gather3A_741[%add3A_726, %add3A_738] : memref<128x8xf32, #tpu.memory_space<vmem>>[vector<16xi32>, vector<16xi32>], vector<16xf32>,
          %mul3A_743 = arith.constant 2.500000e-01 : f32
          %mul3A_744 = vector.broadcast %mul3A_743 : f32 to vector<16xf32>
          %mul3A_745 = arith.mulf %parallel_loop3A_730#0, %mul3A_744 : vector<16xf32>
          %mul3A_746 = arith.mulf %mul3A_745, %gather3A_742 : vector<16xf32>
          %exp3A = math.exp %mul3A_746 : vector<16xf32>
          %broadcast_in_dim3A_747 = arith.constant 0 : i32
          %broadcast_in_dim3A_748 = vector.broadcast %broadcast_in_dim3A_747 : i32 to vector<16xi32>
          %scatter3A = arith.constant 0 : i32
          %scatter3A_749 = arith.constant 0 : i32
          %scatter3A_750 = tpu.memref_slice %arg19[%scan3A_579, %scatter3A, %scatter3A_749] : memref<2x128x8xf32, #tpu.memory_space<vmem>> -> memref<1x128x8xf32, #tpu.memory_space<vmem>>
          %scatter3A_751 = tpu.memref_squeeze %scatter3A_750 : memref<1x128x8xf32, #tpu.memory_space<vmem>> -> memref<128x8xf32, #tpu.memory_space<vmem>>
          tpu.vector_store_idx %scatter3A_751[%add3A_726, %broadcast_in_dim3A_748], %exp3A : memref<128x8xf32, #tpu.memory_space<vmem>>[vector<16xi32>, vector<16xi32>], vector<16xf32>,
          %broadcast_in_dim3A_752 = arith.constant 0 : i32
          %broadcast_in_dim3A_753 = vector.broadcast %broadcast_in_dim3A_752 : i32 to vector<16xi32>
          %mul3A_754 = arith.constant 4 : i32
          %mul3A_755 = arith.muli %arg0, %mul3A_754 : i32
          %add3A_756 = arith.constant 1 : i32
          %add3A_757 = arith.addi %mul3A_755, %add3A_756 : i32
          %add3A_758 = vector.broadcast %add3A_757 : i32 to vector<16xi32>
          %add3A_759 = arith.addi %broadcast_in_dim3A_753, %add3A_758 : vector<16xi32>
          %gather3A_760 = arith.constant 0 : i32
          %gather3A_761 = arith.constant 0 : i32
          %gather3A_762 = tpu.memref_slice %arg15[%scan3A_578, %gather3A_760, %gather3A_761] : memref<2x128x8xf32, #tpu.memory_space<vmem>> -> memref<1x128x8xf32, #tpu.memory_space<vmem>>
          %gather3A_763 = tpu.memref_squeeze %gather3A_762 : memref<1x128x8xf32, #tpu.memory_space<vmem>> -> memref<128x8xf32, #tpu.memory_space<vmem>>
          %gather3A_764 = tpu.vector_load_idx %gather3A_763[%add3A_726, %add3A_759] : memref<128x8xf32, #tpu.memory_space<vmem>>[vector<16xi32>, vector<16xi32>], vector<16xf32>,
          %mul3A_765 = arith.constant 2.500000e-01 : f32
          %mul3A_766 = vector.broadcast %mul3A_765 : f32 to vector<16xf32>
          %mul3A_767 = arith.mulf %parallel_loop3A_730#1, %mul3A_766 : vector<16xf32>
          %mul3A_768 = arith.mulf %mul3A_767, %gather3A_764 : vector<16xf32>
          %exp3A_769 = math.exp %mul3A_768 : vector<16xf32>
          %broadcast_in_dim3A_770 = arith.constant 1 : i32
          %broadcast_in_dim3A_771 = vector.broadcast %broadcast_in_dim3A_770 : i32 to vector<16xi32>
          %scatter3A_772 = arith.constant 0 : i32
          %scatter3A_773 = arith.constant 0 : i32
          %scatter3A_774 = tpu.memref_slice %arg19[%scan3A_579, %scatter3A_772, %scatter3A_773] : memref<2x128x8xf32, #tpu.memory_space<vmem>> -> memref<1x128x8xf32, #tpu.memory_space<vmem>>
          %scatter3A_775 = tpu.memref_squeeze %scatter3A_774 : memref<1x128x8xf32, #tpu.memory_space<vmem>> -> memref<128x8xf32, #tpu.memory_space<vmem>>
          tpu.vector_store_idx %scatter3A_775[%add3A_726, %broadcast_in_dim3A_771], %exp3A_769 : memref<128x8xf32, #tpu.memory_space<vmem>>[vector<16xi32>, vector<16xi32>], vector<16xf32>,
          %broadcast_in_dim3A_776 = arith.constant 0 : i32
          %broadcast_in_dim3A_777 = vector.broadcast %broadcast_in_dim3A_776 : i32 to vector<16xi32>
          %mul3A_778 = arith.constant 4 : i32
          %mul3A_779 = arith.muli %arg0, %mul3A_778 : i32
          %add3A_780 = arith.constant 2 : i32
          %add3A_781 = arith.addi %mul3A_779, %add3A_780 : i32
          %add3A_782 = vector.broadcast %add3A_781 : i32 to vector<16xi32>
          %add3A_783 = arith.addi %broadcast_in_dim3A_777, %add3A_782 : vector<16xi32>
          %gather3A_784 = arith.constant 0 : i32
          %gather3A_785 = arith.constant 0 : i32
          %gather3A_786 = tpu.memref_slice %arg15[%scan3A_578, %gather3A_784, %gather3A_785] : memref<2x128x8xf32, #tpu.memory_space<vmem>> -> memref<1x128x8xf32, #tpu.memory_space<vmem>>
          %gather3A_787 = tpu.memref_squeeze %gather3A_786 : memref<1x128x8xf32, #tpu.memory_space<vmem>> -> memref<128x8xf32, #tpu.memory_space<vmem>>
          %gather3A_788 = tpu.vector_load_idx %gather3A_787[%add3A_726, %add3A_783] : memref<128x8xf32, #tpu.memory_space<vmem>>[vector<16xi32>, vector<16xi32>], vector<16xf32>,
          %mul3A_789 = arith.constant 2.500000e-01 : f32
          %mul3A_790 = vector.broadcast %mul3A_789 : f32 to vector<16xf32>
          %mul3A_791 = arith.mulf %parallel_loop3A_730#2, %mul3A_790 : vector<16xf32>
          %mul3A_792 = arith.mulf %mul3A_791, %gather3A_788 : vector<16xf32>
          %exp3A_793 = math.exp %mul3A_792 : vector<16xf32>
          %broadcast_in_dim3A_794 = arith.constant 2 : i32
          %broadcast_in_dim3A_795 = vector.broadcast %broadcast_in_dim3A_794 : i32 to vector<16xi32>
          %scatter3A_796 = arith.constant 0 : i32
          %scatter3A_797 = arith.constant 0 : i32
          %scatter3A_798 = tpu.memref_slice %arg19[%scan3A_579, %scatter3A_796, %scatter3A_797] : memref<2x128x8xf32, #tpu.memory_space<vmem>> -> memref<1x128x8xf32, #tpu.memory_space<vmem>>
          %scatter3A_799 = tpu.memref_squeeze %scatter3A_798 : memref<1x128x8xf32, #tpu.memory_space<vmem>> -> memref<128x8xf32, #tpu.memory_space<vmem>>
          tpu.vector_store_idx %scatter3A_799[%add3A_726, %broadcast_in_dim3A_795], %exp3A_793 : memref<128x8xf32, #tpu.memory_space<vmem>>[vector<16xi32>, vector<16xi32>], vector<16xf32>,
          %broadcast_in_dim3A_800 = arith.constant 0 : i32
          %broadcast_in_dim3A_801 = vector.broadcast %broadcast_in_dim3A_800 : i32 to vector<16xi32>
          %mul3A_802 = arith.constant 4 : i32
          %mul3A_803 = arith.muli %arg0, %mul3A_802 : i32
          %add3A_804 = arith.constant 3 : i32
          %add3A_805 = arith.addi %mul3A_803, %add3A_804 : i32
          %add3A_806 = vector.broadcast %add3A_805 : i32 to vector<16xi32>
          %add3A_807 = arith.addi %broadcast_in_dim3A_801, %add3A_806 : vector<16xi32>
          %gather3A_808 = arith.constant 0 : i32
          %gather3A_809 = arith.constant 0 : i32
          %gather3A_810 = tpu.memref_slice %arg15[%scan3A_578, %gather3A_808, %gather3A_809] : memref<2x128x8xf32, #tpu.memory_space<vmem>> -> memref<1x128x8xf32, #tpu.memory_space<vmem>>
          %gather3A_811 = tpu.memref_squeeze %gather3A_810 : memref<1x128x8xf32, #tpu.memory_space<vmem>> -> memref<128x8xf32, #tpu.memory_space<vmem>>
          %gather3A_812 = tpu.vector_load_idx %gather3A_811[%add3A_726, %add3A_807] : memref<128x8xf32, #tpu.memory_space<vmem>>[vector<16xi32>, vector<16xi32>], vector<16xf32>,
          %mul3A_813 = arith.constant 2.500000e-01 : f32
          %mul3A_814 = vector.broadcast %mul3A_813 : f32 to vector<16xf32>
          %mul3A_815 = arith.mulf %parallel_loop3A_730#3, %mul3A_814 : vector<16xf32>
          %mul3A_816 = arith.mulf %mul3A_815, %gather3A_812 : vector<16xf32>
          %exp3A_817 = math.exp %mul3A_816 : vector<16xf32>
          %broadcast_in_dim3A_818 = arith.constant 3 : i32
          %broadcast_in_dim3A_819 = vector.broadcast %broadcast_in_dim3A_818 : i32 to vector<16xi32>
          %scatter3A_820 = arith.constant 0 : i32
          %scatter3A_821 = arith.constant 0 : i32
          %scatter3A_822 = tpu.memref_slice %arg19[%scan3A_579, %scatter3A_820, %scatter3A_821] : memref<2x128x8xf32, #tpu.memory_space<vmem>> -> memref<1x128x8xf32, #tpu.memory_space<vmem>>
          %scatter3A_823 = tpu.memref_squeeze %scatter3A_822 : memref<1x128x8xf32, #tpu.memory_space<vmem>> -> memref<128x8xf32, #tpu.memory_space<vmem>>
          tpu.vector_store_idx %scatter3A_823[%add3A_726, %broadcast_in_dim3A_819], %exp3A_817 : memref<128x8xf32, #tpu.memory_space<vmem>>[vector<16xi32>, vector<16xi32>], vector<16xf32>,
          %parallel_loop3A_824 = arith.constant 0 : i32
          %parallel_loop3A_825 = arith.constant 16 : i32
          %parallel_loop3A_826 = arith.constant 1 : i32
          scf.for %parallel_loop3A_827 = %parallel_loop3A_824 to %parallel_loop3A_825 step %parallel_loop3A_826  : i32 {
            %parallel_loop3A_828 = vector.broadcast %parallel_loop3A_827 : i32 to vector<16xi32>
            %parallel_loop3A_829 = arith.addi %iota3A, %parallel_loop3A_828 : vector<16xi32>
            %parallel_loop3A_830 = arith.constant 15 : i32
            %parallel_loop3A_831 = vector.broadcast %parallel_loop3A_830 : i32 to vector<16xi32>
            %parallel_loop3A_832 = arith.andi %parallel_loop3A_829, %parallel_loop3A_831 : vector<16xi32>
            %parallel_loop3A_833 = arith.constant 64 : i32
            %parallel_loop3A_834 = vector.broadcast %parallel_loop3A_833 : i32 to vector<16xi32>
            %parallel_loop3A_835 = arith.addi %parallel_loop3A_832, %parallel_loop3A_834 : vector<16xi32>
            %parallel_loop3A_836 = arith.constant 0 : i32
            %parallel_loop3A_837 = arith.constant 0 : i32
            %parallel_loop3A_838 = tpu.memref_slice %arg17[%scan3A_577, %parallel_loop3A_836, %parallel_loop3A_837] : memref<2x128x128xf32, #tpu.memory_space<vmem>> -> memref<1x128x128xf32, #tpu.memory_space<vmem>>
            %parallel_loop3A_839 = tpu.memref_squeeze %parallel_loop3A_838 : memref<1x128x128xf32, #tpu.memory_space<vmem>> -> memref<128x128xf32, #tpu.memory_space<vmem>>
            %parallel_loop3A_840 = tpu.vector_load_idx %parallel_loop3A_839[%add3A_726, %parallel_loop3A_835] : memref<128x128xf32, #tpu.memory_space<vmem>>[vector<16xi32>, vector<16xi32>], vector<16xf32>,
            %parallel_loop3A_841 = arith.constant 80 : i32
            %parallel_loop3A_842 = vector.broadcast %parallel_loop3A_841 : i32 to vector<16xi32>
            %parallel_loop3A_843 = arith.addi %parallel_loop3A_832, %parallel_loop3A_842 : vector<16xi32>
            %parallel_loop3A_844 = arith.constant 0 : i32
            %parallel_loop3A_845 = arith.constant 0 : i32
            %parallel_loop3A_846 = tpu.memref_slice %arg17[%scan3A_577, %parallel_loop3A_844, %parallel_loop3A_845] : memref<2x128x128xf32, #tpu.memory_space<vmem>> -> memref<1x128x128xf32, #tpu.memory_space<vmem>>
            %parallel_loop3A_847 = tpu.memref_squeeze %parallel_loop3A_846 : memref<1x128x128xf32, #tpu.memory_space<vmem>> -> memref<128x128xf32, #tpu.memory_space<vmem>>
            %parallel_loop3A_848 = tpu.vector_load_idx %parallel_loop3A_847[%add3A_726, %parallel_loop3A_843] : memref<128x128xf32, #tpu.memory_space<vmem>>[vector<16xi32>, vector<16xi32>], vector<16xf32>,
            %parallel_loop3A_849 = arith.constant 96 : i32
            %parallel_loop3A_850 = vector.broadcast %parallel_loop3A_849 : i32 to vector<16xi32>
            %parallel_loop3A_851 = arith.addi %parallel_loop3A_832, %parallel_loop3A_850 : vector<16xi32>
            %parallel_loop3A_852 = arith.constant 0 : i32
            %parallel_loop3A_853 = arith.constant 0 : i32
            %parallel_loop3A_854 = tpu.memref_slice %arg17[%scan3A_577, %parallel_loop3A_852, %parallel_loop3A_853] : memref<2x128x128xf32, #tpu.memory_space<vmem>> -> memref<1x128x128xf32, #tpu.memory_space<vmem>>
            %parallel_loop3A_855 = tpu.memref_squeeze %parallel_loop3A_854 : memref<1x128x128xf32, #tpu.memory_space<vmem>> -> memref<128x128xf32, #tpu.memory_space<vmem>>
            %parallel_loop3A_856 = tpu.vector_load_idx %parallel_loop3A_855[%add3A_726, %parallel_loop3A_851] : memref<128x128xf32, #tpu.memory_space<vmem>>[vector<16xi32>, vector<16xi32>], vector<16xf32>,
            %parallel_loop3A_857 = arith.constant 112 : i32
            %parallel_loop3A_858 = vector.broadcast %parallel_loop3A_857 : i32 to vector<16xi32>
            %parallel_loop3A_859 = arith.addi %parallel_loop3A_832, %parallel_loop3A_858 : vector<16xi32>
            %parallel_loop3A_860 = arith.constant 0 : i32
            %parallel_loop3A_861 = arith.constant 0 : i32
            %parallel_loop3A_862 = tpu.memref_slice %arg17[%scan3A_577, %parallel_loop3A_860, %parallel_loop3A_861] : memref<2x128x128xf32, #tpu.memory_space<vmem>> -> memref<1x128x128xf32, #tpu.memory_space<vmem>>
            %parallel_loop3A_863 = tpu.memref_squeeze %parallel_loop3A_862 : memref<1x128x128xf32, #tpu.memory_space<vmem>> -> memref<128x128xf32, #tpu.memory_space<vmem>>
            %parallel_loop3A_864 = tpu.vector_load_idx %parallel_loop3A_863[%add3A_726, %parallel_loop3A_859] : memref<128x128xf32, #tpu.memory_space<vmem>>[vector<16xi32>, vector<16xi32>], vector<16xf32>,
            %parallel_loop3A_865 = arith.constant 0 : i32
            %parallel_loop3A_866 = vector.broadcast %parallel_loop3A_865 : i32 to vector<16xi32>
            %parallel_loop3A_867 = arith.addi %parallel_loop3A_832, %parallel_loop3A_866 : vector<16xi32>
            %parallel_loop3A_868 = arith.mulf %exp3A, %parallel_loop3A_840 : vector<16xf32>
            %parallel_loop3A_869 = arith.constant 0 : i32
            %parallel_loop3A_870 = arith.constant 0 : i32
            %parallel_loop3A_871 = tpu.memref_slice %arg18[%scan3A_580, %parallel_loop3A_869, %parallel_loop3A_870] : memref<2x128x64xf32, #tpu.memory_space<vmem>> -> memref<1x128x64xf32, #tpu.memory_space<vmem>>
            %parallel_loop3A_872 = tpu.memref_squeeze %parallel_loop3A_871 : memref<1x128x64xf32, #tpu.memory_space<vmem>> -> memref<128x64xf32, #tpu.memory_space<vmem>>
            tpu.vector_store_idx %parallel_loop3A_872[%add3A_726, %parallel_loop3A_867], %parallel_loop3A_868 : memref<128x64xf32, #tpu.memory_space<vmem>>[vector<16xi32>, vector<16xi32>], vector<16xf32>,
            %parallel_loop3A_873 = arith.constant 16 : i32
            %parallel_loop3A_874 = vector.broadcast %parallel_loop3A_873 : i32 to vector<16xi32>
            %parallel_loop3A_875 = arith.addi %parallel_loop3A_832, %parallel_loop3A_874 : vector<16xi32>
            %parallel_loop3A_876 = arith.mulf %exp3A_769, %parallel_loop3A_848 : vector<16xf32>
            %parallel_loop3A_877 = arith.constant 0 : i32
            %parallel_loop3A_878 = arith.constant 0 : i32
            %parallel_loop3A_879 = tpu.memref_slice %arg18[%scan3A_580, %parallel_loop3A_877, %parallel_loop3A_878] : memref<2x128x64xf32, #tpu.memory_space<vmem>> -> memref<1x128x64xf32, #tpu.memory_space<vmem>>
            %parallel_loop3A_880 = tpu.memref_squeeze %parallel_loop3A_879 : memref<1x128x64xf32, #tpu.memory_space<vmem>> -> memref<128x64xf32, #tpu.memory_space<vmem>>
            tpu.vector_store_idx %parallel_loop3A_880[%add3A_726, %parallel_loop3A_875], %parallel_loop3A_876 : memref<128x64xf32, #tpu.memory_space<vmem>>[vector<16xi32>, vector<16xi32>], vector<16xf32>,
            %parallel_loop3A_881 = arith.constant 32 : i32
            %parallel_loop3A_882 = vector.broadcast %parallel_loop3A_881 : i32 to vector<16xi32>
            %parallel_loop3A_883 = arith.addi %parallel_loop3A_832, %parallel_loop3A_882 : vector<16xi32>
            %parallel_loop3A_884 = arith.mulf %exp3A_793, %parallel_loop3A_856 : vector<16xf32>
            %parallel_loop3A_885 = arith.constant 0 : i32
            %parallel_loop3A_886 = arith.constant 0 : i32
            %parallel_loop3A_887 = tpu.memref_slice %arg18[%scan3A_580, %parallel_loop3A_885, %parallel_loop3A_886] : memref<2x128x64xf32, #tpu.memory_space<vmem>> -> memref<1x128x64xf32, #tpu.memory_space<vmem>>
            %parallel_loop3A_888 = tpu.memref_squeeze %parallel_loop3A_887 : memref<1x128x64xf32, #tpu.memory_space<vmem>> -> memref<128x64xf32, #tpu.memory_space<vmem>>
            tpu.vector_store_idx %parallel_loop3A_888[%add3A_726, %parallel_loop3A_883], %parallel_loop3A_884 : memref<128x64xf32, #tpu.memory_space<vmem>>[vector<16xi32>, vector<16xi32>], vector<16xf32>,
            %parallel_loop3A_889 = arith.constant 48 : i32
            %parallel_loop3A_890 = vector.broadcast %parallel_loop3A_889 : i32 to vector<16xi32>
            %parallel_loop3A_891 = arith.addi %parallel_loop3A_832, %parallel_loop3A_890 : vector<16xi32>
            %parallel_loop3A_892 = arith.mulf %exp3A_817, %parallel_loop3A_864 : vector<16xf32>
            %parallel_loop3A_893 = arith.constant 0 : i32
            %parallel_loop3A_894 = arith.constant 0 : i32
            %parallel_loop3A_895 = tpu.memref_slice %arg18[%scan3A_580, %parallel_loop3A_893, %parallel_loop3A_894] : memref<2x128x64xf32, #tpu.memory_space<vmem>> -> memref<1x128x64xf32, #tpu.memory_space<vmem>>
            %parallel_loop3A_896 = tpu.memref_squeeze %parallel_loop3A_895 : memref<1x128x64xf32, #tpu.memory_space<vmem>> -> memref<128x64xf32, #tpu.memory_space<vmem>>
            tpu.vector_store_idx %parallel_loop3A_896[%add3A_726, %parallel_loop3A_891], %parallel_loop3A_892 : memref<128x64xf32, #tpu.memory_space<vmem>>[vector<16xi32>, vector<16xi32>], vector<16xf32>,
          } {sc.loop_unroll_factor = 4 : i64, sc.parallel_access}
        }
        %scan3A_585 = arith.constant 8 : i32
        %get3A_586 = arith.constant 0 : i32
        %get3A_587 = arith.constant 0 : i32
        %get3A_588 = tpu.memref_slice %arg11[%get3A_586, %get3A_587] : memref<2x128xi32, #tpu.memory_space<vmem>> -> memref<1x128xi32, #tpu.memory_space<vmem>>
        %get3A_589 = tpu.memref_squeeze %get3A_588 : memref<1x128xi32, #tpu.memory_space<vmem>> -> memref<128xi32, #tpu.memory_space<vmem>>
        %get3A_590 = arith.constant 0 : index
        %get3A_591 = tpu.vector_load %get3A_589[%get3A_590] {strides = array<i32>} : memref<128xi32, #tpu.memory_space<vmem>>, vector<16xi32>,
        %swap3A_592 = arith.constant 0 : i32
        %swap3A_593 = arith.constant 0 : i32
        %swap3A_594 = tpu.memref_slice %arg12[%swap3A_592, %swap3A_593] : memref<2x128xi32, #tpu.memory_space<vmem>> -> memref<1x128xi32, #tpu.memory_space<vmem>>
        %swap3A_595 = tpu.memref_squeeze %swap3A_594 : memref<1x128xi32, #tpu.memory_space<vmem>> -> memref<128xi32, #tpu.memory_space<vmem>>
        %swap3A_596 = arith.constant 0 : index
        %swap3A_597 = tpu.vector_load %swap3A_595[%swap3A_596] {strides = array<i32>} : memref<128xi32, #tpu.memory_space<vmem>>, vector<16xi32>,
        tpu.vector_store %swap3A_595[%swap3A_596], %get3A_591 {strides = array<i32>} : memref<128xi32, #tpu.memory_space<vmem>>, vector<16xi32>,
        %get3A_598 = arith.constant 0 : i32
        %get3A_599 = arith.constant 0 : i32
        %get3A_600 = tpu.memref_slice %arg11[%get3A_598, %get3A_599] : memref<2x128xi32, #tpu.memory_space<vmem>> -> memref<1x128xi32, #tpu.memory_space<vmem>>
        %get3A_601 = tpu.memref_squeeze %get3A_600 : memref<1x128xi32, #tpu.memory_space<vmem>> -> memref<128xi32, #tpu.memory_space<vmem>>
        %get3A_602 = arith.constant 16 : index
        %get3A_603 = tpu.vector_load %get3A_601[%get3A_602] {strides = array<i32>} : memref<128xi32, #tpu.memory_space<vmem>>, vector<16xi32>,
        %swap3A_604 = arith.constant 0 : i32
        %swap3A_605 = arith.constant 0 : i32
        %swap3A_606 = tpu.memref_slice %arg12[%swap3A_604, %swap3A_605] : memref<2x128xi32, #tpu.memory_space<vmem>> -> memref<1x128xi32, #tpu.memory_space<vmem>>
        %swap3A_607 = tpu.memref_squeeze %swap3A_606 : memref<1x128xi32, #tpu.memory_space<vmem>> -> memref<128xi32, #tpu.memory_space<vmem>>
        %swap3A_608 = arith.constant 16 : index
        %swap3A_609 = tpu.vector_load %swap3A_607[%swap3A_608] {strides = array<i32>} : memref<128xi32, #tpu.memory_space<vmem>>, vector<16xi32>,
        tpu.vector_store %swap3A_607[%swap3A_608], %get3A_603 {strides = array<i32>} : memref<128xi32, #tpu.memory_space<vmem>>, vector<16xi32>,
        %get3A_610 = arith.constant 0 : i32
        %get3A_611 = arith.constant 0 : i32
        %get3A_612 = tpu.memref_slice %arg11[%get3A_610, %get3A_611] : memref<2x128xi32, #tpu.memory_space<vmem>> -> memref<1x128xi32, #tpu.memory_space<vmem>>
        %get3A_613 = tpu.memref_squeeze %get3A_612 : memref<1x128xi32, #tpu.memory_space<vmem>> -> memref<128xi32, #tpu.memory_space<vmem>>
        %get3A_614 = arith.constant 32 : index
        %get3A_615 = tpu.vector_load %get3A_613[%get3A_614] {strides = array<i32>} : memref<128xi32, #tpu.memory_space<vmem>>, vector<16xi32>,
        %swap3A_616 = arith.constant 0 : i32
        %swap3A_617 = arith.constant 0 : i32
        %swap3A_618 = tpu.memref_slice %arg12[%swap3A_616, %swap3A_617] : memref<2x128xi32, #tpu.memory_space<vmem>> -> memref<1x128xi32, #tpu.memory_space<vmem>>
        %swap3A_619 = tpu.memref_squeeze %swap3A_618 : memref<1x128xi32, #tpu.memory_space<vmem>> -> memref<128xi32, #tpu.memory_space<vmem>>
        %swap3A_620 = arith.constant 32 : index
        %swap3A_621 = tpu.vector_load %swap3A_619[%swap3A_620] {strides = array<i32>} : memref<128xi32, #tpu.memory_space<vmem>>, vector<16xi32>,
        tpu.vector_store %swap3A_619[%swap3A_620], %get3A_615 {strides = array<i32>} : memref<128xi32, #tpu.memory_space<vmem>>, vector<16xi32>,
        %get3A_622 = arith.constant 0 : i32
        %get3A_623 = arith.constant 0 : i32
        %get3A_624 = tpu.memref_slice %arg11[%get3A_622, %get3A_623] : memref<2x128xi32, #tpu.memory_space<vmem>> -> memref<1x128xi32, #tpu.memory_space<vmem>>
        %get3A_625 = tpu.memref_squeeze %get3A_624 : memref<1x128xi32, #tpu.memory_space<vmem>> -> memref<128xi32, #tpu.memory_space<vmem>>
        %get3A_626 = arith.constant 48 : index
        %get3A_627 = tpu.vector_load %get3A_625[%get3A_626] {strides = array<i32>} : memref<128xi32, #tpu.memory_space<vmem>>, vector<16xi32>,
        %swap3A_628 = arith.constant 0 : i32
        %swap3A_629 = arith.constant 0 : i32
        %swap3A_630 = tpu.memref_slice %arg12[%swap3A_628, %swap3A_629] : memref<2x128xi32, #tpu.memory_space<vmem>> -> memref<1x128xi32, #tpu.memory_space<vmem>>
        %swap3A_631 = tpu.memref_squeeze %swap3A_630 : memref<1x128xi32, #tpu.memory_space<vmem>> -> memref<128xi32, #tpu.memory_space<vmem>>
        %swap3A_632 = arith.constant 48 : index
        %swap3A_633 = tpu.vector_load %swap3A_631[%swap3A_632] {strides = array<i32>} : memref<128xi32, #tpu.memory_space<vmem>>, vector<16xi32>,
        tpu.vector_store %swap3A_631[%swap3A_632], %get3A_627 {strides = array<i32>} : memref<128xi32, #tpu.memory_space<vmem>>, vector<16xi32>,
        %get3A_634 = arith.constant 0 : i32
        %get3A_635 = arith.constant 0 : i32
        %get3A_636 = tpu.memref_slice %arg11[%get3A_634, %get3A_635] : memref<2x128xi32, #tpu.memory_space<vmem>> -> memref<1x128xi32, #tpu.memory_space<vmem>>
        %get3A_637 = tpu.memref_squeeze %get3A_636 : memref<1x128xi32, #tpu.memory_space<vmem>> -> memref<128xi32, #tpu.memory_space<vmem>>
        %get3A_638 = arith.constant 64 : index
        %get3A_639 = tpu.vector_load %get3A_637[%get3A_638] {strides = array<i32>} : memref<128xi32, #tpu.memory_space<vmem>>, vector<16xi32>,
        %swap3A_640 = arith.constant 0 : i32
        %swap3A_641 = arith.constant 0 : i32
        %swap3A_642 = tpu.memref_slice %arg12[%swap3A_640, %swap3A_641] : memref<2x128xi32, #tpu.memory_space<vmem>> -> memref<1x128xi32, #tpu.memory_space<vmem>>
        %swap3A_643 = tpu.memref_squeeze %swap3A_642 : memref<1x128xi32, #tpu.memory_space<vmem>> -> memref<128xi32, #tpu.memory_space<vmem>>
        %swap3A_644 = arith.constant 64 : index
        %swap3A_645 = tpu.vector_load %swap3A_643[%swap3A_644] {strides = array<i32>} : memref<128xi32, #tpu.memory_space<vmem>>, vector<16xi32>,
        tpu.vector_store %swap3A_643[%swap3A_644], %get3A_639 {strides = array<i32>} : memref<128xi32, #tpu.memory_space<vmem>>, vector<16xi32>,
        %get3A_646 = arith.constant 0 : i32
        %get3A_647 = arith.constant 0 : i32
        %get3A_648 = tpu.memref_slice %arg11[%get3A_646, %get3A_647] : memref<2x128xi32, #tpu.memory_space<vmem>> -> memref<1x128xi32, #tpu.memory_space<vmem>>
        %get3A_649 = tpu.memref_squeeze %get3A_648 : memref<1x128xi32, #tpu.memory_space<vmem>> -> memref<128xi32, #tpu.memory_space<vmem>>
        %get3A_650 = arith.constant 80 : index
        %get3A_651 = tpu.vector_load %get3A_649[%get3A_650] {strides = array<i32>} : memref<128xi32, #tpu.memory_space<vmem>>, vector<16xi32>,
        %swap3A_652 = arith.constant 0 : i32
        %swap3A_653 = arith.constant 0 : i32
        %swap3A_654 = tpu.memref_slice %arg12[%swap3A_652, %swap3A_653] : memref<2x128xi32, #tpu.memory_space<vmem>> -> memref<1x128xi32, #tpu.memory_space<vmem>>
        %swap3A_655 = tpu.memref_squeeze %swap3A_654 : memref<1x128xi32, #tpu.memory_space<vmem>> -> memref<128xi32, #tpu.memory_space<vmem>>
        %swap3A_656 = arith.constant 80 : index
        %swap3A_657 = tpu.vector_load %swap3A_655[%swap3A_656] {strides = array<i32>} : memref<128xi32, #tpu.memory_space<vmem>>, vector<16xi32>,
        tpu.vector_store %swap3A_655[%swap3A_656], %get3A_651 {strides = array<i32>} : memref<128xi32, #tpu.memory_space<vmem>>, vector<16xi32>,
        %get3A_658 = arith.constant 0 : i32
        %get3A_659 = arith.constant 0 : i32
        %get3A_660 = tpu.memref_slice %arg11[%get3A_658, %get3A_659] : memref<2x128xi32, #tpu.memory_space<vmem>> -> memref<1x128xi32, #tpu.memory_space<vmem>>
        %get3A_661 = tpu.memref_squeeze %get3A_660 : memref<1x128xi32, #tpu.memory_space<vmem>> -> memref<128xi32, #tpu.memory_space<vmem>>
        %get3A_662 = arith.constant 96 : index
        %get3A_663 = tpu.vector_load %get3A_661[%get3A_662] {strides = array<i32>} : memref<128xi32, #tpu.memory_space<vmem>>, vector<16xi32>,
        %swap3A_664 = arith.constant 0 : i32
        %swap3A_665 = arith.constant 0 : i32
        %swap3A_666 = tpu.memref_slice %arg12[%swap3A_664, %swap3A_665] : memref<2x128xi32, #tpu.memory_space<vmem>> -> memref<1x128xi32, #tpu.memory_space<vmem>>
        %swap3A_667 = tpu.memref_squeeze %swap3A_666 : memref<1x128xi32, #tpu.memory_space<vmem>> -> memref<128xi32, #tpu.memory_space<vmem>>
        %swap3A_668 = arith.constant 96 : index
        %swap3A_669 = tpu.vector_load %swap3A_667[%swap3A_668] {strides = array<i32>} : memref<128xi32, #tpu.memory_space<vmem>>, vector<16xi32>,
        tpu.vector_store %swap3A_667[%swap3A_668], %get3A_663 {strides = array<i32>} : memref<128xi32, #tpu.memory_space<vmem>>, vector<16xi32>,
        %get3A_670 = arith.constant 0 : i32
        %get3A_671 = arith.constant 0 : i32
        %get3A_672 = tpu.memref_slice %arg11[%get3A_670, %get3A_671] : memref<2x128xi32, #tpu.memory_space<vmem>> -> memref<1x128xi32, #tpu.memory_space<vmem>>
        %get3A_673 = tpu.memref_squeeze %get3A_672 : memref<1x128xi32, #tpu.memory_space<vmem>> -> memref<128xi32, #tpu.memory_space<vmem>>
        %get3A_674 = arith.constant 112 : index
        %get3A_675 = tpu.vector_load %get3A_673[%get3A_674] {strides = array<i32>} : memref<128xi32, #tpu.memory_space<vmem>>, vector<16xi32>,
        %swap3A_676 = arith.constant 0 : i32
        %swap3A_677 = arith.constant 0 : i32
        %swap3A_678 = tpu.memref_slice %arg12[%swap3A_676, %swap3A_677] : memref<2x128xi32, #tpu.memory_space<vmem>> -> memref<1x128xi32, #tpu.memory_space<vmem>>
        %swap3A_679 = tpu.memref_squeeze %swap3A_678 : memref<1x128xi32, #tpu.memory_space<vmem>> -> memref<128xi32, #tpu.memory_space<vmem>>
        %swap3A_680 = arith.constant 112 : index
        %swap3A_681 = tpu.vector_load %swap3A_679[%swap3A_680] {strides = array<i32>} : memref<128xi32, #tpu.memory_space<vmem>>, vector<16xi32>,
        tpu.vector_store %swap3A_679[%swap3A_680], %get3A_675 {strides = array<i32>} : memref<128xi32, #tpu.memory_space<vmem>>, vector<16xi32>,
        %dma_start3A_682 = arith.constant 0 : i32
        %dma_start3A_683 = arith.constant 0 : i32
        %dma_start3A_684 = arith.constant 0 : i32
        %dma_start3A_685 = arith.constant 0 : i32
        %dma_start3A_686 = arith.constant 0 : i32
        %dma_start3A_687 = tpu.memref_slice %arg18[%dma_start3A_682, %dma_start3A_685, %dma_start3A_686] : memref<2x128x64xf32, #tpu.memory_space<vmem>> -> memref<1x128x64xf32, #tpu.memory_space<vmem>>
        %dma_start3A_688 = tpu.memref_squeeze %dma_start3A_687 : memref<1x128x64xf32, #tpu.memory_space<vmem>> -> memref<128x64xf32, #tpu.memory_space<vmem>>
        %dma_start3A_689 = arith.constant 0 : i32
        %dma_start3A_690 = tpu.memref_slice %arg12[%dma_start3A_683, %dma_start3A_689] : memref<2x128xi32, #tpu.memory_space<vmem>> -> memref<1x128xi32, #tpu.memory_space<vmem>>
        %dma_start3A_691 = tpu.memref_squeeze %dma_start3A_690 : memref<1x128xi32, #tpu.memory_space<vmem>> -> memref<128xi32, #tpu.memory_space<vmem>>
        %dma_start3A_692 = arith.constant 0 : i32
        %dma_start3A_693 = arith.constant 0 : i32
        %dma_start3A_694 = tpu.memref_slice %arg20[%dma_start3A_692, %dma_start3A_693] : memref<10000x64xf32, #tpu.memory_space<vmem_shared>> -> memref<10000x64xf32, #tpu.memory_space<vmem_shared>>
        %dma_start3A_695 = tpu.memref_slice %arg27[%dma_start3A_684] : memref<2x!tpu.dma_semaphore, #tpu.memory_space<semaphore_mem>> -> memref<1x!tpu.dma_semaphore, #tpu.memory_space<semaphore_mem>>
        %dma_start3A_696 = tpu.memref_squeeze %dma_start3A_695 : memref<1x!tpu.dma_semaphore, #tpu.memory_space<semaphore_mem>> -> memref<!tpu.dma_semaphore, #tpu.memory_space<semaphore_mem>>
        tpu.enqueue_indirect_dma source(%dma_start3A_688 : memref<128x64xf32, #tpu.memory_space<vmem>>) target(%dma_start3A_694 : memref<10000x64xf32, #tpu.memory_space<vmem_shared>>) offsets(%dma_start3A_691 : memref<128xi32, #tpu.memory_space<vmem>>) semaphore(%dma_start3A_696 : memref<!tpu.dma_semaphore, #tpu.memory_space<semaphore_mem>>) {add = true}
        %dma_start3A_697 = arith.constant 0 : i32
        %dma_start3A_698 = arith.constant 0 : i32
        %dma_start3A_699 = arith.constant 0 : i32
        %dma_start3A_700 = arith.constant 0 : i32
        %dma_start3A_701 = arith.constant 0 : i32
        %dma_start3A_702 = tpu.memref_slice %arg19[%dma_start3A_697, %dma_start3A_700, %dma_start3A_701] : memref<2x128x8xf32, #tpu.memory_space<vmem>> -> memref<1x128x8xf32, #tpu.memory_space<vmem>>
        %dma_start3A_703 = tpu.memref_squeeze %dma_start3A_702 : memref<1x128x8xf32, #tpu.memory_space<vmem>> -> memref<128x8xf32, #tpu.memory_space<vmem>>
        %dma_start3A_704 = arith.constant 0 : i32
        %dma_start3A_705 = tpu.memref_slice %arg12[%dma_start3A_698, %dma_start3A_704] : memref<2x128xi32, #tpu.memory_space<vmem>> -> memref<1x128xi32, #tpu.memory_space<vmem>>
        %dma_start3A_706 = tpu.memref_squeeze %dma_start3A_705 : memref<1x128xi32, #tpu.memory_space<vmem>> -> memref<128xi32, #tpu.memory_space<vmem>>
        %dma_start3A_707 = arith.constant 0 : i32
        %dma_start3A_708 = arith.constant 0 : i32
        %dma_start3A_709 = tpu.memref_slice %arg21[%dma_start3A_707, %dma_start3A_708] : memref<10000x8xf32, #tpu.memory_space<vmem_shared>> -> memref<10000x8xf32, #tpu.memory_space<vmem_shared>>
        %dma_start3A_710 = tpu.memref_slice %arg28[%dma_start3A_699] : memref<2x!tpu.dma_semaphore, #tpu.memory_space<semaphore_mem>> -> memref<1x!tpu.dma_semaphore, #tpu.memory_space<semaphore_mem>>
        %dma_start3A_711 = tpu.memref_squeeze %dma_start3A_710 : memref<1x!tpu.dma_semaphore, #tpu.memory_space<semaphore_mem>> -> memref<!tpu.dma_semaphore, #tpu.memory_space<semaphore_mem>>
        tpu.enqueue_indirect_dma source(%dma_start3A_703 : memref<128x8xf32, #tpu.memory_space<vmem>>) target(%dma_start3A_709 : memref<10000x8xf32, #tpu.memory_space<vmem_shared>>) offsets(%dma_start3A_706 : memref<128xi32, #tpu.memory_space<vmem>>) semaphore(%dma_start3A_711 : memref<!tpu.dma_semaphore, #tpu.memory_space<semaphore_mem>>) {add = true}
        %add3A_712 = arith.constant 2 : i32
        %add3A_713 = arith.addi %add3A_507, %add3A_712 : i32
        %lt3A_714 = arith.cmpi slt, %add3A_713, %select_n3A : i32
        %convert_element_type3A_715 = arith.extui %lt3A_714 : i1 to i32
        %cond3A_716 = arith.constant 0 : i32
        %cond3A_717 = arith.cmpi ne, %convert_element_type3A_715, %cond3A_716 : i32
        scf.if %cond3A_717 {
          %add3A_718 = arith.constant 2 : i32
          %add3A_719 = arith.addi %add3A_507, %add3A_718 : i32
          %mul3A_720 = arith.constant 128 : i32
          %mul3A_721 = arith.muli %add3A_719, %mul3A_720 : i32
          %add3A_722 = arith.addi %mul3A_9, %mul3A_721 : i32
          %dma_start3A_723 = arith.constant 0 : i32
          %dma_start3A_724 = arith.constant 0 : i32
          %dma_start3A_725 = arith.constant 0 : i32
          %dma_start3A_726 = tpu.memref_slice %arg11[%dma_start3A_723, %dma_start3A_725] : memref<2x128xi32, #tpu.memory_space<vmem>> -> memref<1x128xi32, #tpu.memory_space<vmem>>
          %dma_start3A_727 = tpu.memref_squeeze %dma_start3A_726 : memref<1x128xi32, #tpu.memory_space<vmem>> -> memref<128xi32, #tpu.memory_space<vmem>>
          %dma_start3A_728 = tpu.memref_slice %arg4[%add3A_722] : memref<320000xi32, #tpu.memory_space<hbm>> -> memref<128xi32, #tpu.memory_space<hbm>>
          %dma_start3A_729 = tpu.memref_slice %arg22[%dma_start3A_724] : memref<2x!tpu.dma_semaphore, #tpu.memory_space<semaphore_mem>> -> memref<1x!tpu.dma_semaphore, #tpu.memory_space<semaphore_mem>>
          %dma_start3A_730 = tpu.memref_squeeze %dma_start3A_729 : memref<1x!tpu.dma_semaphore, #tpu.memory_space<semaphore_mem>> -> memref<!tpu.dma_semaphore, #tpu.memory_space<semaphore_mem>>
          %dma_start3A_731 = arith.constant 0 : i32
          %dma_start3A_732 = tpu.memref_slice %arg11[%dma_start3A_723, %dma_start3A_731] : memref<2x128xi32, #tpu.memory_space<vmem>> -> memref<1x128xi32, #tpu.memory_space<vmem>>
          %dma_start3A_733 = tpu.memref_squeeze %dma_start3A_732 : memref<1x128xi32, #tpu.memory_space<vmem>> -> memref<128xi32, #tpu.memory_space<vmem>>
          %dma_start3A_734 = tpu.memref_slice %arg4[%add3A_722] : memref<320000xi32, #tpu.memory_space<hbm>> -> memref<128xi32, #tpu.memory_space<hbm>>
          tpu.enqueue_dma source(%dma_start3A_734 : memref<128xi32, #tpu.memory_space<hbm>>) target(%dma_start3A_733 : memref<128xi32, #tpu.memory_space<vmem>>) target_semaphore(%dma_start3A_730 : memref<!tpu.dma_semaphore, #tpu.memory_space<semaphore_mem>>)
          %dma_start3A_735 = arith.constant 0 : i32
          %dma_start3A_736 = arith.constant 0 : i32
          %dma_start3A_737 = arith.constant 0 : i32
          %dma_start3A_738 = tpu.memref_slice %arg14[%dma_start3A_735, %dma_start3A_737] : memref<2x128xi32, #tpu.memory_space<vmem>> -> memref<1x128xi32, #tpu.memory_space<vmem>>
          %dma_start3A_739 = tpu.memref_squeeze %dma_start3A_738 : memref<1x128xi32, #tpu.memory_space<vmem>> -> memref<128xi32, #tpu.memory_space<vmem>>
          %dma_start3A_740 = tpu.memref_slice %arg5[%add3A_722] : memref<320000xi32, #tpu.memory_space<hbm>> -> memref<128xi32, #tpu.memory_space<hbm>>
          %dma_start3A_741 = tpu.memref_slice %arg23[%dma_start3A_736] : memref<2x!tpu.dma_semaphore, #tpu.memory_space<semaphore_mem>> -> memref<1x!tpu.dma_semaphore, #tpu.memory_space<semaphore_mem>>
          %dma_start3A_742 = tpu.memref_squeeze %dma_start3A_741 : memref<1x!tpu.dma_semaphore, #tpu.memory_space<semaphore_mem>> -> memref<!tpu.dma_semaphore, #tpu.memory_space<semaphore_mem>>
          %dma_start3A_743 = arith.constant 0 : i32
          %dma_start3A_744 = tpu.memref_slice %arg14[%dma_start3A_735, %dma_start3A_743] : memref<2x128xi32, #tpu.memory_space<vmem>> -> memref<1x128xi32, #tpu.memory_space<vmem>>
          %dma_start3A_745 = tpu.memref_squeeze %dma_start3A_744 : memref<1x128xi32, #tpu.memory_space<vmem>> -> memref<128xi32, #tpu.memory_space<vmem>>
          %dma_start3A_746 = tpu.memref_slice %arg5[%add3A_722] : memref<320000xi32, #tpu.memory_space<hbm>> -> memref<128xi32, #tpu.memory_space<hbm>>
          tpu.enqueue_dma source(%dma_start3A_746 : memref<128xi32, #tpu.memory_space<hbm>>) target(%dma_start3A_745 : memref<128xi32, #tpu.memory_space<vmem>>) target_semaphore(%dma_start3A_742 : memref<!tpu.dma_semaphore, #tpu.memory_space<semaphore_mem>>)
          %dma_start3A_747 = arith.constant 0 : i32
          %dma_start3A_748 = arith.constant 0 : i32
          %dma_start3A_749 = arith.constant 0 : i32
          %dma_start3A_750 = arith.constant 0 : i32
          %dma_start3A_751 = tpu.memref_slice %arg15[%dma_start3A_747, %dma_start3A_749, %dma_start3A_750] : memref<2x128x8xf32, #tpu.memory_space<vmem>> -> memref<1x128x8xf32, #tpu.memory_space<vmem>>
          %dma_start3A_752 = tpu.memref_squeeze %dma_start3A_751 : memref<1x128x8xf32, #tpu.memory_space<vmem>> -> memref<128x8xf32, #tpu.memory_space<vmem>>
          %dma_start3A_753 = arith.constant 0 : i32
          %dma_start3A_754 = tpu.memref_slice %arg6[%add3A_722, %dma_start3A_753] : memref<320000x8xf32, #tpu.memory_space<hbm>> -> memref<128x8xf32, #tpu.memory_space<hbm>>
          %dma_start3A_755 = tpu.memref_slice %arg24[%dma_start3A_748] : memref<2x!tpu.dma_semaphore, #tpu.memory_space<semaphore_mem>> -> memref<1x!tpu.dma_semaphore, #tpu.memory_space<semaphore_mem>>
          %dma_start3A_756 = tpu.memref_squeeze %dma_start3A_755 : memref<1x!tpu.dma_semaphore, #tpu.memory_space<semaphore_mem>> -> memref<!tpu.dma_semaphore, #tpu.memory_space<semaphore_mem>>
          %dma_start3A_757 = arith.constant 0 : i32
          %dma_start3A_758 = arith.constant 0 : i32
          %dma_start3A_759 = tpu.memref_slice %arg15[%dma_start3A_747, %dma_start3A_757, %dma_start3A_758] : memref<2x128x8xf32, #tpu.memory_space<vmem>> -> memref<1x128x8xf32, #tpu.memory_space<vmem>>
          %dma_start3A_760 = tpu.memref_squeeze %dma_start3A_759 : memref<1x128x8xf32, #tpu.memory_space<vmem>> -> memref<128x8xf32, #tpu.memory_space<vmem>>
          %dma_start3A_761 = arith.constant 0 : i32
          %dma_start3A_762 = tpu.memref_slice %arg6[%add3A_722, %dma_start3A_761] : memref<320000x8xf32, #tpu.memory_space<hbm>> -> memref<128x8xf32, #tpu.memory_space<hbm>>
          tpu.enqueue_dma source(%dma_start3A_762 : memref<128x8xf32, #tpu.memory_space<hbm>>) target(%dma_start3A_760 : memref<128x8xf32, #tpu.memory_space<vmem>>) target_semaphore(%dma_start3A_756 : memref<!tpu.dma_semaphore, #tpu.memory_space<semaphore_mem>>)
        } else {
        }
      } else {
      }
      %add3A_512 = arith.constant 1 : i32
      %add3A_513 = arith.addi %add3A_505, %add3A_512 : i32
      %lt3A_514 = arith.cmpi slt, %add3A_513, %select_n3A : i32
      %convert_element_type3A_515 = arith.extui %lt3A_514 : i1 to i32
      %cond3A_516 = arith.constant 0 : i32
      %cond3A_517 = arith.cmpi ne, %convert_element_type3A_515, %cond3A_516 : i32
      scf.if %cond3A_517 {
        %add3A_518 = arith.constant 1 : i32
        %add3A_519 = arith.addi %add3A_513, %add3A_518 : i32
        %lt3A_520 = arith.cmpi slt, %add3A_519, %select_n3A : i32
        %convert_element_type3A_521 = arith.extui %lt3A_520 : i1 to i32
        %cond3A_522 = arith.constant 0 : i32
        %cond3A_523 = arith.cmpi ne, %convert_element_type3A_521, %cond3A_522 : i32
        scf.if %cond3A_523 {
          %dma_wait3A_718 = arith.constant 0 : i32
          %dma_wait3A_719 = arith.constant 0 : i32
          %dma_wait3A_720 = arith.constant 0 : i32
          %dma_wait3A_721 = tpu.memref_slice %arg11[%dma_wait3A_718, %dma_wait3A_720] : memref<2x128xi32, #tpu.memory_space<vmem>> -> memref<1x128xi32, #tpu.memory_space<vmem>>
          %dma_wait3A_722 = tpu.memref_squeeze %dma_wait3A_721 : memref<1x128xi32, #tpu.memory_space<vmem>> -> memref<128xi32, #tpu.memory_space<vmem>>
          %dma_wait3A_723 = arith.constant 0 : i32
          %dma_wait3A_724 = tpu.memref_slice %arg4[%dma_wait3A_723] : memref<320000xi32, #tpu.memory_space<hbm>> -> memref<128xi32, #tpu.memory_space<hbm>>
          %dma_wait3A_725 = tpu.memref_slice %arg22[%dma_wait3A_719] : memref<2x!tpu.dma_semaphore, #tpu.memory_space<semaphore_mem>> -> memref<1x!tpu.dma_semaphore, #tpu.memory_space<semaphore_mem>>
          %dma_wait3A_726 = tpu.memref_squeeze %dma_wait3A_725 : memref<1x!tpu.dma_semaphore, #tpu.memory_space<semaphore_mem>> -> memref<!tpu.dma_semaphore, #tpu.memory_space<semaphore_mem>>
          %dma_wait3A_727 = arith.constant 0 : i32
          %dma_wait3A_728 = tpu.memref_slice %arg11[%dma_wait3A_718, %dma_wait3A_727] : memref<2x128xi32, #tpu.memory_space<vmem>> -> memref<1x128xi32, #tpu.memory_space<vmem>>
          %dma_wait3A_729 = tpu.memref_squeeze %dma_wait3A_728 : memref<1x128xi32, #tpu.memory_space<vmem>> -> memref<128xi32, #tpu.memory_space<vmem>>
          %dma_wait3A_730 = arith.constant 0 : i32
          %dma_wait3A_731 = tpu.memref_slice %arg4[%dma_wait3A_730] : memref<320000xi32, #tpu.memory_space<hbm>> -> memref<128xi32, #tpu.memory_space<hbm>>
          tpu.wait_dma2 semaphore(%dma_wait3A_726 : memref<!tpu.dma_semaphore, #tpu.memory_space<semaphore_mem>>) src(%dma_wait3A_731 : memref<128xi32, #tpu.memory_space<hbm>>) dst(%dma_wait3A_729 : memref<128xi32, #tpu.memory_space<vmem>>)
          %dma_wait3A_732 = arith.constant 0 : i32
          %dma_wait3A_733 = arith.constant 0 : i32
          %dma_wait3A_734 = arith.constant 0 : i32
          %dma_wait3A_735 = tpu.memref_slice %arg14[%dma_wait3A_732, %dma_wait3A_734] : memref<2x128xi32, #tpu.memory_space<vmem>> -> memref<1x128xi32, #tpu.memory_space<vmem>>
          %dma_wait3A_736 = tpu.memref_squeeze %dma_wait3A_735 : memref<1x128xi32, #tpu.memory_space<vmem>> -> memref<128xi32, #tpu.memory_space<vmem>>
          %dma_wait3A_737 = arith.constant 0 : i32
          %dma_wait3A_738 = tpu.memref_slice %arg5[%dma_wait3A_737] : memref<320000xi32, #tpu.memory_space<hbm>> -> memref<128xi32, #tpu.memory_space<hbm>>
          %dma_wait3A_739 = tpu.memref_slice %arg23[%dma_wait3A_733] : memref<2x!tpu.dma_semaphore, #tpu.memory_space<semaphore_mem>> -> memref<1x!tpu.dma_semaphore, #tpu.memory_space<semaphore_mem>>
          %dma_wait3A_740 = tpu.memref_squeeze %dma_wait3A_739 : memref<1x!tpu.dma_semaphore, #tpu.memory_space<semaphore_mem>> -> memref<!tpu.dma_semaphore, #tpu.memory_space<semaphore_mem>>
          %dma_wait3A_741 = arith.constant 0 : i32
          %dma_wait3A_742 = tpu.memref_slice %arg14[%dma_wait3A_732, %dma_wait3A_741] : memref<2x128xi32, #tpu.memory_space<vmem>> -> memref<1x128xi32, #tpu.memory_space<vmem>>
          %dma_wait3A_743 = tpu.memref_squeeze %dma_wait3A_742 : memref<1x128xi32, #tpu.memory_space<vmem>> -> memref<128xi32, #tpu.memory_space<vmem>>
          %dma_wait3A_744 = arith.constant 0 : i32
          %dma_wait3A_745 = tpu.memref_slice %arg5[%dma_wait3A_744] : memref<320000xi32, #tpu.memory_space<hbm>> -> memref<128xi32, #tpu.memory_space<hbm>>
          tpu.wait_dma2 semaphore(%dma_wait3A_740 : memref<!tpu.dma_semaphore, #tpu.memory_space<semaphore_mem>>) src(%dma_wait3A_745 : memref<128xi32, #tpu.memory_space<hbm>>) dst(%dma_wait3A_743 : memref<128xi32, #tpu.memory_space<vmem>>)
          %get3A_746 = arith.constant 0 : i32
          %get3A_747 = arith.constant 0 : i32
          %get3A_748 = tpu.memref_slice %arg11[%get3A_746, %get3A_747] : memref<2x128xi32, #tpu.memory_space<vmem>> -> memref<1x128xi32, #tpu.memory_space<vmem>>
          %get3A_749 = tpu.memref_squeeze %get3A_748 : memref<1x128xi32, #tpu.memory_space<vmem>> -> memref<128xi32, #tpu.memory_space<vmem>>
          %get3A_750 = arith.constant 0 : index
          %get3A_751 = tpu.vector_load %get3A_749[%get3A_750] {strides = array<i32>} : memref<128xi32, #tpu.memory_space<vmem>>, vector<16xi32>,
          %add3A_752 = vector.broadcast %mul3A_11 : i32 to vector<16xi32>
          %add3A_753 = arith.addi %get3A_751, %add3A_752 : vector<16xi32>
          %swap3A_754 = arith.constant 0 : i32
          %swap3A_755 = arith.constant 0 : i32
          %swap3A_756 = tpu.memref_slice %arg13[%swap3A_754, %swap3A_755] : memref<2x128xi32, #tpu.memory_space<vmem>> -> memref<1x128xi32, #tpu.memory_space<vmem>>
          %swap3A_757 = tpu.memref_squeeze %swap3A_756 : memref<1x128xi32, #tpu.memory_space<vmem>> -> memref<128xi32, #tpu.memory_space<vmem>>
          %swap3A_758 = arith.constant 0 : index
          %swap3A_759 = tpu.vector_load %swap3A_757[%swap3A_758] {strides = array<i32>} : memref<128xi32, #tpu.memory_space<vmem>>, vector<16xi32>,
          tpu.vector_store %swap3A_757[%swap3A_758], %add3A_753 {strides = array<i32>} : memref<128xi32, #tpu.memory_space<vmem>>, vector<16xi32>,
          %get3A_760 = arith.constant 0 : i32
          %get3A_761 = arith.constant 0 : i32
          %get3A_762 = tpu.memref_slice %arg14[%get3A_760, %get3A_761] : memref<2x128xi32, #tpu.memory_space<vmem>> -> memref<1x128xi32, #tpu.memory_space<vmem>>
          %get3A_763 = tpu.memref_squeeze %get3A_762 : memref<1x128xi32, #tpu.memory_space<vmem>> -> memref<128xi32, #tpu.memory_space<vmem>>
          %get3A_764 = arith.constant 0 : index
          %get3A_765 = tpu.vector_load %get3A_763[%get3A_764] {strides = array<i32>} : memref<128xi32, #tpu.memory_space<vmem>>, vector<16xi32>,
          %add3A_766 = vector.broadcast %mul3A_11 : i32 to vector<16xi32>
          %add3A_767 = arith.addi %get3A_765, %add3A_766 : vector<16xi32>
          %swap3A_768 = arith.constant 0 : i32
          %swap3A_769 = arith.constant 0 : i32
          %swap3A_770 = tpu.memref_slice %arg14[%swap3A_768, %swap3A_769] : memref<2x128xi32, #tpu.memory_space<vmem>> -> memref<1x128xi32, #tpu.memory_space<vmem>>
          %swap3A_771 = tpu.memref_squeeze %swap3A_770 : memref<1x128xi32, #tpu.memory_space<vmem>> -> memref<128xi32, #tpu.memory_space<vmem>>
          %swap3A_772 = arith.constant 0 : index
          %swap3A_773 = tpu.vector_load %swap3A_771[%swap3A_772] {strides = array<i32>} : memref<128xi32, #tpu.memory_space<vmem>>, vector<16xi32>,
          tpu.vector_store %swap3A_771[%swap3A_772], %add3A_767 {strides = array<i32>} : memref<128xi32, #tpu.memory_space<vmem>>, vector<16xi32>,
          %get3A_774 = arith.constant 0 : i32
          %get3A_775 = arith.constant 0 : i32
          %get3A_776 = tpu.memref_slice %arg11[%get3A_774, %get3A_775] : memref<2x128xi32, #tpu.memory_space<vmem>> -> memref<1x128xi32, #tpu.memory_space<vmem>>
          %get3A_777 = tpu.memref_squeeze %get3A_776 : memref<1x128xi32, #tpu.memory_space<vmem>> -> memref<128xi32, #tpu.memory_space<vmem>>
          %get3A_778 = arith.constant 16 : index
          %get3A_779 = tpu.vector_load %get3A_777[%get3A_778] {strides = array<i32>} : memref<128xi32, #tpu.memory_space<vmem>>, vector<16xi32>,
          %add3A_780 = vector.broadcast %mul3A_11 : i32 to vector<16xi32>
          %add3A_781 = arith.addi %get3A_779, %add3A_780 : vector<16xi32>
          %swap3A_782 = arith.constant 0 : i32
          %swap3A_783 = arith.constant 0 : i32
          %swap3A_784 = tpu.memref_slice %arg13[%swap3A_782, %swap3A_783] : memref<2x128xi32, #tpu.memory_space<vmem>> -> memref<1x128xi32, #tpu.memory_space<vmem>>
          %swap3A_785 = tpu.memref_squeeze %swap3A_784 : memref<1x128xi32, #tpu.memory_space<vmem>> -> memref<128xi32, #tpu.memory_space<vmem>>
          %swap3A_786 = arith.constant 16 : index
          %swap3A_787 = tpu.vector_load %swap3A_785[%swap3A_786] {strides = array<i32>} : memref<128xi32, #tpu.memory_space<vmem>>, vector<16xi32>,
          tpu.vector_store %swap3A_785[%swap3A_786], %add3A_781 {strides = array<i32>} : memref<128xi32, #tpu.memory_space<vmem>>, vector<16xi32>,
          %get3A_788 = arith.constant 0 : i32
          %get3A_789 = arith.constant 0 : i32
          %get3A_790 = tpu.memref_slice %arg14[%get3A_788, %get3A_789] : memref<2x128xi32, #tpu.memory_space<vmem>> -> memref<1x128xi32, #tpu.memory_space<vmem>>
          %get3A_791 = tpu.memref_squeeze %get3A_790 : memref<1x128xi32, #tpu.memory_space<vmem>> -> memref<128xi32, #tpu.memory_space<vmem>>
          %get3A_792 = arith.constant 16 : index
          %get3A_793 = tpu.vector_load %get3A_791[%get3A_792] {strides = array<i32>} : memref<128xi32, #tpu.memory_space<vmem>>, vector<16xi32>,
          %add3A_794 = vector.broadcast %mul3A_11 : i32 to vector<16xi32>
          %add3A_795 = arith.addi %get3A_793, %add3A_794 : vector<16xi32>
          %swap3A_796 = arith.constant 0 : i32
          %swap3A_797 = arith.constant 0 : i32
          %swap3A_798 = tpu.memref_slice %arg14[%swap3A_796, %swap3A_797] : memref<2x128xi32, #tpu.memory_space<vmem>> -> memref<1x128xi32, #tpu.memory_space<vmem>>
          %swap3A_799 = tpu.memref_squeeze %swap3A_798 : memref<1x128xi32, #tpu.memory_space<vmem>> -> memref<128xi32, #tpu.memory_space<vmem>>
          %swap3A_800 = arith.constant 16 : index
          %swap3A_801 = tpu.vector_load %swap3A_799[%swap3A_800] {strides = array<i32>} : memref<128xi32, #tpu.memory_space<vmem>>, vector<16xi32>,
          tpu.vector_store %swap3A_799[%swap3A_800], %add3A_795 {strides = array<i32>} : memref<128xi32, #tpu.memory_space<vmem>>, vector<16xi32>,
          %get3A_802 = arith.constant 0 : i32
          %get3A_803 = arith.constant 0 : i32
          %get3A_804 = tpu.memref_slice %arg11[%get3A_802, %get3A_803] : memref<2x128xi32, #tpu.memory_space<vmem>> -> memref<1x128xi32, #tpu.memory_space<vmem>>
          %get3A_805 = tpu.memref_squeeze %get3A_804 : memref<1x128xi32, #tpu.memory_space<vmem>> -> memref<128xi32, #tpu.memory_space<vmem>>
          %get3A_806 = arith.constant 32 : index
          %get3A_807 = tpu.vector_load %get3A_805[%get3A_806] {strides = array<i32>} : memref<128xi32, #tpu.memory_space<vmem>>, vector<16xi32>,
          %add3A_808 = vector.broadcast %mul3A_11 : i32 to vector<16xi32>
          %add3A_809 = arith.addi %get3A_807, %add3A_808 : vector<16xi32>
          %swap3A_810 = arith.constant 0 : i32
          %swap3A_811 = arith.constant 0 : i32
          %swap3A_812 = tpu.memref_slice %arg13[%swap3A_810, %swap3A_811] : memref<2x128xi32, #tpu.memory_space<vmem>> -> memref<1x128xi32, #tpu.memory_space<vmem>>
          %swap3A_813 = tpu.memref_squeeze %swap3A_812 : memref<1x128xi32, #tpu.memory_space<vmem>> -> memref<128xi32, #tpu.memory_space<vmem>>
          %swap3A_814 = arith.constant 32 : index
          %swap3A_815 = tpu.vector_load %swap3A_813[%swap3A_814] {strides = array<i32>} : memref<128xi32, #tpu.memory_space<vmem>>, vector<16xi32>,
          tpu.vector_store %swap3A_813[%swap3A_814], %add3A_809 {strides = array<i32>} : memref<128xi32, #tpu.memory_space<vmem>>, vector<16xi32>,
          %get3A_816 = arith.constant 0 : i32
          %get3A_817 = arith.constant 0 : i32
          %get3A_818 = tpu.memref_slice %arg14[%get3A_816, %get3A_817] : memref<2x128xi32, #tpu.memory_space<vmem>> -> memref<1x128xi32, #tpu.memory_space<vmem>>
          %get3A_819 = tpu.memref_squeeze %get3A_818 : memref<1x128xi32, #tpu.memory_space<vmem>> -> memref<128xi32, #tpu.memory_space<vmem>>
          %get3A_820 = arith.constant 32 : index
          %get3A_821 = tpu.vector_load %get3A_819[%get3A_820] {strides = array<i32>} : memref<128xi32, #tpu.memory_space<vmem>>, vector<16xi32>,
          %add3A_822 = vector.broadcast %mul3A_11 : i32 to vector<16xi32>
          %add3A_823 = arith.addi %get3A_821, %add3A_822 : vector<16xi32>
          %swap3A_824 = arith.constant 0 : i32
          %swap3A_825 = arith.constant 0 : i32
          %swap3A_826 = tpu.memref_slice %arg14[%swap3A_824, %swap3A_825] : memref<2x128xi32, #tpu.memory_space<vmem>> -> memref<1x128xi32, #tpu.memory_space<vmem>>
          %swap3A_827 = tpu.memref_squeeze %swap3A_826 : memref<1x128xi32, #tpu.memory_space<vmem>> -> memref<128xi32, #tpu.memory_space<vmem>>
          %swap3A_828 = arith.constant 32 : index
          %swap3A_829 = tpu.vector_load %swap3A_827[%swap3A_828] {strides = array<i32>} : memref<128xi32, #tpu.memory_space<vmem>>, vector<16xi32>,
          tpu.vector_store %swap3A_827[%swap3A_828], %add3A_823 {strides = array<i32>} : memref<128xi32, #tpu.memory_space<vmem>>, vector<16xi32>,
          %get3A_830 = arith.constant 0 : i32
          %get3A_831 = arith.constant 0 : i32
          %get3A_832 = tpu.memref_slice %arg11[%get3A_830, %get3A_831] : memref<2x128xi32, #tpu.memory_space<vmem>> -> memref<1x128xi32, #tpu.memory_space<vmem>>
          %get3A_833 = tpu.memref_squeeze %get3A_832 : memref<1x128xi32, #tpu.memory_space<vmem>> -> memref<128xi32, #tpu.memory_space<vmem>>
          %get3A_834 = arith.constant 48 : index
          %get3A_835 = tpu.vector_load %get3A_833[%get3A_834] {strides = array<i32>} : memref<128xi32, #tpu.memory_space<vmem>>, vector<16xi32>,
          %add3A_836 = vector.broadcast %mul3A_11 : i32 to vector<16xi32>
          %add3A_837 = arith.addi %get3A_835, %add3A_836 : vector<16xi32>
          %swap3A_838 = arith.constant 0 : i32
          %swap3A_839 = arith.constant 0 : i32
          %swap3A_840 = tpu.memref_slice %arg13[%swap3A_838, %swap3A_839] : memref<2x128xi32, #tpu.memory_space<vmem>> -> memref<1x128xi32, #tpu.memory_space<vmem>>
          %swap3A_841 = tpu.memref_squeeze %swap3A_840 : memref<1x128xi32, #tpu.memory_space<vmem>> -> memref<128xi32, #tpu.memory_space<vmem>>
          %swap3A_842 = arith.constant 48 : index
          %swap3A_843 = tpu.vector_load %swap3A_841[%swap3A_842] {strides = array<i32>} : memref<128xi32, #tpu.memory_space<vmem>>, vector<16xi32>,
          tpu.vector_store %swap3A_841[%swap3A_842], %add3A_837 {strides = array<i32>} : memref<128xi32, #tpu.memory_space<vmem>>, vector<16xi32>,
          %get3A_844 = arith.constant 0 : i32
          %get3A_845 = arith.constant 0 : i32
          %get3A_846 = tpu.memref_slice %arg14[%get3A_844, %get3A_845] : memref<2x128xi32, #tpu.memory_space<vmem>> -> memref<1x128xi32, #tpu.memory_space<vmem>>
          %get3A_847 = tpu.memref_squeeze %get3A_846 : memref<1x128xi32, #tpu.memory_space<vmem>> -> memref<128xi32, #tpu.memory_space<vmem>>
          %get3A_848 = arith.constant 48 : index
          %get3A_849 = tpu.vector_load %get3A_847[%get3A_848] {strides = array<i32>} : memref<128xi32, #tpu.memory_space<vmem>>, vector<16xi32>,
          %add3A_850 = vector.broadcast %mul3A_11 : i32 to vector<16xi32>
          %add3A_851 = arith.addi %get3A_849, %add3A_850 : vector<16xi32>
          %swap3A_852 = arith.constant 0 : i32
          %swap3A_853 = arith.constant 0 : i32
          %swap3A_854 = tpu.memref_slice %arg14[%swap3A_852, %swap3A_853] : memref<2x128xi32, #tpu.memory_space<vmem>> -> memref<1x128xi32, #tpu.memory_space<vmem>>
          %swap3A_855 = tpu.memref_squeeze %swap3A_854 : memref<1x128xi32, #tpu.memory_space<vmem>> -> memref<128xi32, #tpu.memory_space<vmem>>
          %swap3A_856 = arith.constant 48 : index
          %swap3A_857 = tpu.vector_load %swap3A_855[%swap3A_856] {strides = array<i32>} : memref<128xi32, #tpu.memory_space<vmem>>, vector<16xi32>,
          tpu.vector_store %swap3A_855[%swap3A_856], %add3A_851 {strides = array<i32>} : memref<128xi32, #tpu.memory_space<vmem>>, vector<16xi32>,
          %get3A_858 = arith.constant 0 : i32
          %get3A_859 = arith.constant 0 : i32
          %get3A_860 = tpu.memref_slice %arg11[%get3A_858, %get3A_859] : memref<2x128xi32, #tpu.memory_space<vmem>> -> memref<1x128xi32, #tpu.memory_space<vmem>>
          %get3A_861 = tpu.memref_squeeze %get3A_860 : memref<1x128xi32, #tpu.memory_space<vmem>> -> memref<128xi32, #tpu.memory_space<vmem>>
          %get3A_862 = arith.constant 64 : index
          %get3A_863 = tpu.vector_load %get3A_861[%get3A_862] {strides = array<i32>} : memref<128xi32, #tpu.memory_space<vmem>>, vector<16xi32>,
          %add3A_864 = vector.broadcast %mul3A_11 : i32 to vector<16xi32>
          %add3A_865 = arith.addi %get3A_863, %add3A_864 : vector<16xi32>
          %swap3A_866 = arith.constant 0 : i32
          %swap3A_867 = arith.constant 0 : i32
          %swap3A_868 = tpu.memref_slice %arg13[%swap3A_866, %swap3A_867] : memref<2x128xi32, #tpu.memory_space<vmem>> -> memref<1x128xi32, #tpu.memory_space<vmem>>
          %swap3A_869 = tpu.memref_squeeze %swap3A_868 : memref<1x128xi32, #tpu.memory_space<vmem>> -> memref<128xi32, #tpu.memory_space<vmem>>
          %swap3A_870 = arith.constant 64 : index
          %swap3A_871 = tpu.vector_load %swap3A_869[%swap3A_870] {strides = array<i32>} : memref<128xi32, #tpu.memory_space<vmem>>, vector<16xi32>,
          tpu.vector_store %swap3A_869[%swap3A_870], %add3A_865 {strides = array<i32>} : memref<128xi32, #tpu.memory_space<vmem>>, vector<16xi32>,
          %get3A_872 = arith.constant 0 : i32
          %get3A_873 = arith.constant 0 : i32
          %get3A_874 = tpu.memref_slice %arg14[%get3A_872, %get3A_873] : memref<2x128xi32, #tpu.memory_space<vmem>> -> memref<1x128xi32, #tpu.memory_space<vmem>>
          %get3A_875 = tpu.memref_squeeze %get3A_874 : memref<1x128xi32, #tpu.memory_space<vmem>> -> memref<128xi32, #tpu.memory_space<vmem>>
          %get3A_876 = arith.constant 64 : index
          %get3A_877 = tpu.vector_load %get3A_875[%get3A_876] {strides = array<i32>} : memref<128xi32, #tpu.memory_space<vmem>>, vector<16xi32>,
          %add3A_878 = vector.broadcast %mul3A_11 : i32 to vector<16xi32>
          %add3A_879 = arith.addi %get3A_877, %add3A_878 : vector<16xi32>
          %swap3A_880 = arith.constant 0 : i32
          %swap3A_881 = arith.constant 0 : i32
          %swap3A_882 = tpu.memref_slice %arg14[%swap3A_880, %swap3A_881] : memref<2x128xi32, #tpu.memory_space<vmem>> -> memref<1x128xi32, #tpu.memory_space<vmem>>
          %swap3A_883 = tpu.memref_squeeze %swap3A_882 : memref<1x128xi32, #tpu.memory_space<vmem>> -> memref<128xi32, #tpu.memory_space<vmem>>
          %swap3A_884 = arith.constant 64 : index
          %swap3A_885 = tpu.vector_load %swap3A_883[%swap3A_884] {strides = array<i32>} : memref<128xi32, #tpu.memory_space<vmem>>, vector<16xi32>,
          tpu.vector_store %swap3A_883[%swap3A_884], %add3A_879 {strides = array<i32>} : memref<128xi32, #tpu.memory_space<vmem>>, vector<16xi32>,
          %get3A_886 = arith.constant 0 : i32
          %get3A_887 = arith.constant 0 : i32
          %get3A_888 = tpu.memref_slice %arg11[%get3A_886, %get3A_887] : memref<2x128xi32, #tpu.memory_space<vmem>> -> memref<1x128xi32, #tpu.memory_space<vmem>>
          %get3A_889 = tpu.memref_squeeze %get3A_888 : memref<1x128xi32, #tpu.memory_space<vmem>> -> memref<128xi32, #tpu.memory_space<vmem>>
          %get3A_890 = arith.constant 80 : index
          %get3A_891 = tpu.vector_load %get3A_889[%get3A_890] {strides = array<i32>} : memref<128xi32, #tpu.memory_space<vmem>>, vector<16xi32>,
          %add3A_892 = vector.broadcast %mul3A_11 : i32 to vector<16xi32>
          %add3A_893 = arith.addi %get3A_891, %add3A_892 : vector<16xi32>
          %swap3A_894 = arith.constant 0 : i32
          %swap3A_895 = arith.constant 0 : i32
          %swap3A_896 = tpu.memref_slice %arg13[%swap3A_894, %swap3A_895] : memref<2x128xi32, #tpu.memory_space<vmem>> -> memref<1x128xi32, #tpu.memory_space<vmem>>
          %swap3A_897 = tpu.memref_squeeze %swap3A_896 : memref<1x128xi32, #tpu.memory_space<vmem>> -> memref<128xi32, #tpu.memory_space<vmem>>
          %swap3A_898 = arith.constant 80 : index
          %swap3A_899 = tpu.vector_load %swap3A_897[%swap3A_898] {strides = array<i32>} : memref<128xi32, #tpu.memory_space<vmem>>, vector<16xi32>,
          tpu.vector_store %swap3A_897[%swap3A_898], %add3A_893 {strides = array<i32>} : memref<128xi32, #tpu.memory_space<vmem>>, vector<16xi32>,
          %get3A_900 = arith.constant 0 : i32
          %get3A_901 = arith.constant 0 : i32
          %get3A_902 = tpu.memref_slice %arg14[%get3A_900, %get3A_901] : memref<2x128xi32, #tpu.memory_space<vmem>> -> memref<1x128xi32, #tpu.memory_space<vmem>>
          %get3A_903 = tpu.memref_squeeze %get3A_902 : memref<1x128xi32, #tpu.memory_space<vmem>> -> memref<128xi32, #tpu.memory_space<vmem>>
          %get3A_904 = arith.constant 80 : index
          %get3A_905 = tpu.vector_load %get3A_903[%get3A_904] {strides = array<i32>} : memref<128xi32, #tpu.memory_space<vmem>>, vector<16xi32>,
          %add3A_906 = vector.broadcast %mul3A_11 : i32 to vector<16xi32>
          %add3A_907 = arith.addi %get3A_905, %add3A_906 : vector<16xi32>
          %swap3A_908 = arith.constant 0 : i32
          %swap3A_909 = arith.constant 0 : i32
          %swap3A_910 = tpu.memref_slice %arg14[%swap3A_908, %swap3A_909] : memref<2x128xi32, #tpu.memory_space<vmem>> -> memref<1x128xi32, #tpu.memory_space<vmem>>
          %swap3A_911 = tpu.memref_squeeze %swap3A_910 : memref<1x128xi32, #tpu.memory_space<vmem>> -> memref<128xi32, #tpu.memory_space<vmem>>
          %swap3A_912 = arith.constant 80 : index
          %swap3A_913 = tpu.vector_load %swap3A_911[%swap3A_912] {strides = array<i32>} : memref<128xi32, #tpu.memory_space<vmem>>, vector<16xi32>,
          tpu.vector_store %swap3A_911[%swap3A_912], %add3A_907 {strides = array<i32>} : memref<128xi32, #tpu.memory_space<vmem>>, vector<16xi32>,
          %get3A_914 = arith.constant 0 : i32
          %get3A_915 = arith.constant 0 : i32
          %get3A_916 = tpu.memref_slice %arg11[%get3A_914, %get3A_915] : memref<2x128xi32, #tpu.memory_space<vmem>> -> memref<1x128xi32, #tpu.memory_space<vmem>>
          %get3A_917 = tpu.memref_squeeze %get3A_916 : memref<1x128xi32, #tpu.memory_space<vmem>> -> memref<128xi32, #tpu.memory_space<vmem>>
          %get3A_918 = arith.constant 96 : index
          %get3A_919 = tpu.vector_load %get3A_917[%get3A_918] {strides = array<i32>} : memref<128xi32, #tpu.memory_space<vmem>>, vector<16xi32>,
          %add3A_920 = vector.broadcast %mul3A_11 : i32 to vector<16xi32>
          %add3A_921 = arith.addi %get3A_919, %add3A_920 : vector<16xi32>
          %swap3A_922 = arith.constant 0 : i32
          %swap3A_923 = arith.constant 0 : i32
          %swap3A_924 = tpu.memref_slice %arg13[%swap3A_922, %swap3A_923] : memref<2x128xi32, #tpu.memory_space<vmem>> -> memref<1x128xi32, #tpu.memory_space<vmem>>
          %swap3A_925 = tpu.memref_squeeze %swap3A_924 : memref<1x128xi32, #tpu.memory_space<vmem>> -> memref<128xi32, #tpu.memory_space<vmem>>
          %swap3A_926 = arith.constant 96 : index
          %swap3A_927 = tpu.vector_load %swap3A_925[%swap3A_926] {strides = array<i32>} : memref<128xi32, #tpu.memory_space<vmem>>, vector<16xi32>,
          tpu.vector_store %swap3A_925[%swap3A_926], %add3A_921 {strides = array<i32>} : memref<128xi32, #tpu.memory_space<vmem>>, vector<16xi32>,
          %get3A_928 = arith.constant 0 : i32
          %get3A_929 = arith.constant 0 : i32
          %get3A_930 = tpu.memref_slice %arg14[%get3A_928, %get3A_929] : memref<2x128xi32, #tpu.memory_space<vmem>> -> memref<1x128xi32, #tpu.memory_space<vmem>>
          %get3A_931 = tpu.memref_squeeze %get3A_930 : memref<1x128xi32, #tpu.memory_space<vmem>> -> memref<128xi32, #tpu.memory_space<vmem>>
          %get3A_932 = arith.constant 96 : index
          %get3A_933 = tpu.vector_load %get3A_931[%get3A_932] {strides = array<i32>} : memref<128xi32, #tpu.memory_space<vmem>>, vector<16xi32>,
          %add3A_934 = vector.broadcast %mul3A_11 : i32 to vector<16xi32>
          %add3A_935 = arith.addi %get3A_933, %add3A_934 : vector<16xi32>
          %swap3A_936 = arith.constant 0 : i32
          %swap3A_937 = arith.constant 0 : i32
          %swap3A_938 = tpu.memref_slice %arg14[%swap3A_936, %swap3A_937] : memref<2x128xi32, #tpu.memory_space<vmem>> -> memref<1x128xi32, #tpu.memory_space<vmem>>
          %swap3A_939 = tpu.memref_squeeze %swap3A_938 : memref<1x128xi32, #tpu.memory_space<vmem>> -> memref<128xi32, #tpu.memory_space<vmem>>
          %swap3A_940 = arith.constant 96 : index
          %swap3A_941 = tpu.vector_load %swap3A_939[%swap3A_940] {strides = array<i32>} : memref<128xi32, #tpu.memory_space<vmem>>, vector<16xi32>,
          tpu.vector_store %swap3A_939[%swap3A_940], %add3A_935 {strides = array<i32>} : memref<128xi32, #tpu.memory_space<vmem>>, vector<16xi32>,
          %get3A_942 = arith.constant 0 : i32
          %get3A_943 = arith.constant 0 : i32
          %get3A_944 = tpu.memref_slice %arg11[%get3A_942, %get3A_943] : memref<2x128xi32, #tpu.memory_space<vmem>> -> memref<1x128xi32, #tpu.memory_space<vmem>>
          %get3A_945 = tpu.memref_squeeze %get3A_944 : memref<1x128xi32, #tpu.memory_space<vmem>> -> memref<128xi32, #tpu.memory_space<vmem>>
          %get3A_946 = arith.constant 112 : index
          %get3A_947 = tpu.vector_load %get3A_945[%get3A_946] {strides = array<i32>} : memref<128xi32, #tpu.memory_space<vmem>>, vector<16xi32>,
          %add3A_948 = vector.broadcast %mul3A_11 : i32 to vector<16xi32>
          %add3A_949 = arith.addi %get3A_947, %add3A_948 : vector<16xi32>
          %swap3A_950 = arith.constant 0 : i32
          %swap3A_951 = arith.constant 0 : i32
          %swap3A_952 = tpu.memref_slice %arg13[%swap3A_950, %swap3A_951] : memref<2x128xi32, #tpu.memory_space<vmem>> -> memref<1x128xi32, #tpu.memory_space<vmem>>
          %swap3A_953 = tpu.memref_squeeze %swap3A_952 : memref<1x128xi32, #tpu.memory_space<vmem>> -> memref<128xi32, #tpu.memory_space<vmem>>
          %swap3A_954 = arith.constant 112 : index
          %swap3A_955 = tpu.vector_load %swap3A_953[%swap3A_954] {strides = array<i32>} : memref<128xi32, #tpu.memory_space<vmem>>, vector<16xi32>,
          tpu.vector_store %swap3A_953[%swap3A_954], %add3A_949 {strides = array<i32>} : memref<128xi32, #tpu.memory_space<vmem>>, vector<16xi32>,
          %get3A_956 = arith.constant 0 : i32
          %get3A_957 = arith.constant 0 : i32
          %get3A_958 = tpu.memref_slice %arg14[%get3A_956, %get3A_957] : memref<2x128xi32, #tpu.memory_space<vmem>> -> memref<1x128xi32, #tpu.memory_space<vmem>>
          %get3A_959 = tpu.memref_squeeze %get3A_958 : memref<1x128xi32, #tpu.memory_space<vmem>> -> memref<128xi32, #tpu.memory_space<vmem>>
          %get3A_960 = arith.constant 112 : index
          %get3A_961 = tpu.vector_load %get3A_959[%get3A_960] {strides = array<i32>} : memref<128xi32, #tpu.memory_space<vmem>>, vector<16xi32>,
          %add3A_962 = vector.broadcast %mul3A_11 : i32 to vector<16xi32>
          %add3A_963 = arith.addi %get3A_961, %add3A_962 : vector<16xi32>
          %swap3A_964 = arith.constant 0 : i32
          %swap3A_965 = arith.constant 0 : i32
          %swap3A_966 = tpu.memref_slice %arg14[%swap3A_964, %swap3A_965] : memref<2x128xi32, #tpu.memory_space<vmem>> -> memref<1x128xi32, #tpu.memory_space<vmem>>
          %swap3A_967 = tpu.memref_squeeze %swap3A_966 : memref<1x128xi32, #tpu.memory_space<vmem>> -> memref<128xi32, #tpu.memory_space<vmem>>
          %swap3A_968 = arith.constant 112 : index
          %swap3A_969 = tpu.vector_load %swap3A_967[%swap3A_968] {strides = array<i32>} : memref<128xi32, #tpu.memory_space<vmem>>, vector<16xi32>,
          tpu.vector_store %swap3A_967[%swap3A_968], %add3A_963 {strides = array<i32>} : memref<128xi32, #tpu.memory_space<vmem>>, vector<16xi32>,
          %dma_start3A_970 = arith.constant 0 : i32
          %dma_start3A_971 = arith.constant 0 : i32
          %dma_start3A_972 = arith.constant 0 : i32
          %dma_start3A_973 = arith.constant 0 : i32
          %dma_start3A_974 = arith.constant 0 : i32
          %dma_start3A_975 = tpu.memref_slice %arg16[%dma_start3A_971, %dma_start3A_973, %dma_start3A_974] : memref<2x128x64xf32, #tpu.memory_space<vmem>> -> memref<1x128x64xf32, #tpu.memory_space<vmem>>
          %dma_start3A_976 = tpu.memref_squeeze %dma_start3A_975 : memref<1x128x64xf32, #tpu.memory_space<vmem>> -> memref<128x64xf32, #tpu.memory_space<vmem>>
          %dma_start3A_977 = arith.constant 0 : i32
          %dma_start3A_978 = arith.constant 0 : i32
          %dma_start3A_979 = tpu.memref_slice %dma_start3A_976[%dma_start3A_977, %dma_start3A_978] : memref<128x64xf32, #tpu.memory_space<vmem>> -> memref<64x64xf32, #tpu.memory_space<vmem>>
          %dma_start3A_980 = arith.constant 0 : i32
          %dma_start3A_981 = tpu.memref_slice %arg13[%dma_start3A_970, %dma_start3A_980] : memref<2x128xi32, #tpu.memory_space<vmem>> -> memref<1x128xi32, #tpu.memory_space<vmem>>
          %dma_start3A_982 = tpu.memref_squeeze %dma_start3A_981 : memref<1x128xi32, #tpu.memory_space<vmem>> -> memref<128xi32, #tpu.memory_space<vmem>>
          %dma_start3A_983 = arith.constant 0 : i32
          %dma_start3A_984 = tpu.memref_slice %dma_start3A_982[%dma_start3A_983] : memref<128xi32, #tpu.memory_space<vmem>> -> memref<64xi32, #tpu.memory_space<vmem>>
          %dma_start3A_985 = arith.constant 0 : i32
          %dma_start3A_986 = arith.constant 0 : i32
          %dma_start3A_987 = tpu.memref_slice %arg2[%dma_start3A_985, %dma_start3A_986] : memref<20000x64xf32, #tpu.memory_space<hbm>> -> memref<20000x64xf32, #tpu.memory_space<hbm>>
          %dma_start3A_988 = tpu.memref_slice %arg25[%dma_start3A_972] : memref<2x!tpu.dma_semaphore, #tpu.memory_space<semaphore_mem>> -> memref<1x!tpu.dma_semaphore, #tpu.memory_space<semaphore_mem>>
          %dma_start3A_989 = tpu.memref_squeeze %dma_start3A_988 : memref<1x!tpu.dma_semaphore, #tpu.memory_space<semaphore_mem>> -> memref<!tpu.dma_semaphore, #tpu.memory_space<semaphore_mem>>
          tpu.enqueue_indirect_dma source(%dma_start3A_987 : memref<20000x64xf32, #tpu.memory_space<hbm>>) target(%dma_start3A_979 : memref<64x64xf32, #tpu.memory_space<vmem>>) offsets(%dma_start3A_984 : memref<64xi32, #tpu.memory_space<vmem>>) semaphore(%dma_start3A_989 : memref<!tpu.dma_semaphore, #tpu.memory_space<semaphore_mem>>)
          %dma_start3A_990 = arith.constant 0 : i32
          %dma_start3A_991 = arith.constant 0 : i32
          %dma_start3A_992 = arith.constant 0 : i32
          %dma_start3A_993 = arith.constant 0 : i32
          %dma_start3A_994 = arith.constant 0 : i32
          %dma_start3A_995 = tpu.memref_slice %arg17[%dma_start3A_991, %dma_start3A_993, %dma_start3A_994] : memref<2x128x128xf32, #tpu.memory_space<vmem>> -> memref<1x128x128xf32, #tpu.memory_space<vmem>>
          %dma_start3A_996 = tpu.memref_squeeze %dma_start3A_995 : memref<1x128x128xf32, #tpu.memory_space<vmem>> -> memref<128x128xf32, #tpu.memory_space<vmem>>
          %dma_start3A_997 = arith.constant 0 : i32
          %dma_start3A_998 = arith.constant 0 : i32
          %dma_start3A_999 = tpu.memref_slice %dma_start3A_996[%dma_start3A_997, %dma_start3A_998] : memref<128x128xf32, #tpu.memory_space<vmem>> -> memref<64x128xf32, #tpu.memory_space<vmem>>
          %dma_start3A_1000 = arith.constant 0 : i32
          %dma_start3A_1001 = tpu.memref_slice %arg14[%dma_start3A_990, %dma_start3A_1000] : memref<2x128xi32, #tpu.memory_space<vmem>> -> memref<1x128xi32, #tpu.memory_space<vmem>>
          %dma_start3A_1002 = tpu.memref_squeeze %dma_start3A_1001 : memref<1x128xi32, #tpu.memory_space<vmem>> -> memref<128xi32, #tpu.memory_space<vmem>>
          %dma_start3A_1003 = arith.constant 0 : i32
          %dma_start3A_1004 = tpu.memref_slice %dma_start3A_1002[%dma_start3A_1003] : memref<128xi32, #tpu.memory_space<vmem>> -> memref<64xi32, #tpu.memory_space<vmem>>
          %dma_start3A_1005 = arith.constant 0 : i32
          %dma_start3A_1006 = arith.constant 0 : i32
          %dma_start3A_1007 = tpu.memref_slice %arg3[%dma_start3A_1005, %dma_start3A_1006] : memref<20000x128xf32, #tpu.memory_space<hbm>> -> memref<20000x128xf32, #tpu.memory_space<hbm>>
          %dma_start3A_1008 = tpu.memref_slice %arg26[%dma_start3A_992] : memref<2x!tpu.dma_semaphore, #tpu.memory_space<semaphore_mem>> -> memref<1x!tpu.dma_semaphore, #tpu.memory_space<semaphore_mem>>
          %dma_start3A_1009 = tpu.memref_squeeze %dma_start3A_1008 : memref<1x!tpu.dma_semaphore, #tpu.memory_space<semaphore_mem>> -> memref<!tpu.dma_semaphore, #tpu.memory_space<semaphore_mem>>
          tpu.enqueue_indirect_dma source(%dma_start3A_1007 : memref<20000x128xf32, #tpu.memory_space<hbm>>) target(%dma_start3A_999 : memref<64x128xf32, #tpu.memory_space<vmem>>) offsets(%dma_start3A_1004 : memref<64xi32, #tpu.memory_space<vmem>>) semaphore(%dma_start3A_1009 : memref<!tpu.dma_semaphore, #tpu.memory_space<semaphore_mem>>)
          %dma_start3A_1010 = arith.constant 0 : i32
          %dma_start3A_1011 = arith.constant 0 : i32
          %dma_start3A_1012 = arith.constant 0 : i32
          %dma_start3A_1013 = arith.constant 0 : i32
          %dma_start3A_1014 = arith.constant 0 : i32
          %dma_start3A_1015 = tpu.memref_slice %arg16[%dma_start3A_1011, %dma_start3A_1013, %dma_start3A_1014] : memref<2x128x64xf32, #tpu.memory_space<vmem>> -> memref<1x128x64xf32, #tpu.memory_space<vmem>>
          %dma_start3A_1016 = tpu.memref_squeeze %dma_start3A_1015 : memref<1x128x64xf32, #tpu.memory_space<vmem>> -> memref<128x64xf32, #tpu.memory_space<vmem>>
          %dma_start3A_1017 = arith.constant 64 : i32
          %dma_start3A_1018 = arith.constant 0 : i32
          %dma_start3A_1019 = tpu.memref_slice %dma_start3A_1016[%dma_start3A_1017, %dma_start3A_1018] : memref<128x64xf32, #tpu.memory_space<vmem>> -> memref<64x64xf32, #tpu.memory_space<vmem>>
          %dma_start3A_1020 = arith.constant 0 : i32
          %dma_start3A_1021 = tpu.memref_slice %arg13[%dma_start3A_1010, %dma_start3A_1020] : memref<2x128xi32, #tpu.memory_space<vmem>> -> memref<1x128xi32, #tpu.memory_space<vmem>>
          %dma_start3A_1022 = tpu.memref_squeeze %dma_start3A_1021 : memref<1x128xi32, #tpu.memory_space<vmem>> -> memref<128xi32, #tpu.memory_space<vmem>>
          %dma_start3A_1023 = arith.constant 64 : i32
          %dma_start3A_1024 = tpu.memref_slice %dma_start3A_1022[%dma_start3A_1023] : memref<128xi32, #tpu.memory_space<vmem>> -> memref<64xi32, #tpu.memory_space<vmem>>
          %dma_start3A_1025 = arith.constant 0 : i32
          %dma_start3A_1026 = arith.constant 0 : i32
          %dma_start3A_1027 = tpu.memref_slice %arg2[%dma_start3A_1025, %dma_start3A_1026] : memref<20000x64xf32, #tpu.memory_space<hbm>> -> memref<20000x64xf32, #tpu.memory_space<hbm>>
          %dma_start3A_1028 = tpu.memref_slice %arg25[%dma_start3A_1012] : memref<2x!tpu.dma_semaphore, #tpu.memory_space<semaphore_mem>> -> memref<1x!tpu.dma_semaphore, #tpu.memory_space<semaphore_mem>>
          %dma_start3A_1029 = tpu.memref_squeeze %dma_start3A_1028 : memref<1x!tpu.dma_semaphore, #tpu.memory_space<semaphore_mem>> -> memref<!tpu.dma_semaphore, #tpu.memory_space<semaphore_mem>>
          tpu.enqueue_indirect_dma source(%dma_start3A_1027 : memref<20000x64xf32, #tpu.memory_space<hbm>>) target(%dma_start3A_1019 : memref<64x64xf32, #tpu.memory_space<vmem>>) offsets(%dma_start3A_1024 : memref<64xi32, #tpu.memory_space<vmem>>) semaphore(%dma_start3A_1029 : memref<!tpu.dma_semaphore, #tpu.memory_space<semaphore_mem>>)
          %dma_start3A_1030 = arith.constant 0 : i32
          %dma_start3A_1031 = arith.constant 0 : i32
          %dma_start3A_1032 = arith.constant 0 : i32
          %dma_start3A_1033 = arith.constant 0 : i32
          %dma_start3A_1034 = arith.constant 0 : i32
          %dma_start3A_1035 = tpu.memref_slice %arg17[%dma_start3A_1031, %dma_start3A_1033, %dma_start3A_1034] : memref<2x128x128xf32, #tpu.memory_space<vmem>> -> memref<1x128x128xf32, #tpu.memory_space<vmem>>
          %dma_start3A_1036 = tpu.memref_squeeze %dma_start3A_1035 : memref<1x128x128xf32, #tpu.memory_space<vmem>> -> memref<128x128xf32, #tpu.memory_space<vmem>>
          %dma_start3A_1037 = arith.constant 64 : i32
          %dma_start3A_1038 = arith.constant 0 : i32
          %dma_start3A_1039 = tpu.memref_slice %dma_start3A_1036[%dma_start3A_1037, %dma_start3A_1038] : memref<128x128xf32, #tpu.memory_space<vmem>> -> memref<64x128xf32, #tpu.memory_space<vmem>>
          %dma_start3A_1040 = arith.constant 0 : i32
          %dma_start3A_1041 = tpu.memref_slice %arg14[%dma_start3A_1030, %dma_start3A_1040] : memref<2x128xi32, #tpu.memory_space<vmem>> -> memref<1x128xi32, #tpu.memory_space<vmem>>
          %dma_start3A_1042 = tpu.memref_squeeze %dma_start3A_1041 : memref<1x128xi32, #tpu.memory_space<vmem>> -> memref<128xi32, #tpu.memory_space<vmem>>
          %dma_start3A_1043 = arith.constant 64 : i32
          %dma_start3A_1044 = tpu.memref_slice %dma_start3A_1042[%dma_start3A_1043] : memref<128xi32, #tpu.memory_space<vmem>> -> memref<64xi32, #tpu.memory_space<vmem>>
          %dma_start3A_1045 = arith.constant 0 : i32
          %dma_start3A_1046 = arith.constant 0 : i32
          %dma_start3A_1047 = tpu.memref_slice %arg3[%dma_start3A_1045, %dma_start3A_1046] : memref<20000x128xf32, #tpu.memory_space<hbm>> -> memref<20000x128xf32, #tpu.memory_space<hbm>>
          %dma_start3A_1048 = tpu.memref_slice %arg26[%dma_start3A_1032] : memref<2x!tpu.dma_semaphore, #tpu.memory_space<semaphore_mem>> -> memref<1x!tpu.dma_semaphore, #tpu.memory_space<semaphore_mem>>
          %dma_start3A_1049 = tpu.memref_squeeze %dma_start3A_1048 : memref<1x!tpu.dma_semaphore, #tpu.memory_space<semaphore_mem>> -> memref<!tpu.dma_semaphore, #tpu.memory_space<semaphore_mem>>
          tpu.enqueue_indirect_dma source(%dma_start3A_1047 : memref<20000x128xf32, #tpu.memory_space<hbm>>) target(%dma_start3A_1039 : memref<64x128xf32, #tpu.memory_space<vmem>>) offsets(%dma_start3A_1044 : memref<64xi32, #tpu.memory_space<vmem>>) semaphore(%dma_start3A_1049 : memref<!tpu.dma_semaphore, #tpu.memory_space<semaphore_mem>>)
        } else {
        }
        %dma_wait3A_524 = arith.constant 1 : i32
        %dma_wait3A_525 = arith.constant 1 : i32
        %dma_wait3A_526 = arith.constant 1 : i32
        %dma_wait3A_527 = arith.constant 0 : i32
        %dma_wait3A_528 = arith.constant 0 : i32
        %dma_wait3A_529 = tpu.memref_slice %arg16[%dma_wait3A_525, %dma_wait3A_527, %dma_wait3A_528] : memref<2x128x64xf32, #tpu.memory_space<vmem>> -> memref<1x128x64xf32, #tpu.memory_space<vmem>>
        %dma_wait3A_530 = tpu.memref_squeeze %dma_wait3A_529 : memref<1x128x64xf32, #tpu.memory_space<vmem>> -> memref<128x64xf32, #tpu.memory_space<vmem>>
        %dma_wait3A_531 = arith.constant 0 : i32
        %dma_wait3A_532 = tpu.memref_slice %arg13[%dma_wait3A_524, %dma_wait3A_531] : memref<2x128xi32, #tpu.memory_space<vmem>> -> memref<1x128xi32, #tpu.memory_space<vmem>>
        %dma_wait3A_533 = tpu.memref_squeeze %dma_wait3A_532 : memref<1x128xi32, #tpu.memory_space<vmem>> -> memref<128xi32, #tpu.memory_space<vmem>>
        %dma_wait3A_534 = arith.constant 0 : i32
        %dma_wait3A_535 = arith.constant 0 : i32
        %dma_wait3A_536 = tpu.memref_slice %arg2[%dma_wait3A_534, %dma_wait3A_535] : memref<20000x64xf32, #tpu.memory_space<hbm>> -> memref<20000x64xf32, #tpu.memory_space<hbm>>
        %dma_wait3A_537 = tpu.memref_slice %arg25[%dma_wait3A_526] : memref<2x!tpu.dma_semaphore, #tpu.memory_space<semaphore_mem>> -> memref<1x!tpu.dma_semaphore, #tpu.memory_space<semaphore_mem>>
        %dma_wait3A_538 = tpu.memref_squeeze %dma_wait3A_537 : memref<1x!tpu.dma_semaphore, #tpu.memory_space<semaphore_mem>> -> memref<!tpu.dma_semaphore, #tpu.memory_space<semaphore_mem>>
        tpu.wait_indirect_dma semaphore(%dma_wait3A_538 : memref<!tpu.dma_semaphore, #tpu.memory_space<semaphore_mem>>) src(%dma_wait3A_536 : memref<20000x64xf32, #tpu.memory_space<hbm>>) dst(%dma_wait3A_530 : memref<128x64xf32, #tpu.memory_space<vmem>>)
        %dma_wait3A_539 = arith.constant 1 : i32
        %dma_wait3A_540 = arith.constant 1 : i32
        %dma_wait3A_541 = arith.constant 1 : i32
        %dma_wait3A_542 = arith.constant 0 : i32
        %dma_wait3A_543 = arith.constant 0 : i32
        %dma_wait3A_544 = tpu.memref_slice %arg17[%dma_wait3A_540, %dma_wait3A_542, %dma_wait3A_543] : memref<2x128x128xf32, #tpu.memory_space<vmem>> -> memref<1x128x128xf32, #tpu.memory_space<vmem>>
        %dma_wait3A_545 = tpu.memref_squeeze %dma_wait3A_544 : memref<1x128x128xf32, #tpu.memory_space<vmem>> -> memref<128x128xf32, #tpu.memory_space<vmem>>
        %dma_wait3A_546 = arith.constant 0 : i32
        %dma_wait3A_547 = tpu.memref_slice %arg14[%dma_wait3A_539, %dma_wait3A_546] : memref<2x128xi32, #tpu.memory_space<vmem>> -> memref<1x128xi32, #tpu.memory_space<vmem>>
        %dma_wait3A_548 = tpu.memref_squeeze %dma_wait3A_547 : memref<1x128xi32, #tpu.memory_space<vmem>> -> memref<128xi32, #tpu.memory_space<vmem>>
        %dma_wait3A_549 = arith.constant 0 : i32
        %dma_wait3A_550 = arith.constant 0 : i32
        %dma_wait3A_551 = tpu.memref_slice %arg3[%dma_wait3A_549, %dma_wait3A_550] : memref<20000x128xf32, #tpu.memory_space<hbm>> -> memref<20000x128xf32, #tpu.memory_space<hbm>>
        %dma_wait3A_552 = tpu.memref_slice %arg26[%dma_wait3A_541] : memref<2x!tpu.dma_semaphore, #tpu.memory_space<semaphore_mem>> -> memref<1x!tpu.dma_semaphore, #tpu.memory_space<semaphore_mem>>
        %dma_wait3A_553 = tpu.memref_squeeze %dma_wait3A_552 : memref<1x!tpu.dma_semaphore, #tpu.memory_space<semaphore_mem>> -> memref<!tpu.dma_semaphore, #tpu.memory_space<semaphore_mem>>
        tpu.wait_indirect_dma semaphore(%dma_wait3A_553 : memref<!tpu.dma_semaphore, #tpu.memory_space<semaphore_mem>>) src(%dma_wait3A_551 : memref<20000x128xf32, #tpu.memory_space<hbm>>) dst(%dma_wait3A_545 : memref<128x128xf32, #tpu.memory_space<vmem>>)
        %dma_wait3A_554 = arith.constant 1 : i32
        %dma_wait3A_555 = arith.constant 1 : i32
        %dma_wait3A_556 = arith.constant 0 : i32
        %dma_wait3A_557 = arith.constant 0 : i32
        %dma_wait3A_558 = tpu.memref_slice %arg15[%dma_wait3A_554, %dma_wait3A_556, %dma_wait3A_557] : memref<2x128x8xf32, #tpu.memory_space<vmem>> -> memref<1x128x8xf32, #tpu.memory_space<vmem>>
        %dma_wait3A_559 = tpu.memref_squeeze %dma_wait3A_558 : memref<1x128x8xf32, #tpu.memory_space<vmem>> -> memref<128x8xf32, #tpu.memory_space<vmem>>
        %dma_wait3A_560 = arith.constant 0 : i32
        %dma_wait3A_561 = arith.constant 0 : i32
        %dma_wait3A_562 = tpu.memref_slice %arg6[%dma_wait3A_560, %dma_wait3A_561] : memref<320000x8xf32, #tpu.memory_space<hbm>> -> memref<128x8xf32, #tpu.memory_space<hbm>>
        %dma_wait3A_563 = tpu.memref_slice %arg24[%dma_wait3A_555] : memref<2x!tpu.dma_semaphore, #tpu.memory_space<semaphore_mem>> -> memref<1x!tpu.dma_semaphore, #tpu.memory_space<semaphore_mem>>
        %dma_wait3A_564 = tpu.memref_squeeze %dma_wait3A_563 : memref<1x!tpu.dma_semaphore, #tpu.memory_space<semaphore_mem>> -> memref<!tpu.dma_semaphore, #tpu.memory_space<semaphore_mem>>
        %dma_wait3A_565 = arith.constant 0 : i32
        %dma_wait3A_566 = arith.constant 0 : i32
        %dma_wait3A_567 = tpu.memref_slice %arg15[%dma_wait3A_554, %dma_wait3A_565, %dma_wait3A_566] : memref<2x128x8xf32, #tpu.memory_space<vmem>> -> memref<1x128x8xf32, #tpu.memory_space<vmem>>
        %dma_wait3A_568 = tpu.memref_squeeze %dma_wait3A_567 : memref<1x128x8xf32, #tpu.memory_space<vmem>> -> memref<128x8xf32, #tpu.memory_space<vmem>>
        %dma_wait3A_569 = arith.constant 0 : i32
        %dma_wait3A_570 = arith.constant 0 : i32
        %dma_wait3A_571 = tpu.memref_slice %arg6[%dma_wait3A_569, %dma_wait3A_570] : memref<320000x8xf32, #tpu.memory_space<hbm>> -> memref<128x8xf32, #tpu.memory_space<hbm>>
        tpu.wait_dma2 semaphore(%dma_wait3A_564 : memref<!tpu.dma_semaphore, #tpu.memory_space<semaphore_mem>>) src(%dma_wait3A_571 : memref<128x8xf32, #tpu.memory_space<hbm>>) dst(%dma_wait3A_568 : memref<128x8xf32, #tpu.memory_space<vmem>>)
        %ge3A = arith.constant 2 : i32
        %ge3A_572 = arith.cmpi sge, %add3A_513, %ge3A : i32
        %convert_element_type3A_573 = arith.extui %ge3A_572 : i1 to i32
        %cond3A_574 = arith.constant 0 : i32
        %cond3A_575 = arith.cmpi ne, %convert_element_type3A_573, %cond3A_574 : i32
        scf.if %cond3A_575 {
          %dma_wait3A_718 = arith.constant 1 : i32
          %dma_wait3A_719 = arith.constant 1 : i32
          %dma_wait3A_720 = arith.constant 1 : i32
          %dma_wait3A_721 = arith.constant 0 : i32
          %dma_wait3A_722 = arith.constant 0 : i32
          %dma_wait3A_723 = tpu.memref_slice %arg18[%dma_wait3A_718, %dma_wait3A_721, %dma_wait3A_722] : memref<2x128x64xf32, #tpu.memory_space<vmem>> -> memref<1x128x64xf32, #tpu.memory_space<vmem>>
          %dma_wait3A_724 = tpu.memref_squeeze %dma_wait3A_723 : memref<1x128x64xf32, #tpu.memory_space<vmem>> -> memref<128x64xf32, #tpu.memory_space<vmem>>
          %dma_wait3A_725 = arith.constant 0 : i32
          %dma_wait3A_726 = tpu.memref_slice %arg12[%dma_wait3A_719, %dma_wait3A_725] : memref<2x128xi32, #tpu.memory_space<vmem>> -> memref<1x128xi32, #tpu.memory_space<vmem>>
          %dma_wait3A_727 = tpu.memref_squeeze %dma_wait3A_726 : memref<1x128xi32, #tpu.memory_space<vmem>> -> memref<128xi32, #tpu.memory_space<vmem>>
          %dma_wait3A_728 = arith.constant 0 : i32
          %dma_wait3A_729 = arith.constant 0 : i32
          %dma_wait3A_730 = tpu.memref_slice %arg20[%dma_wait3A_728, %dma_wait3A_729] : memref<10000x64xf32, #tpu.memory_space<vmem_shared>> -> memref<10000x64xf32, #tpu.memory_space<vmem_shared>>
          %dma_wait3A_731 = tpu.memref_slice %arg27[%dma_wait3A_720] : memref<2x!tpu.dma_semaphore, #tpu.memory_space<semaphore_mem>> -> memref<1x!tpu.dma_semaphore, #tpu.memory_space<semaphore_mem>>
          %dma_wait3A_732 = tpu.memref_squeeze %dma_wait3A_731 : memref<1x!tpu.dma_semaphore, #tpu.memory_space<semaphore_mem>> -> memref<!tpu.dma_semaphore, #tpu.memory_space<semaphore_mem>>
          tpu.wait_indirect_dma semaphore(%dma_wait3A_732 : memref<!tpu.dma_semaphore, #tpu.memory_space<semaphore_mem>>) src(%dma_wait3A_724 : memref<128x64xf32, #tpu.memory_space<vmem>>) dst(%dma_wait3A_730 : memref<10000x64xf32, #tpu.memory_space<vmem_shared>>)
          %dma_wait3A_733 = arith.constant 1 : i32
          %dma_wait3A_734 = arith.constant 1 : i32
          %dma_wait3A_735 = arith.constant 1 : i32
          %dma_wait3A_736 = arith.constant 0 : i32
          %dma_wait3A_737 = arith.constant 0 : i32
          %dma_wait3A_738 = tpu.memref_slice %arg19[%dma_wait3A_733, %dma_wait3A_736, %dma_wait3A_737] : memref<2x128x8xf32, #tpu.memory_space<vmem>> -> memref<1x128x8xf32, #tpu.memory_space<vmem>>
          %dma_wait3A_739 = tpu.memref_squeeze %dma_wait3A_738 : memref<1x128x8xf32, #tpu.memory_space<vmem>> -> memref<128x8xf32, #tpu.memory_space<vmem>>
          %dma_wait3A_740 = arith.constant 0 : i32
          %dma_wait3A_741 = tpu.memref_slice %arg12[%dma_wait3A_734, %dma_wait3A_740] : memref<2x128xi32, #tpu.memory_space<vmem>> -> memref<1x128xi32, #tpu.memory_space<vmem>>
          %dma_wait3A_742 = tpu.memref_squeeze %dma_wait3A_741 : memref<1x128xi32, #tpu.memory_space<vmem>> -> memref<128xi32, #tpu.memory_space<vmem>>
          %dma_wait3A_743 = arith.constant 0 : i32
          %dma_wait3A_744 = arith.constant 0 : i32
          %dma_wait3A_745 = tpu.memref_slice %arg21[%dma_wait3A_743, %dma_wait3A_744] : memref<10000x8xf32, #tpu.memory_space<vmem_shared>> -> memref<10000x8xf32, #tpu.memory_space<vmem_shared>>
          %dma_wait3A_746 = tpu.memref_slice %arg28[%dma_wait3A_735] : memref<2x!tpu.dma_semaphore, #tpu.memory_space<semaphore_mem>> -> memref<1x!tpu.dma_semaphore, #tpu.memory_space<semaphore_mem>>
          %dma_wait3A_747 = tpu.memref_squeeze %dma_wait3A_746 : memref<1x!tpu.dma_semaphore, #tpu.memory_space<semaphore_mem>> -> memref<!tpu.dma_semaphore, #tpu.memory_space<semaphore_mem>>
          tpu.wait_indirect_dma semaphore(%dma_wait3A_747 : memref<!tpu.dma_semaphore, #tpu.memory_space<semaphore_mem>>) src(%dma_wait3A_739 : memref<128x8xf32, #tpu.memory_space<vmem>>) dst(%dma_wait3A_745 : memref<10000x8xf32, #tpu.memory_space<vmem_shared>>)
        } else {
        }
        %scan3A_576 = arith.constant 1 : i32
        %scan3A_577 = arith.constant 1 : i32
        %scan3A_578 = arith.constant 1 : i32
        %scan3A_579 = arith.constant 1 : i32
        %scan3A_580 = arith.constant 1 : i32
        %scan3A_581 = arith.constant 0 : i32
        %scan3A_582 = arith.constant 8 : i32
        %scan3A_583 = arith.addi %scan3A_581, %scan3A_582 : i32
        %scan3A_584 = arith.constant 1 : i32
        scf.for %scan3A_718 = %scan3A_581 to %scan3A_583 step %scan3A_584  : i32 {
          %mul3A_719 = arith.constant 1 : i32
          %mul3A_720 = arith.muli %scan3A_718, %mul3A_719 : i32
          %add3A_721 = arith.constant 0 : i32
          %add3A_722 = arith.addi %add3A_721, %mul3A_720 : i32
          %mul3A_723 = arith.constant 16 : i32
          %mul3A_724 = arith.muli %add3A_722, %mul3A_723 : i32
          %add3A_725 = vector.broadcast %mul3A_724 : i32 to vector<16xi32>
          %add3A_726 = arith.addi %add3A_725, %iota3A : vector<16xi32>
          %broadcast_in_dim3A = arith.constant 0.000000e+00 : f32
          %broadcast_in_dim3A_727 = vector.broadcast %broadcast_in_dim3A : f32 to vector<16xf32>
          %parallel_loop3A = arith.constant 0 : i32
          %parallel_loop3A_728 = arith.constant 16 : i32
          %parallel_loop3A_729 = arith.constant 1 : i32
          %parallel_loop3A_730:4 = scf.for %parallel_loop3A_827 = %parallel_loop3A to %parallel_loop3A_728 step %parallel_loop3A_729 iter_args(%parallel_loop3A_828 = %broadcast_in_dim3A_727, %parallel_loop3A_829 = %broadcast_in_dim3A_727, %parallel_loop3A_830 = %broadcast_in_dim3A_727, %parallel_loop3A_831 = %broadcast_in_dim3A_727) -> (vector<16xf32>, vector<16xf32>, vector<16xf32>, vector<16xf32>)  : i32 {
            %parallel_loop3A_832 = vector.broadcast %parallel_loop3A_827 : i32 to vector<16xi32>
            %parallel_loop3A_833 = arith.addi %iota3A, %parallel_loop3A_832 : vector<16xi32>
            %parallel_loop3A_834 = arith.constant 15 : i32
            %parallel_loop3A_835 = vector.broadcast %parallel_loop3A_834 : i32 to vector<16xi32>
            %parallel_loop3A_836 = arith.andi %parallel_loop3A_833, %parallel_loop3A_835 : vector<16xi32>
            %parallel_loop3A_837 = arith.constant 0 : i32
            %parallel_loop3A_838 = vector.broadcast %parallel_loop3A_837 : i32 to vector<16xi32>
            %parallel_loop3A_839 = arith.addi %parallel_loop3A_836, %parallel_loop3A_838 : vector<16xi32>
            %parallel_loop3A_840 = arith.constant 0 : i32
            %parallel_loop3A_841 = arith.constant 0 : i32
            %parallel_loop3A_842 = tpu.memref_slice %arg16[%scan3A_576, %parallel_loop3A_840, %parallel_loop3A_841] : memref<2x128x64xf32, #tpu.memory_space<vmem>> -> memref<1x128x64xf32, #tpu.memory_space<vmem>>
            %parallel_loop3A_843 = tpu.memref_squeeze %parallel_loop3A_842 : memref<1x128x64xf32, #tpu.memory_space<vmem>> -> memref<128x64xf32, #tpu.memory_space<vmem>>
            %parallel_loop3A_844 = tpu.vector_load_idx %parallel_loop3A_843[%add3A_726, %parallel_loop3A_839] : memref<128x64xf32, #tpu.memory_space<vmem>>[vector<16xi32>, vector<16xi32>], vector<16xf32>,
            %parallel_loop3A_845 = arith.constant 0 : i32
            %parallel_loop3A_846 = arith.constant 0 : i32
            %parallel_loop3A_847 = tpu.memref_slice %arg17[%scan3A_577, %parallel_loop3A_845, %parallel_loop3A_846] : memref<2x128x128xf32, #tpu.memory_space<vmem>> -> memref<1x128x128xf32, #tpu.memory_space<vmem>>
            %parallel_loop3A_848 = tpu.memref_squeeze %parallel_loop3A_847 : memref<1x128x128xf32, #tpu.memory_space<vmem>> -> memref<128x128xf32, #tpu.memory_space<vmem>>
            %parallel_loop3A_849 = tpu.vector_load_idx %parallel_loop3A_848[%add3A_726, %parallel_loop3A_839] : memref<128x128xf32, #tpu.memory_space<vmem>>[vector<16xi32>, vector<16xi32>], vector<16xf32>,
            %parallel_loop3A_850 = arith.mulf %parallel_loop3A_844, %parallel_loop3A_849 : vector<16xf32>
            %parallel_loop3A_851 = arith.addf %parallel_loop3A_828, %parallel_loop3A_850 : vector<16xf32>
            %parallel_loop3A_852 = arith.constant 16 : i32
            %parallel_loop3A_853 = vector.broadcast %parallel_loop3A_852 : i32 to vector<16xi32>
            %parallel_loop3A_854 = arith.addi %parallel_loop3A_836, %parallel_loop3A_853 : vector<16xi32>
            %parallel_loop3A_855 = arith.constant 0 : i32
            %parallel_loop3A_856 = arith.constant 0 : i32
            %parallel_loop3A_857 = tpu.memref_slice %arg16[%scan3A_576, %parallel_loop3A_855, %parallel_loop3A_856] : memref<2x128x64xf32, #tpu.memory_space<vmem>> -> memref<1x128x64xf32, #tpu.memory_space<vmem>>
            %parallel_loop3A_858 = tpu.memref_squeeze %parallel_loop3A_857 : memref<1x128x64xf32, #tpu.memory_space<vmem>> -> memref<128x64xf32, #tpu.memory_space<vmem>>
            %parallel_loop3A_859 = tpu.vector_load_idx %parallel_loop3A_858[%add3A_726, %parallel_loop3A_854] : memref<128x64xf32, #tpu.memory_space<vmem>>[vector<16xi32>, vector<16xi32>], vector<16xf32>,
            %parallel_loop3A_860 = arith.constant 0 : i32
            %parallel_loop3A_861 = arith.constant 0 : i32
            %parallel_loop3A_862 = tpu.memref_slice %arg17[%scan3A_577, %parallel_loop3A_860, %parallel_loop3A_861] : memref<2x128x128xf32, #tpu.memory_space<vmem>> -> memref<1x128x128xf32, #tpu.memory_space<vmem>>
            %parallel_loop3A_863 = tpu.memref_squeeze %parallel_loop3A_862 : memref<1x128x128xf32, #tpu.memory_space<vmem>> -> memref<128x128xf32, #tpu.memory_space<vmem>>
            %parallel_loop3A_864 = tpu.vector_load_idx %parallel_loop3A_863[%add3A_726, %parallel_loop3A_854] : memref<128x128xf32, #tpu.memory_space<vmem>>[vector<16xi32>, vector<16xi32>], vector<16xf32>,
            %parallel_loop3A_865 = arith.mulf %parallel_loop3A_859, %parallel_loop3A_864 : vector<16xf32>
            %parallel_loop3A_866 = arith.addf %parallel_loop3A_829, %parallel_loop3A_865 : vector<16xf32>
            %parallel_loop3A_867 = arith.constant 32 : i32
            %parallel_loop3A_868 = vector.broadcast %parallel_loop3A_867 : i32 to vector<16xi32>
            %parallel_loop3A_869 = arith.addi %parallel_loop3A_836, %parallel_loop3A_868 : vector<16xi32>
            %parallel_loop3A_870 = arith.constant 0 : i32
            %parallel_loop3A_871 = arith.constant 0 : i32
            %parallel_loop3A_872 = tpu.memref_slice %arg16[%scan3A_576, %parallel_loop3A_870, %parallel_loop3A_871] : memref<2x128x64xf32, #tpu.memory_space<vmem>> -> memref<1x128x64xf32, #tpu.memory_space<vmem>>
            %parallel_loop3A_873 = tpu.memref_squeeze %parallel_loop3A_872 : memref<1x128x64xf32, #tpu.memory_space<vmem>> -> memref<128x64xf32, #tpu.memory_space<vmem>>
            %parallel_loop3A_874 = tpu.vector_load_idx %parallel_loop3A_873[%add3A_726, %parallel_loop3A_869] : memref<128x64xf32, #tpu.memory_space<vmem>>[vector<16xi32>, vector<16xi32>], vector<16xf32>,
            %parallel_loop3A_875 = arith.constant 0 : i32
            %parallel_loop3A_876 = arith.constant 0 : i32
            %parallel_loop3A_877 = tpu.memref_slice %arg17[%scan3A_577, %parallel_loop3A_875, %parallel_loop3A_876] : memref<2x128x128xf32, #tpu.memory_space<vmem>> -> memref<1x128x128xf32, #tpu.memory_space<vmem>>
            %parallel_loop3A_878 = tpu.memref_squeeze %parallel_loop3A_877 : memref<1x128x128xf32, #tpu.memory_space<vmem>> -> memref<128x128xf32, #tpu.memory_space<vmem>>
            %parallel_loop3A_879 = tpu.vector_load_idx %parallel_loop3A_878[%add3A_726, %parallel_loop3A_869] : memref<128x128xf32, #tpu.memory_space<vmem>>[vector<16xi32>, vector<16xi32>], vector<16xf32>,
            %parallel_loop3A_880 = arith.mulf %parallel_loop3A_874, %parallel_loop3A_879 : vector<16xf32>
            %parallel_loop3A_881 = arith.addf %parallel_loop3A_830, %parallel_loop3A_880 : vector<16xf32>
            %parallel_loop3A_882 = arith.constant 48 : i32
            %parallel_loop3A_883 = vector.broadcast %parallel_loop3A_882 : i32 to vector<16xi32>
            %parallel_loop3A_884 = arith.addi %parallel_loop3A_836, %parallel_loop3A_883 : vector<16xi32>
            %parallel_loop3A_885 = arith.constant 0 : i32
            %parallel_loop3A_886 = arith.constant 0 : i32
            %parallel_loop3A_887 = tpu.memref_slice %arg16[%scan3A_576, %parallel_loop3A_885, %parallel_loop3A_886] : memref<2x128x64xf32, #tpu.memory_space<vmem>> -> memref<1x128x64xf32, #tpu.memory_space<vmem>>
            %parallel_loop3A_888 = tpu.memref_squeeze %parallel_loop3A_887 : memref<1x128x64xf32, #tpu.memory_space<vmem>> -> memref<128x64xf32, #tpu.memory_space<vmem>>
            %parallel_loop3A_889 = tpu.vector_load_idx %parallel_loop3A_888[%add3A_726, %parallel_loop3A_884] : memref<128x64xf32, #tpu.memory_space<vmem>>[vector<16xi32>, vector<16xi32>], vector<16xf32>,
            %parallel_loop3A_890 = arith.constant 0 : i32
            %parallel_loop3A_891 = arith.constant 0 : i32
            %parallel_loop3A_892 = tpu.memref_slice %arg17[%scan3A_577, %parallel_loop3A_890, %parallel_loop3A_891] : memref<2x128x128xf32, #tpu.memory_space<vmem>> -> memref<1x128x128xf32, #tpu.memory_space<vmem>>
            %parallel_loop3A_893 = tpu.memref_squeeze %parallel_loop3A_892 : memref<1x128x128xf32, #tpu.memory_space<vmem>> -> memref<128x128xf32, #tpu.memory_space<vmem>>
            %parallel_loop3A_894 = tpu.vector_load_idx %parallel_loop3A_893[%add3A_726, %parallel_loop3A_884] : memref<128x128xf32, #tpu.memory_space<vmem>>[vector<16xi32>, vector<16xi32>], vector<16xf32>,
            %parallel_loop3A_895 = arith.mulf %parallel_loop3A_889, %parallel_loop3A_894 : vector<16xf32>
            %parallel_loop3A_896 = arith.addf %parallel_loop3A_831, %parallel_loop3A_895 : vector<16xf32>
            scf.yield %parallel_loop3A_851, %parallel_loop3A_866, %parallel_loop3A_881, %parallel_loop3A_896 : vector<16xf32>, vector<16xf32>, vector<16xf32>, vector<16xf32>
          } {sc.loop_unroll_factor = 4 : i64, sc.parallel_access}
          %broadcast_in_dim3A_731 = arith.constant 0 : i32
          %broadcast_in_dim3A_732 = vector.broadcast %broadcast_in_dim3A_731 : i32 to vector<16xi32>
          %mul3A_733 = arith.constant 4 : i32
          %mul3A_734 = arith.muli %arg0, %mul3A_733 : i32
          %add3A_735 = arith.constant 0 : i32
          %add3A_736 = arith.addi %mul3A_734, %add3A_735 : i32
          %add3A_737 = vector.broadcast %add3A_736 : i32 to vector<16xi32>
          %add3A_738 = arith.addi %broadcast_in_dim3A_732, %add3A_737 : vector<16xi32>
          %gather3A = arith.constant 0 : i32
          %gather3A_739 = arith.constant 0 : i32
          %gather3A_740 = tpu.memref_slice %arg15[%scan3A_578, %gather3A, %gather3A_739] : memref<2x128x8xf32, #tpu.memory_space<vmem>> -> memref<1x128x8xf32, #tpu.memory_space<vmem>>
          %gather3A_741 = tpu.memref_squeeze %gather3A_740 : memref<1x128x8xf32, #tpu.memory_space<vmem>> -> memref<128x8xf32, #tpu.memory_space<vmem>>
          %gather3A_742 = tpu.vector_load_idx %gather3A_741[%add3A_726, %add3A_738] : memref<128x8xf32, #tpu.memory_space<vmem>>[vector<16xi32>, vector<16xi32>], vector<16xf32>,
          %mul3A_743 = arith.constant 2.500000e-01 : f32
          %mul3A_744 = vector.broadcast %mul3A_743 : f32 to vector<16xf32>
          %mul3A_745 = arith.mulf %parallel_loop3A_730#0, %mul3A_744 : vector<16xf32>
          %mul3A_746 = arith.mulf %mul3A_745, %gather3A_742 : vector<16xf32>
          %exp3A = math.exp %mul3A_746 : vector<16xf32>
          %broadcast_in_dim3A_747 = arith.constant 0 : i32
          %broadcast_in_dim3A_748 = vector.broadcast %broadcast_in_dim3A_747 : i32 to vector<16xi32>
          %scatter3A = arith.constant 0 : i32
          %scatter3A_749 = arith.constant 0 : i32
          %scatter3A_750 = tpu.memref_slice %arg19[%scan3A_579, %scatter3A, %scatter3A_749] : memref<2x128x8xf32, #tpu.memory_space<vmem>> -> memref<1x128x8xf32, #tpu.memory_space<vmem>>
          %scatter3A_751 = tpu.memref_squeeze %scatter3A_750 : memref<1x128x8xf32, #tpu.memory_space<vmem>> -> memref<128x8xf32, #tpu.memory_space<vmem>>
          tpu.vector_store_idx %scatter3A_751[%add3A_726, %broadcast_in_dim3A_748], %exp3A : memref<128x8xf32, #tpu.memory_space<vmem>>[vector<16xi32>, vector<16xi32>], vector<16xf32>,
          %broadcast_in_dim3A_752 = arith.constant 0 : i32
          %broadcast_in_dim3A_753 = vector.broadcast %broadcast_in_dim3A_752 : i32 to vector<16xi32>
          %mul3A_754 = arith.constant 4 : i32
          %mul3A_755 = arith.muli %arg0, %mul3A_754 : i32
          %add3A_756 = arith.constant 1 : i32
          %add3A_757 = arith.addi %mul3A_755, %add3A_756 : i32
          %add3A_758 = vector.broadcast %add3A_757 : i32 to vector<16xi32>
          %add3A_759 = arith.addi %broadcast_in_dim3A_753, %add3A_758 : vector<16xi32>
          %gather3A_760 = arith.constant 0 : i32
          %gather3A_761 = arith.constant 0 : i32
          %gather3A_762 = tpu.memref_slice %arg15[%scan3A_578, %gather3A_760, %gather3A_761] : memref<2x128x8xf32, #tpu.memory_space<vmem>> -> memref<1x128x8xf32, #tpu.memory_space<vmem>>
          %gather3A_763 = tpu.memref_squeeze %gather3A_762 : memref<1x128x8xf32, #tpu.memory_space<vmem>> -> memref<128x8xf32, #tpu.memory_space<vmem>>
          %gather3A_764 = tpu.vector_load_idx %gather3A_763[%add3A_726, %add3A_759] : memref<128x8xf32, #tpu.memory_space<vmem>>[vector<16xi32>, vector<16xi32>], vector<16xf32>,
          %mul3A_765 = arith.constant 2.500000e-01 : f32
          %mul3A_766 = vector.broadcast %mul3A_765 : f32 to vector<16xf32>
          %mul3A_767 = arith.mulf %parallel_loop3A_730#1, %mul3A_766 : vector<16xf32>
          %mul3A_768 = arith.mulf %mul3A_767, %gather3A_764 : vector<16xf32>
          %exp3A_769 = math.exp %mul3A_768 : vector<16xf32>
          %broadcast_in_dim3A_770 = arith.constant 1 : i32
          %broadcast_in_dim3A_771 = vector.broadcast %broadcast_in_dim3A_770 : i32 to vector<16xi32>
          %scatter3A_772 = arith.constant 0 : i32
          %scatter3A_773 = arith.constant 0 : i32
          %scatter3A_774 = tpu.memref_slice %arg19[%scan3A_579, %scatter3A_772, %scatter3A_773] : memref<2x128x8xf32, #tpu.memory_space<vmem>> -> memref<1x128x8xf32, #tpu.memory_space<vmem>>
          %scatter3A_775 = tpu.memref_squeeze %scatter3A_774 : memref<1x128x8xf32, #tpu.memory_space<vmem>> -> memref<128x8xf32, #tpu.memory_space<vmem>>
          tpu.vector_store_idx %scatter3A_775[%add3A_726, %broadcast_in_dim3A_771], %exp3A_769 : memref<128x8xf32, #tpu.memory_space<vmem>>[vector<16xi32>, vector<16xi32>], vector<16xf32>,
          %broadcast_in_dim3A_776 = arith.constant 0 : i32
          %broadcast_in_dim3A_777 = vector.broadcast %broadcast_in_dim3A_776 : i32 to vector<16xi32>
          %mul3A_778 = arith.constant 4 : i32
          %mul3A_779 = arith.muli %arg0, %mul3A_778 : i32
          %add3A_780 = arith.constant 2 : i32
          %add3A_781 = arith.addi %mul3A_779, %add3A_780 : i32
          %add3A_782 = vector.broadcast %add3A_781 : i32 to vector<16xi32>
          %add3A_783 = arith.addi %broadcast_in_dim3A_777, %add3A_782 : vector<16xi32>
          %gather3A_784 = arith.constant 0 : i32
          %gather3A_785 = arith.constant 0 : i32
          %gather3A_786 = tpu.memref_slice %arg15[%scan3A_578, %gather3A_784, %gather3A_785] : memref<2x128x8xf32, #tpu.memory_space<vmem>> -> memref<1x128x8xf32, #tpu.memory_space<vmem>>
          %gather3A_787 = tpu.memref_squeeze %gather3A_786 : memref<1x128x8xf32, #tpu.memory_space<vmem>> -> memref<128x8xf32, #tpu.memory_space<vmem>>
          %gather3A_788 = tpu.vector_load_idx %gather3A_787[%add3A_726, %add3A_783] : memref<128x8xf32, #tpu.memory_space<vmem>>[vector<16xi32>, vector<16xi32>], vector<16xf32>,
          %mul3A_789 = arith.constant 2.500000e-01 : f32
          %mul3A_790 = vector.broadcast %mul3A_789 : f32 to vector<16xf32>
          %mul3A_791 = arith.mulf %parallel_loop3A_730#2, %mul3A_790 : vector<16xf32>
          %mul3A_792 = arith.mulf %mul3A_791, %gather3A_788 : vector<16xf32>
          %exp3A_793 = math.exp %mul3A_792 : vector<16xf32>
          %broadcast_in_dim3A_794 = arith.constant 2 : i32
          %broadcast_in_dim3A_795 = vector.broadcast %broadcast_in_dim3A_794 : i32 to vector<16xi32>
          %scatter3A_796 = arith.constant 0 : i32
          %scatter3A_797 = arith.constant 0 : i32
          %scatter3A_798 = tpu.memref_slice %arg19[%scan3A_579, %scatter3A_796, %scatter3A_797] : memref<2x128x8xf32, #tpu.memory_space<vmem>> -> memref<1x128x8xf32, #tpu.memory_space<vmem>>
          %scatter3A_799 = tpu.memref_squeeze %scatter3A_798 : memref<1x128x8xf32, #tpu.memory_space<vmem>> -> memref<128x8xf32, #tpu.memory_space<vmem>>
          tpu.vector_store_idx %scatter3A_799[%add3A_726, %broadcast_in_dim3A_795], %exp3A_793 : memref<128x8xf32, #tpu.memory_space<vmem>>[vector<16xi32>, vector<16xi32>], vector<16xf32>,
          %broadcast_in_dim3A_800 = arith.constant 0 : i32
          %broadcast_in_dim3A_801 = vector.broadcast %broadcast_in_dim3A_800 : i32 to vector<16xi32>
          %mul3A_802 = arith.constant 4 : i32
          %mul3A_803 = arith.muli %arg0, %mul3A_802 : i32
          %add3A_804 = arith.constant 3 : i32
          %add3A_805 = arith.addi %mul3A_803, %add3A_804 : i32
          %add3A_806 = vector.broadcast %add3A_805 : i32 to vector<16xi32>
          %add3A_807 = arith.addi %broadcast_in_dim3A_801, %add3A_806 : vector<16xi32>
          %gather3A_808 = arith.constant 0 : i32
          %gather3A_809 = arith.constant 0 : i32
          %gather3A_810 = tpu.memref_slice %arg15[%scan3A_578, %gather3A_808, %gather3A_809] : memref<2x128x8xf32, #tpu.memory_space<vmem>> -> memref<1x128x8xf32, #tpu.memory_space<vmem>>
          %gather3A_811 = tpu.memref_squeeze %gather3A_810 : memref<1x128x8xf32, #tpu.memory_space<vmem>> -> memref<128x8xf32, #tpu.memory_space<vmem>>
          %gather3A_812 = tpu.vector_load_idx %gather3A_811[%add3A_726, %add3A_807] : memref<128x8xf32, #tpu.memory_space<vmem>>[vector<16xi32>, vector<16xi32>], vector<16xf32>,
          %mul3A_813 = arith.constant 2.500000e-01 : f32
          %mul3A_814 = vector.broadcast %mul3A_813 : f32 to vector<16xf32>
          %mul3A_815 = arith.mulf %parallel_loop3A_730#3, %mul3A_814 : vector<16xf32>
          %mul3A_816 = arith.mulf %mul3A_815, %gather3A_812 : vector<16xf32>
          %exp3A_817 = math.exp %mul3A_816 : vector<16xf32>
          %broadcast_in_dim3A_818 = arith.constant 3 : i32
          %broadcast_in_dim3A_819 = vector.broadcast %broadcast_in_dim3A_818 : i32 to vector<16xi32>
          %scatter3A_820 = arith.constant 0 : i32
          %scatter3A_821 = arith.constant 0 : i32
          %scatter3A_822 = tpu.memref_slice %arg19[%scan3A_579, %scatter3A_820, %scatter3A_821] : memref<2x128x8xf32, #tpu.memory_space<vmem>> -> memref<1x128x8xf32, #tpu.memory_space<vmem>>
          %scatter3A_823 = tpu.memref_squeeze %scatter3A_822 : memref<1x128x8xf32, #tpu.memory_space<vmem>> -> memref<128x8xf32, #tpu.memory_space<vmem>>
          tpu.vector_store_idx %scatter3A_823[%add3A_726, %broadcast_in_dim3A_819], %exp3A_817 : memref<128x8xf32, #tpu.memory_space<vmem>>[vector<16xi32>, vector<16xi32>], vector<16xf32>,
          %parallel_loop3A_824 = arith.constant 0 : i32
          %parallel_loop3A_825 = arith.constant 16 : i32
          %parallel_loop3A_826 = arith.constant 1 : i32
          scf.for %parallel_loop3A_827 = %parallel_loop3A_824 to %parallel_loop3A_825 step %parallel_loop3A_826  : i32 {
            %parallel_loop3A_828 = vector.broadcast %parallel_loop3A_827 : i32 to vector<16xi32>
            %parallel_loop3A_829 = arith.addi %iota3A, %parallel_loop3A_828 : vector<16xi32>
            %parallel_loop3A_830 = arith.constant 15 : i32
            %parallel_loop3A_831 = vector.broadcast %parallel_loop3A_830 : i32 to vector<16xi32>
            %parallel_loop3A_832 = arith.andi %parallel_loop3A_829, %parallel_loop3A_831 : vector<16xi32>
            %parallel_loop3A_833 = arith.constant 64 : i32
            %parallel_loop3A_834 = vector.broadcast %parallel_loop3A_833 : i32 to vector<16xi32>
            %parallel_loop3A_835 = arith.addi %parallel_loop3A_832, %parallel_loop3A_834 : vector<16xi32>
            %parallel_loop3A_836 = arith.constant 0 : i32
            %parallel_loop3A_837 = arith.constant 0 : i32
            %parallel_loop3A_838 = tpu.memref_slice %arg17[%scan3A_577, %parallel_loop3A_836, %parallel_loop3A_837] : memref<2x128x128xf32, #tpu.memory_space<vmem>> -> memref<1x128x128xf32, #tpu.memory_space<vmem>>
            %parallel_loop3A_839 = tpu.memref_squeeze %parallel_loop3A_838 : memref<1x128x128xf32, #tpu.memory_space<vmem>> -> memref<128x128xf32, #tpu.memory_space<vmem>>
            %parallel_loop3A_840 = tpu.vector_load_idx %parallel_loop3A_839[%add3A_726, %parallel_loop3A_835] : memref<128x128xf32, #tpu.memory_space<vmem>>[vector<16xi32>, vector<16xi32>], vector<16xf32>,
            %parallel_loop3A_841 = arith.constant 80 : i32
            %parallel_loop3A_842 = vector.broadcast %parallel_loop3A_841 : i32 to vector<16xi32>
            %parallel_loop3A_843 = arith.addi %parallel_loop3A_832, %parallel_loop3A_842 : vector<16xi32>
            %parallel_loop3A_844 = arith.constant 0 : i32
            %parallel_loop3A_845 = arith.constant 0 : i32
            %parallel_loop3A_846 = tpu.memref_slice %arg17[%scan3A_577, %parallel_loop3A_844, %parallel_loop3A_845] : memref<2x128x128xf32, #tpu.memory_space<vmem>> -> memref<1x128x128xf32, #tpu.memory_space<vmem>>
            %parallel_loop3A_847 = tpu.memref_squeeze %parallel_loop3A_846 : memref<1x128x128xf32, #tpu.memory_space<vmem>> -> memref<128x128xf32, #tpu.memory_space<vmem>>
            %parallel_loop3A_848 = tpu.vector_load_idx %parallel_loop3A_847[%add3A_726, %parallel_loop3A_843] : memref<128x128xf32, #tpu.memory_space<vmem>>[vector<16xi32>, vector<16xi32>], vector<16xf32>,
            %parallel_loop3A_849 = arith.constant 96 : i32
            %parallel_loop3A_850 = vector.broadcast %parallel_loop3A_849 : i32 to vector<16xi32>
            %parallel_loop3A_851 = arith.addi %parallel_loop3A_832, %parallel_loop3A_850 : vector<16xi32>
            %parallel_loop3A_852 = arith.constant 0 : i32
            %parallel_loop3A_853 = arith.constant 0 : i32
            %parallel_loop3A_854 = tpu.memref_slice %arg17[%scan3A_577, %parallel_loop3A_852, %parallel_loop3A_853] : memref<2x128x128xf32, #tpu.memory_space<vmem>> -> memref<1x128x128xf32, #tpu.memory_space<vmem>>
            %parallel_loop3A_855 = tpu.memref_squeeze %parallel_loop3A_854 : memref<1x128x128xf32, #tpu.memory_space<vmem>> -> memref<128x128xf32, #tpu.memory_space<vmem>>
            %parallel_loop3A_856 = tpu.vector_load_idx %parallel_loop3A_855[%add3A_726, %parallel_loop3A_851] : memref<128x128xf32, #tpu.memory_space<vmem>>[vector<16xi32>, vector<16xi32>], vector<16xf32>,
            %parallel_loop3A_857 = arith.constant 112 : i32
            %parallel_loop3A_858 = vector.broadcast %parallel_loop3A_857 : i32 to vector<16xi32>
            %parallel_loop3A_859 = arith.addi %parallel_loop3A_832, %parallel_loop3A_858 : vector<16xi32>
            %parallel_loop3A_860 = arith.constant 0 : i32
            %parallel_loop3A_861 = arith.constant 0 : i32
            %parallel_loop3A_862 = tpu.memref_slice %arg17[%scan3A_577, %parallel_loop3A_860, %parallel_loop3A_861] : memref<2x128x128xf32, #tpu.memory_space<vmem>> -> memref<1x128x128xf32, #tpu.memory_space<vmem>>
            %parallel_loop3A_863 = tpu.memref_squeeze %parallel_loop3A_862 : memref<1x128x128xf32, #tpu.memory_space<vmem>> -> memref<128x128xf32, #tpu.memory_space<vmem>>
            %parallel_loop3A_864 = tpu.vector_load_idx %parallel_loop3A_863[%add3A_726, %parallel_loop3A_859] : memref<128x128xf32, #tpu.memory_space<vmem>>[vector<16xi32>, vector<16xi32>], vector<16xf32>,
            %parallel_loop3A_865 = arith.constant 0 : i32
            %parallel_loop3A_866 = vector.broadcast %parallel_loop3A_865 : i32 to vector<16xi32>
            %parallel_loop3A_867 = arith.addi %parallel_loop3A_832, %parallel_loop3A_866 : vector<16xi32>
            %parallel_loop3A_868 = arith.mulf %exp3A, %parallel_loop3A_840 : vector<16xf32>
            %parallel_loop3A_869 = arith.constant 0 : i32
            %parallel_loop3A_870 = arith.constant 0 : i32
            %parallel_loop3A_871 = tpu.memref_slice %arg18[%scan3A_580, %parallel_loop3A_869, %parallel_loop3A_870] : memref<2x128x64xf32, #tpu.memory_space<vmem>> -> memref<1x128x64xf32, #tpu.memory_space<vmem>>
            %parallel_loop3A_872 = tpu.memref_squeeze %parallel_loop3A_871 : memref<1x128x64xf32, #tpu.memory_space<vmem>> -> memref<128x64xf32, #tpu.memory_space<vmem>>
            tpu.vector_store_idx %parallel_loop3A_872[%add3A_726, %parallel_loop3A_867], %parallel_loop3A_868 : memref<128x64xf32, #tpu.memory_space<vmem>>[vector<16xi32>, vector<16xi32>], vector<16xf32>,
            %parallel_loop3A_873 = arith.constant 16 : i32
            %parallel_loop3A_874 = vector.broadcast %parallel_loop3A_873 : i32 to vector<16xi32>
            %parallel_loop3A_875 = arith.addi %parallel_loop3A_832, %parallel_loop3A_874 : vector<16xi32>
            %parallel_loop3A_876 = arith.mulf %exp3A_769, %parallel_loop3A_848 : vector<16xf32>
            %parallel_loop3A_877 = arith.constant 0 : i32
            %parallel_loop3A_878 = arith.constant 0 : i32
            %parallel_loop3A_879 = tpu.memref_slice %arg18[%scan3A_580, %parallel_loop3A_877, %parallel_loop3A_878] : memref<2x128x64xf32, #tpu.memory_space<vmem>> -> memref<1x128x64xf32, #tpu.memory_space<vmem>>
            %parallel_loop3A_880 = tpu.memref_squeeze %parallel_loop3A_879 : memref<1x128x64xf32, #tpu.memory_space<vmem>> -> memref<128x64xf32, #tpu.memory_space<vmem>>
            tpu.vector_store_idx %parallel_loop3A_880[%add3A_726, %parallel_loop3A_875], %parallel_loop3A_876 : memref<128x64xf32, #tpu.memory_space<vmem>>[vector<16xi32>, vector<16xi32>], vector<16xf32>,
            %parallel_loop3A_881 = arith.constant 32 : i32
            %parallel_loop3A_882 = vector.broadcast %parallel_loop3A_881 : i32 to vector<16xi32>
            %parallel_loop3A_883 = arith.addi %parallel_loop3A_832, %parallel_loop3A_882 : vector<16xi32>
            %parallel_loop3A_884 = arith.mulf %exp3A_793, %parallel_loop3A_856 : vector<16xf32>
            %parallel_loop3A_885 = arith.constant 0 : i32
            %parallel_loop3A_886 = arith.constant 0 : i32
            %parallel_loop3A_887 = tpu.memref_slice %arg18[%scan3A_580, %parallel_loop3A_885, %parallel_loop3A_886] : memref<2x128x64xf32, #tpu.memory_space<vmem>> -> memref<1x128x64xf32, #tpu.memory_space<vmem>>
            %parallel_loop3A_888 = tpu.memref_squeeze %parallel_loop3A_887 : memref<1x128x64xf32, #tpu.memory_space<vmem>> -> memref<128x64xf32, #tpu.memory_space<vmem>>
            tpu.vector_store_idx %parallel_loop3A_888[%add3A_726, %parallel_loop3A_883], %parallel_loop3A_884 : memref<128x64xf32, #tpu.memory_space<vmem>>[vector<16xi32>, vector<16xi32>], vector<16xf32>,
            %parallel_loop3A_889 = arith.constant 48 : i32
            %parallel_loop3A_890 = vector.broadcast %parallel_loop3A_889 : i32 to vector<16xi32>
            %parallel_loop3A_891 = arith.addi %parallel_loop3A_832, %parallel_loop3A_890 : vector<16xi32>
            %parallel_loop3A_892 = arith.mulf %exp3A_817, %parallel_loop3A_864 : vector<16xf32>
            %parallel_loop3A_893 = arith.constant 0 : i32
            %parallel_loop3A_894 = arith.constant 0 : i32
            %parallel_loop3A_895 = tpu.memref_slice %arg18[%scan3A_580, %parallel_loop3A_893, %parallel_loop3A_894] : memref<2x128x64xf32, #tpu.memory_space<vmem>> -> memref<1x128x64xf32, #tpu.memory_space<vmem>>
            %parallel_loop3A_896 = tpu.memref_squeeze %parallel_loop3A_895 : memref<1x128x64xf32, #tpu.memory_space<vmem>> -> memref<128x64xf32, #tpu.memory_space<vmem>>
            tpu.vector_store_idx %parallel_loop3A_896[%add3A_726, %parallel_loop3A_891], %parallel_loop3A_892 : memref<128x64xf32, #tpu.memory_space<vmem>>[vector<16xi32>, vector<16xi32>], vector<16xf32>,
          } {sc.loop_unroll_factor = 4 : i64, sc.parallel_access}
        }
        %scan3A_585 = arith.constant 8 : i32
        %get3A_586 = arith.constant 1 : i32
        %get3A_587 = arith.constant 0 : i32
        %get3A_588 = tpu.memref_slice %arg11[%get3A_586, %get3A_587] : memref<2x128xi32, #tpu.memory_space<vmem>> -> memref<1x128xi32, #tpu.memory_space<vmem>>
        %get3A_589 = tpu.memref_squeeze %get3A_588 : memref<1x128xi32, #tpu.memory_space<vmem>> -> memref<128xi32, #tpu.memory_space<vmem>>
        %get3A_590 = arith.constant 0 : index
        %get3A_591 = tpu.vector_load %get3A_589[%get3A_590] {strides = array<i32>} : memref<128xi32, #tpu.memory_space<vmem>>, vector<16xi32>,
        %swap3A_592 = arith.constant 1 : i32
        %swap3A_593 = arith.constant 0 : i32
        %swap3A_594 = tpu.memref_slice %arg12[%swap3A_592, %swap3A_593] : memref<2x128xi32, #tpu.memory_space<vmem>> -> memref<1x128xi32, #tpu.memory_space<vmem>>
        %swap3A_595 = tpu.memref_squeeze %swap3A_594 : memref<1x128xi32, #tpu.memory_space<vmem>> -> memref<128xi32, #tpu.memory_space<vmem>>
        %swap3A_596 = arith.constant 0 : index
        %swap3A_597 = tpu.vector_load %swap3A_595[%swap3A_596] {strides = array<i32>} : memref<128xi32, #tpu.memory_space<vmem>>, vector<16xi32>,
        tpu.vector_store %swap3A_595[%swap3A_596], %get3A_591 {strides = array<i32>} : memref<128xi32, #tpu.memory_space<vmem>>, vector<16xi32>,
        %get3A_598 = arith.constant 1 : i32
        %get3A_599 = arith.constant 0 : i32
        %get3A_600 = tpu.memref_slice %arg11[%get3A_598, %get3A_599] : memref<2x128xi32, #tpu.memory_space<vmem>> -> memref<1x128xi32, #tpu.memory_space<vmem>>
        %get3A_601 = tpu.memref_squeeze %get3A_600 : memref<1x128xi32, #tpu.memory_space<vmem>> -> memref<128xi32, #tpu.memory_space<vmem>>
        %get3A_602 = arith.constant 16 : index
        %get3A_603 = tpu.vector_load %get3A_601[%get3A_602] {strides = array<i32>} : memref<128xi32, #tpu.memory_space<vmem>>, vector<16xi32>,
        %swap3A_604 = arith.constant 1 : i32
        %swap3A_605 = arith.constant 0 : i32
        %swap3A_606 = tpu.memref_slice %arg12[%swap3A_604, %swap3A_605] : memref<2x128xi32, #tpu.memory_space<vmem>> -> memref<1x128xi32, #tpu.memory_space<vmem>>
        %swap3A_607 = tpu.memref_squeeze %swap3A_606 : memref<1x128xi32, #tpu.memory_space<vmem>> -> memref<128xi32, #tpu.memory_space<vmem>>
        %swap3A_608 = arith.constant 16 : index
        %swap3A_609 = tpu.vector_load %swap3A_607[%swap3A_608] {strides = array<i32>} : memref<128xi32, #tpu.memory_space<vmem>>, vector<16xi32>,
        tpu.vector_store %swap3A_607[%swap3A_608], %get3A_603 {strides = array<i32>} : memref<128xi32, #tpu.memory_space<vmem>>, vector<16xi32>,
        %get3A_610 = arith.constant 1 : i32
        %get3A_611 = arith.constant 0 : i32
        %get3A_612 = tpu.memref_slice %arg11[%get3A_610, %get3A_611] : memref<2x128xi32, #tpu.memory_space<vmem>> -> memref<1x128xi32, #tpu.memory_space<vmem>>
        %get3A_613 = tpu.memref_squeeze %get3A_612 : memref<1x128xi32, #tpu.memory_space<vmem>> -> memref<128xi32, #tpu.memory_space<vmem>>
        %get3A_614 = arith.constant 32 : index
        %get3A_615 = tpu.vector_load %get3A_613[%get3A_614] {strides = array<i32>} : memref<128xi32, #tpu.memory_space<vmem>>, vector<16xi32>,
        %swap3A_616 = arith.constant 1 : i32
        %swap3A_617 = arith.constant 0 : i32
        %swap3A_618 = tpu.memref_slice %arg12[%swap3A_616, %swap3A_617] : memref<2x128xi32, #tpu.memory_space<vmem>> -> memref<1x128xi32, #tpu.memory_space<vmem>>
        %swap3A_619 = tpu.memref_squeeze %swap3A_618 : memref<1x128xi32, #tpu.memory_space<vmem>> -> memref<128xi32, #tpu.memory_space<vmem>>
        %swap3A_620 = arith.constant 32 : index
        %swap3A_621 = tpu.vector_load %swap3A_619[%swap3A_620] {strides = array<i32>} : memref<128xi32, #tpu.memory_space<vmem>>, vector<16xi32>,
        tpu.vector_store %swap3A_619[%swap3A_620], %get3A_615 {strides = array<i32>} : memref<128xi32, #tpu.memory_space<vmem>>, vector<16xi32>,
        %get3A_622 = arith.constant 1 : i32
        %get3A_623 = arith.constant 0 : i32
        %get3A_624 = tpu.memref_slice %arg11[%get3A_622, %get3A_623] : memref<2x128xi32, #tpu.memory_space<vmem>> -> memref<1x128xi32, #tpu.memory_space<vmem>>
        %get3A_625 = tpu.memref_squeeze %get3A_624 : memref<1x128xi32, #tpu.memory_space<vmem>> -> memref<128xi32, #tpu.memory_space<vmem>>
        %get3A_626 = arith.constant 48 : index
        %get3A_627 = tpu.vector_load %get3A_625[%get3A_626] {strides = array<i32>} : memref<128xi32, #tpu.memory_space<vmem>>, vector<16xi32>,
        %swap3A_628 = arith.constant 1 : i32
        %swap3A_629 = arith.constant 0 : i32
        %swap3A_630 = tpu.memref_slice %arg12[%swap3A_628, %swap3A_629] : memref<2x128xi32, #tpu.memory_space<vmem>> -> memref<1x128xi32, #tpu.memory_space<vmem>>
        %swap3A_631 = tpu.memref_squeeze %swap3A_630 : memref<1x128xi32, #tpu.memory_space<vmem>> -> memref<128xi32, #tpu.memory_space<vmem>>
        %swap3A_632 = arith.constant 48 : index
        %swap3A_633 = tpu.vector_load %swap3A_631[%swap3A_632] {strides = array<i32>} : memref<128xi32, #tpu.memory_space<vmem>>, vector<16xi32>,
        tpu.vector_store %swap3A_631[%swap3A_632], %get3A_627 {strides = array<i32>} : memref<128xi32, #tpu.memory_space<vmem>>, vector<16xi32>,
        %get3A_634 = arith.constant 1 : i32
        %get3A_635 = arith.constant 0 : i32
        %get3A_636 = tpu.memref_slice %arg11[%get3A_634, %get3A_635] : memref<2x128xi32, #tpu.memory_space<vmem>> -> memref<1x128xi32, #tpu.memory_space<vmem>>
        %get3A_637 = tpu.memref_squeeze %get3A_636 : memref<1x128xi32, #tpu.memory_space<vmem>> -> memref<128xi32, #tpu.memory_space<vmem>>
        %get3A_638 = arith.constant 64 : index
        %get3A_639 = tpu.vector_load %get3A_637[%get3A_638] {strides = array<i32>} : memref<128xi32, #tpu.memory_space<vmem>>, vector<16xi32>,
        %swap3A_640 = arith.constant 1 : i32
        %swap3A_641 = arith.constant 0 : i32
        %swap3A_642 = tpu.memref_slice %arg12[%swap3A_640, %swap3A_641] : memref<2x128xi32, #tpu.memory_space<vmem>> -> memref<1x128xi32, #tpu.memory_space<vmem>>
        %swap3A_643 = tpu.memref_squeeze %swap3A_642 : memref<1x128xi32, #tpu.memory_space<vmem>> -> memref<128xi32, #tpu.memory_space<vmem>>
        %swap3A_644 = arith.constant 64 : index
        %swap3A_645 = tpu.vector_load %swap3A_643[%swap3A_644] {strides = array<i32>} : memref<128xi32, #tpu.memory_space<vmem>>, vector<16xi32>,
        tpu.vector_store %swap3A_643[%swap3A_644], %get3A_639 {strides = array<i32>} : memref<128xi32, #tpu.memory_space<vmem>>, vector<16xi32>,
        %get3A_646 = arith.constant 1 : i32
        %get3A_647 = arith.constant 0 : i32
        %get3A_648 = tpu.memref_slice %arg11[%get3A_646, %get3A_647] : memref<2x128xi32, #tpu.memory_space<vmem>> -> memref<1x128xi32, #tpu.memory_space<vmem>>
        %get3A_649 = tpu.memref_squeeze %get3A_648 : memref<1x128xi32, #tpu.memory_space<vmem>> -> memref<128xi32, #tpu.memory_space<vmem>>
        %get3A_650 = arith.constant 80 : index
        %get3A_651 = tpu.vector_load %get3A_649[%get3A_650] {strides = array<i32>} : memref<128xi32, #tpu.memory_space<vmem>>, vector<16xi32>,
        %swap3A_652 = arith.constant 1 : i32
        %swap3A_653 = arith.constant 0 : i32
        %swap3A_654 = tpu.memref_slice %arg12[%swap3A_652, %swap3A_653] : memref<2x128xi32, #tpu.memory_space<vmem>> -> memref<1x128xi32, #tpu.memory_space<vmem>>
        %swap3A_655 = tpu.memref_squeeze %swap3A_654 : memref<1x128xi32, #tpu.memory_space<vmem>> -> memref<128xi32, #tpu.memory_space<vmem>>
        %swap3A_656 = arith.constant 80 : index
        %swap3A_657 = tpu.vector_load %swap3A_655[%swap3A_656] {strides = array<i32>} : memref<128xi32, #tpu.memory_space<vmem>>, vector<16xi32>,
        tpu.vector_store %swap3A_655[%swap3A_656], %get3A_651 {strides = array<i32>} : memref<128xi32, #tpu.memory_space<vmem>>, vector<16xi32>,
        %get3A_658 = arith.constant 1 : i32
        %get3A_659 = arith.constant 0 : i32
        %get3A_660 = tpu.memref_slice %arg11[%get3A_658, %get3A_659] : memref<2x128xi32, #tpu.memory_space<vmem>> -> memref<1x128xi32, #tpu.memory_space<vmem>>
        %get3A_661 = tpu.memref_squeeze %get3A_660 : memref<1x128xi32, #tpu.memory_space<vmem>> -> memref<128xi32, #tpu.memory_space<vmem>>
        %get3A_662 = arith.constant 96 : index
        %get3A_663 = tpu.vector_load %get3A_661[%get3A_662] {strides = array<i32>} : memref<128xi32, #tpu.memory_space<vmem>>, vector<16xi32>,
        %swap3A_664 = arith.constant 1 : i32
        %swap3A_665 = arith.constant 0 : i32
        %swap3A_666 = tpu.memref_slice %arg12[%swap3A_664, %swap3A_665] : memref<2x128xi32, #tpu.memory_space<vmem>> -> memref<1x128xi32, #tpu.memory_space<vmem>>
        %swap3A_667 = tpu.memref_squeeze %swap3A_666 : memref<1x128xi32, #tpu.memory_space<vmem>> -> memref<128xi32, #tpu.memory_space<vmem>>
        %swap3A_668 = arith.constant 96 : index
        %swap3A_669 = tpu.vector_load %swap3A_667[%swap3A_668] {strides = array<i32>} : memref<128xi32, #tpu.memory_space<vmem>>, vector<16xi32>,
        tpu.vector_store %swap3A_667[%swap3A_668], %get3A_663 {strides = array<i32>} : memref<128xi32, #tpu.memory_space<vmem>>, vector<16xi32>,
        %get3A_670 = arith.constant 1 : i32
        %get3A_671 = arith.constant 0 : i32
        %get3A_672 = tpu.memref_slice %arg11[%get3A_670, %get3A_671] : memref<2x128xi32, #tpu.memory_space<vmem>> -> memref<1x128xi32, #tpu.memory_space<vmem>>
        %get3A_673 = tpu.memref_squeeze %get3A_672 : memref<1x128xi32, #tpu.memory_space<vmem>> -> memref<128xi32, #tpu.memory_space<vmem>>
        %get3A_674 = arith.constant 112 : index
        %get3A_675 = tpu.vector_load %get3A_673[%get3A_674] {strides = array<i32>} : memref<128xi32, #tpu.memory_space<vmem>>, vector<16xi32>,
        %swap3A_676 = arith.constant 1 : i32
        %swap3A_677 = arith.constant 0 : i32
        %swap3A_678 = tpu.memref_slice %arg12[%swap3A_676, %swap3A_677] : memref<2x128xi32, #tpu.memory_space<vmem>> -> memref<1x128xi32, #tpu.memory_space<vmem>>
        %swap3A_679 = tpu.memref_squeeze %swap3A_678 : memref<1x128xi32, #tpu.memory_space<vmem>> -> memref<128xi32, #tpu.memory_space<vmem>>
        %swap3A_680 = arith.constant 112 : index
        %swap3A_681 = tpu.vector_load %swap3A_679[%swap3A_680] {strides = array<i32>} : memref<128xi32, #tpu.memory_space<vmem>>, vector<16xi32>,
        tpu.vector_store %swap3A_679[%swap3A_680], %get3A_675 {strides = array<i32>} : memref<128xi32, #tpu.memory_space<vmem>>, vector<16xi32>,
        %dma_start3A_682 = arith.constant 1 : i32
        %dma_start3A_683 = arith.constant 1 : i32
        %dma_start3A_684 = arith.constant 1 : i32
        %dma_start3A_685 = arith.constant 0 : i32
        %dma_start3A_686 = arith.constant 0 : i32
        %dma_start3A_687 = tpu.memref_slice %arg18[%dma_start3A_682, %dma_start3A_685, %dma_start3A_686] : memref<2x128x64xf32, #tpu.memory_space<vmem>> -> memref<1x128x64xf32, #tpu.memory_space<vmem>>
        %dma_start3A_688 = tpu.memref_squeeze %dma_start3A_687 : memref<1x128x64xf32, #tpu.memory_space<vmem>> -> memref<128x64xf32, #tpu.memory_space<vmem>>
        %dma_start3A_689 = arith.constant 0 : i32
        %dma_start3A_690 = tpu.memref_slice %arg12[%dma_start3A_683, %dma_start3A_689] : memref<2x128xi32, #tpu.memory_space<vmem>> -> memref<1x128xi32, #tpu.memory_space<vmem>>
        %dma_start3A_691 = tpu.memref_squeeze %dma_start3A_690 : memref<1x128xi32, #tpu.memory_space<vmem>> -> memref<128xi32, #tpu.memory_space<vmem>>
        %dma_start3A_692 = arith.constant 0 : i32
        %dma_start3A_693 = arith.constant 0 : i32
        %dma_start3A_694 = tpu.memref_slice %arg20[%dma_start3A_692, %dma_start3A_693] : memref<10000x64xf32, #tpu.memory_space<vmem_shared>> -> memref<10000x64xf32, #tpu.memory_space<vmem_shared>>
        %dma_start3A_695 = tpu.memref_slice %arg27[%dma_start3A_684] : memref<2x!tpu.dma_semaphore, #tpu.memory_space<semaphore_mem>> -> memref<1x!tpu.dma_semaphore, #tpu.memory_space<semaphore_mem>>
        %dma_start3A_696 = tpu.memref_squeeze %dma_start3A_695 : memref<1x!tpu.dma_semaphore, #tpu.memory_space<semaphore_mem>> -> memref<!tpu.dma_semaphore, #tpu.memory_space<semaphore_mem>>
        tpu.enqueue_indirect_dma source(%dma_start3A_688 : memref<128x64xf32, #tpu.memory_space<vmem>>) target(%dma_start3A_694 : memref<10000x64xf32, #tpu.memory_space<vmem_shared>>) offsets(%dma_start3A_691 : memref<128xi32, #tpu.memory_space<vmem>>) semaphore(%dma_start3A_696 : memref<!tpu.dma_semaphore, #tpu.memory_space<semaphore_mem>>) {add = true}
        %dma_start3A_697 = arith.constant 1 : i32
        %dma_start3A_698 = arith.constant 1 : i32
        %dma_start3A_699 = arith.constant 1 : i32
        %dma_start3A_700 = arith.constant 0 : i32
        %dma_start3A_701 = arith.constant 0 : i32
        %dma_start3A_702 = tpu.memref_slice %arg19[%dma_start3A_697, %dma_start3A_700, %dma_start3A_701] : memref<2x128x8xf32, #tpu.memory_space<vmem>> -> memref<1x128x8xf32, #tpu.memory_space<vmem>>
        %dma_start3A_703 = tpu.memref_squeeze %dma_start3A_702 : memref<1x128x8xf32, #tpu.memory_space<vmem>> -> memref<128x8xf32, #tpu.memory_space<vmem>>
        %dma_start3A_704 = arith.constant 0 : i32
        %dma_start3A_705 = tpu.memref_slice %arg12[%dma_start3A_698, %dma_start3A_704] : memref<2x128xi32, #tpu.memory_space<vmem>> -> memref<1x128xi32, #tpu.memory_space<vmem>>
        %dma_start3A_706 = tpu.memref_squeeze %dma_start3A_705 : memref<1x128xi32, #tpu.memory_space<vmem>> -> memref<128xi32, #tpu.memory_space<vmem>>
        %dma_start3A_707 = arith.constant 0 : i32
        %dma_start3A_708 = arith.constant 0 : i32
        %dma_start3A_709 = tpu.memref_slice %arg21[%dma_start3A_707, %dma_start3A_708] : memref<10000x8xf32, #tpu.memory_space<vmem_shared>> -> memref<10000x8xf32, #tpu.memory_space<vmem_shared>>
        %dma_start3A_710 = tpu.memref_slice %arg28[%dma_start3A_699] : memref<2x!tpu.dma_semaphore, #tpu.memory_space<semaphore_mem>> -> memref<1x!tpu.dma_semaphore, #tpu.memory_space<semaphore_mem>>
        %dma_start3A_711 = tpu.memref_squeeze %dma_start3A_710 : memref<1x!tpu.dma_semaphore, #tpu.memory_space<semaphore_mem>> -> memref<!tpu.dma_semaphore, #tpu.memory_space<semaphore_mem>>
        tpu.enqueue_indirect_dma source(%dma_start3A_703 : memref<128x8xf32, #tpu.memory_space<vmem>>) target(%dma_start3A_709 : memref<10000x8xf32, #tpu.memory_space<vmem_shared>>) offsets(%dma_start3A_706 : memref<128xi32, #tpu.memory_space<vmem>>) semaphore(%dma_start3A_711 : memref<!tpu.dma_semaphore, #tpu.memory_space<semaphore_mem>>) {add = true}
        %add3A_712 = arith.constant 2 : i32
        %add3A_713 = arith.addi %add3A_513, %add3A_712 : i32
        %lt3A_714 = arith.cmpi slt, %add3A_713, %select_n3A : i32
        %convert_element_type3A_715 = arith.extui %lt3A_714 : i1 to i32
        %cond3A_716 = arith.constant 0 : i32
        %cond3A_717 = arith.cmpi ne, %convert_element_type3A_715, %cond3A_716 : i32
        scf.if %cond3A_717 {
          %add3A_718 = arith.constant 2 : i32
          %add3A_719 = arith.addi %add3A_513, %add3A_718 : i32
          %mul3A_720 = arith.constant 128 : i32
          %mul3A_721 = arith.muli %add3A_719, %mul3A_720 : i32
          %add3A_722 = arith.addi %mul3A_9, %mul3A_721 : i32
          %dma_start3A_723 = arith.constant 1 : i32
          %dma_start3A_724 = arith.constant 1 : i32
          %dma_start3A_725 = arith.constant 0 : i32
          %dma_start3A_726 = tpu.memref_slice %arg11[%dma_start3A_723, %dma_start3A_725] : memref<2x128xi32, #tpu.memory_space<vmem>> -> memref<1x128xi32, #tpu.memory_space<vmem>>
          %dma_start3A_727 = tpu.memref_squeeze %dma_start3A_726 : memref<1x128xi32, #tpu.memory_space<vmem>> -> memref<128xi32, #tpu.memory_space<vmem>>
          %dma_start3A_728 = tpu.memref_slice %arg4[%add3A_722] : memref<320000xi32, #tpu.memory_space<hbm>> -> memref<128xi32, #tpu.memory_space<hbm>>
          %dma_start3A_729 = tpu.memref_slice %arg22[%dma_start3A_724] : memref<2x!tpu.dma_semaphore, #tpu.memory_space<semaphore_mem>> -> memref<1x!tpu.dma_semaphore, #tpu.memory_space<semaphore_mem>>
          %dma_start3A_730 = tpu.memref_squeeze %dma_start3A_729 : memref<1x!tpu.dma_semaphore, #tpu.memory_space<semaphore_mem>> -> memref<!tpu.dma_semaphore, #tpu.memory_space<semaphore_mem>>
          %dma_start3A_731 = arith.constant 0 : i32
          %dma_start3A_732 = tpu.memref_slice %arg11[%dma_start3A_723, %dma_start3A_731] : memref<2x128xi32, #tpu.memory_space<vmem>> -> memref<1x128xi32, #tpu.memory_space<vmem>>
          %dma_start3A_733 = tpu.memref_squeeze %dma_start3A_732 : memref<1x128xi32, #tpu.memory_space<vmem>> -> memref<128xi32, #tpu.memory_space<vmem>>
          %dma_start3A_734 = tpu.memref_slice %arg4[%add3A_722] : memref<320000xi32, #tpu.memory_space<hbm>> -> memref<128xi32, #tpu.memory_space<hbm>>
          tpu.enqueue_dma source(%dma_start3A_734 : memref<128xi32, #tpu.memory_space<hbm>>) target(%dma_start3A_733 : memref<128xi32, #tpu.memory_space<vmem>>) target_semaphore(%dma_start3A_730 : memref<!tpu.dma_semaphore, #tpu.memory_space<semaphore_mem>>)
          %dma_start3A_735 = arith.constant 1 : i32
          %dma_start3A_736 = arith.constant 1 : i32
          %dma_start3A_737 = arith.constant 0 : i32
          %dma_start3A_738 = tpu.memref_slice %arg14[%dma_start3A_735, %dma_start3A_737] : memref<2x128xi32, #tpu.memory_space<vmem>> -> memref<1x128xi32, #tpu.memory_space<vmem>>
          %dma_start3A_739 = tpu.memref_squeeze %dma_start3A_738 : memref<1x128xi32, #tpu.memory_space<vmem>> -> memref<128xi32, #tpu.memory_space<vmem>>
          %dma_start3A_740 = tpu.memref_slice %arg5[%add3A_722] : memref<320000xi32, #tpu.memory_space<hbm>> -> memref<128xi32, #tpu.memory_space<hbm>>
          %dma_start3A_741 = tpu.memref_slice %arg23[%dma_start3A_736] : memref<2x!tpu.dma_semaphore, #tpu.memory_space<semaphore_mem>> -> memref<1x!tpu.dma_semaphore, #tpu.memory_space<semaphore_mem>>
          %dma_start3A_742 = tpu.memref_squeeze %dma_start3A_741 : memref<1x!tpu.dma_semaphore, #tpu.memory_space<semaphore_mem>> -> memref<!tpu.dma_semaphore, #tpu.memory_space<semaphore_mem>>
          %dma_start3A_743 = arith.constant 0 : i32
          %dma_start3A_744 = tpu.memref_slice %arg14[%dma_start3A_735, %dma_start3A_743] : memref<2x128xi32, #tpu.memory_space<vmem>> -> memref<1x128xi32, #tpu.memory_space<vmem>>
          %dma_start3A_745 = tpu.memref_squeeze %dma_start3A_744 : memref<1x128xi32, #tpu.memory_space<vmem>> -> memref<128xi32, #tpu.memory_space<vmem>>
          %dma_start3A_746 = tpu.memref_slice %arg5[%add3A_722] : memref<320000xi32, #tpu.memory_space<hbm>> -> memref<128xi32, #tpu.memory_space<hbm>>
          tpu.enqueue_dma source(%dma_start3A_746 : memref<128xi32, #tpu.memory_space<hbm>>) target(%dma_start3A_745 : memref<128xi32, #tpu.memory_space<vmem>>) target_semaphore(%dma_start3A_742 : memref<!tpu.dma_semaphore, #tpu.memory_space<semaphore_mem>>)
          %dma_start3A_747 = arith.constant 1 : i32
          %dma_start3A_748 = arith.constant 1 : i32
          %dma_start3A_749 = arith.constant 0 : i32
          %dma_start3A_750 = arith.constant 0 : i32
          %dma_start3A_751 = tpu.memref_slice %arg15[%dma_start3A_747, %dma_start3A_749, %dma_start3A_750] : memref<2x128x8xf32, #tpu.memory_space<vmem>> -> memref<1x128x8xf32, #tpu.memory_space<vmem>>
          %dma_start3A_752 = tpu.memref_squeeze %dma_start3A_751 : memref<1x128x8xf32, #tpu.memory_space<vmem>> -> memref<128x8xf32, #tpu.memory_space<vmem>>
          %dma_start3A_753 = arith.constant 0 : i32
          %dma_start3A_754 = tpu.memref_slice %arg6[%add3A_722, %dma_start3A_753] : memref<320000x8xf32, #tpu.memory_space<hbm>> -> memref<128x8xf32, #tpu.memory_space<hbm>>
          %dma_start3A_755 = tpu.memref_slice %arg24[%dma_start3A_748] : memref<2x!tpu.dma_semaphore, #tpu.memory_space<semaphore_mem>> -> memref<1x!tpu.dma_semaphore, #tpu.memory_space<semaphore_mem>>
          %dma_start3A_756 = tpu.memref_squeeze %dma_start3A_755 : memref<1x!tpu.dma_semaphore, #tpu.memory_space<semaphore_mem>> -> memref<!tpu.dma_semaphore, #tpu.memory_space<semaphore_mem>>
          %dma_start3A_757 = arith.constant 0 : i32
          %dma_start3A_758 = arith.constant 0 : i32
          %dma_start3A_759 = tpu.memref_slice %arg15[%dma_start3A_747, %dma_start3A_757, %dma_start3A_758] : memref<2x128x8xf32, #tpu.memory_space<vmem>> -> memref<1x128x8xf32, #tpu.memory_space<vmem>>
          %dma_start3A_760 = tpu.memref_squeeze %dma_start3A_759 : memref<1x128x8xf32, #tpu.memory_space<vmem>> -> memref<128x8xf32, #tpu.memory_space<vmem>>
          %dma_start3A_761 = arith.constant 0 : i32
          %dma_start3A_762 = tpu.memref_slice %arg6[%add3A_722, %dma_start3A_761] : memref<320000x8xf32, #tpu.memory_space<hbm>> -> memref<128x8xf32, #tpu.memory_space<hbm>>
          tpu.enqueue_dma source(%dma_start3A_762 : memref<128x8xf32, #tpu.memory_space<hbm>>) target(%dma_start3A_760 : memref<128x8xf32, #tpu.memory_space<vmem>>) target_semaphore(%dma_start3A_756 : memref<!tpu.dma_semaphore, #tpu.memory_space<semaphore_mem>>)
        } else {
        }
      } else {
      }
    }
    %scan3A_429 = arith.constant 80 : i32
    %dma_wait3A_430 = arith.constant 0 : i32
    %dma_wait3A_431 = arith.constant 0 : i32
    %dma_wait3A_432 = arith.constant 0 : i32
    %dma_wait3A_433 = arith.constant 0 : i32
    %dma_wait3A_434 = arith.constant 0 : i32
    %dma_wait3A_435 = tpu.memref_slice %arg18[%dma_wait3A_430, %dma_wait3A_433, %dma_wait3A_434] : memref<2x128x64xf32, #tpu.memory_space<vmem>> -> memref<1x128x64xf32, #tpu.memory_space<vmem>>
    %dma_wait3A_436 = tpu.memref_squeeze %dma_wait3A_435 : memref<1x128x64xf32, #tpu.memory_space<vmem>> -> memref<128x64xf32, #tpu.memory_space<vmem>>
    %dma_wait3A_437 = arith.constant 0 : i32
    %dma_wait3A_438 = tpu.memref_slice %arg12[%dma_wait3A_431, %dma_wait3A_437] : memref<2x128xi32, #tpu.memory_space<vmem>> -> memref<1x128xi32, #tpu.memory_space<vmem>>
    %dma_wait3A_439 = tpu.memref_squeeze %dma_wait3A_438 : memref<1x128xi32, #tpu.memory_space<vmem>> -> memref<128xi32, #tpu.memory_space<vmem>>
    %dma_wait3A_440 = arith.constant 0 : i32
    %dma_wait3A_441 = arith.constant 0 : i32
    %dma_wait3A_442 = tpu.memref_slice %arg20[%dma_wait3A_440, %dma_wait3A_441] : memref<10000x64xf32, #tpu.memory_space<vmem_shared>> -> memref<10000x64xf32, #tpu.memory_space<vmem_shared>>
    %dma_wait3A_443 = tpu.memref_slice %arg27[%dma_wait3A_432] : memref<2x!tpu.dma_semaphore, #tpu.memory_space<semaphore_mem>> -> memref<1x!tpu.dma_semaphore, #tpu.memory_space<semaphore_mem>>
    %dma_wait3A_444 = tpu.memref_squeeze %dma_wait3A_443 : memref<1x!tpu.dma_semaphore, #tpu.memory_space<semaphore_mem>> -> memref<!tpu.dma_semaphore, #tpu.memory_space<semaphore_mem>>
    tpu.wait_indirect_dma semaphore(%dma_wait3A_444 : memref<!tpu.dma_semaphore, #tpu.memory_space<semaphore_mem>>) src(%dma_wait3A_436 : memref<128x64xf32, #tpu.memory_space<vmem>>) dst(%dma_wait3A_442 : memref<10000x64xf32, #tpu.memory_space<vmem_shared>>)
    %dma_wait3A_445 = arith.constant 0 : i32
    %dma_wait3A_446 = arith.constant 0 : i32
    %dma_wait3A_447 = arith.constant 0 : i32
    %dma_wait3A_448 = arith.constant 0 : i32
    %dma_wait3A_449 = arith.constant 0 : i32
    %dma_wait3A_450 = tpu.memref_slice %arg19[%dma_wait3A_445, %dma_wait3A_448, %dma_wait3A_449] : memref<2x128x8xf32, #tpu.memory_space<vmem>> -> memref<1x128x8xf32, #tpu.memory_space<vmem>>
    %dma_wait3A_451 = tpu.memref_squeeze %dma_wait3A_450 : memref<1x128x8xf32, #tpu.memory_space<vmem>> -> memref<128x8xf32, #tpu.memory_space<vmem>>
    %dma_wait3A_452 = arith.constant 0 : i32
    %dma_wait3A_453 = tpu.memref_slice %arg12[%dma_wait3A_446, %dma_wait3A_452] : memref<2x128xi32, #tpu.memory_space<vmem>> -> memref<1x128xi32, #tpu.memory_space<vmem>>
    %dma_wait3A_454 = tpu.memref_squeeze %dma_wait3A_453 : memref<1x128xi32, #tpu.memory_space<vmem>> -> memref<128xi32, #tpu.memory_space<vmem>>
    %dma_wait3A_455 = arith.constant 0 : i32
    %dma_wait3A_456 = arith.constant 0 : i32
    %dma_wait3A_457 = tpu.memref_slice %arg21[%dma_wait3A_455, %dma_wait3A_456] : memref<10000x8xf32, #tpu.memory_space<vmem_shared>> -> memref<10000x8xf32, #tpu.memory_space<vmem_shared>>
    %dma_wait3A_458 = tpu.memref_slice %arg28[%dma_wait3A_447] : memref<2x!tpu.dma_semaphore, #tpu.memory_space<semaphore_mem>> -> memref<1x!tpu.dma_semaphore, #tpu.memory_space<semaphore_mem>>
    %dma_wait3A_459 = tpu.memref_squeeze %dma_wait3A_458 : memref<1x!tpu.dma_semaphore, #tpu.memory_space<semaphore_mem>> -> memref<!tpu.dma_semaphore, #tpu.memory_space<semaphore_mem>>
    tpu.wait_indirect_dma semaphore(%dma_wait3A_459 : memref<!tpu.dma_semaphore, #tpu.memory_space<semaphore_mem>>) src(%dma_wait3A_451 : memref<128x8xf32, #tpu.memory_space<vmem>>) dst(%dma_wait3A_457 : memref<10000x8xf32, #tpu.memory_space<vmem_shared>>)
    %dma_wait3A_460 = arith.constant 1 : i32
    %dma_wait3A_461 = arith.constant 1 : i32
    %dma_wait3A_462 = arith.constant 1 : i32
    %dma_wait3A_463 = arith.constant 0 : i32
    %dma_wait3A_464 = arith.constant 0 : i32
    %dma_wait3A_465 = tpu.memref_slice %arg18[%dma_wait3A_460, %dma_wait3A_463, %dma_wait3A_464] : memref<2x128x64xf32, #tpu.memory_space<vmem>> -> memref<1x128x64xf32, #tpu.memory_space<vmem>>
    %dma_wait3A_466 = tpu.memref_squeeze %dma_wait3A_465 : memref<1x128x64xf32, #tpu.memory_space<vmem>> -> memref<128x64xf32, #tpu.memory_space<vmem>>
    %dma_wait3A_467 = arith.constant 0 : i32
    %dma_wait3A_468 = tpu.memref_slice %arg12[%dma_wait3A_461, %dma_wait3A_467] : memref<2x128xi32, #tpu.memory_space<vmem>> -> memref<1x128xi32, #tpu.memory_space<vmem>>
    %dma_wait3A_469 = tpu.memref_squeeze %dma_wait3A_468 : memref<1x128xi32, #tpu.memory_space<vmem>> -> memref<128xi32, #tpu.memory_space<vmem>>
    %dma_wait3A_470 = arith.constant 0 : i32
    %dma_wait3A_471 = arith.constant 0 : i32
    %dma_wait3A_472 = tpu.memref_slice %arg20[%dma_wait3A_470, %dma_wait3A_471] : memref<10000x64xf32, #tpu.memory_space<vmem_shared>> -> memref<10000x64xf32, #tpu.memory_space<vmem_shared>>
    %dma_wait3A_473 = tpu.memref_slice %arg27[%dma_wait3A_462] : memref<2x!tpu.dma_semaphore, #tpu.memory_space<semaphore_mem>> -> memref<1x!tpu.dma_semaphore, #tpu.memory_space<semaphore_mem>>
    %dma_wait3A_474 = tpu.memref_squeeze %dma_wait3A_473 : memref<1x!tpu.dma_semaphore, #tpu.memory_space<semaphore_mem>> -> memref<!tpu.dma_semaphore, #tpu.memory_space<semaphore_mem>>
    tpu.wait_indirect_dma semaphore(%dma_wait3A_474 : memref<!tpu.dma_semaphore, #tpu.memory_space<semaphore_mem>>) src(%dma_wait3A_466 : memref<128x64xf32, #tpu.memory_space<vmem>>) dst(%dma_wait3A_472 : memref<10000x64xf32, #tpu.memory_space<vmem_shared>>)
    %dma_wait3A_475 = arith.constant 1 : i32
    %dma_wait3A_476 = arith.constant 1 : i32
    %dma_wait3A_477 = arith.constant 1 : i32
    %dma_wait3A_478 = arith.constant 0 : i32
    %dma_wait3A_479 = arith.constant 0 : i32
    %dma_wait3A_480 = tpu.memref_slice %arg19[%dma_wait3A_475, %dma_wait3A_478, %dma_wait3A_479] : memref<2x128x8xf32, #tpu.memory_space<vmem>> -> memref<1x128x8xf32, #tpu.memory_space<vmem>>
    %dma_wait3A_481 = tpu.memref_squeeze %dma_wait3A_480 : memref<1x128x8xf32, #tpu.memory_space<vmem>> -> memref<128x8xf32, #tpu.memory_space<vmem>>
    %dma_wait3A_482 = arith.constant 0 : i32
    %dma_wait3A_483 = tpu.memref_slice %arg12[%dma_wait3A_476, %dma_wait3A_482] : memref<2x128xi32, #tpu.memory_space<vmem>> -> memref<1x128xi32, #tpu.memory_space<vmem>>
    %dma_wait3A_484 = tpu.memref_squeeze %dma_wait3A_483 : memref<1x128xi32, #tpu.memory_space<vmem>> -> memref<128xi32, #tpu.memory_space<vmem>>
    %dma_wait3A_485 = arith.constant 0 : i32
    %dma_wait3A_486 = arith.constant 0 : i32
    %dma_wait3A_487 = tpu.memref_slice %arg21[%dma_wait3A_485, %dma_wait3A_486] : memref<10000x8xf32, #tpu.memory_space<vmem_shared>> -> memref<10000x8xf32, #tpu.memory_space<vmem_shared>>
    %dma_wait3A_488 = tpu.memref_slice %arg28[%dma_wait3A_477] : memref<2x!tpu.dma_semaphore, #tpu.memory_space<semaphore_mem>> -> memref<1x!tpu.dma_semaphore, #tpu.memory_space<semaphore_mem>>
    %dma_wait3A_489 = tpu.memref_squeeze %dma_wait3A_488 : memref<1x!tpu.dma_semaphore, #tpu.memory_space<semaphore_mem>> -> memref<!tpu.dma_semaphore, #tpu.memory_space<semaphore_mem>>
    tpu.wait_indirect_dma semaphore(%dma_wait3A_489 : memref<!tpu.dma_semaphore, #tpu.memory_space<semaphore_mem>>) src(%dma_wait3A_481 : memref<128x8xf32, #tpu.memory_space<vmem>>) dst(%dma_wait3A_487 : memref<10000x8xf32, #tpu.memory_space<vmem_shared>>)
    %barrier3A_490 = arith.constant 0 : index
    tpu.barrier barrier_id(%barrier3A_490)
    %lt3A_491 = arith.constant 15 : i32
    %lt3A_492 = arith.cmpi slt, %arg1, %lt3A_491 : i32
    %convert_element_type3A_493 = arith.extui %lt3A_492 : i1 to i32
    %cond3A_494 = arith.constant 0 : i32
    %cond3A_495 = arith.cmpi ne, %convert_element_type3A_493, %cond3A_494 : i32
    scf.if %cond3A_495 {
      "tpu.region"() ({
        %run_scoped3A_501 = tpu.sem_alloc : memref<!tpu.dma_semaphore, #tpu.memory_space<semaphore_mem>>
        %dma_start3A_502 = arith.constant 0 : i32
        %dma_start3A_503 = tpu.memref_slice %arg9[%arg0, %mul3A_0, %dma_start3A_502] : memref<2x10000x64xf32, #tpu.memory_space<hbm>> -> memref<1x632x64xf32, #tpu.memory_space<hbm>>
        %dma_start3A_504 = tpu.memref_squeeze %dma_start3A_503 : memref<1x632x64xf32, #tpu.memory_space<hbm>> -> memref<632x64xf32, #tpu.memory_space<hbm>>
        %dma_start3A_505 = arith.constant 0 : i32
        %dma_start3A_506 = tpu.memref_slice %arg20[%mul3A_0, %dma_start3A_505] : memref<10000x64xf32, #tpu.memory_space<vmem_shared>> -> memref<632x64xf32, #tpu.memory_space<vmem_shared>>
        tpu.enqueue_dma source(%dma_start3A_506 : memref<632x64xf32, #tpu.memory_space<vmem_shared>>) target(%dma_start3A_504 : memref<632x64xf32, #tpu.memory_space<hbm>>) target_semaphore(%run_scoped3A_501 : memref<!tpu.dma_semaphore, #tpu.memory_space<semaphore_mem>>)
        %dma_wait3A_507 = arith.constant 0 : i32
        %dma_wait3A_508 = tpu.memref_slice %arg9[%arg0, %mul3A_0, %dma_wait3A_507] : memref<2x10000x64xf32, #tpu.memory_space<hbm>> -> memref<1x632x64xf32, #tpu.memory_space<hbm>>
        %dma_wait3A_509 = tpu.memref_squeeze %dma_wait3A_508 : memref<1x632x64xf32, #tpu.memory_space<hbm>> -> memref<632x64xf32, #tpu.memory_space<hbm>>
        %dma_wait3A_510 = arith.constant 0 : i32
        %dma_wait3A_511 = tpu.memref_slice %arg20[%mul3A_0, %dma_wait3A_510] : memref<10000x64xf32, #tpu.memory_space<vmem_shared>> -> memref<632x64xf32, #tpu.memory_space<vmem_shared>>
        tpu.wait_dma2 semaphore(%run_scoped3A_501 : memref<!tpu.dma_semaphore, #tpu.memory_space<semaphore_mem>>) src(%dma_wait3A_511 : memref<632x64xf32, #tpu.memory_space<vmem_shared>>) dst(%dma_wait3A_509 : memref<632x64xf32, #tpu.memory_space<hbm>>)
        tpu.yield
      }) : () -> ()
      "tpu.region"() ({
        %run_scoped3A_501 = tpu.sem_alloc : memref<!tpu.dma_semaphore, #tpu.memory_space<semaphore_mem>>
        %dma_start3A_502 = arith.constant 0 : i32
        %dma_start3A_503 = tpu.memref_slice %arg10[%arg0, %mul3A_0, %dma_start3A_502] : memref<2x10000x8xf32, #tpu.memory_space<hbm>> -> memref<1x632x8xf32, #tpu.memory_space<hbm>>
        %dma_start3A_504 = tpu.memref_squeeze %dma_start3A_503 : memref<1x632x8xf32, #tpu.memory_space<hbm>> -> memref<632x8xf32, #tpu.memory_space<hbm>>
        %dma_start3A_505 = arith.constant 0 : i32
        %dma_start3A_506 = tpu.memref_slice %arg21[%mul3A_0, %dma_start3A_505] : memref<10000x8xf32, #tpu.memory_space<vmem_shared>> -> memref<632x8xf32, #tpu.memory_space<vmem_shared>>
        tpu.enqueue_dma source(%dma_start3A_506 : memref<632x8xf32, #tpu.memory_space<vmem_shared>>) target(%dma_start3A_504 : memref<632x8xf32, #tpu.memory_space<hbm>>) target_semaphore(%run_scoped3A_501 : memref<!tpu.dma_semaphore, #tpu.memory_space<semaphore_mem>>)
        %dma_wait3A_507 = arith.constant 0 : i32
        %dma_wait3A_508 = tpu.memref_slice %arg10[%arg0, %mul3A_0, %dma_wait3A_507] : memref<2x10000x8xf32, #tpu.memory_space<hbm>> -> memref<1x632x8xf32, #tpu.memory_space<hbm>>
        %dma_wait3A_509 = tpu.memref_squeeze %dma_wait3A_508 : memref<1x632x8xf32, #tpu.memory_space<hbm>> -> memref<632x8xf32, #tpu.memory_space<hbm>>
        %dma_wait3A_510 = arith.constant 0 : i32
        %dma_wait3A_511 = tpu.memref_slice %arg21[%mul3A_0, %dma_wait3A_510] : memref<10000x8xf32, #tpu.memory_space<vmem_shared>> -> memref<632x8xf32, #tpu.memory_space<vmem_shared>>
        tpu.wait_dma2 semaphore(%run_scoped3A_501 : memref<!tpu.dma_semaphore, #tpu.memory_space<semaphore_mem>>) src(%dma_wait3A_511 : memref<632x8xf32, #tpu.memory_space<vmem_shared>>) dst(%dma_wait3A_509 : memref<632x8xf32, #tpu.memory_space<hbm>>)
        tpu.yield
      }) : () -> ()
    } else {
    }
    %eq3A_496 = arith.constant 15 : i32
    %eq3A_497 = arith.cmpi eq, %arg1, %eq3A_496 : i32
    %convert_element_type3A_498 = arith.extui %eq3A_497 : i1 to i32
    %cond3A_499 = arith.constant 0 : i32
    %cond3A_500 = arith.cmpi ne, %convert_element_type3A_498, %cond3A_499 : i32
    scf.if %cond3A_500 {
      "tpu.region"() ({
        %run_scoped3A_501 = tpu.sem_alloc : memref<!tpu.dma_semaphore, #tpu.memory_space<semaphore_mem>>
        %dma_start3A_502 = arith.constant 0 : i32
        %dma_start3A_503 = tpu.memref_slice %arg9[%arg0, %mul3A_0, %dma_start3A_502] : memref<2x10000x64xf32, #tpu.memory_space<hbm>> -> memref<1x520x64xf32, #tpu.memory_space<hbm>>
        %dma_start3A_504 = tpu.memref_squeeze %dma_start3A_503 : memref<1x520x64xf32, #tpu.memory_space<hbm>> -> memref<520x64xf32, #tpu.memory_space<hbm>>
        %dma_start3A_505 = arith.constant 0 : i32
        %dma_start3A_506 = tpu.memref_slice %arg20[%mul3A_0, %dma_start3A_505] : memref<10000x64xf32, #tpu.memory_space<vmem_shared>> -> memref<520x64xf32, #tpu.memory_space<vmem_shared>>
        tpu.enqueue_dma source(%dma_start3A_506 : memref<520x64xf32, #tpu.memory_space<vmem_shared>>) target(%dma_start3A_504 : memref<520x64xf32, #tpu.memory_space<hbm>>) target_semaphore(%run_scoped3A_501 : memref<!tpu.dma_semaphore, #tpu.memory_space<semaphore_mem>>)
        %dma_wait3A_507 = arith.constant 0 : i32
        %dma_wait3A_508 = tpu.memref_slice %arg9[%arg0, %mul3A_0, %dma_wait3A_507] : memref<2x10000x64xf32, #tpu.memory_space<hbm>> -> memref<1x520x64xf32, #tpu.memory_space<hbm>>
        %dma_wait3A_509 = tpu.memref_squeeze %dma_wait3A_508 : memref<1x520x64xf32, #tpu.memory_space<hbm>> -> memref<520x64xf32, #tpu.memory_space<hbm>>
        %dma_wait3A_510 = arith.constant 0 : i32
        %dma_wait3A_511 = tpu.memref_slice %arg20[%mul3A_0, %dma_wait3A_510] : memref<10000x64xf32, #tpu.memory_space<vmem_shared>> -> memref<520x64xf32, #tpu.memory_space<vmem_shared>>
        tpu.wait_dma2 semaphore(%run_scoped3A_501 : memref<!tpu.dma_semaphore, #tpu.memory_space<semaphore_mem>>) src(%dma_wait3A_511 : memref<520x64xf32, #tpu.memory_space<vmem_shared>>) dst(%dma_wait3A_509 : memref<520x64xf32, #tpu.memory_space<hbm>>)
        tpu.yield
      }) : () -> ()
      "tpu.region"() ({
        %run_scoped3A_501 = tpu.sem_alloc : memref<!tpu.dma_semaphore, #tpu.memory_space<semaphore_mem>>
        %dma_start3A_502 = arith.constant 0 : i32
        %dma_start3A_503 = tpu.memref_slice %arg10[%arg0, %mul3A_0, %dma_start3A_502] : memref<2x10000x8xf32, #tpu.memory_space<hbm>> -> memref<1x520x8xf32, #tpu.memory_space<hbm>>
        %dma_start3A_504 = tpu.memref_squeeze %dma_start3A_503 : memref<1x520x8xf32, #tpu.memory_space<hbm>> -> memref<520x8xf32, #tpu.memory_space<hbm>>
        %dma_start3A_505 = arith.constant 0 : i32
        %dma_start3A_506 = tpu.memref_slice %arg21[%mul3A_0, %dma_start3A_505] : memref<10000x8xf32, #tpu.memory_space<vmem_shared>> -> memref<520x8xf32, #tpu.memory_space<vmem_shared>>
        tpu.enqueue_dma source(%dma_start3A_506 : memref<520x8xf32, #tpu.memory_space<vmem_shared>>) target(%dma_start3A_504 : memref<520x8xf32, #tpu.memory_space<hbm>>) target_semaphore(%run_scoped3A_501 : memref<!tpu.dma_semaphore, #tpu.memory_space<semaphore_mem>>)
        %dma_wait3A_507 = arith.constant 0 : i32
        %dma_wait3A_508 = tpu.memref_slice %arg10[%arg0, %mul3A_0, %dma_wait3A_507] : memref<2x10000x8xf32, #tpu.memory_space<hbm>> -> memref<1x520x8xf32, #tpu.memory_space<hbm>>
        %dma_wait3A_509 = tpu.memref_squeeze %dma_wait3A_508 : memref<1x520x8xf32, #tpu.memory_space<hbm>> -> memref<520x8xf32, #tpu.memory_space<hbm>>
        %dma_wait3A_510 = arith.constant 0 : i32
        %dma_wait3A_511 = tpu.memref_slice %arg21[%mul3A_0, %dma_wait3A_510] : memref<10000x8xf32, #tpu.memory_space<vmem_shared>> -> memref<520x8xf32, #tpu.memory_space<vmem_shared>>
        tpu.wait_dma2 semaphore(%run_scoped3A_501 : memref<!tpu.dma_semaphore, #tpu.memory_space<semaphore_mem>>) src(%dma_wait3A_511 : memref<520x8xf32, #tpu.memory_space<vmem_shared>>) dst(%dma_wait3A_509 : memref<520x8xf32, #tpu.memory_space<hbm>>)
        tpu.yield
      }) : () -> ()
    } else {
    }
    return
  }
}

module attributes {stable_mosaic.version = 14 : i64} {
  func.func @_qkv_body(%arg0: i32, %arg1: memref<1000x128xf32, #tpu.memory_space<vmem>>, %arg2: memref<128x128xf32, #tpu.memory_space<vmem>>, %arg3: memref<1x128xf32, #tpu.memory_space<vmem>>, %arg4: memref<128x128xf32, #tpu.memory_space<vmem>>, %arg5: memref<1x128xf32, #tpu.memory_space<vmem>>, %arg6: memref<128x128xf32, #tpu.memory_space<vmem>>, %arg7: memref<1x128xf32, #tpu.memory_space<vmem>>, %arg8: memref<2x1000x64xf32, #tpu.memory_space<vmem>>, %arg9: memref<2x1000x128xf32, #tpu.memory_space<vmem>>) attributes {dimension_semantics = [#tpu.dimension_semantics<arbitrary>], iteration_bounds = array<i64: 10>, scalar_prefetch = 0 : i64, scratch_operands = 0 : i64, tpu.core_type = #tpu.core_type<tc>, window_params = [{transform_indices = @transform_0, window_bounds = array<i64: 1000, 128>}, {pipeline_mode = #tpu.pipeline_mode<synchronous>, transform_indices = @transform_1, window_bounds = array<i64: 128, 128>}, {pipeline_mode = #tpu.pipeline_mode<synchronous>, transform_indices = @transform_2, window_bounds = array<i64: 1, 128>}, {pipeline_mode = #tpu.pipeline_mode<synchronous>, transform_indices = @transform_3, window_bounds = array<i64: 128, 128>}, {pipeline_mode = #tpu.pipeline_mode<synchronous>, transform_indices = @transform_4, window_bounds = array<i64: 1, 128>}, {pipeline_mode = #tpu.pipeline_mode<synchronous>, transform_indices = @transform_5, window_bounds = array<i64: 128, 128>}, {pipeline_mode = #tpu.pipeline_mode<synchronous>, transform_indices = @transform_6, window_bounds = array<i64: 1, 128>}, {transform_indices = @transform_7, window_bounds = array<i64: 2, 1000, 64>}, {transform_indices = @transform_8, window_bounds = array<i64: 2, 1000, 128>}]} {
    %get3A = arith.constant 0 : index
    %get3A_0 = arith.constant 0 : index
    %get3A_1 = vector.load %arg1[%get3A, %get3A_0] : memref<1000x128xf32, #tpu.memory_space<vmem>>, vector<1000x128xf32>
    %get3A_2 = arith.constant 0 : index
    %get3A_3 = arith.constant 0 : index
    %get3A_4 = vector.load %arg2[%get3A_2, %get3A_3] : memref<128x128xf32, #tpu.memory_space<vmem>>, vector<128x64xf32>
    %dot_general3A = arith.constant dense<0.000000e+00> : vector<1000x64xf32>
    %dot_general3A_5 = tpu.matmul %get3A_1, %get3A_4, %dot_general3A {dimension_numbers = #tpu.dot_dimension_numbers<[1], [0], [0], [1], [0, 0, 1, 1], [], []>, transpose_lhs_hint = false} : vector<1000x128xf32>, vector<128x64xf32>, vector<1000x64xf32> -> vector<1000x64xf32>
    %get3A_6 = arith.constant 0 : index
    %get3A_7 = arith.constant 0 : index
    %get3A_8 = vector.load %arg3[%get3A_6, %get3A_7] : memref<1x128xf32, #tpu.memory_space<vmem>>, vector<1x64xf32>
    %add3A = vector.broadcast %get3A_8 : vector<1x64xf32> to vector<1000x64xf32>
    %add3A_9 = arith.addf %dot_general3A_5, %add3A : vector<1000x64xf32>
    %swap3A = arith.constant 0 : index
    %swap3A_10 = arith.constant 0 : index
    %swap3A_11 = arith.constant 0 : index
    %swap3A_12 = vector.load %arg8[%swap3A, %swap3A_10, %swap3A_11] : memref<2x1000x64xf32, #tpu.memory_space<vmem>>, vector<1x1000x64xf32>
    %swap3A_13 = vector.shape_cast %swap3A_12 : vector<1x1000x64xf32> to vector<1000x64xf32>
    %swap3A_14 = vector.shape_cast %add3A_9 : vector<1000x64xf32> to vector<1x1000x64xf32>
    tpu.vector_store %arg8[%swap3A, %swap3A_10, %swap3A_11], %swap3A_14 {strides = array<i32>} : memref<2x1000x64xf32, #tpu.memory_space<vmem>>, vector<1x1000x64xf32>,
    %get3A_15 = arith.constant 0 : index
    %get3A_16 = arith.constant 0 : index
    %get3A_17 = vector.load %arg4[%get3A_15, %get3A_16] : memref<128x128xf32, #tpu.memory_space<vmem>>, vector<128x64xf32>
    %dot_general3A_18 = arith.constant dense<0.000000e+00> : vector<1000x64xf32>
    %dot_general3A_19 = tpu.matmul %get3A_1, %get3A_17, %dot_general3A_18 {dimension_numbers = #tpu.dot_dimension_numbers<[1], [0], [0], [1], [0, 0, 1, 1], [], []>, transpose_lhs_hint = false} : vector<1000x128xf32>, vector<128x64xf32>, vector<1000x64xf32> -> vector<1000x64xf32>
    %get3A_20 = arith.constant 0 : index
    %get3A_21 = arith.constant 0 : index
    %get3A_22 = vector.load %arg5[%get3A_20, %get3A_21] : memref<1x128xf32, #tpu.memory_space<vmem>>, vector<1x64xf32>
    %add3A_23 = vector.broadcast %get3A_22 : vector<1x64xf32> to vector<1000x64xf32>
    %add3A_24 = arith.addf %dot_general3A_19, %add3A_23 : vector<1000x64xf32>
    %swap3A_25 = arith.constant 0 : index
    %swap3A_26 = arith.constant 0 : index
    %swap3A_27 = arith.constant 0 : index
    %swap3A_28 = vector.load %arg9[%swap3A_25, %swap3A_26, %swap3A_27] : memref<2x1000x128xf32, #tpu.memory_space<vmem>>, vector<1x1000x64xf32>
    %swap3A_29 = vector.shape_cast %swap3A_28 : vector<1x1000x64xf32> to vector<1000x64xf32>
    %swap3A_30 = vector.shape_cast %add3A_24 : vector<1000x64xf32> to vector<1x1000x64xf32>
    tpu.vector_store %arg9[%swap3A_25, %swap3A_26, %swap3A_27], %swap3A_30 {strides = array<i32>} : memref<2x1000x128xf32, #tpu.memory_space<vmem>>, vector<1x1000x64xf32>,
    %get3A_31 = arith.constant 0 : index
    %get3A_32 = arith.constant 0 : index
    %get3A_33 = vector.load %arg6[%get3A_31, %get3A_32] : memref<128x128xf32, #tpu.memory_space<vmem>>, vector<128x64xf32>
    %dot_general3A_34 = arith.constant dense<0.000000e+00> : vector<1000x64xf32>
    %dot_general3A_35 = tpu.matmul %get3A_1, %get3A_33, %dot_general3A_34 {dimension_numbers = #tpu.dot_dimension_numbers<[1], [0], [0], [1], [0, 0, 1, 1], [], []>, transpose_lhs_hint = false} : vector<1000x128xf32>, vector<128x64xf32>, vector<1000x64xf32> -> vector<1000x64xf32>
    %get3A_36 = arith.constant 0 : index
    %get3A_37 = arith.constant 0 : index
    %get3A_38 = vector.load %arg7[%get3A_36, %get3A_37] : memref<1x128xf32, #tpu.memory_space<vmem>>, vector<1x64xf32>
    %add3A_39 = vector.broadcast %get3A_38 : vector<1x64xf32> to vector<1000x64xf32>
    %add3A_40 = arith.addf %dot_general3A_35, %add3A_39 : vector<1000x64xf32>
    %swap3A_41 = arith.constant 0 : index
    %swap3A_42 = arith.constant 0 : index
    %swap3A_43 = arith.constant 64 : index
    %swap3A_44 = vector.load %arg9[%swap3A_41, %swap3A_42, %swap3A_43] : memref<2x1000x128xf32, #tpu.memory_space<vmem>>, vector<1x1000x64xf32>
    %swap3A_45 = vector.shape_cast %swap3A_44 : vector<1x1000x64xf32> to vector<1000x64xf32>
    %swap3A_46 = vector.shape_cast %add3A_40 : vector<1000x64xf32> to vector<1x1000x64xf32>
    tpu.vector_store %arg9[%swap3A_41, %swap3A_42, %swap3A_43], %swap3A_46 {strides = array<i32>} : memref<2x1000x128xf32, #tpu.memory_space<vmem>>, vector<1x1000x64xf32>,
    %get3A_47 = arith.constant 0 : index
    %get3A_48 = arith.constant 64 : index
    %get3A_49 = vector.load %arg2[%get3A_47, %get3A_48] : memref<128x128xf32, #tpu.memory_space<vmem>>, vector<128x64xf32>
    %dot_general3A_50 = arith.constant dense<0.000000e+00> : vector<1000x64xf32>
    %dot_general3A_51 = tpu.matmul %get3A_1, %get3A_49, %dot_general3A_50 {dimension_numbers = #tpu.dot_dimension_numbers<[1], [0], [0], [1], [0, 0, 1, 1], [], []>, transpose_lhs_hint = false} : vector<1000x128xf32>, vector<128x64xf32>, vector<1000x64xf32> -> vector<1000x64xf32>
    %get3A_52 = arith.constant 0 : index
    %get3A_53 = arith.constant 64 : index
    %get3A_54 = vector.load %arg3[%get3A_52, %get3A_53] : memref<1x128xf32, #tpu.memory_space<vmem>>, vector<1x64xf32>
    %add3A_55 = vector.broadcast %get3A_54 : vector<1x64xf32> to vector<1000x64xf32>
    %add3A_56 = arith.addf %dot_general3A_51, %add3A_55 : vector<1000x64xf32>
    %swap3A_57 = arith.constant 1 : index
    %swap3A_58 = arith.constant 0 : index
    %swap3A_59 = arith.constant 0 : index
    %swap3A_60 = vector.load %arg8[%swap3A_57, %swap3A_58, %swap3A_59] : memref<2x1000x64xf32, #tpu.memory_space<vmem>>, vector<1x1000x64xf32>
    %swap3A_61 = vector.shape_cast %swap3A_60 : vector<1x1000x64xf32> to vector<1000x64xf32>
    %swap3A_62 = vector.shape_cast %add3A_56 : vector<1000x64xf32> to vector<1x1000x64xf32>
    tpu.vector_store %arg8[%swap3A_57, %swap3A_58, %swap3A_59], %swap3A_62 {strides = array<i32>} : memref<2x1000x64xf32, #tpu.memory_space<vmem>>, vector<1x1000x64xf32>,
    %get3A_63 = arith.constant 0 : index
    %get3A_64 = arith.constant 64 : index
    %get3A_65 = vector.load %arg4[%get3A_63, %get3A_64] : memref<128x128xf32, #tpu.memory_space<vmem>>, vector<128x64xf32>
    %dot_general3A_66 = arith.constant dense<0.000000e+00> : vector<1000x64xf32>
    %dot_general3A_67 = tpu.matmul %get3A_1, %get3A_65, %dot_general3A_66 {dimension_numbers = #tpu.dot_dimension_numbers<[1], [0], [0], [1], [0, 0, 1, 1], [], []>, transpose_lhs_hint = false} : vector<1000x128xf32>, vector<128x64xf32>, vector<1000x64xf32> -> vector<1000x64xf32>
    %get3A_68 = arith.constant 0 : index
    %get3A_69 = arith.constant 64 : index
    %get3A_70 = vector.load %arg5[%get3A_68, %get3A_69] : memref<1x128xf32, #tpu.memory_space<vmem>>, vector<1x64xf32>
    %add3A_71 = vector.broadcast %get3A_70 : vector<1x64xf32> to vector<1000x64xf32>
    %add3A_72 = arith.addf %dot_general3A_67, %add3A_71 : vector<1000x64xf32>
    %swap3A_73 = arith.constant 1 : index
    %swap3A_74 = arith.constant 0 : index
    %swap3A_75 = arith.constant 0 : index
    %swap3A_76 = vector.load %arg9[%swap3A_73, %swap3A_74, %swap3A_75] : memref<2x1000x128xf32, #tpu.memory_space<vmem>>, vector<1x1000x64xf32>
    %swap3A_77 = vector.shape_cast %swap3A_76 : vector<1x1000x64xf32> to vector<1000x64xf32>
    %swap3A_78 = vector.shape_cast %add3A_72 : vector<1000x64xf32> to vector<1x1000x64xf32>
    tpu.vector_store %arg9[%swap3A_73, %swap3A_74, %swap3A_75], %swap3A_78 {strides = array<i32>} : memref<2x1000x128xf32, #tpu.memory_space<vmem>>, vector<1x1000x64xf32>,
    %get3A_79 = arith.constant 0 : index
    %get3A_80 = arith.constant 64 : index
    %get3A_81 = vector.load %arg6[%get3A_79, %get3A_80] : memref<128x128xf32, #tpu.memory_space<vmem>>, vector<128x64xf32>
    %dot_general3A_82 = arith.constant dense<0.000000e+00> : vector<1000x64xf32>
    %dot_general3A_83 = tpu.matmul %get3A_1, %get3A_81, %dot_general3A_82 {dimension_numbers = #tpu.dot_dimension_numbers<[1], [0], [0], [1], [0, 0, 1, 1], [], []>, transpose_lhs_hint = false} : vector<1000x128xf32>, vector<128x64xf32>, vector<1000x64xf32> -> vector<1000x64xf32>
    %get3A_84 = arith.constant 0 : index
    %get3A_85 = arith.constant 64 : index
    %get3A_86 = vector.load %arg7[%get3A_84, %get3A_85] : memref<1x128xf32, #tpu.memory_space<vmem>>, vector<1x64xf32>
    %add3A_87 = vector.broadcast %get3A_86 : vector<1x64xf32> to vector<1000x64xf32>
    %add3A_88 = arith.addf %dot_general3A_83, %add3A_87 : vector<1000x64xf32>
    %swap3A_89 = arith.constant 1 : index
    %swap3A_90 = arith.constant 0 : index
    %swap3A_91 = arith.constant 64 : index
    %swap3A_92 = vector.load %arg9[%swap3A_89, %swap3A_90, %swap3A_91] : memref<2x1000x128xf32, #tpu.memory_space<vmem>>, vector<1x1000x64xf32>
    %swap3A_93 = vector.shape_cast %swap3A_92 : vector<1x1000x64xf32> to vector<1000x64xf32>
    %swap3A_94 = vector.shape_cast %add3A_88 : vector<1000x64xf32> to vector<1x1000x64xf32>
    tpu.vector_store %arg9[%swap3A_89, %swap3A_90, %swap3A_91], %swap3A_94 {strides = array<i32>} : memref<2x1000x128xf32, #tpu.memory_space<vmem>>, vector<1x1000x64xf32>,
    return
  }
  func.func @transform_0(%arg0: i32) -> (i32, i32) {
    %c0_i32 = arith.constant 0 : i32
    %c0_i32_0 = arith.constant 0 : i32
    return %arg0, %c0_i32 : i32, i32
  }
  func.func @transform_1(%arg0: i32) -> (i32, i32) {
    %c0_i32 = arith.constant 0 : i32
    %c0_i32_0 = arith.constant 0 : i32
    %c0_i32_1 = arith.constant 0 : i32
    return %c0_i32, %c0_i32_0 : i32, i32
  }
  func.func @transform_2(%arg0: i32) -> (i32, i32) {
    %c0_i32 = arith.constant 0 : i32
    %c0_i32_0 = arith.constant 0 : i32
    %c0_i32_1 = arith.constant 0 : i32
    return %c0_i32, %c0_i32_0 : i32, i32
  }
  func.func @transform_3(%arg0: i32) -> (i32, i32) {
    %c0_i32 = arith.constant 0 : i32
    %c0_i32_0 = arith.constant 0 : i32
    %c0_i32_1 = arith.constant 0 : i32
    return %c0_i32, %c0_i32_0 : i32, i32
  }
  func.func @transform_4(%arg0: i32) -> (i32, i32) {
    %c0_i32 = arith.constant 0 : i32
    %c0_i32_0 = arith.constant 0 : i32
    %c0_i32_1 = arith.constant 0 : i32
    return %c0_i32, %c0_i32_0 : i32, i32
  }
  func.func @transform_5(%arg0: i32) -> (i32, i32) {
    %c0_i32 = arith.constant 0 : i32
    %c0_i32_0 = arith.constant 0 : i32
    %c0_i32_1 = arith.constant 0 : i32
    return %c0_i32, %c0_i32_0 : i32, i32
  }
  func.func @transform_6(%arg0: i32) -> (i32, i32) {
    %c0_i32 = arith.constant 0 : i32
    %c0_i32_0 = arith.constant 0 : i32
    %c0_i32_1 = arith.constant 0 : i32
    return %c0_i32, %c0_i32_0 : i32, i32
  }
  func.func @transform_7(%arg0: i32) -> (i32, i32, i32) {
    %c0_i32 = arith.constant 0 : i32
    %c0_i32_0 = arith.constant 0 : i32
    %c0_i32_1 = arith.constant 0 : i32
    return %c0_i32, %arg0, %c0_i32_0 : i32, i32, i32
  }
  func.func @transform_8(%arg0: i32) -> (i32, i32, i32) {
    %c0_i32 = arith.constant 0 : i32
    %c0_i32_0 = arith.constant 0 : i32
    %c0_i32_1 = arith.constant 0 : i32
    return %c0_i32, %arg0, %c0_i32_0 : i32, i32, i32
  }
}

module attributes {stable_mosaic.version = 14 : i64} {
  func.func @_out_body(%arg0: i32, %arg1: memref<2x1000x64xf32, #tpu.memory_space<vmem>>, %arg2: memref<2x1000x8xf32, #tpu.memory_space<vmem>>, %arg3: memref<8x128xf32, #tpu.memory_space<vmem>>, %arg4: memref<8x128xf32, #tpu.memory_space<vmem>>, %arg5: memref<128x128xf32, #tpu.memory_space<vmem>>, %arg6: memref<1x128xf32, #tpu.memory_space<vmem>>, %arg7: memref<1x128xf32, #tpu.memory_space<vmem>>, %arg8: memref<1x128xf32, #tpu.memory_space<vmem>>, %arg9: memref<1000x128xf32, #tpu.memory_space<vmem>>, %arg10: memref<1000x128xf32, #tpu.memory_space<vmem>>) attributes {dimension_semantics = [#tpu.dimension_semantics<arbitrary>], iteration_bounds = array<i64: 10>, scalar_prefetch = 0 : i64, scratch_operands = 0 : i64, tpu.core_type = #tpu.core_type<tc>, window_params = [{transform_indices = @transform_0, window_bounds = array<i64: 2, 1000, 64>}, {transform_indices = @transform_1, window_bounds = array<i64: 2, 1000, 8>}, {pipeline_mode = #tpu.pipeline_mode<synchronous>, transform_indices = @transform_2, window_bounds = array<i64: 8, 128>}, {pipeline_mode = #tpu.pipeline_mode<synchronous>, transform_indices = @transform_3, window_bounds = array<i64: 8, 128>}, {pipeline_mode = #tpu.pipeline_mode<synchronous>, transform_indices = @transform_4, window_bounds = array<i64: 128, 128>}, {pipeline_mode = #tpu.pipeline_mode<synchronous>, transform_indices = @transform_5, window_bounds = array<i64: 1, 128>}, {pipeline_mode = #tpu.pipeline_mode<synchronous>, transform_indices = @transform_6, window_bounds = array<i64: 1, 128>}, {pipeline_mode = #tpu.pipeline_mode<synchronous>, transform_indices = @transform_7, window_bounds = array<i64: 1, 128>}, {transform_indices = @transform_8, window_bounds = array<i64: 1000, 128>}, {transform_indices = @transform_9, window_bounds = array<i64: 1000, 128>}]} {
    %get3A = arith.constant 0 : index
    %get3A_0 = arith.constant 0 : index
    %get3A_1 = arith.constant 0 : index
    %get3A_2 = vector.load %arg1[%get3A, %get3A_0, %get3A_1] : memref<2x1000x64xf32, #tpu.memory_space<vmem>>, vector<1x1000x64xf32>
    %get3A_3 = vector.shape_cast %get3A_2 : vector<1x1000x64xf32> to vector<1000x64xf32>
    %get3A_4 = arith.constant 1 : index
    %get3A_5 = arith.constant 0 : index
    %get3A_6 = arith.constant 0 : index
    %get3A_7 = vector.load %arg1[%get3A_4, %get3A_5, %get3A_6] : memref<2x1000x64xf32, #tpu.memory_space<vmem>>, vector<1x1000x64xf32>
    %get3A_8 = vector.shape_cast %get3A_7 : vector<1x1000x64xf32> to vector<1000x64xf32>
    %concatenate3A = tpu.concatenate %get3A_3, %get3A_8 in 1 : vector<1000x64xf32>, vector<1000x64xf32> -> vector<1000x128xf32>
    %get3A_9 = arith.constant 0 : index
    %get3A_10 = arith.constant 0 : index
    %get3A_11 = arith.constant 0 : index
    %get3A_12 = vector.load %arg2[%get3A_9, %get3A_10, %get3A_11] : memref<2x1000x8xf32, #tpu.memory_space<vmem>>, vector<1x1000x8xf32>
    %get3A_13 = vector.shape_cast %get3A_12 : vector<1x1000x8xf32> to vector<1000x8xf32>
    %get3A_14 = arith.constant 0 : index
    %get3A_15 = arith.constant 0 : index
    %get3A_16 = vector.load %arg3[%get3A_14, %get3A_15] : memref<8x128xf32, #tpu.memory_space<vmem>>, vector<8x128xf32>
    %dot_general3A = arith.constant dense<0.000000e+00> : vector<1000x128xf32>
    %dot_general3A_17 = tpu.matmul %get3A_13, %get3A_16, %dot_general3A {dimension_numbers = #tpu.dot_dimension_numbers<[1], [0], [0], [1], [0, 0, 1, 1], [], []>, transpose_lhs_hint = false} : vector<1000x8xf32>, vector<8x128xf32>, vector<1000x128xf32> -> vector<1000x128xf32>
    %get3A_18 = arith.constant 1 : index
    %get3A_19 = arith.constant 0 : index
    %get3A_20 = arith.constant 0 : index
    %get3A_21 = vector.load %arg2[%get3A_18, %get3A_19, %get3A_20] : memref<2x1000x8xf32, #tpu.memory_space<vmem>>, vector<1x1000x8xf32>
    %get3A_22 = vector.shape_cast %get3A_21 : vector<1x1000x8xf32> to vector<1000x8xf32>
    %get3A_23 = arith.constant 0 : index
    %get3A_24 = arith.constant 0 : index
    %get3A_25 = vector.load %arg4[%get3A_23, %get3A_24] : memref<8x128xf32, #tpu.memory_space<vmem>>, vector<8x128xf32>
    %dot_general3A_26 = arith.constant dense<0.000000e+00> : vector<1000x128xf32>
    %dot_general3A_27 = tpu.matmul %get3A_22, %get3A_25, %dot_general3A_26 {dimension_numbers = #tpu.dot_dimension_numbers<[1], [0], [0], [1], [0, 0, 1, 1], [], []>, transpose_lhs_hint = false} : vector<1000x8xf32>, vector<8x128xf32>, vector<1000x128xf32> -> vector<1000x128xf32>
    %add3A = arith.addf %dot_general3A_17, %dot_general3A_27 : vector<1000x128xf32>
    %add3A_28 = arith.constant 1.000000e-16 : f32
    %add3A_29 = vector.broadcast %add3A_28 : f32 to vector<1000x128xf32>
    %add3A_30 = arith.addf %add3A, %add3A_29 : vector<1000x128xf32>
    %div3A = arith.divf %concatenate3A, %add3A_30 : vector<1000x128xf32>
    %get3A_31 = arith.constant 0 : index
    %get3A_32 = arith.constant 0 : index
    %get3A_33 = vector.load %arg5[%get3A_31, %get3A_32] : memref<128x128xf32, #tpu.memory_space<vmem>>, vector<128x128xf32>
    %dot_general3A_34 = arith.constant dense<0.000000e+00> : vector<1000x128xf32>
    %dot_general3A_35 = tpu.matmul %div3A, %get3A_33, %dot_general3A_34 {dimension_numbers = #tpu.dot_dimension_numbers<[1], [0], [0], [1], [0, 0, 1, 1], [], []>, transpose_lhs_hint = false} : vector<1000x128xf32>, vector<128x128xf32>, vector<1000x128xf32> -> vector<1000x128xf32>
    %get3A_36 = arith.constant 0 : index
    %get3A_37 = arith.constant 0 : index
    %get3A_38 = vector.load %arg6[%get3A_36, %get3A_37] : memref<1x128xf32, #tpu.memory_space<vmem>>, vector<1x128xf32>
    %add3A_39 = vector.broadcast %get3A_38 : vector<1x128xf32> to vector<1000x128xf32>
    %add3A_40 = arith.addf %dot_general3A_35, %add3A_39 : vector<1000x128xf32>
    %reduce_sum3A = arith.constant dense<0.000000e+00> : vector<1000xf32>
    %reduce_sum3A_41 = vector.multi_reduction <add>, %add3A_40, %reduce_sum3A [1] : vector<1000x128xf32> to vector<1000xf32>
    %broadcast_in_dim3A = vector.shape_cast %reduce_sum3A_41 : vector<1000xf32> to vector<1000x1xf32>
    %div3A_42 = arith.constant 1.280000e+02 : f32
    %div3A_43 = vector.broadcast %div3A_42 : f32 to vector<1000x1xf32>
    %div3A_44 = arith.divf %broadcast_in_dim3A, %div3A_43 : vector<1000x1xf32>
    %sub3A = vector.broadcast %div3A_44 : vector<1000x1xf32> to vector<1000x128xf32>
    %sub3A_45 = arith.subf %add3A_40, %sub3A : vector<1000x128xf32>
    %mul3A = arith.mulf %sub3A_45, %sub3A_45 : vector<1000x128xf32>
    %reduce_sum3A_46 = arith.constant dense<0.000000e+00> : vector<1000xf32>
    %reduce_sum3A_47 = vector.multi_reduction <add>, %mul3A, %reduce_sum3A_46 [1] : vector<1000x128xf32> to vector<1000xf32>
    %broadcast_in_dim3A_48 = vector.shape_cast %reduce_sum3A_47 : vector<1000xf32> to vector<1000x1xf32>
    %div3A_49 = arith.constant 1.280000e+02 : f32
    %div3A_50 = vector.broadcast %div3A_49 : f32 to vector<1000x1xf32>
    %div3A_51 = arith.divf %broadcast_in_dim3A_48, %div3A_50 : vector<1000x1xf32>
    %get3A_52 = arith.constant 0 : index
    %get3A_53 = arith.constant 0 : index
    %get3A_54 = vector.load %arg9[%get3A_52, %get3A_53] : memref<1000x128xf32, #tpu.memory_space<vmem>>, vector<1000x128xf32>
    %get3A_55 = arith.constant 0 : index
    %get3A_56 = arith.constant 0 : index
    %get3A_57 = vector.load %arg7[%get3A_55, %get3A_56] : memref<1x128xf32, #tpu.memory_space<vmem>>, vector<1x128xf32>
    %mul3A_58 = vector.broadcast %get3A_57 : vector<1x128xf32> to vector<1000x128xf32>
    %mul3A_59 = arith.mulf %mul3A_58, %sub3A_45 : vector<1000x128xf32>
    %add3A_60 = arith.constant 9.99999974E-6 : f32
    %add3A_61 = vector.broadcast %add3A_60 : f32 to vector<1000x1xf32>
    %add3A_62 = arith.addf %div3A_51, %add3A_61 : vector<1000x1xf32>
    %rsqrt3A = math.rsqrt %add3A_62 : vector<1000x1xf32>
    %mul3A_63 = vector.broadcast %rsqrt3A : vector<1000x1xf32> to vector<1000x128xf32>
    %mul3A_64 = arith.mulf %mul3A_59, %mul3A_63 : vector<1000x128xf32>
    %add3A_65 = arith.addf %get3A_54, %mul3A_64 : vector<1000x128xf32>
    %get3A_66 = arith.constant 0 : index
    %get3A_67 = arith.constant 0 : index
    %get3A_68 = vector.load %arg8[%get3A_66, %get3A_67] : memref<1x128xf32, #tpu.memory_space<vmem>>, vector<1x128xf32>
    %add3A_69 = vector.broadcast %get3A_68 : vector<1x128xf32> to vector<1000x128xf32>
    %add3A_70 = arith.addf %add3A_65, %add3A_69 : vector<1000x128xf32>
    %swap3A = arith.constant 0 : index
    %swap3A_71 = arith.constant 0 : index
    %swap3A_72 = vector.load %arg10[%swap3A, %swap3A_71] : memref<1000x128xf32, #tpu.memory_space<vmem>>, vector<1000x128xf32>
    tpu.vector_store %arg10[%swap3A, %swap3A_71], %add3A_70 {strides = array<i32>} : memref<1000x128xf32, #tpu.memory_space<vmem>>, vector<1000x128xf32>,
    return
  }
  func.func @transform_0(%arg0: i32) -> (i32, i32, i32) {
    %c0_i32 = arith.constant 0 : i32
    %c0_i32_0 = arith.constant 0 : i32
    %c0_i32_1 = arith.constant 0 : i32
    return %c0_i32, %arg0, %c0_i32_0 : i32, i32, i32
  }
  func.func @transform_1(%arg0: i32) -> (i32, i32, i32) {
    %c0_i32 = arith.constant 0 : i32
    %c0_i32_0 = arith.constant 0 : i32
    %c0_i32_1 = arith.constant 0 : i32
    return %c0_i32, %arg0, %c0_i32_0 : i32, i32, i32
  }
  func.func @transform_2(%arg0: i32) -> (i32, i32) {
    %c0_i32 = arith.constant 0 : i32
    %c0_i32_0 = arith.constant 0 : i32
    %c0_i32_1 = arith.constant 0 : i32
    return %c0_i32, %c0_i32_0 : i32, i32
  }
  func.func @transform_3(%arg0: i32) -> (i32, i32) {
    %c0_i32 = arith.constant 0 : i32
    %c0_i32_0 = arith.constant 0 : i32
    %c0_i32_1 = arith.constant 0 : i32
    return %c0_i32, %c0_i32_0 : i32, i32
  }
  func.func @transform_4(%arg0: i32) -> (i32, i32) {
    %c0_i32 = arith.constant 0 : i32
    %c0_i32_0 = arith.constant 0 : i32
    %c0_i32_1 = arith.constant 0 : i32
    return %c0_i32, %c0_i32_0 : i32, i32
  }
  func.func @transform_5(%arg0: i32) -> (i32, i32) {
    %c0_i32 = arith.constant 0 : i32
    %c0_i32_0 = arith.constant 0 : i32
    %c0_i32_1 = arith.constant 0 : i32
    return %c0_i32, %c0_i32_0 : i32, i32
  }
  func.func @transform_6(%arg0: i32) -> (i32, i32) {
    %c0_i32 = arith.constant 0 : i32
    %c0_i32_0 = arith.constant 0 : i32
    %c0_i32_1 = arith.constant 0 : i32
    return %c0_i32, %c0_i32_0 : i32, i32
  }
  func.func @transform_7(%arg0: i32) -> (i32, i32) {
    %c0_i32 = arith.constant 0 : i32
    %c0_i32_0 = arith.constant 0 : i32
    %c0_i32_1 = arith.constant 0 : i32
    return %c0_i32, %c0_i32_0 : i32, i32
  }
  func.func @transform_8(%arg0: i32) -> (i32, i32) {
    %c0_i32 = arith.constant 0 : i32
    %c0_i32_0 = arith.constant 0 : i32
    return %arg0, %c0_i32 : i32, i32
  }
  func.func @transform_9(%arg0: i32) -> (i32, i32) {
    %c0_i32 = arith.constant 0 : i32
    %c0_i32_0 = arith.constant 0 : i32
    return %arg0, %c0_i32 : i32, i32
  }
}

</mosaic_0001>

<sc_bundles>
// kernel: kernel.5.cloned.1.call-start
scs
__scs_entry_jumppad:
0x0: {  	(pc) =	sbr.rel $0x88, $3  }
0x1: {  	(tag) =	ssettag $0x0;
	lr =	simm.s32 $0x1  }
0x2: {  	[smem:$0x3F94] =	sst lr;
	_ =	strace $0xD0000000  }
0x3: {  	_ = 	snop  }
0x4: {  	_ = 	snop  }
0x5: {  	_ = 	snop  }
0x6: {  	_ = 	snop  }
0x7: {  	_ = 	snop  }
__scs_overlays_trampoline_lowered:
0x8: {  	[smem:$0x3FA3] =	sst s0  }
0x9: {  	[smem:$0x3FA4] =	sst s1  }
0xa: {  	[smem:$0x3FA5] =	sst s2  }
0xb: {  	[smem:$0x3FA6] =	sst s3  }
0xc: {  	[smem:$0x3FA7] =	sst s4  }
0xd: {  	[smem:$0x3FA8] =	sst s5  }
0xe: {  	[smem:$0x3FA9] =	sst s6  }
0xf: {  	[smem:$0x3FAA] =	sst s7  }
0x10: {  	[smem:$0x3FAB] =	sst s8  }
0x11: {  	[smem:$0x3FAC] =	sst s9;
	s0 =	simm.s32 @!p0 $0x0  }
0x12: {  	s1 =	sld [smem:$0x3F92];
	s0 =	simm.s32 @p0 $0x1  }
0x13: {  	[smem:$0x3FAD] =	sst s0;
	s0 =	simm.s32 @!p1 $0x0  }
0x14: {  	s2 =	sld [smem:$0x3F91];
	s0 =	simm.s32 @p1 $0x1  }
0x15: {  	[smem:$0x3FAE] =	sst s0;
	s0 =	simm.s32 @!p2 $0x0  }
0x16: {  	s3 =	sld [smem:$0x3FDB];
	s0 =	simm.s32 @p2 $0x1  }
0x17: {  	s4 =	simm.s32 $0x1BF5;
	[smem:$0x3FB0] =	sst s0  }
0x18: {  	s0 =	sld [smem:$0x3F93];
	_ =	swait.ge [sflag:s4], $0x0  }
0x19: {  	s7 =	sld [smem:$0x3F94]  }
0x1a: {  	s8 =	sadd.s32 $0xFFFFE003, lr  }
0x1b: {  	s9 =	sadd.s32 $0xFFFFFEF7, lr;
	s5 =	simm.s32 $0xFFFFFFFF;
	p2 =	slt.u32 s8, $0xFFFFF086  }
0x1c: {  	p1 =	slt.u32 s9, $0xF7A;
	s5 =	simm.s32 @!p2 $0x0  }
0x1d: {  	s5 =	simm.s32 @p1 $0x1;
	p0 =	seq.s32 s7, s2  }
0x1e: {  	s7 =	smul.u32 @!p0 $0xF7A, s2;
	p2 =	seq.s32 @!p0 s5, $0x0  }
0x1f: {  	s9 =	smul.u32 $0xF7A, s1;
	s8 =	simm.s32 @!p0 $0x1BF5;
	p2 =	por !p2, p0  }
0x20: {  	[sflag:s8] =	ssyncset.s32 @!p0 $0xFFFFF086;
	s6 =	sadd.s32 @!p0 s3, s7;
	s7 =	simm.s32 @!p0 $0x108  }
0x21: {  	s3 =	sadd.s32 s3, s9;
	s6 =	sadd.s32 @!p0 $0x88, s6;
	s7 =	simm.s32 @p2 $0x1082  }
0x22: {  	[simem:s7], [sflag:s8] =	dma.local @!p0 [hbm:s6], $0xF7A  }
0x23: {  	s9 =	sor.u32 $0xD0000000, s2;
	s6 =	simm.s32 $0x108;
	_ =	swait.ge @!p0 [sflag:s8], $0x0  }
0x24: {  	s3 =	sadd.s32 $0x88, s3;
	s6 =	simm.s32 @!p1 $0x1082;
	[sflag:s4] =	ssyncset.s32 $0xFFFFF086  }
0x25: {  	[simem:s6], [sflag:s4] =	dma.local [hbm:s3], $0xF7A  }
0x26: {  	[smem:$0x3F94] =	sst s1;
	(tag) =	ssettag s2;
	_ =	strace s9  }
0x27: {  	s1 =	sld [smem:$0x3FA4]  }
0x28: {  	s2 =	sld [smem:$0x3FA5]  }
0x29: {  	s4 =	sld [smem:$0x3FA7]  }
0x2a: {  	p0 =	seq.s32 s5, $0x0;
	s5 =	sld [smem:$0x3FA8]  }
0x2b: {  	s6 =	sld [smem:$0x3FA9]  }
0x2c: {  	s7 =	sld [smem:$0x3FAA]  }
0x2d: {  	s3 =	simm.s32 $0x108;
	s8 =	sld [smem:$0x3FAB]  }
0x2e: {  	s3 =	simm.s32 @!p0 $0x1082;
	s9 =	sld [smem:$0x3FAC]  }
0x2f: {  	lr =	sadd.s32 s0, s3;
	s0 =	sld [smem:$0x3FA3]  }
0x30: {  	s3 =	sld [smem:$0x3FA6]  }
0x31: {  	[smem:$0x3FAF] =	sst s10  }
0x32: {  	s10 =	sld [smem:$0x3FAD];
	_ =	sdelay $0x3  }
0x33: {  	p0 =	seq.s32 s10, $0x1;
	s10 =	sld [smem:$0x3FAF];
	_ =	sdelay $0x3  }
0x34: {  	[smem:$0x3FAF] =	sst s10  }
0x35: {  	s10 =	sld [smem:$0x3FAE];
	_ =	sdelay $0x3  }
0x36: {  	p1 =	seq.s32 s10, $0x1;
	s10 =	sld [smem:$0x3FAF];
	_ =	sdelay $0x3  }
0x37: {  	[smem:$0x3FAF] =	sst s10  }
0x38: {  	s10 =	sld [smem:$0x3FB0]  }
0x39: {  	_ = 	snop;
	(pc) =	sbr.ind lr, $3  }
0x3a: {  	_ = 	snop  }
0x3b: {  	_ = 	snop  }
0x3c: {  	p2 =	seq.s32 s10, $0x1;
	s10 =	sld [smem:$0x3FAF]  }
0x3d: {  	_ =	shalt  }
0x3e: {  	_ =	shalt  }
0x3f: {  	_ =	shalt  }
0x40: {  	_ =	shalt  }
0x41: {  	_ =	shalt  }
0x42: {  	_ =	shalt  }
0x43: {  	_ =	shalt  }
0x44: {  	_ =	shalt  }
0x45: {  	_ =	shalt  }
0x46: {  	_ =	shalt  }
0x47: {  	_ =	shalt  }
0x48: {  	_ =	shalt  }
0x49: {  	_ =	shalt  }
0x4a: {  	_ =	shalt  }
0x4b: {  	_ =	shalt  }
0x4c: {  	_ =	shalt  }
0x4d: {  	_ =	shalt  }
0x4e: {  	_ =	shalt  }
0x4f: {  	_ =	shalt  }
0x50: {  	_ =	shalt  }
0x51: {  	_ =	shalt  }
0x52: {  	_ =	shalt  }
0x53: {  	_ =	shalt  }
0x54: {  	_ =	shalt  }
0x55: {  	_ =	shalt  }
0x56: {  	_ =	shalt  }
0x57: {  	_ =	shalt  }
0x58: {  	_ =	shalt  }
0x59: {  	_ =	shalt  }
0x5a: {  	_ =	shalt  }
0x5b: {  	_ =	shalt  }
0x5c: {  	_ =	shalt  }
0x5d: {  	_ =	shalt  }
0x5e: {  	_ =	shalt  }
0x5f: {  	_ =	shalt  }
0x60: {  	_ =	shalt  }
0x61: {  	_ =	shalt  }
0x62: {  	_ =	shalt  }
0x63: {  	_ =	shalt  }
0x64: {  	_ =	shalt  }
0x65: {  	_ =	shalt  }
0x66: {  	_ =	shalt  }
0x67: {  	_ =	shalt  }
0x68: {  	_ =	shalt  }
0x69: {  	_ =	shalt  }
0x6a: {  	_ =	shalt  }
0x6b: {  	_ =	shalt  }
0x6c: {  	_ =	shalt  }
0x6d: {  	_ =	shalt  }
0x6e: {  	_ =	shalt  }
0x6f: {  	_ =	shalt  }
0x70: {  	_ =	shalt  }
0x71: {  	_ =	shalt  }
0x72: {  	_ =	shalt  }
0x73: {  	_ =	shalt  }
0x74: {  	_ =	shalt  }
0x75: {  	_ =	shalt  }
0x76: {  	_ =	shalt  }
0x77: {  	_ =	shalt  }
0x78: {  	_ =	shalt  }
0x79: {  	_ =	shalt  }
0x7a: {  	_ =	shalt  }
0x7b: {  	_ =	shalt  }
0x7c: {  	_ =	shalt  }
0x7d: {  	_ =	shalt  }
0x7e: {  	_ =	shalt  }
0x7f: {  	_ =	shalt  }
0x80: {  	_ =	shalt  }
0x81: {  	_ =	shalt  }
0x82: {  	_ =	shalt  }
0x83: {  	_ =	shalt  }
0x84: {  	_ =	shalt  }
0x85: {  	_ =	shalt  }
0x86: {  	_ =	shalt  }
0x87: {  	_ =	shalt  }
.Lfunc_end0:
.L_simem_size_0:
called_computation_lowered:
.L_overlay_start_0:
0x88: {  	s2 =	sld [smem:$0x3FD9]  }
0x89: {  	s3 =	sld [smem:$0x3FFE];
	_ =	sdelay $0x1  }
0x8a: {  	s1 =	srdreg.scid  }
0x8b: {  	s0 =	sand.u32 $0x1, s1  }
0x8c: {  	s17 =	sshll.u32 s0, $0xA;
	s2 =	sadd.s32 s3, s2  }
0x8d: {  	s2 =	sadd.s32 s2, s17  }
0x8e: {  	[smem:$0x3FBB] =	sst s2  }
0x8f: {  	_ = 	snop  }
0x90: {  	s2 =	sld [smem:$0x3FD0];
	(tm) =	ssettm $0x1  }
0x91: {  	s18 =	sld [smem:$0x3FFB];
	_ =	sdelay $0x3  }
0x92: {  	_ =	strace s18  }
0x93: {  	s3 =	sld [smem:$0x3FFC];
	_ =	sdelay $0x3  }
0x94: {  	_ =	strace s3  }
0x95: {  	s3 =	sld [smem:$0x3FFD];
	_ =	sdelay $0x3  }
0x96: {  	_ =	strace s3  }
0x97: {  	_ =	strace $0x8FFFFFFF  }
0x98: {  	s19 =	sld [smem:$0x3FDB];
	_ =	sdelay $0x1  }
0x99: {  	s4 =	simm.s32 $_scs_section_size  }
0x9a: {  	s5 =	simm.s32 $_size__tile_overlayer_lowered;
	s6 =	simm.s32 $_tile_overlayer_lowered  }
0x9b: {  	s22 =	simm.s32 $0x1BFF;
	s21 =	sshll.u32 s6, $0x1;
	s3 =	sadd.s32 s4, s19  }
0x9c: {  	s7 =	simm.s32 $0x0;
	s20 =	sshll.u32 s5, $0x1;
	s5 =	sadd.s32 s21, s3  }
0x9d: {  	[timem:s7], [sflag:s22] =	dma.local [hbm:s5], s20  }
0x9e: {  	_ =	swait.ge [sflag:s22], s20  }
0x9f: {  	s4 =	ssub.s32 $0x0, s20;
	[sflag:s22] =	ssyncset.done $0x0  }
0xa0: {  	[sflag:s22] =	ssyncadd.s32 s4;
	_ =	sdelay $0x1  }
0xa1: {  	s23 =	simm.s32 $0x1B8B  }
0xa2: {  	_ =	swait.ge [sflag:s23], $0x1  }
0xa3: {  	[sflag:s23] =	ssyncset.done $0x0  }
0xa4: {  	s25 =	simm.s32 $0x1B8E;
	s24 =	sld [smem:$0x3FFE];
	[sflag:s23] =	ssyncadd.s32 $0xFFFFFFFF  }
0xa5: {  	s26 =	simm.s32 $execute0_lowered;
	[smem:$0x3FD2] =	sst s25  }
0xa6: {  	s5 =	sshll.u32 s26, $0x1;
	_ =	strace $0x80000046;
	[dreg:$0x1] =	wrdreg $0xFFFFFFFF  }
0xa7: {  	s28 =	simm.s32 $_size_execute0_lowered;
	s3 =	sadd.s32 s3, s5;
	[dreg:$0x0] =	wrdreg $0x0  }
0xa8: {  	s5 =	sshll.u32 s28, $0x1;
	[dreg:$0x2] =	wrdreg s3  }
0xa9: {  	[dreg:$0x3] =	wrdreg s5  }
0xaa: {  	[dreg:$0x4] =	wrdreg $0xC0  }
0xab: {  	_ =	task [dreg:s7], $0x5FFFF  }
0xac: {  	[dreg:$0x1] =	wrdreg $0xFFFFFFFF  }
0xad: {  	[dreg:$0x0] =	wrdreg $0x60  }
0xae: {  	[dreg:$0x2] =	wrdreg s2  }
0xaf: {  	[dreg:$0x3] =	wrdreg s24  }
0xb0: {  	[dreg:$0x4] =	wrdreg $0x114000  }
0xb1: {  	[dreg:$0x5] =	wrdreg $0x1B0400  }
0xb2: {  	[dreg:$0x6] =	wrdreg $0x9  }
0xb3: {  	_ =	task.clear_ibuf [dreg:s7], $0x7FFFF;
	_ =	strace $0x90000046  }
0xb4: {  	s29 =	simm.s32 $0x9;
	_ =	strace $0x80000048  }
0xb5: {  	_ =	swait.ge [sflag:s29], $0x1  }
0xb6: {  	[sflag:s29] =	ssyncadd.s32 $0xFFFFFFFF  }
0xb7: {  	_ =	strace $0x90000048  }
0xb8: {  	_ =	sfence  }
0xb9: {  	s30 =	sld [smem:$0x0];
	_ =	sdelay $0x2  }
0xba: {  	s31 =	sshll.u32 s1, $0xD;
	s1 =	sshrl.u32 s1, $0x2  }
0xbb: {  	s3 =	sand.u32 $0x4000, s31;
	s1 =	sadd.s32 s1, s30  }
0xbc: {  	s0 =	sor.u32 s3, s0;
	s1 =	sshll.u32 s1, $0x11  }
0xbd: {  	s0 =	sor.u32 s1, s0  }
0xbe: {  	s0 =	sadd.s32 $0x8F2B, s0  }
0xbf: {  	[sflag:s0] =	ssyncadd.remote.s32 $0x1  }
0xc0: {  	_ =	sfence.sel $0xFFFF  }
0xc1: {  	[dreg:$0x0] =	wrdreg $0xFFFFFFFF;
	(pc) =	sbr.abs _section_cstart, $3  }
0xc2: {  	[dreg:$0x1] =	wrdreg $0xFFFFFFFF  }
0xc3: {  	_ =	task.clear_ibuf [dreg:s7], $0x2FFFF;
	_ =	strace $0x9FFFFFFF  }
0xc4: {  	(tm) =	ssettm $0x7FFFFFFF  }
0xc5: {  	_ =	shalt  }
tec
execute0_lowered:
.L_overlay_start_1:
0x0: {  	(tag) =	ssettag $0x1  }
0x1: {  	s0 =	rddreg [dreg:$0x1]  }
0x2: {  	s17 =	rddreg [dreg:$0x2]  }
0x3: {  	s20 =	rddreg [dreg:$0x3];
	s1 =	simm.s32 $0x0  }
0x4: {  	s21 =	stileid.u32;
	s24 =	srdreg.scid;
	s31 =	simm.s32 $0x10C00  }
0x5: {  	s28 =	simm.s32 $0x6;
	[smem:$0x7FF] =	sst s1;
	s23 =	smul.u32 $0x27800, s21  }
0x6: {  	s6 =	sadd.s32 $0x2A00, s0;
	s7 =	sadd.s32 $0x5AA00, s0;
	s3 =	smul.u32 $0x4F00, s21  }
0x7: {  	s8 =	sadd.s32 $0x50C00, s0;
	s9 =	sadd.s32 $0x546800, s0;
	s12 =	smul.u32 $0x5000, s21  }
0x8: {  	s22 =	sadd.s32 $0x64800, s0;
	s2 =	sadd.s32 $0x65C00, s0;
	s13 =	smul.u32 $0x9E00, s21  }
0x9: {  	s4 =	sadd.s32 $0x6B000, s0;
	s0 =	sadd.s32 $0x66000, s0;
	s15 =	smul.u32 $0x13C0, s21  }
0xa: {  	p0 =	seq.s32 s21, $0xF;
	_ =	strace $0x80000047;
	[dreg:$0x5] =	wrdreg s22  }
0xb: {  	s21 =	simm.s32 $0xCC00;
	[dreg:$0x6] =	wrdreg s2;
	s2 =	sand.u32 $0x1, s24  }
0xc: {  	s24 =	sadd.s32 $0x94200, s17;
	s5 =	ssub.s32 $0x2, s2;
	s10 =	smul.u32 $0x9C400, s2  }
0xd: {  	s1 =	sshrl.u32 s23, $0x2;
	s25 =	smul.u32 $0x13880, s2;
	s3 =	sshrl.u32 s3, $0x2  }
0xe: {  	s16 =	sshrl.u32 s12, $0x3;
	s30 =	sor.u32 $0x80, s12;
	[dreg:$0x15] =	wrdreg s24  }
0xf: {  	s11 =	sshrl.u32 s5, $0x1;
	s1 =	sadd.s32 s1, s17;
	s3 =	sadd.s32 s3, s20  }
0x10: {  	s18 =	sshrl.u32 s30, $0x3;
	s22 =	sadd.s32 s9, s30;
	s5 =	ssub.s32 s5, s11  }
0x11: {  	s14 =	sadd.s32 s13, s10;
	s26 =	sadd.s32 s15, s25;
	s10 =	sshrl.u32 s10, $0x3  }
0x12: {  	s29 =	sshrl.u32 s25, $0x3;
	s19 =	sadd.s32 s7, s18;
	[dreg:$0xd] =	wrdreg s22  }
0x13: {  	s11 =	sadd.s32 s15, s20;
	s25 =	sadd.s32 $0x12840, s20;
	s15 =	simm.s32 $0x80  }
0x14: {  	s20 =	simm.s32 $0x40;
	s22 =	simm.s32 $0xC00;
	s14 =	sshrl.u32 s14, $0x3  }
0x15: {  	[dreg:$0xb] =	wrdreg s19;
	s19 =	sshll.u32 s2, $0x2;
	s23 =	smax.u32 s5, $0x1  }
0x16: {  	[dreg:$0x16] =	wrdreg s25;
	s5 =	simm.s32 $0x11000;
	s14 =	sadd.s32 s4, s14  }
0x17: {  	s4 =	sadd.s32 s4, s10;
	s10 =	sadd.s32 s8, s18;
	s18 =	smul.u32 $0x2710, s2  }
0x18: {  	s25 =	simm.s32 $0x8;
	s2 =	sshllo.u32 s2, $0x2;
	[dreg:$0x10] =	wrdreg s23  }
0x19: {  	s30 =	sor.u32 $0x2, s19;
	s23 =	simm.s32 $0x4C00;
	[dreg:$0x7] =	wrdreg s14  }
0x1a: {  	s14 =	sshrl.u32 s26, $0x3;
	[dreg:$0xc] =	wrdreg s10;
	s4 =	sadd.s32 $0x12840, s4  }
0x1b: {  	s10 =	sadd.s32 s13, s17;
	s26 =	sadd.s32 s9, s12;
	[dreg:$0xe] =	wrdreg s4  }
0x1c: {  	s17 =	simm.s32 $0x800;
	s14 =	sadd.s32 s0, s14;
	[dreg:$0x17] =	wrdreg s26  }
0x1d: {  	s13 =	simm.s32 $0xEC00;
	[dreg:$0x8] =	wrdreg s14;
	s14 =	sadd.s32 s7, s16  }
0x1e: {  	s0 =	sadd.s32 s0, s29;
	s16 =	sadd.s32 s8, s16;
	[dreg:$0x9] =	wrdreg s14  }
0x1f: {  	s29 =	sor.u32 $0x1, s19;
	s0 =	sadd.s32 $0x2508, s0;
	[dreg:$0xa] =	wrdreg s16  }
.Ltmp0:
0x20: {  	[dreg:$0xf] =	wrdreg s0;
	s0 =	sshrl.u32 @!p0 s1, $0x3;
	(pc) =	sbr.rel .LBB2_1-.Ltmp0, $4  }
0x21: {  	v5 =	vlaneseq.u32;
	s4 =	simm.s32 $0x8C00;
	[dreg:$0x11] =	wrdreg s0;
	s0 =	sshrl.u32 @!p0 s3, $0x3  }
0x22: {  	v1 =	vmov s19;
	v3 =	vmov s30;
	v4 =	vmov s2;
	s26 =	simm.s32 $0xA;
	[dreg:$0x12] =	wrdreg s0;
	s0 =	sshrl.u32 @!p0 s10, $0x3  }
0x23: {  	v1 =	vbroadcast v1, $0x0;
	v3 =	vbroadcast v3, $0x0;
	v2 =	vmov s29;
	s14 =	simm.s32 $0x400;
	[dreg:$0x13] =	wrdreg s0;
	s0 =	sshrl.u32 @!p0 s11, $0x3  }
0x24: {  	v0 =	vmov s18;
	v4 =	vbroadcast v4, $0x0;
	v2 =	vbroadcast v2, $0x0;
	s3 =	simm.s32 $0x0;
	[dreg:$0x14] =	wrdreg s0;
	s0 =	simm.s32 $0x2C00  }
.LBB2_23:
0x25: {  	s1 =	simm.s32 $0xB  }
0x26: {  	_ =	swait.ge [sflag:s1], $0x2000  }
0x27: {  	[sflag:s1] =	ssyncset.done $0x0  }
0x28: {  	s18 =	simm.s32 $0xD;
	[sflag:s1] =	ssyncadd.s32 $0xFFFFE000  }
0x29: {  	_ =	swait.ge [sflag:s18], $0x400  }
0x2a: {  	[sflag:s18] =	ssyncset.done $0x0  }
0x2b: {  	s19 =	simm.s32 $0xC;
	[sflag:s18] =	ssyncadd.s32 $0xFFFFFC00  }
0x2c: {  	_ =	swait.ge [sflag:s19], $0x2000  }
0x2d: {  	[sflag:s19] =	ssyncset.done $0x0  }
0x2e: {  	s24 =	simm.s32 $0xE;
	[sflag:s19] =	ssyncadd.s32 $0xFFFFE000  }
0x2f: {  	_ =	swait.ge [sflag:s24], $0x400  }
0x30: {  	[sflag:s24] =	ssyncset.done $0x0  }
0x31: {  	[sflag:s24] =	ssyncadd.s32 $0xFFFFFC00  }
0x32: {  	[bflag:$0x0] =	sbarrier.arrive $0xFFFF  }
0x33: {  	s2 =	rddreg [dreg:$0xe]  }
0x34: {  	s1 =	simm.s32 @p0 $0x1FCF;
	s3 =	rddreg [dreg:$0x1a]  }
0x35: {  	[hbm:s2], [sflag:s1] =	dma.local @p0 [spmem:s3], $0x1040  }
0x36: {  	s2 =	simm.s32 @p0 $0xF  }
0x37: {  	_ =	swait.ge @p0 [sflag:s2], $0x1040  }
0x38: {  	[sflag:s2] =	ssyncset.done @p0 $0x0;
	s3 =	rddreg [dreg:$0xf]  }
0x39: {  	s10 =	rddreg [dreg:$0x1b];
	[sflag:s2] =	ssyncadd.s32 @p0 $0xFFFFEFC0  }
0x3a: {  	[hbm:s3], [sflag:s1] =	dma.local @p0 [spmem:s10], $0x208  }
0x3b: {  	_ =	swait.ge @p0 [sflag:s2], $0x208  }
0x3c: {  	s1 =	rddreg [dreg:$0x7]  }
0x3d: {  	[sflag:s2] =	ssyncset.done @p0 $0x0;
	s10 =	rddreg [dreg:$0x19]  }
0x3e: {  	[sflag:s2] =	ssyncadd.s32 @p0 $0xFFFFFDF8;
	s2 =	rddreg [dreg:$0x13]  }
0x3f: {  	[hbm:s1], [sflag:s10] =	dma.local @!p0 [spmem:s2], $0x13C0  }
0x40: {  	s1 =	simm.s32 @!p0 $0xF  }
0x41: {  	_ =	swait.ge @!p0 [sflag:s1], $0x13C0  }
0x42: {  	[sflag:s1] =	ssyncset.done @!p0 $0x0;
	s2 =	rddreg [dreg:$0x8]  }
0x43: {  	s3 =	rddreg [dreg:$0x14];
	[sflag:s1] =	ssyncadd.s32 @!p0 $0xFFFFEC40  }
0x44: {  	[hbm:s2], [sflag:s10] =	dma.local @!p0 [spmem:s3], $0x278  }
0x45: {  	_ =	swait.ge @!p0 [sflag:s1], $0x278  }
0x46: {  	s29 =	rddreg [dreg:$0x18]  }
0x47: {  	s30 =	rddreg [dreg:$0x10];
	s3 =	sadd.s32 $0x1, s29  }
0x48: {  	p1 =	sne.s32 s3, s30  }
.Ltmp1:
0x49: {  	_ = 	snop;
	(pc) =	sbr.rel @!p1 .LBB2_24-.Ltmp1, $3  }
0x4a: {  	_ =	sdelay $0x1  }
0x4b: {  	[sflag:s1] =	ssyncset.done @!p0 $0x0  }
0x4c: {  	[sflag:s1] =	ssyncadd.s32 @!p0 $0xFFFFFD88  }
.LBB2_1:
0x4d: {  	[dreg:$0x18] =	wrdreg s3  }
0x4e: {  	s1 =	rddreg [dreg:$0x15]  }
0x4f: {  	s3 =	rddreg [dreg:$0x5];
	s2 =	sshrl.u32 @p0 s1, $0x3  }
0x50: {  	s1 =	simm.s32 @p0 $0x1FCF;
	[dreg:$0x1a] =	wrdreg s2  }
0x51: {  	[spmem:s2], [sflag:s1] =	dma.local @p0 [hbm:s3], $0x1040  }
0x52: {  	s2 =	simm.s32 @p0 $0xF  }
0x53: {  	_ =	swait.ge @p0 [sflag:s2], $0x1040  }
0x54: {  	s10 =	rddreg [dreg:$0x16]  }
0x55: {  	[sflag:s2] =	ssyncset.done @p0 $0x0;
	s11 =	sshrl.u32 @p0 s10, $0x3;
	s10 =	rddreg [dreg:$0x6]  }
0x56: {  	[sflag:s2] =	ssyncadd.s32 @p0 $0xFFFFEFC0;
	[dreg:$0x1b] =	wrdreg s11  }
0x57: {  	[spmem:s11], [sflag:s1] =	dma.local @p0 [hbm:s10], $0x208  }
0x58: {  	s1 =	stileid.u32;
	_ =	swait.ge @p0 [sflag:s2], $0x208  }
0x59: {  	s1 =	sshll.u32 @!p0 s1, $0x6;
	[sflag:s2] =	ssyncset.done @p0 $0x0  }
0x5a: {  	s11 =	sor.u32 @!p0 $0x1C0F, s1;
	s1 =	rddreg [dreg:$0x11];
	[sflag:s2] =	ssyncadd.s32 @p0 $0xFFFFFDF8  }
0x5b: {  	[spmem:s1], [sflag:s11] =	dma.local @!p0 [hbm:s3], $0x13C0  }
0x5c: {  	s1 =	simm.s32 @!p0 $0xF  }
0x5d: {  	_ =	swait.ge @!p0 [sflag:s1], $0x13C0  }
0x5e: {  	[dreg:$0x19] =	wrdreg s11;
	[sflag:s1] =	ssyncset.done @!p0 $0x0  }
0x5f: {  	s2 =	rddreg [dreg:$0x12];
	[sflag:s1] =	ssyncadd.s32 @!p0 $0xFFFFEC40  }
0x60: {  	[spmem:s2], [sflag:s11] =	dma.local @!p0 [hbm:s10], $0x278  }
0x61: {  	_ =	swait.ge @!p0 [sflag:s1], $0x278  }
0x62: {  	[sflag:s1] =	ssyncset.done @!p0 $0x0  }
0x63: {  	s3 =	simm.s32 $0xF;
	[sflag:s1] =	ssyncadd.s32 @!p0 $0xFFFFFD88;
	s1 =	simm.s32 $0x0  }
0x64: {  	[tilespmem:s31], [sflag:$0xF] =	stream.linear.gather [hbm4b:s10+s1], $0x400, $0x38;
	[tilespmem:$0x1C3C8] =	vst v63  }
0x65: {  	_ =	swait.ge [sflag:s3], $0x400  }
0x66: {  	[sflag:s3] =	ssyncset.done $0x0  }
0x67: {  	[sflag:s3] =	ssyncadd.s32 $0xFFFFFC00  }
0x68: {  	[tilespmem:s5], [sflag:$0xF] =	stream.linear.gather [hbm4b:s10+s1], $0x400, $0x38;
	[tilespmem:$0x1C3C8] =	vst v63  }
0x69: {  	_ =	swait.ge [sflag:s3], $0x400  }
0x6a: {  	[sflag:s3] =	ssyncset.done $0x0  }
0x6b: {  	[sflag:s3] =	ssyncadd.s32 $0xFFFFFC00  }
0x6c: {  	[bflag:$0x0] =	sbarrier.arrive $0xFFFF  }
0x6d: {  	s10 =	rddreg [dreg:$0x9]  }
0x6e: {  	[tilespmem:s1], [sflag:$0x1] =	stream.linear.gather [hbm4b:s10+s1], $0x80, $0x38;
	[tilespmem:$0x1C3C8] =	vst v63  }
0x6f: {  	s3 =	simm.s32 $0x300;
	s11 =	rddreg [dreg:$0xa]  }
0x70: {  	[tilespmem:s3], [sflag:$0x3] =	stream.linear.gather [hbm4b:s11+s1], $0x80, $0x38;
	[tilespmem:$0x1C3C8] =	vst v63  }
0x71: {  	s16 =	rddreg [dreg:$0x17]  }
0x72: {  	[tilespmem:s14], [sflag:$0x5] =	stream.linear.gather [hbm4b:s16+s1], $0x400, $0x38;
	[tilespmem:$0x1C3C8] =	vst v63  }
0x73: {  	s18 =	rddreg [dreg:$0xb]  }
0x74: {  	[tilespmem:s15], [sflag:$0x2] =	stream.linear.gather [hbm4b:s18+s1], $0x80, $0x38;
	[tilespmem:$0x1C3C8] =	vst v63  }
0x75: {  	s24 =	simm.s32 $0x380;
	s19 =	rddreg [dreg:$0xc]  }
0x76: {  	[tilespmem:s24], [sflag:$0x4] =	stream.linear.gather [hbm4b:s19+s1], $0x80, $0x38;
	[tilespmem:$0x1C3C8] =	vst v63  }
0x77: {  	s2 =	simm.s32 $0x1;
	s29 =	rddreg [dreg:$0xd]  }
0x78: {  	[tilespmem:s17], [sflag:$0x6] =	stream.linear.gather [hbm4b:s29+s1], $0x400, $0x38;
	[tilespmem:$0x1C3C8] =	vst v63  }
0x79: {  	_ =	swait.ge [sflag:s2], $0x80  }
0x7a: {  	[sflag:s2] =	ssyncset.done $0x0  }
0x7b: {  	s10 =	simm.s32 $0x3;
	[sflag:s2] =	ssyncadd.s32 $0xFFFFFF80  }
0x7c: {  	_ =	swait.ge [sflag:s10], $0x80  }
0x7d: {  	[sflag:s10] =	ssyncset.done $0x0  }
0x7e: {  	[sflag:s10] =	ssyncadd.s32 $0xFFFFFF80  }
0x7f: {  	v6 =	vld [tilespmem:$0x0]  }
0x80: {  	v7 =	vld [tilespmem:$0x300]  }
0x81: {  	v8 =	vld [tilespmem:$0x10]  }
0x82: {  	v9 =	vld [tilespmem:$0x310]  }
0x83: {  	v10 =	vld [tilespmem:$0x20]  }
0x84: {  	v11 =	vld [tilespmem:$0x320];
	v6 =	vadd.s32 v0, v6  }
0x85: {  	[tilespmem:$0x200] =	vst v6;
	v6 =	vadd.s32 v0, v7;
	v7 =	vld [tilespmem:$0x30]  }
0x86: {  	v56 =	vld [tilespmem:$0x330];
	[tilespmem:$0x300] =	vst v6;
	v6 =	vadd.s32 v0, v8  }
0x87: {  	v57 =	vld [tilespmem:$0x40];
	[tilespmem:$0x210] =	vst v6;
	v6 =	vadd.s32 v0, v9  }
0x88: {  	v58 =	vld [tilespmem:$0x340];
	[tilespmem:$0x310] =	vst v6;
	v6 =	vadd.s32 v0, v10  }
0x89: {  	v59 =	vld [tilespmem:$0x50];
	[tilespmem:$0x220] =	vst v6;
	v6 =	vadd.s32 v0, v11  }
0x8a: {  	[tilespmem:$0x320] =	vst v6;
	v6 =	vadd.s32 v0, v7;
	v7 =	vld [tilespmem:$0x350]  }
0x8b: {  	v60 =	vld [tilespmem:$0x60];
	[tilespmem:$0x230] =	vst v6;
	v6 =	vadd.s32 v0, v56  }
0x8c: {  	v61 =	vld [tilespmem:$0x360];
	[tilespmem:$0x330] =	vst v6;
	v6 =	vadd.s32 v0, v57  }
0x8d: {  	v62 =	vld [tilespmem:$0x70];
	[tilespmem:$0x240] =	vst v6;
	v6 =	vadd.s32 v0, v58  }
0x8e: {  	v63 =	vld [tilespmem:$0x370];
	[tilespmem:$0x340] =	vst v6;
	v6 =	vadd.s32 v0, v59  }
0x8f: {  	[tilespmem:$0x250] =	vst v6;
	v6 =	vadd.s32 v0, v7  }
0x90: {  	[tilespmem:$0x350] =	vst v6;
	v6 =	vadd.s32 v0, v60  }
0x91: {  	[tilespmem:$0x260] =	vst v6;
	v6 =	vadd.s32 v0, v61  }
0x92: {  	[tilespmem:$0x360] =	vst v6;
	v6 =	vadd.s32 v0, v62  }
0x93: {  	[tilespmem:$0x270] =	vst v6;
	v6 =	vadd.s32 v0, v63  }
0x94: {  	s30 =	simm.s32 @!p0 $0xA0;
	s11 =	simm.s32 $0x200;
	s1 =	rddreg [dreg:$0x0];
	[tilespmem:$0x370] =	vst v6  }
0x95: {  	[tilespmem:s22], [sflag:$0x7] =	stream.indirect.gather [hbm4b:s1+s20], $0x40, s11, s20, $0xb8;
	[tilespmem:$0x1C3C8] =	vst v63  }
0x96: {  	s30 =	simm.s32 @p0 $0x64  }
0x97: {  	[tilespmem:s23], [sflag:$0x9] =	stream.indirect.gather [hbm4b:s6+s20], $0x80, s3, s20, $0xb8;
	[tilespmem:$0x1C3C8] =	vst v63  }
.Ltmp2:
0x98: {  	s16 =	simm.s32 $0x240;
	s18 =	simm.s32 $0x1C00;
	(pc) =	sbr.rel .LBB2_2-.Ltmp2, $4  }
0x99: {  	s19 =	simm.s32 $0x340;
	s24 =	simm.s32 $0x6C00;
	s29 =	sadd.s32 $0xFFFFFFFE, s30  }
0x9a: {  	[tilespmem:s18], [sflag:$0x7] =	stream.indirect.gather [hbm4b:s1+s20], $0x40, s16, s20, $0xb8;
	[tilespmem:$0x1C3C8] =	vst v63  }
0x9b: {  	s2 =	simm.s32 $0x0;
	[dreg:$0x1c] =	wrdreg s29;
	s18 =	sadd.s32 $0xFFFFFFFF, s30  }
0x9c: {  	[tilespmem:s24], [sflag:$0x9] =	stream.indirect.gather [hbm4b:s6+s20], $0x80, s19, s20, $0xb8;
	[tilespmem:$0x1C3C8] =	vst v63  }
.LBB2_22:
0x9d: {  	s2 =	sadd.s32 $0x1, s2  }
0x9e: {  	p1 =	sne.s32 s2, $0x50  }
.Ltmp3:
0x9f: {  	_ = 	snop;
	(pc) =	sbr.rel @!p1 .LBB2_23-.Ltmp3, $1  }
0xa0: {  	_ =	sdelay $0x3  }
.LBB2_2:
0xa1: {  	s3 =	sshll.u32 s2, $0x1  }
0xa2: {  	p2 =	sge.u32 s3, s30  }
.Ltmp4:
0xa3: {  	_ = 	snop;
	(pc) =	sbr.rel @p2 .LBB2_12-.Ltmp4, $2  }
0xa4: {  	_ =	sdelay $0x2  }
0xa5: {  	p1 =	sge.u32 s3, s18  }
.Ltmp5:
0xa6: {  	(pc) =	sbr.rel @p1 .LBB2_5-.Ltmp5, $1  }
0xa7: {  	_ =	sdelay $0x3  }
0xa8: {  	s1 =	simm.s32 $0x2  }
0xa9: {  	_ =	swait.ge [sflag:s1], $0x80  }
0xaa: {  	[sflag:s1] =	ssyncset.done $0x0  }
0xab: {  	s11 =	simm.s32 $0x4;
	[sflag:s1] =	ssyncadd.s32 $0xFFFFFF80  }
0xac: {  	_ =	swait.ge [sflag:s11], $0x80  }
0xad: {  	[sflag:s11] =	ssyncset.done $0x0  }
0xae: {  	[sflag:s11] =	ssyncadd.s32 $0xFFFFFF80  }
0xaf: {  	v6 =	vld [tilespmem:$0x80]  }
0xb0: {  	v7 =	vld [tilespmem:$0x380]  }
0xb1: {  	v8 =	vld [tilespmem:$0x90]  }
0xb2: {  	v9 =	vld [tilespmem:$0x390]  }
0xb3: {  	v10 =	vld [tilespmem:$0xA0]  }
0xb4: {  	v11 =	vld [tilespmem:$0x3A0];
	v6 =	vadd.s32 v0, v6  }
0xb5: {  	[tilespmem:$0x280] =	vst v6;
	v6 =	vadd.s32 v0, v7;
	v7 =	vld [tilespmem:$0xB0]  }
0xb6: {  	v56 =	vld [tilespmem:$0x3B0];
	[tilespmem:$0x380] =	vst v6;
	v6 =	vadd.s32 v0, v8  }
0xb7: {  	v57 =	vld [tilespmem:$0xC0];
	[tilespmem:$0x290] =	vst v6;
	v6 =	vadd.s32 v0, v9  }
0xb8: {  	v58 =	vld [tilespmem:$0x3C0];
	[tilespmem:$0x390] =	vst v6;
	v6 =	vadd.s32 v0, v10  }
0xb9: {  	v59 =	vld [tilespmem:$0xD0];
	[tilespmem:$0x2A0] =	vst v6;
	v6 =	vadd.s32 v0, v11  }
0xba: {  	[tilespmem:$0x3A0] =	vst v6;
	v6 =	vadd.s32 v0, v7;
	v7 =	vld [tilespmem:$0x3D0]  }
0xbb: {  	v60 =	vld [tilespmem:$0xE0];
	[tilespmem:$0x2B0] =	vst v6;
	v6 =	vadd.s32 v0, v56  }
0xbc: {  	v61 =	vld [tilespmem:$0x3E0];
	[tilespmem:$0x3B0] =	vst v6;
	v6 =	vadd.s32 v0, v57  }
0xbd: {  	v62 =	vld [tilespmem:$0xF0];
	[tilespmem:$0x2C0] =	vst v6;
	v6 =	vadd.s32 v0, v58  }
0xbe: {  	v63 =	vld [tilespmem:$0x3F0];
	[tilespmem:$0x3C0] =	vst v6;
	v6 =	vadd.s32 v0, v59  }
0xbf: {  	[tilespmem:$0x2D0] =	vst v6;
	v6 =	vadd.s32 v0, v7  }
0xc0: {  	[tilespmem:$0x3D0] =	vst v6;
	v6 =	vadd.s32 v0, v60  }
0xc1: {  	[tilespmem:$0x2E0] =	vst v6;
	v6 =	vadd.s32 v0, v61  }
0xc2: {  	[tilespmem:$0x3E0] =	vst v6;
	v6 =	vadd.s32 v0, v62  }
0xc3: {  	[tilespmem:$0x2F0] =	vst v6;
	v6 =	vadd.s32 v0, v63  }
0xc4: {  	s10 =	simm.s32 $0x280;
	s1 =	rddreg [dreg:$0x0];
	[tilespmem:$0x3F0] =	vst v6  }
0xc5: {  	[tilespmem:s0], [sflag:$0x8] =	stream.indirect.gather [hbm4b:s1+s20], $0x40, s10, s20, $0xb8;
	[tilespmem:$0x1C3C8] =	vst v63  }
0xc6: {  	s16 =	simm.s32 $0x380  }
0xc7: {  	[tilespmem:s4], [sflag:$0xA] =	stream.indirect.gather [hbm4b:s6+s20], $0x80, s16, s20, $0xb8;
	[tilespmem:$0x1C3C8] =	vst v63  }
0xc8: {  	s19 =	simm.s32 $0x2C0;
	s11 =	simm.s32 $0x3C00  }
0xc9: {  	[tilespmem:s11], [sflag:$0x8] =	stream.indirect.gather [hbm4b:s1+s20], $0x40, s19, s20, $0xb8;
	[tilespmem:$0x1C3C8] =	vst v63  }
0xca: {  	s24 =	simm.s32 $0x3C0;
	s29 =	simm.s32 $0xAC00  }
0xcb: {  	[tilespmem:s29], [sflag:$0xA] =	stream.indirect.gather [hbm4b:s6+s20], $0x80, s24, s20, $0xb8;
	[tilespmem:$0x1C3C8] =	vst v63  }
.LBB2_5:
0xcc: {  	s1 =	simm.s32 $0x7  }
0xcd: {  	_ =	swait.ge [sflag:s1], $0x2000  }
0xce: {  	[sflag:s1] =	ssyncset.done $0x0  }
0xcf: {  	s19 =	simm.s32 $0x9;
	[sflag:s1] =	ssyncadd.s32 $0xFFFFE000  }
0xd0: {  	_ =	swait.ge [sflag:s19], $0x4000  }
0xd1: {  	[sflag:s19] =	ssyncset.done $0x0  }
0xd2: {  	s24 =	simm.s32 $0x5;
	[sflag:s19] =	ssyncadd.s32 $0xFFFFC000  }
0xd3: {  	_ =	swait.ge [sflag:s24], $0x400  }
0xd4: {  	p2 =	seq.s32 s2, $0x0;
	[sflag:s24] =	ssyncset.done $0x0  }
0xd5: {  	s1 =	simm.s32 @!p2 $0xB;
	[sflag:s24] =	ssyncadd.s32 $0xFFFFFC00  }
0xd6: {  	_ =	swait.ge @!p2 [sflag:s1], $0x2000  }
0xd7: {  	[sflag:s1] =	ssyncset.done @!p2 $0x0  }
0xd8: {  	[sflag:s1] =	ssyncadd.s32 @!p2 $0xFFFFE000;
	s1 =	simm.s32 @!p2 $0xD  }
0xd9: {  	_ =	swait.ge @!p2 [sflag:s1], $0x400  }
0xda: {  	[sflag:s1] =	ssyncset.done @!p2 $0x0  }
0xdb: {  	s29 =	simm.s32 $0x0;
	s24 =	simm.s32 $0x0;
	[sflag:s1] =	ssyncadd.s32 @!p2 $0xFFFFFC00  }
.LBB2_6:
0xdc: {  	s1 =	sshll.u32 s29, $0x4;
	s16 =	simm.s32 $0x1  }
0xdd: {  	s19 =	simm.s32 $0x2;
	v18 =	vadd.s32 s24, v5;
	v8 =	vor.u32 s1, v5;
	v9 =	vadd.s32 s16, v5  }
0xde: {  	v15 =	vadd.s32 s19, v5;
	v6 =	vshll.u32 v8, $0x6;
	v10 =	vand.u32 $0x7, v9  }
0xdf: {  	v7 =	vshll.u32 v8, $0x7;
	v9 =	vand.u32 $0x8, v9;
	v11 =	vor.u32 v6, v10  }
0xe0: {  	v20 =	vand.u32 $0x7, v18;
	v10 =	vor.u32 v7, v10;
	v13 =	vor.u32 v9, v11  }
0xe1: {  	v17 =	vand.u32 $0x7, v15;
	v12 =	vor.u32 $0x20, v9;
	v14 =	vor.u32 v9, v10  }
0xe2: {  	v15 =	vand.u32 $0x8, v15;
	v19 =	vor.u32 v6, v17;
	v16 =	vor.u32 v12, v10  }
0xe3: {  	v22 =	vand.u32 $0x8, v18;
	v23 =	vor.u32 v6, v20;
	v21 =	vor.u32 v15, v19  }
0xe4: {  	v20 =	vor.u32 v7, v20;
	v18 =	vor.u32 v22, v23  }
0xe5: {  	v24 =	vor.u32 $0x10, v9;
	v25 =	vor.u32 v22, v20;
	v13 =	vld.idx.msk [tilespmem:v13+s22+$0x0], $0xffff  }
0xe6: {  	v29 =	vor.u32 $0x20, v22;
	v27 =	vor.u32 v24, v10;
	v26 =	vld.idx.msk [tilespmem:v14+s23+$0x0], $0xffff  }
0xe7: {  	v32 =	vor.u32 $0x30, v22;
	v31 =	vor.u32 v29, v23;
	v16 =	vld.idx.msk [tilespmem:v16+s23+$0x0], $0xffff  }
0xe8: {  	v34 =	vor.u32 v32, v20;
	v14 =	vld.idx.msk [tilespmem:v21+s22+$0x0], $0xffff  }
0xe9: {  	s10 =	simm.s32 $0x3;
	v37 =	vor.u32 $0x20, v15;
	v32 =	vor.u32 v32, v23;
	v30 =	vld.idx.msk [tilespmem:v18+s22+$0x0], $0xffff  }
0xea: {  	v33 =	vadd.s32 s10, v5;
	v17 =	vor.u32 v7, v17;
	v40 =	vor.u32 v37, v19;
	v25 =	vld.idx.msk [tilespmem:v25+s23+$0x0], $0xffff  }
0xeb: {  	v35 =	vand.u32 $0x8, v33;
	v9 =	vor.u32 $0x30, v9;
	v58 =	vor.u32 v37, v17;
	v27 =	vld.idx.msk [tilespmem:v27+s23+$0x0], $0xffff  }
0xec: {  	v33 =	vand.u32 $0x7, v33;
	v10 =	vor.u32 v9, v10;
	v9 =	vor.u32 v9, v11;
	v31 =	vld.idx.msk [tilespmem:v31+s22+$0x0], $0xffff  }
0xed: {  	v22 =	vor.u32 $0x10, v22;
	v12 =	vor.u32 v12, v11;
	v11 =	vor.u32 v24, v11;
	v24 =	vld.idx.msk [tilespmem:v34+s23+$0x0], $0xffff  }
0xee: {  	s16 =	simm.s32 $0x6;
	v23 =	vor.u32 v22, v23;
	v22 =	vor.u32 v22, v20;
	v20 =	vor.u32 v29, v20;
	v29 =	vld.idx.msk [tilespmem:v32+s22+$0x0], $0xffff  }
0xef: {  	v52 =	vadd.s32 s16, v5;
	v28 =	vor.u32 $0x10, v15;
	v36 =	vor.u32 $0x20, v35;
	v63 =	vld.idx.msk [tilespmem:v40+s22+$0x0], $0xffff  }
0xf0: {  	v38 =	vor.u32 $0x30, v35;
	v39 =	vor.u32 $0x10, v35;
	v41 =	vor.u32 v7, v33;
	v32 =	vld.idx.msk [tilespmem:v58+s23+$0x0], $0xffff  }
0xf1: {  	s19 =	simm.s32 $0x7;
	v53 =	vand.u32 $0x8, v52;
	v21 =	vor.u32 v28, v19;
	v28 =	vor.u32 v28, v17;
	v59 =	vld.idx.msk [tilespmem:v9+s22+$0x0], $0xffff  }
0xf2: {  	v18 =	vimm.f32 $0.0e+00;
	v9 =	vor.u32 v6, v33;
	v42 =	vld.idx.msk [tilespmem:v11+s22+$0x0], $0xffff;
	v11 =	vadd.s32 s19, v5  }
0xf3: {  	v10 =	vld.idx.msk [tilespmem:v10+s23+$0x0], $0xffff;
	v60 =	vor.u32 v39, v9;
	v61 =	vor.u32 v36, v9;
	v36 =	vor.u32 v36, v41  }
0xf4: {  	v20 =	vld.idx.msk [tilespmem:v20+s23+$0x0], $0xffff;
	v43 =	vand.u32 $0x7, v11;
	v13 =	vmul.f32 v26, v13;
	v26 =	vor.u32 $0x30, v15  }
0xf5: {  	v15 =	vor.u32 v15, v17;
	v25 =	vmul.f32 v25, v30;
	v30 =	vld.idx.msk [tilespmem:v12+s22+$0x0], $0xffff;
	v12 =	vor.u32 v38, v41  }
0xf6: {  	v21 =	vld.idx.msk [tilespmem:v21+s22+$0x0], $0xffff;
	v38 =	vor.u32 v38, v9;
	v24 =	vmul.f32 v24, v29;
	v32 =	vmul.f32 v32, v63  }
0xf7: {  	s11 =	simm.s32 $0x5;
	v28 =	vld.idx.msk [tilespmem:v28+s23+$0x0], $0xffff;
	v19 =	vor.u32 v26, v19;
	v17 =	vor.u32 v26, v17;
	v26 =	vor.u32 v35, v41  }
0xf8: {  	v51 =	vld.idx.msk [tilespmem:v22+s23+$0x0], $0xffff;
	v35 =	vor.u32 v35, v9;
	v9 =	vadd.s32 s11, v5;
	v27 =	vmul.f32 v27, v42  }
0xf9: {  	v23 =	vld.idx.msk [tilespmem:v23+s22+$0x0], $0xffff;
	v20 =	vmul.f32 v20, v31;
	v34 =	vmul.f32 v10, v59;
	v25 =	vadd.f32 v25, v18  }
0xfa: {  	v62 =	vand.u32 $0x7, v9;
	v44 =	vand.u32 $0x8, v9;
	v33 =	vld.idx.msk [tilespmem:v60+s22+$0x0], $0xffff;
	v24 =	vadd.f32 v24, v18  }
0xfb: {  	v47 =	vor.u32 v6, v62;
	v48 =	vor.u32 $0x20, v44;
	v50 =	vor.u32 $0x10, v44;
	v46 =	vld.idx.msk [tilespmem:v12+s23+$0x0], $0xffff  }
0xfc: {  	v20 =	vadd.f32 v20, v18;
	v21 =	vmul.f32 v28, v21;
	v28 =	vor.u32 v39, v41;
	v38 =	vld.idx.msk [tilespmem:v38+s22+$0x0], $0xffff  }
0xfd: {  	v58 =	vadd.f32 v13, v25;
	v39 =	vor.u32 v7, v62;
	v29 =	vld.idx.msk [tilespmem:v17+s23+$0x0], $0xffff;
	v17 =	vor.u32 v44, v47  }
0xfe: {  	v30 =	vmul.f32 v16, v30;
	v16 =	vand.u32 $0x7, v52;
	v19 =	vld.idx.msk [tilespmem:v19+s22+$0x0], $0xffff;
	v49 =	vor.u32 v44, v39  }
0xff: {  	v24 =	vadd.f32 v34, v24;
	v22 =	vor.u32 v48, v39;
	v42 =	vld.idx.msk [tilespmem:v26+s23+$0x0], $0xffff;
	v52 =	vor.u32 v6, v16  }
0x100: {  	s19 =	simm.s32 $0x4;
	v41 =	vand.u32 $0x8, v11;
	v12 =	vor.u32 v7, v43;
	v26 =	vld.idx.msk [tilespmem:v15+s23+$0x0], $0xffff;
	v55 =	vor.u32 v53, v52  }
0x101: {  	v9 =	vor.u32 $0x20, v41;
	v45 =	vor.u32 $0x30, v41;
	v15 =	vadd.s32 s19, v5;
	v28 =	vld.idx.msk [tilespmem:v28+s23+$0x0], $0xffff  }
0x102: {  	v54 =	vor.u32 v7, v16;
	v31 =	vand.u32 $0x8, v15;
	v15 =	vand.u32 $0x7, v15;
	v16 =	vld.idx.msk [tilespmem:v17+s22+$0x0], $0xffff  }
0x103: {  	v44 =	vor.u32 $0x30, v44;
	v56 =	vor.u32 v6, v15;
	v57 =	vor.u32 v7, v15;
	v49 =	vld.idx.msk [tilespmem:v49+s23+$0x0], $0xffff  }
0x104: {  	v59 =	vor.u32 $0x20, v31;
	v13 =	vor.u32 $0x10, v31;
	v25 =	vor.u32 v31, v56;
	v10 =	vld.idx.msk [tilespmem:v22+s23+$0x0], $0xffff  }
0x105: {  	v37 =	vor.u32 v31, v57;
	v15 =	vor.u32 v13, v56;
	v17 =	vor.u32 v13, v57;
	v13 =	vld.idx.msk [tilespmem:v55+s22+$0x0], $0xffff  }
0x106: {  	v30 =	vadd.f32 v30, v20;
	v20 =	vmul.f32 v51, v23;
	v62 =	vor.u32 v59, v56;
	v55 =	vld.idx.msk [tilespmem:v35+s22+$0x0], $0xffff  }
0x107: {  	v46 =	vmul.f32 v46, v38;
	v38 =	vor.u32 v50, v39;
	v35 =	vor.u32 v44, v39;
	v39 =	vld.idx.msk [tilespmem:v61+s22+$0x0], $0xffff  }
0x108: {  	v11 =	vor.u32 $0x10, v41;
	v29 =	vmul.f32 v29, v19;
	v19 =	vor.u32 $0x10, v53;
	v61 =	vld.idx.msk [tilespmem:v36+s23+$0x0], $0xffff  }
0x109: {  	v23 =	vor.u32 $0x20, v53;
	v18 =	vadd.f32 v20, v18;
	v63 =	vor.u32 v19, v52;
	v25 =	vld.idx.msk [tilespmem:v25+s22+$0x0], $0xffff  }
0x10a: {  	v32 =	vadd.f32 v32, v30;
	v60 =	vor.u32 v19, v54;
	v19 =	vor.u32 $0x30, v31;
	v31 =	vld.idx.msk [tilespmem:v37+s23+$0x0], $0xffff  }
0x10b: {  	v50 =	vor.u32 v50, v47;
	v44 =	vor.u32 v44, v47;
	v47 =	vor.u32 v48, v47;
	v20 =	vld.idx.msk [tilespmem:v62+s22+$0x0], $0xffff  }
0x10c: {  	v22 =	vor.u32 v59, v57;
	v56 =	vor.u32 v19, v56;
	v57 =	vor.u32 v19, v57;
	v19 =	vld.idx.msk [tilespmem:v38+s23+$0x0], $0xffff  }
0x10d: {  	v59 =	vmul.f32 v26, v14;
	v26 =	vor.u32 v53, v54;
	v18 =	vadd.f32 v27, v18;
	v14 =	vld.idx.msk [tilespmem:v35+s23+$0x0], $0xffff  }
0x10e: {  	v51 =	vadd.f32 v29, v24;
	v24 =	vor.u32 v23, v52;
	v37 =	vmul.f32 v28, v33;
	v48 =	vld.idx.msk [tilespmem:v63+s22+$0x0], $0xffff  }
0x10f: {  	v38 =	vor.u32 v41, v12;
	v16 =	vmul.f32 v49, v16;
	v49 =	vld.idx.msk [tilespmem:v60+s23+$0x0], $0xffff;
	v35 =	vor.u32 v23, v54  }
0x110: {  	v23 =	vor.u32 $0x30, v53;
	v53 =	vor.u32 v6, v43;
	v60 =	vmul.f32 v61, v39;
	v34 =	vld.idx.msk [tilespmem:v47+s22+$0x0], $0xffff  }
0x111: {  	v27 =	vmul.f32 v42, v55;
	v63 =	vadd.f32 v59, v58;
	v42 =	vor.u32 v45, v12;
	v28 =	vld.idx.msk [tilespmem:v57+s23+$0x0], $0xffff  }
0x112: {  	v40 =	vor.u32 v23, v52;
	v36 =	vor.u32 v23, v54;
	v30 =	vld.idx.msk [tilespmem:v56+s22+$0x0], $0xffff;
	v29 =	vor.u32 v11, v53  }
0x113: {  	v23 =	vld.idx.msk [tilespmem:v44+s22+$0x0], $0xffff;
	v33 =	vor.u32 v41, v53;
	v39 =	vor.u32 v45, v53;
	v43 =	vmul.f32 v31, v25  }
0x114: {  	v25 =	vld.idx.msk [tilespmem:v24+s22+$0x0], $0xffff;
	v24 =	vor.u32 v9, v53;
	v31 =	vadd.f32 v21, v18;
	v21 =	vadd.f32 v60, v32  }
0x115: {  	s1 =	simm.s32 $0x8;
	v41 =	vld.idx.msk [tilespmem:v50+s22+$0x0], $0xffff;
	v32 =	vadd.f32 v27, v63;
	v27 =	vadd.f32 v46, v51;
	v18 =	vmul.f32 v49, v48  }
.LBB2_7:
0x116: {  	s11 =	sadd.s32 $0x1, s1  }
0x117: {  	s10 =	sadd.s32 $0x3, s1;
	v22 =	vld.idx.msk [tilespmem:v22+s23+$0x0], $0xffff;
	v44 =	vor.u32 v11, v12;
	v45 =	vor.u32 v9, v12;
	v46 =	vadd.f32 v37, v31;
	s16 =	smov.u32 s1;
	s19 =	sadd.s32 $0x4, s1  }
0x118: {  	p2 =	slt.u32 s1, $0xC;
	v9 =	vadd.s32 s11, v5;
	v11 =	vadd.s32 s10, v5;
	v37 =	vadd.f32 v43, v32;
	v40 =	vld.idx.msk [tilespmem:v40+s22+$0x0], $0xffff  }
0x119: {  	v12 =	vand.u32 $0x7, v9;
	v32 =	vand.u32 $0x8, v11;
	v43 =	vand.u32 $0x7, v11;
	v35 =	vld.idx.msk [tilespmem:v35+s23+$0x0], $0xffff  }
0x11a: {  	v47 =	vand.u32 $0x8, v9;
	v9 =	vor.u32 $0x20, v32;
	v31 =	vor.u32 $0x30, v32;
	v42 =	vld.idx.msk [tilespmem:v42+s23+$0x0], $0xffff  }
0x11b: {  	v28 =	vmul.f32 v28, v30;
	v48 =	vor.u32 v6, v12;
	v49 =	vor.u32 $0x20, v47;
	v30 =	vld.idx.msk [tilespmem:v36+s23+$0x0], $0xffff  }
0x11c: {  	v50 =	vor.u32 v7, v12;
	v11 =	vor.u32 $0x10, v32;
	v36 =	vor.u32 v47, v48;
	v39 =	vld.idx.msk [tilespmem:v39+s22+$0x0], $0xffff  }
0x11d: {  	s1 =	sadd.s32 $0x2, s16;
	v52 =	vor.u32 $0x10, v47;
	v12 =	vor.u32 v7, v43;
	v51 =	vor.u32 v47, v50;
	v53 =	vld.idx.msk [tilespmem:v17+s23+$0x0], $0xffff  }
0x11e: {  	v54 =	vadd.s32 s1, v5;
	v34 =	vmul.f32 v10, v34;
	v17 =	vor.u32 v49, v50;
	v55 =	vld.idx.msk [tilespmem:v15+s22+$0x0], $0xffff  }
0x11f: {  	v56 =	vand.u32 $0x8, v54;
	v10 =	vand.u32 $0x7, v54;
	v41 =	vmul.f32 v19, v41;
	v54 =	vld.idx.msk [tilespmem:v38+s23+$0x0], $0xffff  }
0x120: {  	v57 =	vor.u32 v7, v10;
	v38 =	vor.u32 $0x30, v47;
	v47 =	vor.u32 v6, v10;
	v19 =	vld.idx.msk [tilespmem:v26+s23+$0x0], $0xffff  }
0x121: {  	v20 =	vmul.f32 v22, v20;
	v10 =	vadd.s32 s16, v5;
	v26 =	vld.idx.msk [tilespmem:v36+s22+$0x0], $0xffff;
	v36 =	vor.u32 v56, v47  }
0x122: {  	v14 =	vmul.f32 v14, v23;
	v58 =	vand.u32 $0x8, v10;
	v10 =	vand.u32 $0x7, v10;
	v51 =	vld.idx.msk [tilespmem:v51+s23+$0x0], $0xffff  }
0x123: {  	v60 =	vadd.f32 v16, v37;
	v23 =	vor.u32 v6, v10;
	v59 =	vor.u32 v7, v10;
	v10 =	vld.idx.msk [tilespmem:v17+s23+$0x0], $0xffff  }
0x124: {  	v25 =	vmul.f32 v35, v25;
	v61 =	vor.u32 $0x20, v58;
	v37 =	vor.u32 v58, v23;
	v29 =	vld.idx.msk [tilespmem:v29+s22+$0x0], $0xffff  }
0x125: {  	v27 =	vadd.f32 v28, v27;
	v16 =	vor.u32 $0x10, v58;
	v35 =	vor.u32 v58, v59;
	v28 =	vld.idx.msk [tilespmem:v44+s23+$0x0], $0xffff  }
0x126: {  	v15 =	vor.u32 v16, v23;
	v17 =	vor.u32 v16, v59;
	v44 =	vmul.f32 v42, v39;
	v36 =	vld.idx.msk [tilespmem:v36+s22+$0x0], $0xffff  }
0x127: {  	v30 =	vmul.f32 v30, v40;
	v22 =	vor.u32 v61, v59;
	v39 =	vor.u32 v52, v50;
	v42 =	vld.idx.msk [tilespmem:v33+s22+$0x0], $0xffff  }
0x128: {  	v16 =	vmul.f32 v51, v26;
	v33 =	vor.u32 v38, v50;
	v26 =	vor.u32 $0x10, v56;
	v24 =	vld.idx.msk [tilespmem:v24+s22+$0x0], $0xffff  }
0x129: {  	v27 =	vadd.f32 v14, v27;
	v40 =	vor.u32 v26, v47;
	v50 =	vor.u32 v26, v57;
	v45 =	vld.idx.msk [tilespmem:v45+s23+$0x0], $0xffff  }
0x12a: {  	v20 =	vadd.f32 v20, v21;
	v14 =	vor.u32 $0x30, v58;
	v61 =	vor.u32 v61, v23;
	v51 =	vld.idx.msk [tilespmem:v37+s22+$0x0], $0xffff  }
0x12b: {  	v23 =	vor.u32 v14, v23;
	v58 =	vor.u32 v14, v59;
	v59 =	vmul.f32 v19, v13;
	v21 =	vld.idx.msk [tilespmem:v35+s23+$0x0], $0xffff  }
0x12c: {  	v34 =	vadd.f32 v34, v20;
	v52 =	vor.u32 v52, v48;
	v26 =	vor.u32 v56, v57;
	v19 =	vld.idx.msk [tilespmem:v39+s23+$0x0], $0xffff  }
0x12d: {  	v27 =	vadd.f32 v30, v27;
	v20 =	vmul.f32 v53, v55;
	v39 =	vor.u32 v38, v48;
	v14 =	vld.idx.msk [tilespmem:v33+s23+$0x0], $0xffff  }
0x12e: {  	v30 =	vor.u32 $0x20, v56;
	v37 =	vmul.f32 v28, v29;
	v13 =	vmovc v36;
	v48 =	vor.u32 v49, v48;
	v49 =	vld.idx.msk [tilespmem:v40+s22+$0x0], $0xffff  }
0x12f: {  	v53 =	vor.u32 v30, v47;
	v35 =	vor.u32 v30, v57;
	v33 =	vadd.f32 v20, v46;
	v50 =	vld.idx.msk [tilespmem:v50+s23+$0x0], $0xffff  }
0x130: {  	v29 =	vor.u32 $0x30, v56;
	v46 =	vor.u32 v6, v43;
	v45 =	vmul.f32 v45, v24;
	v20 =	vld.idx.msk [tilespmem:v61+s22+$0x0], $0xffff  }
0x131: {  	v36 =	vor.u32 v29, v57;
	v40 =	vor.u32 v29, v47;
	v47 =	vadd.f32 v25, v34;
	v28 =	vld.idx.msk [tilespmem:v58+s23+$0x0], $0xffff  }
.Ltmp6:
0x132: {  	v38 =	vor.u32 v32, v12;
	v29 =	vor.u32 v11, v46;
	v41 =	vadd.f32 v41, v33;
	v30 =	vld.idx.msk [tilespmem:v23+s22+$0x0], $0xffff;
	(pc) =	sbr.rel @p2 .LBB2_7-.Ltmp6, $4  }
0x133: {  	v33 =	vor.u32 v32, v46;
	v32 =	vmul.f32 v54, v42;
	v43 =	vmul.f32 v21, v51;
	v23 =	vld.idx.msk [tilespmem:v39+s22+$0x0], $0xffff  }
0x134: {  	v24 =	vor.u32 v9, v46;
	v39 =	vor.u32 v31, v46;
	v46 =	vadd.f32 v59, v60;
	v25 =	vld.idx.msk [tilespmem:v53+s22+$0x0], $0xffff  }
0x135: {  	v42 =	vor.u32 v31, v12;
	v21 =	vadd.f32 v45, v47;
	v31 =	vadd.f32 v18, v41;
	v34 =	vld.idx.msk [tilespmem:v48+s22+$0x0], $0xffff  }
0x136: {  	s1 =	smov.u32 s19;
	v27 =	vadd.f32 v44, v27;
	v18 =	vmul.f32 v50, v49;
	v32 =	vadd.f32 v32, v46;
	v41 =	vld.idx.msk [tilespmem:v52+s22+$0x0], $0xffff  }
0x137: {  	_ =	sdelay $0x3  }
0x138: {  	v26 =	vld.idx.msk [tilespmem:v26+s23+$0x0], $0xffff  }
0x139: {  	v38 =	vld.idx.msk [tilespmem:v38+s23+$0x0], $0xffff  }
0x13a: {  	v33 =	vld.idx.msk [tilespmem:v33+s22+$0x0], $0xffff;
	v44 =	vshll.u32 v8, $0x3  }
0x13b: {  	v8 =	vadd.f32 v43, v32;
	v60 =	vor.u32 v1, v44;
	_ =	sdelay $0x1  }
0x13c: {  	v8 =	vadd.f32 v16, v8;
	v13 =	vmul.f32 v26, v13;
	_ =	sdelay $0x1  }
0x13d: {  	v16 =	vmul.f32 v38, v33;
	v8 =	vadd.f32 v13, v8  }
0x13e: {  	v13 =	vld.idx.msk [tilespmem:v60+s14+$0x0], $0xffff  }
0x13f: {  	v8 =	vadd.f32 v16, v8;
	_ =	sdelay $0x1  }
0x140: {  	v8 =	vmul.f32 $2.500000000e-01, v8;
	_ =	sdelay $0x1  }
0x141: {  	v8 =	vmul.f32 v13, v8;
	_ =	sdelay $0x1  }
0x142: {  	v15 =	vld.idx.msk [tilespmem:v15+s22+$0x0], $0xffff;
	v11 =	vor.u32 v11, v12;
	v8 =	vmul.f32 $1.442695020e+00, v8  }
0x143: {  	v13 =	vld.idx.msk [tilespmem:v17+s23+$0x0], $0xffff  }
0x144: {  	(erf) = vpow2.f32 v8  }
0x145: {  	v24 =	vld.idx.msk [tilespmem:v24+s22+$0x0], $0xffff  }
0x146: {  	v26 =	vld.idx.msk [tilespmem:v42+s23+$0x0], $0xffff  }
0x147: {  	v11 =	vld.idx.msk [tilespmem:v11+s23+$0x0], $0xffff  }
0x148: {  	v16 =	vld.idx.msk [tilespmem:v22+s23+$0x0], $0xffff;
	v8 =	vor.u32 v9, v12;
	v9 =	vadd.f32 v37, v31;
	v13 =	vmul.f32 v13, v15  }
0x149: {  	v12 =	vld.idx.msk [tilespmem:v29+s22+$0x0], $0xffff  }
0x14a: {  	v19 =	vmul.f32 v19, v41;
	v22 =	vld.idx.msk [tilespmem:v35+s23+$0x0], $0xffff;
	v9 =	vadd.f32 v13, v9;
	v13 =	vor.u32 v2, v44  }
0x14b: {  	v17 =	vld.idx.msk [tilespmem:v40+s22+$0x0], $0xffff  }
0x14c: {  	v29 =	vld.idx.msk [tilespmem:v39+s22+$0x0], $0xffff;
	v9 =	vadd.f32 v19, v9  }
0x14d: {  	v19 =	vld.idx.msk [tilespmem:v8+s23+$0x0], $0xffff;
	v8 =	vpop (erf)  }
0x14e: {  	v15 =	vld.idx.msk [tilespmem:v36+s23+$0x0], $0xffff;
	v11 =	vmul.f32 v11, v12;
	v9 =	vadd.f32 v18, v9;
	[tilespmem:v44+s31+$0x0] =	vst.idx.msk $0xffff, v8  }
0x14f: {  	v12 =	vld.idx.msk [tilespmem:v13+s14+$0x0], $0xffff  }
0x150: {  	v9 =	vadd.f32 v11, v9;
	_ =	sdelay $0x1  }
0x151: {  	v9 =	vmul.f32 $2.500000000e-01, v9;
	_ =	sdelay $0x1  }
0x152: {  	v9 =	vmul.f32 v12, v9;
	_ =	sdelay $0x1  }
0x153: {  	v9 =	vmul.f32 $1.442695020e+00, v9;
	_ =	sdelay $0x1  }
0x154: {  	(erf) = vpow2.f32 v9;
	_ =	sdelay $0x2  }
0x155: {  	v9 =	vmul.f32 v16, v20;
	_ =	sdelay $0x1  }
0x156: {  	v11 =	vor.u32 $0x1, v44;
	v9 =	vadd.f32 v9, v21  }
0x157: {  	v10 =	vmul.f32 v10, v34;
	v12 =	vor.u32 v3, v44;
	_ =	sdelay $0x1  }
0x158: {  	v13 =	vmul.f32 v22, v25;
	v10 =	vadd.f32 v10, v9  }
0x159: {  	v9 =	vpop (erf)  }
0x15a: {  	v16 =	vmul.f32 v19, v24;
	v10 =	vadd.f32 v13, v10;
	[tilespmem:v11+s31+$0x0] =	vst.idx.msk $0xffff, v9  }
0x15b: {  	v11 =	vld.idx.msk [tilespmem:v12+s14+$0x0], $0xffff  }
0x15c: {  	v10 =	vadd.f32 v16, v10;
	_ =	sdelay $0x1  }
0x15d: {  	v10 =	vmul.f32 $2.500000000e-01, v10;
	_ =	sdelay $0x1  }
0x15e: {  	v10 =	vmul.f32 v11, v10;
	_ =	sdelay $0x1  }
0x15f: {  	v10 =	vmul.f32 $1.442695020e+00, v10;
	_ =	sdelay $0x1  }
0x160: {  	(erf) = vpow2.f32 v10;
	_ =	sdelay $0x2  }
0x161: {  	v10 =	vmul.f32 v28, v30;
	_ =	sdelay $0x1  }
0x162: {  	v11 =	vor.u32 $0x2, v44;
	v10 =	vadd.f32 v10, v27  }
0x163: {  	v13 =	vor.u32 v4, v44;
	v12 =	vmul.f32 v14, v23;
	_ =	sdelay $0x1  }
0x164: {  	v14 =	vmul.f32 v15, v17;
	v12 =	vadd.f32 v12, v10  }
0x165: {  	v10 =	vpop (erf)  }
0x166: {  	v15 =	vmul.f32 v26, v29;
	v12 =	vadd.f32 v14, v12;
	[tilespmem:v11+s31+$0x0] =	vst.idx.msk $0xffff, v10  }
0x167: {  	v11 =	vld.idx.msk [tilespmem:v13+s14+$0x0], $0xffff  }
0x168: {  	v12 =	vadd.f32 v15, v12;
	_ =	sdelay $0x1  }
0x169: {  	v12 =	vmul.f32 $2.500000000e-01, v12;
	_ =	sdelay $0x1  }
0x16a: {  	v11 =	vmul.f32 v11, v12;
	_ =	sdelay $0x1  }
0x16b: {  	v11 =	vmul.f32 $1.442695020e+00, v11;
	_ =	sdelay $0x1  }
0x16c: {  	(erf) = vpow2.f32 v11;
	_ =	sdelay $0x2  }
0x16d: {  	s1 =	simm.s32 $0x2;
	s10 =	simm.s32 $0x1  }
0x16e: {  	v22 =	vadd.s32 s10, v5;
	v28 =	vadd.s32 s1, v5  }
0x16f: {  	v45 =	vand.u32 $0xF, v28;
	v14 =	vor.u32 $0x3, v44;
	v12 =	vor.u32 $0x40, v7  }
0x170: {  	s16 =	simm.s32 $0x3;
	v20 =	vand.u32 $0xF, v22;
	v15 =	vor.u32 v45, v12  }
0x171: {  	v18 =	vadd.s32 s16, v5;
	v13 =	vor.u32 $0x60, v7;
	v19 =	vor.u32 v20, v12  }
0x172: {  	v24 =	vand.u32 $0xF, v18;
	v23 =	vor.u32 v45, v13  }
0x173: {  	s19 =	simm.s32 $0x0;
	v16 =	vor.u32 $0x50, v7;
	v25 =	vor.u32 v24, v13;
	v11 =	vpop (erf)  }
0x174: {  	v21 =	vadd.s32 s19, v5;
	v17 =	vor.u32 $0x70, v7;
	v7 =	vor.u32 v18, v16;
	[tilespmem:v14+s31+$0x0] =	vst.idx.msk $0xffff, v11  }
0x175: {  	v26 =	vand.u32 $0xF, v21;
	v29 =	vor.u32 v28, v17;
	v30 =	vld.idx.msk [tilespmem:v15+s23+$0x0], $0xffff  }
0x176: {  	v62 =	vor.u32 v26, v12;
	v61 =	vld.idx.msk [tilespmem:v19+s23+$0x0], $0xffff  }
0x177: {  	v63 =	vor.u32 v22, v16;
	v27 =	vld.idx.msk [tilespmem:v23+s23+$0x0], $0xffff  }
0x178: {  	v42 =	vor.u32 v6, v20;
	v19 =	vor.u32 v18, v17;
	v34 =	vld.idx.msk [tilespmem:v25+s23+$0x0], $0xffff  }
0x179: {  	v39 =	vor.u32 v21, v16;
	v31 =	vor.u32 v6, v26;
	v25 =	vor.u32 v22, v17;
	v37 =	vld.idx.msk [tilespmem:v7+s23+$0x0], $0xffff  }
0x17a: {  	v35 =	vor.u32 v21, v17;
	v41 =	vor.u32 v28, v16;
	v49 =	vor.u32 v24, v12;
	v7 =	vld.idx.msk [tilespmem:v29+s23+$0x0], $0xffff  }
0x17b: {  	v47 =	vor.u32 v6, v45;
	v36 =	vor.u32 v20, v13;
	v38 =	vor.u32 v26, v13;
	v43 =	vld.idx.msk [tilespmem:v62+s23+$0x0], $0xffff  }
0x17c: {  	v14 =	vor.u32 $0x10, v6;
	v15 =	vor.u32 $0x20, v6;
	v23 =	vor.u32 $0x30, v6;
	v44 =	vld.idx.msk [tilespmem:v63+s23+$0x0], $0xffff  }
0x17d: {  	v32 =	vor.u32 v28, v23;
	v33 =	vor.u32 v22, v23;
	v20 =	vor.u32 v20, v15;
	v29 =	vld.idx.msk [tilespmem:v19+s23+$0x0], $0xffff  }
0x17e: {  	v19 =	vor.u32 v21, v23;
	v46 =	vmul.f32 v61, v8;
	v40 =	vld.idx.msk [tilespmem:v25+s23+$0x0], $0xffff;
	v25 =	vor.u32 v18, v23  }
0x17f: {  	s1 =	simm.s32 $0x4;
	v48 =	vmul.f32 v30, v8;
	v30 =	vor.u32 v28, v14;
	v28 =	vor.u32 v45, v15;
	v45 =	vld.idx.msk [tilespmem:v49+s23+$0x0], $0xffff  }
.LBB2_9:
0x180: {  	p2 =	slt.u32 s1, $0xC;
	v49 =	vor.u32 v21, v14;
	v50 =	vor.u32 v26, v15;
	v26 =	vor.u32 v22, v14;
	v51 =	vld.idx.msk [tilespmem:v41+s23+$0x0], $0xffff;
	s10 =	smov.u32 s1;
	s1 =	sadd.s32 $0x4, s1  }
0x181: {  	v37 =	vmul.f32 v37, v9;
	v52 =	vld.idx.msk [tilespmem:v36+s23+$0x0], $0xffff;
	[tilespmem:v47+s21+$0x0] =	vst.idx.msk $0xffff, v48;
	v36 =	vor.u32 v6, v24  }
0x182: {  	v34 =	vmul.f32 v34, v10;
	v41 =	vor.u32 v24, v15;
	v38 =	vld.idx.msk [tilespmem:v38+s23+$0x0], $0xffff;
	[tilespmem:v42+s21+$0x0] =	vst.idx.msk $0xffff, v46  }
0x183: {  	v24 =	vmul.f32 v43, v8;
	v43 =	vor.u32 v18, v14;
	v42 =	vmul.f32 v44, v9;
	v39 =	vld.idx.msk [tilespmem:v39+s23+$0x0], $0xffff  }
0x184: {  	v21 =	vadd.s32 s10, v5;
	s11 =	sadd.s32 $0x1, s10;
	s16 =	sadd.s32 $0x2, s10;
	s10 =	sadd.s32 $0x3, s10;
	v48 =	vmovc v32;
	v46 =	vmul.f32 v27, v10;
	v40 =	vmul.f32 v40, v11;
	v44 =	vld.idx.msk [tilespmem:v35+s23+$0x0], $0xffff  }
0x185: {  	v22 =	vadd.s32 s11, v5;
	v53 =	vadd.s32 s16, v5;
	[tilespmem:v31+s21+$0x0] =	vst.idx.msk $0xffff, v24;
	v24 =	vmul.f32 v45, v8;
	v45 =	vmovc v33  }
0x186: {  	v18 =	vadd.s32 s10, v5;
	v54 =	vand.u32 $0xF, v22;
	v55 =	vand.u32 $0xF, v53;
	[tilespmem:v26+s21+$0x0] =	vst.idx.msk $0xffff, v42  }
0x187: {  	v27 =	vor.u32 v54, v12;
	v31 =	vor.u32 v55, v12;
	v26 =	vand.u32 $0xF, v21;
	[tilespmem:v36+s21+$0x0] =	vst.idx.msk $0xffff, v24  }
0x188: {  	v29 =	vmul.f32 v29, v11;
	v32 =	vor.u32 v55, v13;
	v24 =	vand.u32 $0xF, v18;
	[tilespmem:v43+s21+$0x0] =	vst.idx.msk $0xffff, v37  }
0x189: {  	v56 =	vor.u32 v24, v12;
	v33 =	vor.u32 v24, v13;
	v35 =	vmul.f32 v39, v9  }
0x18a: {  	v57 =	vor.u32 v22, v17;
	v37 =	vor.u32 v18, v16;
	v39 =	vmul.f32 v38, v10  }
0x18b: {  	v36 =	vor.u32 v54, v13;
	v43 =	vor.u32 v26, v12;
	[tilespmem:v41+s21+$0x0] =	vst.idx.msk $0xffff, v34  }
0x18c: {  	v47 =	vor.u32 v53, v17;
	v42 =	vmul.f32 v51, v9;
	v41 =	vor.u32 v53, v16;
	v58 =	vld.idx.msk [tilespmem:v31+s23+$0x0], $0xffff  }
0x18d: {  	v59 =	vor.u32 v18, v17;
	v38 =	vor.u32 v26, v13;
	v51 =	vld.idx.msk [tilespmem:v27+s23+$0x0], $0xffff;
	[tilespmem:v49+s21+$0x0] =	vst.idx.msk $0xffff, v35  }
0x18e: {  	v31 =	vor.u32 v6, v26;
	v49 =	vor.u32 v22, v16;
	v27 =	vld.idx.msk [tilespmem:v32+s23+$0x0], $0xffff;
	[tilespmem:v50+s21+$0x0] =	vst.idx.msk $0xffff, v39  }
0x18f: {  	v35 =	vor.u32 v21, v17;
	v39 =	vor.u32 v21, v16;
	v34 =	vld.idx.msk [tilespmem:v33+s23+$0x0], $0xffff;
	[tilespmem:v30+s21+$0x0] =	vst.idx.msk $0xffff, v42  }
0x190: {  	v30 =	vmul.f32 v44, v11;
	v44 =	vmul.f32 v52, v10;
	v37 =	vld.idx.msk [tilespmem:v37+s23+$0x0], $0xffff;
	[tilespmem:v28+s21+$0x0] =	vst.idx.msk $0xffff, v46  }
0x191: {  	v42 =	vor.u32 v6, v54;
	v28 =	vmul.f32 v7, v11;
	v7 =	vld.idx.msk [tilespmem:v47+s23+$0x0], $0xffff;
	[tilespmem:v25+s21+$0x0] =	vst.idx.msk $0xffff, v29  }
.Ltmp7:
0x192: {  	v32 =	vor.u32 v53, v23;
	v29 =	vld.idx.msk [tilespmem:v59+s23+$0x0], $0xffff;
	[tilespmem:v19+s21+$0x0] =	vst.idx.msk $0xffff, v30;
	(pc) =	sbr.rel @p2 .LBB2_9-.Ltmp7, $4  }
0x193: {  	v33 =	vor.u32 v22, v23;
	v47 =	vor.u32 v6, v55;
	v43 =	vld.idx.msk [tilespmem:v43+s23+$0x0], $0xffff;
	[tilespmem:v20+s21+$0x0] =	vst.idx.msk $0xffff, v44  }
0x194: {  	v19 =	vor.u32 v21, v23;
	v46 =	vmul.f32 v51, v8;
	v44 =	vld.idx.msk [tilespmem:v49+s23+$0x0], $0xffff;
	[tilespmem:v45+s21+$0x0] =	vst.idx.msk $0xffff, v40  }
0x195: {  	v25 =	vor.u32 v18, v23;
	v20 =	vor.u32 v54, v15;
	v40 =	vld.idx.msk [tilespmem:v57+s23+$0x0], $0xffff;
	[tilespmem:v48+s21+$0x0] =	vst.idx.msk $0xffff, v28  }
0x196: {  	v30 =	vor.u32 v53, v14;
	v48 =	vmul.f32 v58, v8;
	v28 =	vor.u32 v55, v15;
	v45 =	vld.idx.msk [tilespmem:v56+s23+$0x0], $0xffff  }
0x197: {  	_ =	sdelay $0x3  }
0x198: {  	v12 =	vld.idx.msk [tilespmem:v41+s23+$0x0], $0xffff;
	v13 =	vor.u32 v22, v14  }
0x199: {  	v16 =	vld.idx.msk [tilespmem:v36+s23+$0x0], $0xffff;
	v6 =	vor.u32 v6, v24  }
0x19a: {  	v17 =	vld.idx.msk [tilespmem:v38+s23+$0x0], $0xffff;
	v18 =	vor.u32 v18, v14;
	[tilespmem:v42+s21+$0x0] =	vst.idx.msk $0xffff, v46;
	v23 =	vmul.f32 v43, v8  }
0x19b: {  	v51 =	vld.idx.msk [tilespmem:v39+s23+$0x0], $0xffff;
	[tilespmem:v47+s21+$0x0] =	vst.idx.msk $0xffff, v48;
	v53 =	vmul.f32 v44, v9  }
0x19c: {  	v52 =	vor.u32 v24, v15;
	v35 =	vld.idx.msk [tilespmem:v35+s23+$0x0], $0xffff;
	[tilespmem:v31+s21+$0x0] =	vst.idx.msk $0xffff, v23;
	v55 =	vmul.f32 v45, v8  }
0x19d: {  	v54 =	vor.u32 v21, v14;
	v57 =	vmul.f32 v37, v9;
	[tilespmem:v13+s21+$0x0] =	vst.idx.msk $0xffff, v53  }
0x19e: {  	v56 =	vor.u32 v26, v15;
	v60 =	vmul.f32 v12, v9;
	[tilespmem:v6+s21+$0x0] =	vst.idx.msk $0xffff, v55  }
0x19f: {  	v58 =	vmul.f32 v34, v10;
	[tilespmem:v18+s21+$0x0] =	vst.idx.msk $0xffff, v57  }
0x1a0: {  	v6 =	vmul.f32 v51, v9;
	[tilespmem:v30+s21+$0x0] =	vst.idx.msk $0xffff, v60  }
0x1a1: {  	v59 =	vmul.f32 v17, v10;
	[tilespmem:v52+s21+$0x0] =	vst.idx.msk $0xffff, v58  }
0x1a2: {  	v61 =	vmul.f32 v29, v11;
	[tilespmem:v54+s21+$0x0] =	vst.idx.msk $0xffff, v6  }
0x1a3: {  	s29 =	sadd.s32 $0x1, s29;
	v6 =	vmul.f32 v27, v10;
	[tilespmem:v56+s21+$0x0] =	vst.idx.msk $0xffff, v59  }
0x1a4: {  	p2 =	sne.s32 s29, $0x8;
	v62 =	vmul.f32 v35, v11;
	[tilespmem:v25+s21+$0x0] =	vst.idx.msk $0xffff, v61  }
.Ltmp8:
0x1a5: {  	v7 =	vmul.f32 v7, v11;
	[tilespmem:v28+s21+$0x0] =	vst.idx.msk $0xffff, v6;
	(pc) =	sbr.rel @p2 .LBB2_6-.Ltmp8, $4  }
0x1a6: {  	v6 =	vmul.f32 v16, v10;
	[tilespmem:v19+s21+$0x0] =	vst.idx.msk $0xffff, v62  }
0x1a7: {  	v63 =	vmul.f32 v40, v11;
	[tilespmem:v32+s21+$0x0] =	vst.idx.msk $0xffff, v7  }
0x1a8: {  	[tilespmem:v20+s21+$0x0] =	vst.idx.msk $0xffff, v6  }
0x1a9: {  	[tilespmem:v33+s21+$0x0] =	vst.idx.msk $0xffff, v63  }
0x1aa: {  	v6 =	vld [tilespmem:$0x0]  }
0x1ab: {  	v7 =	vld [tilespmem:$0x10]  }
0x1ac: {  	v8 =	vld [tilespmem:$0x20]  }
0x1ad: {  	v9 =	vld [tilespmem:$0x30]  }
0x1ae: {  	v10 =	vld [tilespmem:$0x40]  }
0x1af: {  	v63 =	vld [tilespmem:$0x70];
	[tilespmem:$0x100] =	vst v6  }
0x1b0: {  	v6 =	vld [tilespmem:$0x50];
	[tilespmem:$0x110] =	vst v7  }
0x1b1: {  	v7 =	vld [tilespmem:$0x60];
	[tilespmem:$0x120] =	vst v8  }
0x1b2: {  	[tilespmem:$0x130] =	vst v9  }
0x1b3: {  	[tilespmem:$0x140] =	vst v10  }
0x1b4: {  	[tilespmem:$0x170] =	vst v63  }
0x1b5: {  	[tilespmem:$0x150] =	vst v6  }
0x1b6: {  	s1 =	rddreg [dreg:$0x2];
	s10 =	simm.s32 $0x100;
	[tilespmem:$0x160] =	vst v7  }
0x1b7: {  	[spmem:s1] =	stream.indirect.scatter.add.f32 [tilespmem:s21], [sflag:$0xB], $0x40, s10, s15, $0xb8;
	[tilespmem:$0x1C3C8] =	vst v63  }
0x1b8: {  	s1 =	sadd.s32 $0x2, s3  }
0x1b9: {  	s29 =	rddreg [dreg:$0x3];
	p2 =	sge.u32 s1, s30  }
0x1ba: {  	[spmem:s29] =	stream.indirect.scatter.add.f32 [tilespmem:s31], [sflag:$0xD], $0x8, s10, s15, $0xb8;
	[tilespmem:$0x1C3C8] =	vst v63  }
0x1bb: {  	s1 =	sshll.u32 @!p2 s1, $0x7  }
0x1bc: {  	s1 =	sadd.s32 @!p2 s12, s1  }
0x1bd: {  	s10 =	sshrl.u32 @!p2 s1, $0x3  }
0x1be: {  	s16 =	simm.s32 @!p2 $0x0;
	s11 =	sadd.s32 @!p2 s7, s10  }
0x1bf: {  	[tilespmem:s16], [sflag:$0x1] =	stream.linear.gather @!p2 [hbm4b:s11+s16], $0x80, $0x38;
	[tilespmem:$0x1C3C8] =	vst v63  }
0x1c0: {  	s10 =	sadd.s32 @!p2 s8, s10;
	s11 =	simm.s32 @!p2 $0x300  }
0x1c1: {  	[tilespmem:s11], [sflag:$0x3] =	stream.linear.gather @!p2 [hbm4b:s10+s16], $0x80, $0x38;
	[tilespmem:$0x1C3C8] =	vst v63  }
0x1c2: {  	s1 =	sadd.s32 @!p2 s9, s1;
	s10 =	simm.s32 @!p2 $0x400  }
0x1c3: {  	[tilespmem:s10], [sflag:$0x5] =	stream.linear.gather @!p2 [hbm4b:s1+s16], $0x400, $0x38;
	[tilespmem:$0x1C3C8] =	vst v63  }
.LBB2_12:
.Ltmp9:
0x1c4: {  	(pc) =	sbr.rel @p1 .LBB2_22-.Ltmp9, $1  }
0x1c5: {  	_ =	sdelay $0x3  }
0x1c6: {  	s1 =	rddreg [dreg:$0x1c]  }
0x1c7: {  	p1 =	sge.u32 s3, s1  }
.Ltmp10:
0x1c8: {  	_ = 	snop;
	(pc) =	sbr.rel @p1 .LBB2_15-.Ltmp10, $1  }
0x1c9: {  	_ =	sdelay $0x3  }
0x1ca: {  	s1 =	simm.s32 $0x1  }
0x1cb: {  	_ =	swait.ge [sflag:s1], $0x80  }
0x1cc: {  	[sflag:s1] =	ssyncset.done $0x0  }
0x1cd: {  	s11 =	simm.s32 $0x3;
	[sflag:s1] =	ssyncadd.s32 $0xFFFFFF80  }
0x1ce: {  	_ =	swait.ge [sflag:s11], $0x80  }
0x1cf: {  	[sflag:s11] =	ssyncset.done $0x0  }
0x1d0: {  	[sflag:s11] =	ssyncadd.s32 $0xFFFFFF80  }
0x1d1: {  	v6 =	vld [tilespmem:$0x0]  }
0x1d2: {  	v7 =	vld [tilespmem:$0x300]  }
0x1d3: {  	v8 =	vld [tilespmem:$0x10]  }
0x1d4: {  	v9 =	vld [tilespmem:$0x310]  }
0x1d5: {  	v10 =	vld [tilespmem:$0x20]  }
0x1d6: {  	v11 =	vld [tilespmem:$0x320];
	v6 =	vadd.s32 v0, v6  }
0x1d7: {  	[tilespmem:$0x200] =	vst v6;
	v6 =	vadd.s32 v0, v7;
	v7 =	vld [tilespmem:$0x30]  }
0x1d8: {  	v56 =	vld [tilespmem:$0x330];
	[tilespmem:$0x300] =	vst v6;
	v6 =	vadd.s32 v0, v8  }
0x1d9: {  	v57 =	vld [tilespmem:$0x40];
	[tilespmem:$0x210] =	vst v6;
	v6 =	vadd.s32 v0, v9  }
0x1da: {  	v58 =	vld [tilespmem:$0x340];
	[tilespmem:$0x310] =	vst v6;
	v6 =	vadd.s32 v0, v10  }
0x1db: {  	v59 =	vld [tilespmem:$0x50];
	[tilespmem:$0x220] =	vst v6;
	v6 =	vadd.s32 v0, v11  }
0x1dc: {  	[tilespmem:$0x320] =	vst v6;
	v6 =	vadd.s32 v0, v7;
	v7 =	vld [tilespmem:$0x350]  }
0x1dd: {  	v60 =	vld [tilespmem:$0x60];
	[tilespmem:$0x230] =	vst v6;
	v6 =	vadd.s32 v0, v56  }
0x1de: {  	v61 =	vld [tilespmem:$0x360];
	[tilespmem:$0x330] =	vst v6;
	v6 =	vadd.s32 v0, v57  }
0x1df: {  	v62 =	vld [tilespmem:$0x70];
	[tilespmem:$0x240] =	vst v6;
	v6 =	vadd.s32 v0, v58  }
0x1e0: {  	v63 =	vld [tilespmem:$0x370];
	[tilespmem:$0x340] =	vst v6;
	v6 =	vadd.s32 v0, v59  }
0x1e1: {  	[tilespmem:$0x250] =	vst v6;
	v6 =	vadd.s32 v0, v7  }
0x1e2: {  	[tilespmem:$0x350] =	vst v6;
	v6 =	vadd.s32 v0, v60  }
0x1e3: {  	[tilespmem:$0x260] =	vst v6;
	v6 =	vadd.s32 v0, v61  }
0x1e4: {  	[tilespmem:$0x360] =	vst v6;
	v6 =	vadd.s32 v0, v62  }
0x1e5: {  	[tilespmem:$0x270] =	vst v6;
	v6 =	vadd.s32 v0, v63  }
0x1e6: {  	s10 =	simm.s32 $0x200;
	s1 =	rddreg [dreg:$0x0];
	[tilespmem:$0x370] =	vst v6  }
0x1e7: {  	[tilespmem:s22], [sflag:$0x7] =	stream.indirect.gather [hbm4b:s1+s20], $0x40, s10, s20, $0xb8;
	[tilespmem:$0x1C3C8] =	vst v63  }
0x1e8: {  	s16 =	simm.s32 $0x300  }
0x1e9: {  	[tilespmem:s23], [sflag:$0x9] =	stream.indirect.gather [hbm4b:s6+s20], $0x80, s16, s20, $0xb8;
	[tilespmem:$0x1C3C8] =	vst v63  }
0x1ea: {  	s19 =	simm.s32 $0x240;
	s11 =	simm.s32 $0x1C00  }
0x1eb: {  	[tilespmem:s11], [sflag:$0x7] =	stream.indirect.gather [hbm4b:s1+s20], $0x40, s19, s20, $0xb8;
	[tilespmem:$0x1C3C8] =	vst v63  }
0x1ec: {  	s24 =	simm.s32 $0x340;
	s29 =	simm.s32 $0x6C00  }
0x1ed: {  	[tilespmem:s29], [sflag:$0x9] =	stream.indirect.gather [hbm4b:s6+s20], $0x80, s24, s20, $0xb8;
	[tilespmem:$0x1C3C8] =	vst v63  }
.LBB2_15:
0x1ee: {  	_ =	swait.ge [sflag:s25], $0x2000  }
0x1ef: {  	[sflag:s25] =	ssyncset.done $0x0  }
0x1f0: {  	[sflag:s25] =	ssyncadd.s32 $0xFFFFE000  }
0x1f1: {  	_ =	swait.ge [sflag:s26], $0x4000  }
0x1f2: {  	[sflag:s26] =	ssyncset.done $0x0  }
0x1f3: {  	[sflag:s26] =	ssyncadd.s32 $0xFFFFC000  }
0x1f4: {  	_ =	swait.ge [sflag:s28], $0x400  }
0x1f5: {  	p1 =	seq.s32 s2, $0x0;
	[sflag:s28] =	ssyncset.done $0x0  }
0x1f6: {  	s1 =	simm.s32 @!p1 $0xC;
	[sflag:s28] =	ssyncadd.s32 $0xFFFFFC00  }
0x1f7: {  	_ =	swait.ge @!p1 [sflag:s1], $0x2000  }
0x1f8: {  	[sflag:s1] =	ssyncset.done @!p1 $0x0  }
0x1f9: {  	[sflag:s1] =	ssyncadd.s32 @!p1 $0xFFFFE000;
	s1 =	simm.s32 @!p1 $0xE  }
0x1fa: {  	_ =	swait.ge @!p1 [sflag:s1], $0x400  }
0x1fb: {  	[sflag:s1] =	ssyncset.done @!p1 $0x0  }
0x1fc: {  	s24 =	simm.s32 $0x0;
	s29 =	simm.s32 $0x0;
	[sflag:s1] =	ssyncadd.s32 @!p1 $0xFFFFFC00  }
.LBB2_16:
0x1fd: {  	s1 =	sshll.u32 s29, $0x4;
	s16 =	simm.s32 $0x1  }
0x1fe: {  	s19 =	simm.s32 $0x2;
	v18 =	vadd.s32 s24, v5;
	v8 =	vor.u32 s1, v5;
	v9 =	vadd.s32 s16, v5  }
0x1ff: {  	v15 =	vadd.s32 s19, v5;
	v6 =	vshll.u32 v8, $0x6;
	v10 =	vand.u32 $0x7, v9  }
0x200: {  	v7 =	vshll.u32 v8, $0x7;
	v9 =	vand.u32 $0x8, v9;
	v11 =	vor.u32 v6, v10  }
0x201: {  	v20 =	vand.u32 $0x7, v18;
	v10 =	vor.u32 v7, v10;
	v13 =	vor.u32 v9, v11  }
0x202: {  	v17 =	vand.u32 $0x7, v15;
	v12 =	vor.u32 $0x20, v9;
	v14 =	vor.u32 v9, v10  }
0x203: {  	v15 =	vand.u32 $0x8, v15;
	v19 =	vor.u32 v6, v17;
	v16 =	vor.u32 v12, v10  }
0x204: {  	v22 =	vand.u32 $0x8, v18;
	v23 =	vor.u32 v6, v20;
	v21 =	vor.u32 v15, v19  }
0x205: {  	v20 =	vor.u32 v7, v20;
	v18 =	vor.u32 v22, v23  }
0x206: {  	v24 =	vor.u32 $0x10, v9;
	v25 =	vor.u32 v22, v20;
	v13 =	vld.idx.msk [tilespmem:v13+s0+$0x0], $0xffff  }
0x207: {  	v29 =	vor.u32 $0x20, v22;
	v27 =	vor.u32 v24, v10;
	v26 =	vld.idx.msk [tilespmem:v14+s4+$0x0], $0xffff  }
0x208: {  	v32 =	vor.u32 $0x30, v22;
	v31 =	vor.u32 v29, v23;
	v16 =	vld.idx.msk [tilespmem:v16+s4+$0x0], $0xffff  }
0x209: {  	v34 =	vor.u32 v32, v20;
	v14 =	vld.idx.msk [tilespmem:v21+s0+$0x0], $0xffff  }
0x20a: {  	s10 =	simm.s32 $0x3;
	v37 =	vor.u32 $0x20, v15;
	v32 =	vor.u32 v32, v23;
	v30 =	vld.idx.msk [tilespmem:v18+s0+$0x0], $0xffff  }
0x20b: {  	v33 =	vadd.s32 s10, v5;
	v17 =	vor.u32 v7, v17;
	v40 =	vor.u32 v37, v19;
	v25 =	vld.idx.msk [tilespmem:v25+s4+$0x0], $0xffff  }
0x20c: {  	v35 =	vand.u32 $0x8, v33;
	v9 =	vor.u32 $0x30, v9;
	v58 =	vor.u32 v37, v17;
	v27 =	vld.idx.msk [tilespmem:v27+s4+$0x0], $0xffff  }
0x20d: {  	v33 =	vand.u32 $0x7, v33;
	v10 =	vor.u32 v9, v10;
	v9 =	vor.u32 v9, v11;
	v31 =	vld.idx.msk [tilespmem:v31+s0+$0x0], $0xffff  }
0x20e: {  	v22 =	vor.u32 $0x10, v22;
	v12 =	vor.u32 v12, v11;
	v11 =	vor.u32 v24, v11;
	v24 =	vld.idx.msk [tilespmem:v34+s4+$0x0], $0xffff  }
0x20f: {  	s16 =	simm.s32 $0x6;
	v23 =	vor.u32 v22, v23;
	v22 =	vor.u32 v22, v20;
	v20 =	vor.u32 v29, v20;
	v29 =	vld.idx.msk [tilespmem:v32+s0+$0x0], $0xffff  }
0x210: {  	v52 =	vadd.s32 s16, v5;
	v28 =	vor.u32 $0x10, v15;
	v36 =	vor.u32 $0x20, v35;
	v63 =	vld.idx.msk [tilespmem:v40+s0+$0x0], $0xffff  }
0x211: {  	v38 =	vor.u32 $0x30, v35;
	v39 =	vor.u32 $0x10, v35;
	v41 =	vor.u32 v7, v33;
	v32 =	vld.idx.msk [tilespmem:v58+s4+$0x0], $0xffff  }
0x212: {  	s10 =	simm.s32 $0x7;
	v53 =	vand.u32 $0x8, v52;
	v21 =	vor.u32 v28, v19;
	v28 =	vor.u32 v28, v17;
	v59 =	vld.idx.msk [tilespmem:v9+s0+$0x0], $0xffff  }
0x213: {  	v18 =	vimm.f32 $0.0e+00;
	v9 =	vor.u32 v6, v33;
	v42 =	vld.idx.msk [tilespmem:v11+s0+$0x0], $0xffff;
	v11 =	vadd.s32 s10, v5  }
0x214: {  	v10 =	vld.idx.msk [tilespmem:v10+s4+$0x0], $0xffff;
	v60 =	vor.u32 v39, v9;
	v61 =	vor.u32 v36, v9;
	v36 =	vor.u32 v36, v41  }
0x215: {  	v20 =	vld.idx.msk [tilespmem:v20+s4+$0x0], $0xffff;
	v43 =	vand.u32 $0x7, v11;
	v13 =	vmul.f32 v26, v13;
	v26 =	vor.u32 $0x30, v15  }
0x216: {  	v15 =	vor.u32 v15, v17;
	v25 =	vmul.f32 v25, v30;
	v30 =	vld.idx.msk [tilespmem:v12+s0+$0x0], $0xffff;
	v12 =	vor.u32 v38, v41  }
0x217: {  	v21 =	vld.idx.msk [tilespmem:v21+s0+$0x0], $0xffff;
	v38 =	vor.u32 v38, v9;
	v24 =	vmul.f32 v24, v29;
	v32 =	vmul.f32 v32, v63  }
0x218: {  	s11 =	simm.s32 $0x5;
	v28 =	vld.idx.msk [tilespmem:v28+s4+$0x0], $0xffff;
	v19 =	vor.u32 v26, v19;
	v17 =	vor.u32 v26, v17;
	v26 =	vor.u32 v35, v41  }
0x219: {  	v51 =	vld.idx.msk [tilespmem:v22+s4+$0x0], $0xffff;
	v35 =	vor.u32 v35, v9;
	v9 =	vadd.s32 s11, v5;
	v27 =	vmul.f32 v27, v42  }
0x21a: {  	v23 =	vld.idx.msk [tilespmem:v23+s0+$0x0], $0xffff;
	v20 =	vmul.f32 v20, v31;
	v34 =	vmul.f32 v10, v59;
	v25 =	vadd.f32 v25, v18  }
0x21b: {  	v62 =	vand.u32 $0x7, v9;
	v44 =	vand.u32 $0x8, v9;
	v33 =	vld.idx.msk [tilespmem:v60+s0+$0x0], $0xffff;
	v24 =	vadd.f32 v24, v18  }
0x21c: {  	v47 =	vor.u32 v6, v62;
	v48 =	vor.u32 $0x20, v44;
	v50 =	vor.u32 $0x10, v44;
	v46 =	vld.idx.msk [tilespmem:v12+s4+$0x0], $0xffff  }
0x21d: {  	v20 =	vadd.f32 v20, v18;
	v21 =	vmul.f32 v28, v21;
	v28 =	vor.u32 v39, v41;
	v38 =	vld.idx.msk [tilespmem:v38+s0+$0x0], $0xffff  }
0x21e: {  	v58 =	vadd.f32 v13, v25;
	v39 =	vor.u32 v7, v62;
	v29 =	vld.idx.msk [tilespmem:v17+s4+$0x0], $0xffff;
	v17 =	vor.u32 v44, v47  }
0x21f: {  	v30 =	vmul.f32 v16, v30;
	v16 =	vand.u32 $0x7, v52;
	v19 =	vld.idx.msk [tilespmem:v19+s0+$0x0], $0xffff;
	v49 =	vor.u32 v44, v39  }
0x220: {  	v24 =	vadd.f32 v34, v24;
	v22 =	vor.u32 v48, v39;
	v42 =	vld.idx.msk [tilespmem:v26+s4+$0x0], $0xffff;
	v52 =	vor.u32 v6, v16  }
0x221: {  	s19 =	simm.s32 $0x4;
	v41 =	vand.u32 $0x8, v11;
	v12 =	vor.u32 v7, v43;
	v26 =	vld.idx.msk [tilespmem:v15+s4+$0x0], $0xffff;
	v55 =	vor.u32 v53, v52  }
0x222: {  	v9 =	vor.u32 $0x20, v41;
	v45 =	vor.u32 $0x30, v41;
	v15 =	vadd.s32 s19, v5;
	v28 =	vld.idx.msk [tilespmem:v28+s4+$0x0], $0xffff  }
0x223: {  	v54 =	vor.u32 v7, v16;
	v31 =	vand.u32 $0x8, v15;
	v15 =	vand.u32 $0x7, v15;
	v16 =	vld.idx.msk [tilespmem:v17+s0+$0x0], $0xffff  }
0x224: {  	v44 =	vor.u32 $0x30, v44;
	v56 =	vor.u32 v6, v15;
	v57 =	vor.u32 v7, v15;
	v49 =	vld.idx.msk [tilespmem:v49+s4+$0x0], $0xffff  }
0x225: {  	v59 =	vor.u32 $0x20, v31;
	v13 =	vor.u32 $0x10, v31;
	v25 =	vor.u32 v31, v56;
	v10 =	vld.idx.msk [tilespmem:v22+s4+$0x0], $0xffff  }
0x226: {  	v37 =	vor.u32 v31, v57;
	v15 =	vor.u32 v13, v56;
	v17 =	vor.u32 v13, v57;
	v13 =	vld.idx.msk [tilespmem:v55+s0+$0x0], $0xffff  }
0x227: {  	v30 =	vadd.f32 v30, v20;
	v20 =	vmul.f32 v51, v23;
	v62 =	vor.u32 v59, v56;
	v55 =	vld.idx.msk [tilespmem:v35+s0+$0x0], $0xffff  }
0x228: {  	v46 =	vmul.f32 v46, v38;
	v38 =	vor.u32 v50, v39;
	v35 =	vor.u32 v44, v39;
	v39 =	vld.idx.msk [tilespmem:v61+s0+$0x0], $0xffff  }
0x229: {  	v11 =	vor.u32 $0x10, v41;
	v29 =	vmul.f32 v29, v19;
	v19 =	vor.u32 $0x10, v53;
	v61 =	vld.idx.msk [tilespmem:v36+s4+$0x0], $0xffff  }
0x22a: {  	v23 =	vor.u32 $0x20, v53;
	v18 =	vadd.f32 v20, v18;
	v63 =	vor.u32 v19, v52;
	v25 =	vld.idx.msk [tilespmem:v25+s0+$0x0], $0xffff  }
0x22b: {  	v32 =	vadd.f32 v32, v30;
	v60 =	vor.u32 v19, v54;
	v19 =	vor.u32 $0x30, v31;
	v31 =	vld.idx.msk [tilespmem:v37+s4+$0x0], $0xffff  }
0x22c: {  	v50 =	vor.u32 v50, v47;
	v44 =	vor.u32 v44, v47;
	v47 =	vor.u32 v48, v47;
	v20 =	vld.idx.msk [tilespmem:v62+s0+$0x0], $0xffff  }
0x22d: {  	v22 =	vor.u32 v59, v57;
	v56 =	vor.u32 v19, v56;
	v57 =	vor.u32 v19, v57;
	v19 =	vld.idx.msk [tilespmem:v38+s4+$0x0], $0xffff  }
0x22e: {  	v59 =	vmul.f32 v26, v14;
	v26 =	vor.u32 v53, v54;
	v18 =	vadd.f32 v27, v18;
	v14 =	vld.idx.msk [tilespmem:v35+s4+$0x0], $0xffff  }
0x22f: {  	v51 =	vadd.f32 v29, v24;
	v24 =	vor.u32 v23, v52;
	v37 =	vmul.f32 v28, v33;
	v48 =	vld.idx.msk [tilespmem:v63+s0+$0x0], $0xffff  }
0x230: {  	v38 =	vor.u32 v41, v12;
	v16 =	vmul.f32 v49, v16;
	v49 =	vld.idx.msk [tilespmem:v60+s4+$0x0], $0xffff;
	v35 =	vor.u32 v23, v54  }
0x231: {  	v23 =	vor.u32 $0x30, v53;
	v53 =	vor.u32 v6, v43;
	v60 =	vmul.f32 v61, v39;
	v34 =	vld.idx.msk [tilespmem:v47+s0+$0x0], $0xffff  }
0x232: {  	v27 =	vmul.f32 v42, v55;
	v63 =	vadd.f32 v59, v58;
	v42 =	vor.u32 v45, v12;
	v28 =	vld.idx.msk [tilespmem:v57+s4+$0x0], $0xffff  }
0x233: {  	v40 =	vor.u32 v23, v52;
	v36 =	vor.u32 v23, v54;
	v30 =	vld.idx.msk [tilespmem:v56+s0+$0x0], $0xffff;
	v29 =	vor.u32 v11, v53  }
0x234: {  	v23 =	vld.idx.msk [tilespmem:v44+s0+$0x0], $0xffff;
	v33 =	vor.u32 v41, v53;
	v39 =	vor.u32 v45, v53;
	v43 =	vmul.f32 v31, v25  }
0x235: {  	v25 =	vld.idx.msk [tilespmem:v24+s0+$0x0], $0xffff;
	v24 =	vor.u32 v9, v53;
	v31 =	vadd.f32 v21, v18;
	v21 =	vadd.f32 v60, v32  }
0x236: {  	s19 =	simm.s32 $0x8;
	v41 =	vld.idx.msk [tilespmem:v50+s0+$0x0], $0xffff;
	v32 =	vadd.f32 v27, v63;
	v27 =	vadd.f32 v46, v51;
	v18 =	vmul.f32 v49, v48  }
.LBB2_17:
0x237: {  	s10 =	sadd.s32 $0x1, s19  }
0x238: {  	s11 =	sadd.s32 $0x3, s19;
	v22 =	vld.idx.msk [tilespmem:v22+s4+$0x0], $0xffff;
	v44 =	vor.u32 v11, v12;
	v45 =	vor.u32 v9, v12;
	v46 =	vadd.f32 v37, v31;
	s16 =	smov.u32 s19;
	s1 =	sadd.s32 $0x4, s19  }
0x239: {  	p1 =	slt.u32 s19, $0xC;
	v9 =	vadd.s32 s10, v5;
	v11 =	vadd.s32 s11, v5;
	v37 =	vadd.f32 v43, v32;
	v40 =	vld.idx.msk [tilespmem:v40+s0+$0x0], $0xffff  }
0x23a: {  	v12 =	vand.u32 $0x7, v9;
	v32 =	vand.u32 $0x8, v11;
	v43 =	vand.u32 $0x7, v11;
	v35 =	vld.idx.msk [tilespmem:v35+s4+$0x0], $0xffff  }
0x23b: {  	v47 =	vand.u32 $0x8, v9;
	v9 =	vor.u32 $0x20, v32;
	v31 =	vor.u32 $0x30, v32;
	v42 =	vld.idx.msk [tilespmem:v42+s4+$0x0], $0xffff  }
0x23c: {  	v28 =	vmul.f32 v28, v30;
	v48 =	vor.u32 v6, v12;
	v49 =	vor.u32 $0x20, v47;
	v30 =	vld.idx.msk [tilespmem:v36+s4+$0x0], $0xffff  }
0x23d: {  	v50 =	vor.u32 v7, v12;
	v11 =	vor.u32 $0x10, v32;
	v36 =	vor.u32 v47, v48;
	v39 =	vld.idx.msk [tilespmem:v39+s0+$0x0], $0xffff  }
0x23e: {  	s10 =	sadd.s32 $0x2, s16;
	v52 =	vor.u32 $0x10, v47;
	v12 =	vor.u32 v7, v43;
	v51 =	vor.u32 v47, v50;
	v53 =	vld.idx.msk [tilespmem:v17+s4+$0x0], $0xffff  }
0x23f: {  	v54 =	vadd.s32 s10, v5;
	v34 =	vmul.f32 v10, v34;
	v17 =	vor.u32 v49, v50;
	v55 =	vld.idx.msk [tilespmem:v15+s0+$0x0], $0xffff  }
0x240: {  	v56 =	vand.u32 $0x8, v54;
	v10 =	vand.u32 $0x7, v54;
	v41 =	vmul.f32 v19, v41;
	v54 =	vld.idx.msk [tilespmem:v38+s4+$0x0], $0xffff  }
0x241: {  	v57 =	vor.u32 v7, v10;
	v38 =	vor.u32 $0x30, v47;
	v47 =	vor.u32 v6, v10;
	v19 =	vld.idx.msk [tilespmem:v26+s4+$0x0], $0xffff  }
0x242: {  	v20 =	vmul.f32 v22, v20;
	v10 =	vadd.s32 s16, v5;
	v26 =	vld.idx.msk [tilespmem:v36+s0+$0x0], $0xffff;
	v36 =	vor.u32 v56, v47  }
0x243: {  	v14 =	vmul.f32 v14, v23;
	v58 =	vand.u32 $0x8, v10;
	v10 =	vand.u32 $0x7, v10;
	v51 =	vld.idx.msk [tilespmem:v51+s4+$0x0], $0xffff  }
0x244: {  	v60 =	vadd.f32 v16, v37;
	v23 =	vor.u32 v6, v10;
	v59 =	vor.u32 v7, v10;
	v10 =	vld.idx.msk [tilespmem:v17+s4+$0x0], $0xffff  }
0x245: {  	v25 =	vmul.f32 v35, v25;
	v61 =	vor.u32 $0x20, v58;
	v37 =	vor.u32 v58, v23;
	v29 =	vld.idx.msk [tilespmem:v29+s0+$0x0], $0xffff  }
0x246: {  	v27 =	vadd.f32 v28, v27;
	v16 =	vor.u32 $0x10, v58;
	v35 =	vor.u32 v58, v59;
	v28 =	vld.idx.msk [tilespmem:v44+s4+$0x0], $0xffff  }
0x247: {  	v15 =	vor.u32 v16, v23;
	v17 =	vor.u32 v16, v59;
	v44 =	vmul.f32 v42, v39;
	v36 =	vld.idx.msk [tilespmem:v36+s0+$0x0], $0xffff  }
0x248: {  	v30 =	vmul.f32 v30, v40;
	v22 =	vor.u32 v61, v59;
	v39 =	vor.u32 v52, v50;
	v42 =	vld.idx.msk [tilespmem:v33+s0+$0x0], $0xffff  }
0x249: {  	v16 =	vmul.f32 v51, v26;
	v33 =	vor.u32 v38, v50;
	v26 =	vor.u32 $0x10, v56;
	v24 =	vld.idx.msk [tilespmem:v24+s0+$0x0], $0xffff  }
0x24a: {  	v27 =	vadd.f32 v14, v27;
	v40 =	vor.u32 v26, v47;
	v50 =	vor.u32 v26, v57;
	v45 =	vld.idx.msk [tilespmem:v45+s4+$0x0], $0xffff  }
0x24b: {  	v20 =	vadd.f32 v20, v21;
	v14 =	vor.u32 $0x30, v58;
	v61 =	vor.u32 v61, v23;
	v51 =	vld.idx.msk [tilespmem:v37+s0+$0x0], $0xffff  }
0x24c: {  	v23 =	vor.u32 v14, v23;
	v58 =	vor.u32 v14, v59;
	v59 =	vmul.f32 v19, v13;
	v21 =	vld.idx.msk [tilespmem:v35+s4+$0x0], $0xffff  }
0x24d: {  	v34 =	vadd.f32 v34, v20;
	v52 =	vor.u32 v52, v48;
	v26 =	vor.u32 v56, v57;
	v19 =	vld.idx.msk [tilespmem:v39+s4+$0x0], $0xffff  }
0x24e: {  	v27 =	vadd.f32 v30, v27;
	v20 =	vmul.f32 v53, v55;
	v39 =	vor.u32 v38, v48;
	v14 =	vld.idx.msk [tilespmem:v33+s4+$0x0], $0xffff  }
0x24f: {  	v30 =	vor.u32 $0x20, v56;
	v37 =	vmul.f32 v28, v29;
	v13 =	vmovc v36;
	v48 =	vor.u32 v49, v48;
	v49 =	vld.idx.msk [tilespmem:v40+s0+$0x0], $0xffff  }
0x250: {  	v53 =	vor.u32 v30, v47;
	v35 =	vor.u32 v30, v57;
	v33 =	vadd.f32 v20, v46;
	v50 =	vld.idx.msk [tilespmem:v50+s4+$0x0], $0xffff  }
0x251: {  	v29 =	vor.u32 $0x30, v56;
	v46 =	vor.u32 v6, v43;
	v45 =	vmul.f32 v45, v24;
	v20 =	vld.idx.msk [tilespmem:v61+s0+$0x0], $0xffff  }
0x252: {  	v36 =	vor.u32 v29, v57;
	v40 =	vor.u32 v29, v47;
	v47 =	vadd.f32 v25, v34;
	v28 =	vld.idx.msk [tilespmem:v58+s4+$0x0], $0xffff  }
.Ltmp11:
0x253: {  	v38 =	vor.u32 v32, v12;
	v29 =	vor.u32 v11, v46;
	v41 =	vadd.f32 v41, v33;
	v30 =	vld.idx.msk [tilespmem:v23+s0+$0x0], $0xffff;
	(pc) =	sbr.rel @p1 .LBB2_17-.Ltmp11, $4  }
0x254: {  	v33 =	vor.u32 v32, v46;
	v32 =	vmul.f32 v54, v42;
	v43 =	vmul.f32 v21, v51;
	v23 =	vld.idx.msk [tilespmem:v39+s0+$0x0], $0xffff  }
0x255: {  	v24 =	vor.u32 v9, v46;
	v39 =	vor.u32 v31, v46;
	v46 =	vadd.f32 v59, v60;
	v25 =	vld.idx.msk [tilespmem:v53+s0+$0x0], $0xffff  }
0x256: {  	v42 =	vor.u32 v31, v12;
	v21 =	vadd.f32 v45, v47;
	v31 =	vadd.f32 v18, v41;
	v34 =	vld.idx.msk [tilespmem:v48+s0+$0x0], $0xffff  }
0x257: {  	s19 =	smov.u32 s1;
	v27 =	vadd.f32 v44, v27;
	v18 =	vmul.f32 v50, v49;
	v32 =	vadd.f32 v32, v46;
	v41 =	vld.idx.msk [tilespmem:v52+s0+$0x0], $0xffff  }
0x258: {  	_ =	sdelay $0x3  }
0x259: {  	v26 =	vld.idx.msk [tilespmem:v26+s4+$0x0], $0xffff  }
0x25a: {  	v38 =	vld.idx.msk [tilespmem:v38+s4+$0x0], $0xffff  }
0x25b: {  	v33 =	vld.idx.msk [tilespmem:v33+s0+$0x0], $0xffff;
	v44 =	vshll.u32 v8, $0x3  }
0x25c: {  	v8 =	vadd.f32 v43, v32;
	v60 =	vor.u32 v1, v44;
	_ =	sdelay $0x1  }
0x25d: {  	v8 =	vadd.f32 v16, v8;
	v13 =	vmul.f32 v26, v13;
	_ =	sdelay $0x1  }
0x25e: {  	v16 =	vmul.f32 v38, v33;
	v8 =	vadd.f32 v13, v8  }
0x25f: {  	v13 =	vld.idx.msk [tilespmem:v60+s17+$0x0], $0xffff  }
0x260: {  	v8 =	vadd.f32 v16, v8;
	_ =	sdelay $0x1  }
0x261: {  	v8 =	vmul.f32 $2.500000000e-01, v8;
	_ =	sdelay $0x1  }
0x262: {  	v8 =	vmul.f32 v13, v8;
	_ =	sdelay $0x1  }
0x263: {  	v15 =	vld.idx.msk [tilespmem:v15+s0+$0x0], $0xffff;
	v11 =	vor.u32 v11, v12;
	v8 =	vmul.f32 $1.442695020e+00, v8  }
0x264: {  	v13 =	vld.idx.msk [tilespmem:v17+s4+$0x0], $0xffff  }
0x265: {  	(erf) = vpow2.f32 v8  }
0x266: {  	v24 =	vld.idx.msk [tilespmem:v24+s0+$0x0], $0xffff  }
0x267: {  	v26 =	vld.idx.msk [tilespmem:v42+s4+$0x0], $0xffff  }
0x268: {  	v11 =	vld.idx.msk [tilespmem:v11+s4+$0x0], $0xffff  }
0x269: {  	v16 =	vld.idx.msk [tilespmem:v22+s4+$0x0], $0xffff;
	v8 =	vor.u32 v9, v12;
	v9 =	vadd.f32 v37, v31;
	v13 =	vmul.f32 v13, v15  }
0x26a: {  	v12 =	vld.idx.msk [tilespmem:v29+s0+$0x0], $0xffff  }
0x26b: {  	v19 =	vmul.f32 v19, v41;
	v22 =	vld.idx.msk [tilespmem:v35+s4+$0x0], $0xffff;
	v9 =	vadd.f32 v13, v9;
	v13 =	vor.u32 v2, v44  }
0x26c: {  	v17 =	vld.idx.msk [tilespmem:v40+s0+$0x0], $0xffff  }
0x26d: {  	v29 =	vld.idx.msk [tilespmem:v39+s0+$0x0], $0xffff;
	v9 =	vadd.f32 v19, v9  }
0x26e: {  	v19 =	vld.idx.msk [tilespmem:v8+s4+$0x0], $0xffff;
	v8 =	vpop (erf)  }
0x26f: {  	v15 =	vld.idx.msk [tilespmem:v36+s4+$0x0], $0xffff;
	v11 =	vmul.f32 v11, v12;
	v9 =	vadd.f32 v18, v9;
	[tilespmem:v44+s5+$0x0] =	vst.idx.msk $0xffff, v8  }
0x270: {  	v12 =	vld.idx.msk [tilespmem:v13+s17+$0x0], $0xffff  }
0x271: {  	v9 =	vadd.f32 v11, v9;
	_ =	sdelay $0x1  }
0x272: {  	v9 =	vmul.f32 $2.500000000e-01, v9;
	_ =	sdelay $0x1  }
0x273: {  	v9 =	vmul.f32 v12, v9;
	_ =	sdelay $0x1  }
0x274: {  	v9 =	vmul.f32 $1.442695020e+00, v9;
	_ =	sdelay $0x1  }
0x275: {  	(erf) = vpow2.f32 v9;
	_ =	sdelay $0x2  }
0x276: {  	v9 =	vmul.f32 v16, v20;
	_ =	sdelay $0x1  }
0x277: {  	v11 =	vor.u32 $0x1, v44;
	v9 =	vadd.f32 v9, v21  }
0x278: {  	v10 =	vmul.f32 v10, v34;
	v12 =	vor.u32 v3, v44;
	_ =	sdelay $0x1  }
0x279: {  	v13 =	vmul.f32 v22, v25;
	v10 =	vadd.f32 v10, v9  }
0x27a: {  	v9 =	vpop (erf)  }
0x27b: {  	v16 =	vmul.f32 v19, v24;
	v10 =	vadd.f32 v13, v10;
	[tilespmem:v11+s5+$0x0] =	vst.idx.msk $0xffff, v9  }
0x27c: {  	v11 =	vld.idx.msk [tilespmem:v12+s17+$0x0], $0xffff  }
0x27d: {  	v10 =	vadd.f32 v16, v10;
	_ =	sdelay $0x1  }
0x27e: {  	v10 =	vmul.f32 $2.500000000e-01, v10;
	_ =	sdelay $0x1  }
0x27f: {  	v10 =	vmul.f32 v11, v10;
	_ =	sdelay $0x1  }
0x280: {  	v10 =	vmul.f32 $1.442695020e+00, v10;
	_ =	sdelay $0x1  }
0x281: {  	(erf) = vpow2.f32 v10;
	_ =	sdelay $0x2  }
0x282: {  	v10 =	vmul.f32 v28, v30;
	_ =	sdelay $0x1  }
0x283: {  	v11 =	vor.u32 $0x2, v44;
	v10 =	vadd.f32 v10, v27  }
0x284: {  	v13 =	vor.u32 v4, v44;
	v12 =	vmul.f32 v14, v23;
	_ =	sdelay $0x1  }
0x285: {  	v14 =	vmul.f32 v15, v17;
	v12 =	vadd.f32 v12, v10  }
0x286: {  	v10 =	vpop (erf)  }
0x287: {  	v15 =	vmul.f32 v26, v29;
	v12 =	vadd.f32 v14, v12;
	[tilespmem:v11+s5+$0x0] =	vst.idx.msk $0xffff, v10  }
0x288: {  	v11 =	vld.idx.msk [tilespmem:v13+s17+$0x0], $0xffff  }
0x289: {  	v12 =	vadd.f32 v15, v12;
	_ =	sdelay $0x1  }
0x28a: {  	v12 =	vmul.f32 $2.500000000e-01, v12;
	_ =	sdelay $0x1  }
0x28b: {  	v11 =	vmul.f32 v11, v12;
	_ =	sdelay $0x1  }
0x28c: {  	v11 =	vmul.f32 $1.442695020e+00, v11;
	_ =	sdelay $0x1  }
0x28d: {  	(erf) = vpow2.f32 v11;
	_ =	sdelay $0x2  }
0x28e: {  	s1 =	simm.s32 $0x2;
	s10 =	simm.s32 $0x1  }
0x28f: {  	v22 =	vadd.s32 s10, v5;
	v28 =	vadd.s32 s1, v5  }
0x290: {  	v45 =	vand.u32 $0xF, v28;
	v14 =	vor.u32 $0x3, v44;
	v12 =	vor.u32 $0x40, v7  }
0x291: {  	s16 =	simm.s32 $0x3;
	v20 =	vand.u32 $0xF, v22;
	v15 =	vor.u32 v45, v12  }
0x292: {  	v18 =	vadd.s32 s16, v5;
	v13 =	vor.u32 $0x60, v7;
	v19 =	vor.u32 v20, v12  }
0x293: {  	v24 =	vand.u32 $0xF, v18;
	v23 =	vor.u32 v45, v13  }
0x294: {  	s19 =	simm.s32 $0x0;
	v16 =	vor.u32 $0x50, v7;
	v25 =	vor.u32 v24, v13;
	v11 =	vpop (erf)  }
0x295: {  	v21 =	vadd.s32 s19, v5;
	v17 =	vor.u32 $0x70, v7;
	v7 =	vor.u32 v18, v16;
	[tilespmem:v14+s5+$0x0] =	vst.idx.msk $0xffff, v11  }
0x296: {  	v26 =	vand.u32 $0xF, v21;
	v29 =	vor.u32 v28, v17;
	v30 =	vld.idx.msk [tilespmem:v15+s4+$0x0], $0xffff  }
0x297: {  	v62 =	vor.u32 v26, v12;
	v61 =	vld.idx.msk [tilespmem:v19+s4+$0x0], $0xffff  }
0x298: {  	v63 =	vor.u32 v22, v16;
	v27 =	vld.idx.msk [tilespmem:v23+s4+$0x0], $0xffff  }
0x299: {  	v42 =	vor.u32 v6, v20;
	v19 =	vor.u32 v18, v17;
	v34 =	vld.idx.msk [tilespmem:v25+s4+$0x0], $0xffff  }
0x29a: {  	v39 =	vor.u32 v21, v16;
	v31 =	vor.u32 v6, v26;
	v25 =	vor.u32 v22, v17;
	v37 =	vld.idx.msk [tilespmem:v7+s4+$0x0], $0xffff  }
0x29b: {  	v35 =	vor.u32 v21, v17;
	v41 =	vor.u32 v28, v16;
	v49 =	vor.u32 v24, v12;
	v7 =	vld.idx.msk [tilespmem:v29+s4+$0x0], $0xffff  }
0x29c: {  	v47 =	vor.u32 v6, v45;
	v36 =	vor.u32 v20, v13;
	v38 =	vor.u32 v26, v13;
	v43 =	vld.idx.msk [tilespmem:v62+s4+$0x0], $0xffff  }
0x29d: {  	v14 =	vor.u32 $0x10, v6;
	v15 =	vor.u32 $0x20, v6;
	v23 =	vor.u32 $0x30, v6;
	v44 =	vld.idx.msk [tilespmem:v63+s4+$0x0], $0xffff  }
0x29e: {  	v32 =	vor.u32 v28, v23;
	v33 =	vor.u32 v22, v23;
	v20 =	vor.u32 v20, v15;
	v29 =	vld.idx.msk [tilespmem:v19+s4+$0x0], $0xffff  }
0x29f: {  	v19 =	vor.u32 v21, v23;
	v46 =	vmul.f32 v61, v8;
	v40 =	vld.idx.msk [tilespmem:v25+s4+$0x0], $0xffff;
	v25 =	vor.u32 v18, v23  }
0x2a0: {  	s1 =	simm.s32 $0x4;
	v48 =	vmul.f32 v30, v8;
	v30 =	vor.u32 v28, v14;
	v28 =	vor.u32 v45, v15;
	v45 =	vld.idx.msk [tilespmem:v49+s4+$0x0], $0xffff  }
.LBB2_19:
0x2a1: {  	p1 =	slt.u32 s1, $0xC;
	v49 =	vor.u32 v21, v14;
	v50 =	vor.u32 v26, v15;
	v26 =	vor.u32 v22, v14;
	v51 =	vld.idx.msk [tilespmem:v41+s4+$0x0], $0xffff;
	s10 =	smov.u32 s1;
	s1 =	sadd.s32 $0x4, s1  }
0x2a2: {  	v37 =	vmul.f32 v37, v9;
	v52 =	vld.idx.msk [tilespmem:v36+s4+$0x0], $0xffff;
	[tilespmem:v47+s13+$0x0] =	vst.idx.msk $0xffff, v48;
	v36 =	vor.u32 v6, v24  }
0x2a3: {  	v34 =	vmul.f32 v34, v10;
	v41 =	vor.u32 v24, v15;
	v38 =	vld.idx.msk [tilespmem:v38+s4+$0x0], $0xffff;
	[tilespmem:v42+s13+$0x0] =	vst.idx.msk $0xffff, v46  }
0x2a4: {  	v24 =	vmul.f32 v43, v8;
	v43 =	vor.u32 v18, v14;
	v42 =	vmul.f32 v44, v9;
	v39 =	vld.idx.msk [tilespmem:v39+s4+$0x0], $0xffff  }
0x2a5: {  	v21 =	vadd.s32 s10, v5;
	s11 =	sadd.s32 $0x1, s10;
	s16 =	sadd.s32 $0x2, s10;
	s10 =	sadd.s32 $0x3, s10;
	v48 =	vmovc v32;
	v46 =	vmul.f32 v27, v10;
	v40 =	vmul.f32 v40, v11;
	v44 =	vld.idx.msk [tilespmem:v35+s4+$0x0], $0xffff  }
0x2a6: {  	v22 =	vadd.s32 s11, v5;
	v53 =	vadd.s32 s16, v5;
	[tilespmem:v31+s13+$0x0] =	vst.idx.msk $0xffff, v24;
	v24 =	vmul.f32 v45, v8;
	v45 =	vmovc v33  }
0x2a7: {  	v18 =	vadd.s32 s10, v5;
	v54 =	vand.u32 $0xF, v22;
	v55 =	vand.u32 $0xF, v53;
	[tilespmem:v26+s13+$0x0] =	vst.idx.msk $0xffff, v42  }
0x2a8: {  	v27 =	vor.u32 v54, v12;
	v31 =	vor.u32 v55, v12;
	v26 =	vand.u32 $0xF, v21;
	[tilespmem:v36+s13+$0x0] =	vst.idx.msk $0xffff, v24  }
0x2a9: {  	v29 =	vmul.f32 v29, v11;
	v32 =	vor.u32 v55, v13;
	v24 =	vand.u32 $0xF, v18;
	[tilespmem:v43+s13+$0x0] =	vst.idx.msk $0xffff, v37  }
0x2aa: {  	v56 =	vor.u32 v24, v12;
	v33 =	vor.u32 v24, v13;
	v35 =	vmul.f32 v39, v9  }
0x2ab: {  	v57 =	vor.u32 v22, v17;
	v37 =	vor.u32 v18, v16;
	v39 =	vmul.f32 v38, v10  }
0x2ac: {  	v36 =	vor.u32 v54, v13;
	v43 =	vor.u32 v26, v12;
	[tilespmem:v41+s13+$0x0] =	vst.idx.msk $0xffff, v34  }
0x2ad: {  	v47 =	vor.u32 v53, v17;
	v42 =	vmul.f32 v51, v9;
	v41 =	vor.u32 v53, v16;
	v58 =	vld.idx.msk [tilespmem:v31+s4+$0x0], $0xffff  }
0x2ae: {  	v59 =	vor.u32 v18, v17;
	v38 =	vor.u32 v26, v13;
	v51 =	vld.idx.msk [tilespmem:v27+s4+$0x0], $0xffff;
	[tilespmem:v49+s13+$0x0] =	vst.idx.msk $0xffff, v35  }
0x2af: {  	v31 =	vor.u32 v6, v26;
	v49 =	vor.u32 v22, v16;
	v27 =	vld.idx.msk [tilespmem:v32+s4+$0x0], $0xffff;
	[tilespmem:v50+s13+$0x0] =	vst.idx.msk $0xffff, v39  }
0x2b0: {  	v35 =	vor.u32 v21, v17;
	v39 =	vor.u32 v21, v16;
	v34 =	vld.idx.msk [tilespmem:v33+s4+$0x0], $0xffff;
	[tilespmem:v30+s13+$0x0] =	vst.idx.msk $0xffff, v42  }
0x2b1: {  	v30 =	vmul.f32 v44, v11;
	v44 =	vmul.f32 v52, v10;
	v37 =	vld.idx.msk [tilespmem:v37+s4+$0x0], $0xffff;
	[tilespmem:v28+s13+$0x0] =	vst.idx.msk $0xffff, v46  }
0x2b2: {  	v42 =	vor.u32 v6, v54;
	v28 =	vmul.f32 v7, v11;
	v7 =	vld.idx.msk [tilespmem:v47+s4+$0x0], $0xffff;
	[tilespmem:v25+s13+$0x0] =	vst.idx.msk $0xffff, v29  }
.Ltmp12:
0x2b3: {  	v32 =	vor.u32 v53, v23;
	v29 =	vld.idx.msk [tilespmem:v59+s4+$0x0], $0xffff;
	[tilespmem:v19+s13+$0x0] =	vst.idx.msk $0xffff, v30;
	(pc) =	sbr.rel @p1 .LBB2_19-.Ltmp12, $4  }
0x2b4: {  	v33 =	vor.u32 v22, v23;
	v47 =	vor.u32 v6, v55;
	v43 =	vld.idx.msk [tilespmem:v43+s4+$0x0], $0xffff;
	[tilespmem:v20+s13+$0x0] =	vst.idx.msk $0xffff, v44  }
0x2b5: {  	v19 =	vor.u32 v21, v23;
	v46 =	vmul.f32 v51, v8;
	v44 =	vld.idx.msk [tilespmem:v49+s4+$0x0], $0xffff;
	[tilespmem:v45+s13+$0x0] =	vst.idx.msk $0xffff, v40  }
0x2b6: {  	v25 =	vor.u32 v18, v23;
	v20 =	vor.u32 v54, v15;
	v40 =	vld.idx.msk [tilespmem:v57+s4+$0x0], $0xffff;
	[tilespmem:v48+s13+$0x0] =	vst.idx.msk $0xffff, v28  }
0x2b7: {  	v30 =	vor.u32 v53, v14;
	v48 =	vmul.f32 v58, v8;
	v28 =	vor.u32 v55, v15;
	v45 =	vld.idx.msk [tilespmem:v56+s4+$0x0], $0xffff  }
0x2b8: {  	_ =	sdelay $0x3  }
0x2b9: {  	v12 =	vld.idx.msk [tilespmem:v41+s4+$0x0], $0xffff;
	v13 =	vor.u32 v22, v14  }
0x2ba: {  	v16 =	vld.idx.msk [tilespmem:v36+s4+$0x0], $0xffff;
	v6 =	vor.u32 v6, v24  }
0x2bb: {  	v17 =	vld.idx.msk [tilespmem:v38+s4+$0x0], $0xffff;
	v18 =	vor.u32 v18, v14;
	[tilespmem:v42+s13+$0x0] =	vst.idx.msk $0xffff, v46;
	v23 =	vmul.f32 v43, v8  }
0x2bc: {  	v51 =	vld.idx.msk [tilespmem:v39+s4+$0x0], $0xffff;
	[tilespmem:v47+s13+$0x0] =	vst.idx.msk $0xffff, v48;
	v53 =	vmul.f32 v44, v9  }
0x2bd: {  	v52 =	vor.u32 v24, v15;
	v35 =	vld.idx.msk [tilespmem:v35+s4+$0x0], $0xffff;
	[tilespmem:v31+s13+$0x0] =	vst.idx.msk $0xffff, v23;
	v55 =	vmul.f32 v45, v8  }
0x2be: {  	v54 =	vor.u32 v21, v14;
	v57 =	vmul.f32 v37, v9;
	[tilespmem:v13+s13+$0x0] =	vst.idx.msk $0xffff, v53  }
0x2bf: {  	v56 =	vor.u32 v26, v15;
	v60 =	vmul.f32 v12, v9;
	[tilespmem:v6+s13+$0x0] =	vst.idx.msk $0xffff, v55  }
0x2c0: {  	v58 =	vmul.f32 v34, v10;
	[tilespmem:v18+s13+$0x0] =	vst.idx.msk $0xffff, v57  }
0x2c1: {  	v6 =	vmul.f32 v51, v9;
	[tilespmem:v30+s13+$0x0] =	vst.idx.msk $0xffff, v60  }
0x2c2: {  	v59 =	vmul.f32 v17, v10;
	[tilespmem:v52+s13+$0x0] =	vst.idx.msk $0xffff, v58  }
0x2c3: {  	v61 =	vmul.f32 v29, v11;
	[tilespmem:v54+s13+$0x0] =	vst.idx.msk $0xffff, v6  }
0x2c4: {  	s29 =	sadd.s32 $0x1, s29;
	v6 =	vmul.f32 v27, v10;
	[tilespmem:v56+s13+$0x0] =	vst.idx.msk $0xffff, v59  }
0x2c5: {  	p1 =	sne.s32 s29, $0x8;
	v62 =	vmul.f32 v35, v11;
	[tilespmem:v25+s13+$0x0] =	vst.idx.msk $0xffff, v61  }
.Ltmp13:
0x2c6: {  	v7 =	vmul.f32 v7, v11;
	[tilespmem:v28+s13+$0x0] =	vst.idx.msk $0xffff, v6;
	(pc) =	sbr.rel @p1 .LBB2_16-.Ltmp13, $4  }
0x2c7: {  	v6 =	vmul.f32 v16, v10;
	[tilespmem:v19+s13+$0x0] =	vst.idx.msk $0xffff, v62  }
0x2c8: {  	v63 =	vmul.f32 v40, v11;
	[tilespmem:v32+s13+$0x0] =	vst.idx.msk $0xffff, v7  }
0x2c9: {  	[tilespmem:v20+s13+$0x0] =	vst.idx.msk $0xffff, v6  }
0x2ca: {  	[tilespmem:v33+s13+$0x0] =	vst.idx.msk $0xffff, v63  }
0x2cb: {  	v6 =	vld [tilespmem:$0x80]  }
0x2cc: {  	v7 =	vld [tilespmem:$0x90]  }
0x2cd: {  	v8 =	vld [tilespmem:$0xA0]  }
0x2ce: {  	v9 =	vld [tilespmem:$0xB0]  }
0x2cf: {  	v10 =	vld [tilespmem:$0xC0]  }
0x2d0: {  	v63 =	vld [tilespmem:$0xF0];
	[tilespmem:$0x180] =	vst v6  }
0x2d1: {  	v6 =	vld [tilespmem:$0xD0];
	[tilespmem:$0x190] =	vst v7  }
0x2d2: {  	v7 =	vld [tilespmem:$0xE0];
	[tilespmem:$0x1A0] =	vst v8  }
0x2d3: {  	[tilespmem:$0x1B0] =	vst v9  }
0x2d4: {  	[tilespmem:$0x1C0] =	vst v10  }
0x2d5: {  	[tilespmem:$0x1F0] =	vst v63  }
0x2d6: {  	[tilespmem:$0x1D0] =	vst v6  }
0x2d7: {  	s1 =	rddreg [dreg:$0x2];
	s10 =	simm.s32 $0x180;
	[tilespmem:$0x1E0] =	vst v7  }
0x2d8: {  	[spmem:s1] =	stream.indirect.scatter.add.f32 [tilespmem:s13], [sflag:$0xC], $0x40, s10, s15, $0xb8;
	[tilespmem:$0x1C3C8] =	vst v63  }
0x2d9: {  	s1 =	sadd.s32 $0x3, s3  }
0x2da: {  	s29 =	rddreg [dreg:$0x3];
	p1 =	sge.u32 s1, s30  }
0x2db: {  	[spmem:s29] =	stream.indirect.scatter.add.f32 [tilespmem:s5], [sflag:$0xE], $0x8, s10, s15, $0xb8;
	[tilespmem:$0x1C3C8] =	vst v63  }
0x2dc: {  	s1 =	sshll.u32 @!p1 s1, $0x7  }
0x2dd: {  	s1 =	sadd.s32 @!p1 s12, s1  }
0x2de: {  	s3 =	sshrl.u32 @!p1 s1, $0x3  }
0x2df: {  	s11 =	simm.s32 @!p1 $0x0;
	s16 =	simm.s32 @!p1 $0x80;
	s10 =	sadd.s32 @!p1 s7, s3  }
0x2e0: {  	[tilespmem:s16], [sflag:$0x2] =	stream.linear.gather @!p1 [hbm4b:s10+s11], $0x80, $0x38;
	[tilespmem:$0x1C3C8] =	vst v63  }
.Ltmp14:
0x2e1: {  	_ = 	snop;
	(pc) =	sbr.rel .LBB2_22-.Ltmp14, $4  }
0x2e2: {  	s3 =	sadd.s32 @!p1 s8, s3;
	s10 =	simm.s32 @!p1 $0x380  }
0x2e3: {  	[tilespmem:s10], [sflag:$0x4] =	stream.linear.gather @!p1 [hbm4b:s3+s11], $0x80, $0x38;
	[tilespmem:$0x1C3C8] =	vst v63  }
0x2e4: {  	s1 =	sadd.s32 @!p1 s9, s1;
	s3 =	simm.s32 @!p1 $0x800  }
0x2e5: {  	[tilespmem:s3], [sflag:$0x6] =	stream.linear.gather @!p1 [hbm4b:s1+s11], $0x400, $0x38;
	[tilespmem:$0x1C3C8] =	vst v63  }
.LBB2_24:
0x2e6: {  	_ =	sfence.sel $0x180000  }
0x2e7: {  	[bflag:$0x0] =	sbarrier.arrive $0xFFFF  }
0x2e8: {  	_ =	strace $0x90000047  }
0x2e9: {  	s0 =	stileid.u32;
	[bflag:$0x2] =	sbarrier.arrive $0xFFFF  }
0x2ea: {  	p0 =	sne.s32 s0, $0x0;
	s0 =	rddreg [dreg:$0x4]  }
0x2eb: {  	s0 =	sadd.s32 @!p0 $0x100000, s0  }
0x2ec: {  	[sflag:s0] =	ssyncadd.tile.s32 @!p0 $0x1;
	_ =	shalt  }
.Lfunc_end2:
_tile_overlayer_lowered:
.L_overlay_start_2:
0x2ed: {  	(tag) =	ssettag $0x2  }
0x2ee: {  	s0 =	rddreg [dreg:$0x0];
	s2 =	stileid.u32  }
0x2ef: {  	s1 =	rddreg [dreg:$0x1];
	p0 =	sne.s32 s2, $0x0  }
0x2f0: {  	s3 =	rddreg [dreg:$0x2];
	[bflag:$0x3] =	sbarrier.arrive $0xFFFF;
	s2 =	simm.s32 @!p0 $0x1C0F  }
0x2f1: {  	[timem:s3], [sflag:s2] =	dma.local @!p0 [hbm:s0], s1  }
0x2f2: {  	s0 =	simm.s32 @!p0 $0xF  }
0x2f3: {  	_ =	swait.ge @!p0 [sflag:s0], s1  }
0x2f4: {  	s1 =	ssub.s32 @!p0 $0x0, s1;
	[sflag:s0] =	ssyncset.done @!p0 $0x0  }
0x2f5: {  	[sflag:s0] =	ssyncadd.s32 @!p0 s1  }
0x2f6: {  	[bflag:$0x3] =	sbarrier.arrive $0xFFFF  }
0x2f7: {  	_ =	shalt  }

</sc_bundles>
